<compile_context>
chip_gen: v7x
topology: tpu7x:2x2x1
jax: 0.10.2.dev20260603
libtpu: 0.0.44.dev20260713+nightly
codegen_flags: <defaults>
</compile_context>

<pallas_src>
import functools
import numpy as np
import jax
import jax.numpy as jnp
from jax.experimental import pallas as pl

N_ATOM = 50000; E_BOND = 100000; E_RAD = 700000; E_ATOM = 800000
N_RES = 5000; E_RES = 150000
AS = 48; AV = 12; RS = 64; RV = 16; HE = 64; CS = 256; CZ = 128

EB_A = 2000
NB_B = 2000
EB_D = 2000

_F32 = jnp.float32
_dot = functools.partial(jnp.dot, preferred_element_type=jnp.float32)


def _full(shape):
    return pl.BlockSpec(shape, lambda i: (0,) * len(shape))


def _rows(blk, width):
    return pl.BlockSpec((blk, width), lambda i: (i, 0))


def _edge_msg_kernel(ef, s_src, v0, v1, v2, sh,
                     wb1, bb1, wb2, bb2, wr1, br1, wr2, br2, wvs, wsv,
                     out0, o1_0, o1_1, o1_2):
    is_bond = pl.program_id(0) < (E_BOND // EB_A)
    w1 = jnp.where(is_bond, wb1[...], wr1[...])
    b1 = jnp.where(is_bond, bb1[...], br1[...])
    w2 = jnp.where(is_bond, wb2[...], wr2[...])
    b2 = jnp.where(is_bond, bb2[...], br2[...])
    ew = _dot(jax.nn.relu(_dot(ef[...], w1) + b1), w2) + b2
    w0a = ew[:, :AS]; w0b = ew[:, AS:2 * AS]
    w1a = ew[:, 2 * AS:2 * AS + AV]; w1b = ew[:, 2 * AS + AV:]
    sh0 = sh[:, 0:1]
    s1_0 = sh[:, 1:2]; s1_1 = sh[:, 2:3]; s1_2 = sh[:, 3:4]
    va = v0[...]; vb = v1[...]; vc = v2[...]
    vdots = va * s1_0 + vb * s1_1 + vc * s1_2
    s = s_src[...]
    out0[...] = s * sh0 * w0a + _dot(vdots, wvs[...]) * w0b
    sv = _dot(s, wsv[...])
    o1_0[...] = sv * s1_0 * w1a + va * sh0 * w1b
    o1_1[...] = sv * s1_1 * w1a + vb * sh0 * w1b
    o1_2[...] = sv * s1_2 * w1a + vc * sh0 * w1b


def _agg_msg_kernel(af, agg, aef, sh, sel0, sel1, sel2,
                    w1, b1, w2, b2, wss, wvs, wsv, wvv,
                    ao, o0, o1_0, o1_1, o1_2):
    a = af[...] + agg[...] * np.float32(1.0 / np.sqrt(E_ATOM / N_ATOM))
    ao[...] = a
    s_a = a[:, :AS]
    vflat = a[:, AS:]
    va = _dot(vflat, sel0[...]); vb = _dot(vflat, sel1[...]); vc = _dot(vflat, sel2[...])
    ew = _dot(jax.nn.relu(_dot(aef[...], w1[...]) + b1[...]), w2[...]) + b2[...]
    sh0 = sh[:, 0:1]
    s1_0 = sh[:, 1:2]; s1_1 = sh[:, 2:3]; s1_2 = sh[:, 3:4]
    vdots = va * s1_0 + vb * s1_1 + vc * s1_2
    o0[...] = (_dot(s_a, wss[...]) * sh0 * ew[:, :RS]
               + _dot(vdots, wvs[...]) * ew[:, RS:2 * RS])
    ssv = _dot(s_a, wsv[...])
    ea = ew[:, 2 * RS:2 * RS + RV]; eb = ew[:, 2 * RS + RV:]
    vva = _dot(va, wvv[...]); vvb = _dot(vb, wvv[...]); vvc = _dot(vc, wvv[...])
    o1_0[...] = ssv * s1_0 * ea + vva * sh0 * eb
    o1_1[...] = ssv * s1_1 * ea + vvb * sh0 * eb
    o1_2[...] = ssv * s1_2 * ea + vvc * sh0 * eb


def _res_scalar_kernel(ru0, ru1_0, ru1_1, ru1_2, rflat, resf,
                       w1s, w1v0, w1v1, w1v2, b1, w2, b2, w3, b3, g, b,
                       sfeat):
    r = rflat[...]
    u0 = ru1_0[...]; u1 = ru1_1[...]; u2 = ru1_2[...]
    rot0 = r[:, 0:1] * u0 + r[:, 3:4] * u1 + r[:, 6:7] * u2
    rot1 = r[:, 1:2] * u0 + r[:, 4:5] * u1 + r[:, 7:8] * u2
    rot2 = r[:, 2:3] * u0 + r[:, 5:6] * u1 + r[:, 8:9] * u2
    h = (_dot(ru0[...], w1s[...]) + _dot(rot0, w1v0[...])
         + _dot(rot1, w1v1[...]) + _dot(rot2, w1v2[...]) + b1[...])
    h = jax.nn.relu(h)
    h = jax.nn.relu(_dot(h, w2[...]) + b2[...])
    h = _dot(h, w3[...]) + b3[...]
    x = resf[...] + h
    mu = jnp.mean(x, axis=-1, keepdims=True)
    var = jnp.mean((x - mu) * (x - mu), axis=-1, keepdims=True)
    sfeat[...] = (x - mu) * jax.lax.rsqrt(var + 1e-5) * g[...] + b[...]


def _ipmp_kernel(sr, sd, z, geo, wa, wb, wc, wd, b1, w2, b2, wz, bz,
                 m_out, z_out):
    h = (_dot(sr[...], wa[...]) + _dot(sd[...], wb[...])
         + _dot(z[...], wc[...]) + _dot(geo[...], wd[...]) + b1[...])
    m = _dot(jax.nn.relu(h), w2[...]) + b2[...]
    m_out[...] = m
    z_out[...] = z[...] + _dot(m, wz[...]) + bz[...]


def _node_update_kernel(sfeat, magg, mask, wu, bu, g, b, s_new):
    h = _dot(jax.nn.relu(magg[...]), wu[...]) + bu[...]
    x = sfeat[...] + h
    mu = jnp.mean(x, axis=-1, keepdims=True)
    var = jnp.mean((x - mu) * (x - mu), axis=-1, keepdims=True)
    y = (x - mu) * jax.lax.rsqrt(var + 1e-5) * g[...] + b[...]
    s_new[...] = y * mask[...]


def _quat_to_rot(q):
    q = q / (jnp.linalg.norm(q, axis=-1, keepdims=True) + 1e-8)
    w, x, y, z = q[..., 0], q[..., 1], q[..., 2], q[..., 3]
    r0 = jnp.stack([1 - 2*(y*y + z*z), 2*(x*y - w*z), 2*(x*z + w*y)], axis=-1)
    r1 = jnp.stack([2*(x*y + w*z), 1 - 2*(x*x + z*z), 2*(y*z - w*x)], axis=-1)
    r2 = jnp.stack([2*(x*z - w*y), 2*(y*z + w*x), 1 - 2*(x*x + y*y)], axis=-1)
    return jnp.stack([r0, r1, r2], axis=-2)


@jax.jit
def kernel(atom_features, atom_edge_index, bond_features, radius_edge_features,
           atom_edge_sh, res_features, atom_res_batch, agg_edge_features,
           agg_edge_sh, rigid_quats, rigid_trans, res_edge_features,
           res_edge_index, res_mask, params):
    p = params
    src = atom_edge_index[0]; dst = atom_edge_index[1]

    ef = jnp.concatenate([bond_features, radius_edge_features], axis=0)
    s_src = atom_features[:, :AS][src]
    v_src = atom_features[:, AS:][src].reshape(E_ATOM, AV, 3)
    b2d = lambda a: a.reshape(1, -1)
    grid_a = (E_ATOM // EB_A,)
    out0, o1_0, o1_1, o1_2 = pl.pallas_call(
        _edge_msg_kernel,
        grid=grid_a,
        in_specs=[_rows(EB_A, HE), _rows(EB_A, AS), _rows(EB_A, AV),
                  _rows(EB_A, AV), _rows(EB_A, AV), _rows(EB_A, 9),
                  _full((HE, HE)), _full((1, HE)), _full((HE, 2*AS+2*AV)),
                  _full((1, 2*AS+2*AV)),
                  _full((HE, HE)), _full((1, HE)), _full((HE, 2*AS+2*AV)),
                  _full((1, 2*AS+2*AV)),
                  _full((AV, AS)), _full((AS, AV))],
        out_specs=[_rows(EB_A, AS), _rows(EB_A, AV), _rows(EB_A, AV),
                   _rows(EB_A, AV)],
        out_shape=[jax.ShapeDtypeStruct((E_ATOM, AS), _F32),
                   jax.ShapeDtypeStruct((E_ATOM, AV), _F32),
                   jax.ShapeDtypeStruct((E_ATOM, AV), _F32),
                   jax.ShapeDtypeStruct((E_ATOM, AV), _F32)],
    )(ef, s_src, v_src[:, :, 0], v_src[:, :, 1], v_src[:, :, 2], atom_edge_sh,
      p['ac_Wb1'], b2d(p['ac_bb1']), p['ac_Wb2'], b2d(p['ac_bb2']),
      p['ac_Wr1'], b2d(p['ac_br1']), p['ac_Wr2'], b2d(p['ac_br2']),
      p['ac_Wvs'], p['ac_Wsv'])
    out1 = jnp.stack([o1_0, o1_1, o1_2], axis=-1).reshape(E_ATOM, 3 * AV)
    msg = jnp.concatenate([out0, out1], axis=-1)
    agg = jax.ops.segment_sum(msg, dst, num_segments=N_ATOM)

    sel = np.zeros((3, 3 * AV, AV), np.float32)
    for k in range(3):
        for c in range(AV):
            sel[k, 3 * c + k, c] = 1.0
    sel = jnp.asarray(sel)
    grid_b = (N_ATOM // NB_B,)
    atom_out, o0, q1_0, q1_1, q1_2 = pl.pallas_call(
        _agg_msg_kernel,
        grid=grid_b,
        in_specs=[_rows(NB_B, AS + 3*AV), _rows(NB_B, AS + 3*AV),
                  _rows(NB_B, HE), _rows(NB_B, 9),
                  _full((3*AV, AV)), _full((3*AV, AV)), _full((3*AV, AV)),
                  _full((HE, HE)), _full((1, HE)),
                  _full((HE, 2*RS+2*RV)), _full((1, 2*RS+2*RV)),
                  _full((AS, RS)), _full((AV, RS)), _full((AS, RV)),
                  _full((AV, RV))],
        out_specs=[_rows(NB_B, AS + 3*AV), _rows(NB_B, RS), _rows(NB_B, RV),
                   _rows(NB_B, RV), _rows(NB_B, RV)],
        out_shape=[jax.ShapeDtypeStruct((N_ATOM, AS + 3*AV), _F32),
                   jax.ShapeDtypeStruct((N_ATOM, RS), _F32),
                   jax.ShapeDtypeStruct((N_ATOM, RV), _F32),
                   jax.ShapeDtypeStruct((N_ATOM, RV), _F32),
                   jax.ShapeDtypeStruct((N_ATOM, RV), _F32)],
    )(atom_features, agg, agg_edge_features, agg_edge_sh,
      sel[0], sel[1], sel[2],
      p['gc_W1'], b2d(p['gc_b1']), p['gc_W2'], b2d(p['gc_b2']),
      p['gc_Wss'], p['gc_Wvs'], p['gc_Wsv'], p['gc_Wvv'])
    o1 = jnp.stack([q1_0, q1_1, q1_2], axis=-1).reshape(N_ATOM, 3 * RV)
    res_msg = jnp.concatenate([o0, o1], axis=-1)
    res_update = jax.ops.segment_sum(res_msg, atom_res_batch,
                                     num_segments=N_RES)
    res_update = res_update * np.float32(1.0 / np.sqrt(N_ATOM / N_RES))

    R = _quat_to_rot(rigid_quats)
    rflat = R.reshape(N_RES, 9)
    ru0 = res_update[:, :RS]
    ru1 = res_update[:, RS:].reshape(N_RES, RV, 3)
    w1 = p['i2s_W1']
    w1v = w1[RS:].reshape(RV, 3, CS)
    sfeat = pl.pallas_call(
        _res_scalar_kernel,
        grid=(1,),
        in_specs=[_rows(N_RES, RS), _rows(N_RES, RV), _rows(N_RES, RV),
                  _rows(N_RES, RV), _rows(N_RES, 9), _rows(N_RES, CS),
                  _full((RS, CS)), _full((RV, CS)), _full((RV, CS)),
                  _full((RV, CS)), _full((1, CS)),
                  _full((CS, CS)), _full((1, CS)),
                  _full((CS, CS)), _full((1, CS)),
                  _full((1, CS)), _full((1, CS))],
        out_specs=_rows(N_RES, CS),
        out_shape=jax.ShapeDtypeStruct((N_RES, CS), _F32),
    )(ru0, ru1[:, :, 0], ru1[:, :, 1], ru1[:, :, 2], rflat, res_features,
      w1[:RS], w1v[:, 0, :], w1v[:, 1, :], w1v[:, 2, :], b2d(p['i2s_b1']),
      p['i2s_W2'], b2d(p['i2s_b2']), p['i2s_W3'], b2d(p['i2s_b3']),
      b2d(p['ln_g']), b2d(p['ln_b']))

    rs = res_edge_index[0]; rd = res_edge_index[1]
    rel = rigid_trans[rs] - rigid_trans[rd]
    Rinv = jnp.swapaxes(R, -1, -2)
    local = jnp.einsum('eij,ej->ei', Rinv[rd], rel)
    dist = jnp.linalg.norm(rel, axis=-1, keepdims=True)
    geo = jnp.concatenate([local, dist], axis=-1)
    wm1 = p['ip_Wm1']
    m, z_new = pl.pallas_call(
        _ipmp_kernel,
        grid=(E_RES // EB_D,),
        in_specs=[_rows(EB_D, CS), _rows(EB_D, CS), _rows(EB_D, CZ),
                  _rows(EB_D, 4),
                  _full((CS, CS)), _full((CS, CS)), _full((CZ, CS)),
                  _full((4, CS)), _full((1, CS)),
                  _full((CS, CS)), _full((1, CS)),
                  _full((CS, CZ)), _full((1, CZ))],
        out_specs=[_rows(EB_D, CS), _rows(EB_D, CZ)],
        out_shape=[jax.ShapeDtypeStruct((E_RES, CS), _F32),
                   jax.ShapeDtypeStruct((E_RES, CZ), _F32)],
    )(sfeat[rs], sfeat[rd], res_edge_features, geo,
      wm1[:CS], wm1[CS:2*CS], wm1[2*CS:2*CS+CZ], wm1[2*CS+CZ:],
      b2d(p['ip_bm1']), p['ip_Wm2'], b2d(p['ip_bm2']),
      p['ip_Wz'], b2d(p['ip_bz']))
    magg = jax.ops.segment_sum(m, rd, num_segments=N_RES)
    magg = magg * np.float32(1.0 / np.sqrt(E_RES / N_RES))

    s_new = pl.pallas_call(
        _node_update_kernel,
        grid=(1,),
        in_specs=[_rows(N_RES, CS), _rows(N_RES, CS), _rows(N_RES, 1),
                  _full((CS, CS)), _full((1, CS)),
                  _full((1, CS)), _full((1, CS))],
        out_specs=_rows(N_RES, CS),
        out_shape=jax.ShapeDtypeStruct((N_RES, CS), _F32),
    )(sfeat, magg, res_mask.reshape(N_RES, 1),
      p['ip_Wu'], b2d(p['ip_bu']), b2d(p['ip_g']), b2d(p['ip_b']))

    return atom_out, s_new, z_new

# --- scband reference (transcript-rebuilt; emitter-appended) ---
"""Pipeline reference for scband-joint-conv-layer-63608465654110 (READ-ONLY COPY).

The authoritative reference and input builder live on the scoring server;
editing this copy changes nothing except your own understanding.
"""

import jax, jax.numpy as jnp
import numpy as np

N_ATOM = 50000; E_BOND = 100000; E_RAD = 700000; E_ATOM = 800000
N_RES = 5000; E_RES = 150000
AS = 48; AV = 12; RS = 64; RV = 16; HE = 64; CS = 256; CZ = 128
ATOM_DIM = AS + 3 * AV
RES_IRR_DIM = RS + 3 * RV
SH_DIM = 9

def _lin(k, fi, fo):
    return jax.random.normal(k, (fi, fo), jnp.float32) / np.sqrt(fi)

def setup_inputs(seed: int = 0):
    key = jax.random.key(seed)
    ks = jax.random.split(key, 64)
    inp = {}
    inp['atom_features'] = jax.random.normal(ks[0], (N_ATOM, ATOM_DIM), jnp.float32)
    inp['atom_edge_index'] = jax.random.randint(ks[1], (2, E_ATOM), 0, N_ATOM)
    inp['bond_features'] = jax.random.normal(ks[2], (E_BOND, HE), jnp.float32)
    inp['radius_edge_features'] = jax.random.normal(ks[3], (E_RAD, HE), jnp.float32)
    inp['atom_edge_sh'] = jax.random.normal(ks[4], (E_ATOM, SH_DIM), jnp.float32)
    inp['res_features'] = jax.random.normal(ks[5], (N_RES, CS), jnp.float32)
    inp['atom_res_batch'] = jnp.sort(jax.random.randint(ks[6], (N_ATOM,), 0, N_RES))
    inp['agg_edge_features'] = jax.random.normal(ks[7], (N_ATOM, HE), jnp.float32)
    inp['agg_edge_sh'] = jax.random.normal(ks[8], (N_ATOM, SH_DIM), jnp.float32)
    inp['rigid_quats'] = jax.random.normal(ks[9], (N_RES, 4), jnp.float32)
    inp['rigid_trans'] = jax.random.normal(ks[10], (N_RES, 3), jnp.float32)
    inp['res_edge_features'] = jax.random.normal(ks[11], (E_RES, CZ), jnp.float32)
    inp['res_edge_index'] = jax.random.randint(ks[12], (2, E_RES), 0, N_RES)
    inp['res_mask'] = jnp.ones((N_RES,), jnp.float32)
    p = {}
    p['ac_Wb1'] = _lin(ks[13], HE, HE); p['ac_bb1'] = jnp.zeros((HE,))
    p['ac_Wb2'] = _lin(ks[14], HE, 2*AS + 2*AV); p['ac_bb2'] = jnp.zeros((2*AS + 2*AV,))
    p['ac_Wr1'] = _lin(ks[15], HE, HE); p['ac_br1'] = jnp.zeros((HE,))
    p['ac_Wr2'] = _lin(ks[16], HE, 2*AS + 2*AV); p['ac_br2'] = jnp.zeros((2*AS + 2*AV,))
    p['ac_Wvs'] = _lin(ks[17], AV, AS)
    p['ac_Wsv'] = _lin(ks[18], AS, AV)
    p['gc_W1'] = _lin(ks[19], HE, HE); p['gc_b1'] = jnp.zeros((HE,))
    p['gc_W2'] = _lin(ks[20], HE, 2*RS + 2*RV); p['gc_b2'] = jnp.zeros((2*RS + 2*RV,))
    p['gc_Wss'] = _lin(ks[21], AS, RS)
    p['gc_Wvs'] = _lin(ks[22], AV, RS)
    p['gc_Wsv'] = _lin(ks[23], AS, RV)
    p['gc_Wvv'] = _lin(ks[24], AV, RV)
    p['i2s_W1'] = _lin(ks[25], RES_IRR_DIM, CS); p['i2s_b1'] = jnp.zeros((CS,))
    p['i2s_W2'] = _lin(ks[26], CS, CS); p['i2s_b2'] = jnp.zeros((CS,))
    p['i2s_W3'] = _lin(ks[27], CS, CS); p['i2s_b3'] = jnp.zeros((CS,))
    p['ln_g'] = jnp.ones((CS,)); p['ln_b'] = jnp.zeros((CS,))
    p['ip_Wm1'] = _lin(ks[28], 2*CS + CZ + 4, CS); p['ip_bm1'] = jnp.zeros((CS,))
    p['ip_Wm2'] = _lin(ks[29], CS, CS); p['ip_bm2'] = jnp.zeros((CS,))
    p['ip_Wu'] = _lin(ks[30], CS, CS); p['ip_bu'] = jnp.zeros((CS,))
    p['ip_g'] = jnp.ones((CS,)); p['ip_b'] = jnp.zeros((CS,))
    p['ip_Wz'] = _lin(ks[31], CS, CZ); p['ip_bz'] = jnp.zeros((CZ,))
    inp['params'] = p
    return inp

def _mlp2(x, W1, b1, W2, b2):
    return jax.nn.relu(x @ W1 + b1) @ W2 + b2

def _layer_norm(x, g, b):
    mu = jnp.mean(x, axis=-1, keepdims=True)
    var = jnp.var(x, axis=-1, keepdims=True)
    return (x - mu) / jnp.sqrt(var + 1e-5) * g + b

def _quat_to_rot(q):
    q = q / (jnp.linalg.norm(q, axis=-1, keepdims=True) + 1e-8)
    w, x, y, z = q[..., 0], q[..., 1], q[..., 2], q[..., 3]
    r0 = jnp.stack([1 - 2*(y*y + z*z), 2*(x*y - w*z), 2*(x*z + w*y)], axis=-1)
    r1 = jnp.stack([2*(x*y + w*z), 1 - 2*(x*x + z*z), 2*(y*z - w*x)], axis=-1)
    r2 = jnp.stack([2*(x*z - w*y), 2*(y*z + w*x), 1 - 2*(x*x + y*y)], axis=-1)
    return jnp.stack([r0, r1, r2], axis=-2)

def _forward(atom_features, bond_features, radius_edge_features, atom_edge_sh,
             res_features, agg_edge_features, agg_edge_sh, rigid_quats, rigid_trans,
             res_edge_features, res_mask, params,
             atom_edge_index, atom_res_batch, res_edge_index):
    p = params
    src = atom_edge_index[0]; dst = atom_edge_index[1]
    # atom_conv: tensor-product conv with per-edge-group weight MLPs (bond + radius groups)
    w_bond = _mlp2(bond_features, p['ac_Wb1'], p['ac_bb1'], p['ac_Wb2'], p['ac_bb2'])
    w_rad = _mlp2(radius_edge_features, p['ac_Wr1'], p['ac_br1'], p['ac_Wr2'], p['ac_br2'])
    ew = jnp.concatenate([w_bond, w_rad], axis=0)
    s = atom_features[:, :AS]
    v = atom_features[:, AS:].reshape(-1, AV, 3)
    s_src = s[src]; v_src = v[src]
    sh0 = atom_edge_sh[:, :1]; sh1 = atom_edge_sh[:, 1:4]
    w0a = ew[:, :AS]; w0b = ew[:, AS:2*AS]
    w1a = ew[:, 2*AS:2*AS + AV]; w1b = ew[:, 2*AS + AV:]
    vdots = jnp.einsum('evk,ek->ev', v_src, sh1)
    out0 = s_src * sh0 * w0a + (vdots @ p['ac_Wvs']) * w0b
    out1 = (s_src @ p['ac_Wsv'])[:, :, None] * sh1[:, None, :] * w1a[:, :, None] \
         + v_src * sh0[:, :, None] * w1b[:, :, None]
    msg = jnp.concatenate([out0, out1.reshape(-1, 3*AV)], axis=-1)
    agg = jax.ops.segment_sum(msg, dst, num_segments=atom_features.shape[0])
    atom_out = atom_features + agg / np.sqrt(E_ATOM / N_ATOM)
    # agg_conv: aggregate atoms -> residues (segment reduce by atom_res_batch)
    ew2 = _mlp2(agg_edge_features, p['gc_W1'], p['gc_b1'], p['gc_W2'], p['gc_b2'])
    s_a = atom_out[:, :AS]; v_a = atom_out[:, AS:].reshape(-1, AV, 3)
    sh0a = agg_edge_sh[:, :1]; sh1a = agg_edge_sh[:, 1:4]
    vdots2 = jnp.einsum('nvk,nk->nv', v_a, sh1a)
    o0 = (s_a @ p['gc_Wss']) * sh0a * ew2[:, :RS] + (vdots2 @ p['gc_Wvs']) * ew2[:, RS:2*RS]
    o1 = (s_a @ p['gc_Wsv'])[:, :, None] * sh1a[:, None, :] * ew2[:, 2*RS:2*RS + RV, None] \
       + jnp.einsum('nvk,vw->nwk', v_a, p['gc_Wvv']) * sh0a[:, :, None] * ew2[:, 2*RS + RV:, None]
    res_msg = jnp.concatenate([o0, o1.reshape(-1, 3*RV)], axis=-1)
    res_update = jax.ops.segment_sum(res_msg, atom_res_batch, num_segments=res_features.shape[0])
    res_update = res_update / np.sqrt(N_ATOM / N_RES)
    # wigner D rotation by inverse rigid rotation (l=1 block = rotation matrix)
    R = _quat_to_rot(rigid_quats)
    Rinv = jnp.swapaxes(R, -1, -2)
    ru0 = res_update[:, :RS]
    ru1 = res_update[:, RS:].reshape(-1, RV, 3)
    ru1 = jnp.einsum('nij,ncj->nci', Rinv, ru1)
    res_update = jnp.concatenate([ru0, ru1.reshape(-1, 3*RV)], axis=-1)
    # irreps_to_scalar MLP + residual layer norm
    h = jax.nn.relu(res_update @ p['i2s_W1'] + p['i2s_b1'])
    h = jax.nn.relu(h @ p['i2s_W2'] + p['i2s_b2'])
    h = h @ p['i2s_W3'] + p['i2s_b3']
    sfeat = _layer_norm(res_features + h, p['ln_g'], p['ln_b'])
    # IPMP: invariant point message passing on residue graph
    rs = res_edge_index[0]; rd = res_edge_index[1]
    rel = rigid_trans[rs] - rigid_trans[rd]
    local = jnp.einsum('eij,ej->ei', Rinv[rd], rel)
    dist = jnp.linalg.norm(rel, axis=-1, keepdims=True)
    m_in = jnp.concatenate([sfeat[rs], sfeat[rd], res_edge_features, local, dist], axis=-1)
    m = _mlp2(m_in, p['ip_Wm1'], p['ip_bm1'], p['ip_Wm2'], p['ip_bm2'])
    magg = jax.ops.segment_sum(m, rd, num_segments=res_features.shape[0]) / np.sqrt(E_RES / N_RES)
    s_new = _layer_norm(sfeat + jax.nn.relu(magg) @ p['ip_Wu'] + p['ip_bu'], p['ip_g'], p['ip_b'])
    s_new = s_new * res_mask[:, None]
    z_new = res_edge_features + m @ p['ip_Wz'] + p['ip_bz']
    return atom_out, s_new, z_new

def reference(atom_features, atom_edge_index, bond_features, radius_edge_features,
              atom_edge_sh, res_features, atom_res_batch, agg_edge_features, agg_edge_sh,
              rigid_quats, rigid_trans, res_edge_features, res_edge_index, res_mask, params):
    return _forward(atom_features, bond_features, radius_edge_features, atom_edge_sh,
                    res_features, agg_edge_features, agg_edge_sh, rigid_quats, rigid_trans,
                    res_edge_features, res_mask, params,
                    atom_edge_index, atom_res_batch, res_edge_index)

if __name__ == "__main__":
    import jax
    _d = setup_inputs()
    print(jax.jit(kernel)(*tuple(_d.values())))

</pallas_src>

<mosaic_0001>
module attributes {stable_mosaic.version = 14 : i64} {
  func.func @_edge_msg_kernel(%arg0: i32, %arg1: memref<2000x64xf32, #tpu.memory_space<vmem>>, %arg2: memref<2000x48xf32, #tpu.memory_space<vmem>>, %arg3: memref<2000x12xf32, #tpu.memory_space<vmem>>, %arg4: memref<2000x12xf32, #tpu.memory_space<vmem>>, %arg5: memref<2000x12xf32, #tpu.memory_space<vmem>>, %arg6: memref<2000x9xf32, #tpu.memory_space<vmem>>, %arg7: memref<64x64xf32, #tpu.memory_space<vmem>>, %arg8: memref<1x64xf32, #tpu.memory_space<vmem>>, %arg9: memref<64x120xf32, #tpu.memory_space<vmem>>, %arg10: memref<1x120xf32, #tpu.memory_space<vmem>>, %arg11: memref<64x64xf32, #tpu.memory_space<vmem>>, %arg12: memref<1x64xf32, #tpu.memory_space<vmem>>, %arg13: memref<64x120xf32, #tpu.memory_space<vmem>>, %arg14: memref<1x120xf32, #tpu.memory_space<vmem>>, %arg15: memref<12x48xf32, #tpu.memory_space<vmem>>, %arg16: memref<48x12xf32, #tpu.memory_space<vmem>>, %arg17: memref<2000x48xf32, #tpu.memory_space<vmem>>, %arg18: memref<2000x12xf32, #tpu.memory_space<vmem>>, %arg19: memref<2000x12xf32, #tpu.memory_space<vmem>>, %arg20: memref<2000x12xf32, #tpu.memory_space<vmem>>) attributes {dimension_semantics = [#tpu.dimension_semantics<arbitrary>], iteration_bounds = array<i64: 400>, scalar_prefetch = 0 : i64, scratch_operands = 0 : i64, tpu.core_type = #tpu.core_type<tc>, window_params = [{transform_indices = @transform_0, window_bounds = array<i64: 2000, 64>}, {transform_indices = @transform_1, window_bounds = array<i64: 2000, 48>}, {transform_indices = @transform_2, window_bounds = array<i64: 2000, 12>}, {transform_indices = @transform_3, window_bounds = array<i64: 2000, 12>}, {transform_indices = @transform_4, window_bounds = array<i64: 2000, 12>}, {transform_indices = @transform_5, window_bounds = array<i64: 2000, 9>}, {pipeline_mode = #tpu.pipeline_mode<synchronous>, transform_indices = @transform_6, window_bounds = array<i64: 64, 64>}, {pipeline_mode = #tpu.pipeline_mode<synchronous>, transform_indices = @transform_7, window_bounds = array<i64: 1, 64>}, {pipeline_mode = #tpu.pipeline_mode<synchronous>, transform_indices = @transform_8, window_bounds = array<i64: 64, 120>}, {pipeline_mode = #tpu.pipeline_mode<synchronous>, transform_indices = @transform_9, window_bounds = array<i64: 1, 120>}, {pipeline_mode = #tpu.pipeline_mode<synchronous>, transform_indices = @transform_10, window_bounds = array<i64: 64, 64>}, {pipeline_mode = #tpu.pipeline_mode<synchronous>, transform_indices = @transform_11, window_bounds = array<i64: 1, 64>}, {pipeline_mode = #tpu.pipeline_mode<synchronous>, transform_indices = @transform_12, window_bounds = array<i64: 64, 120>}, {pipeline_mode = #tpu.pipeline_mode<synchronous>, transform_indices = @transform_13, window_bounds = array<i64: 1, 120>}, {pipeline_mode = #tpu.pipeline_mode<synchronous>, transform_indices = @transform_14, window_bounds = array<i64: 12, 48>}, {pipeline_mode = #tpu.pipeline_mode<synchronous>, transform_indices = @transform_15, window_bounds = array<i64: 48, 12>}, {transform_indices = @transform_16, window_bounds = array<i64: 2000, 48>}, {transform_indices = @transform_17, window_bounds = array<i64: 2000, 12>}, {transform_indices = @transform_18, window_bounds = array<i64: 2000, 12>}, {transform_indices = @transform_19, window_bounds = array<i64: 2000, 12>}]} {
    %lt3A = arith.constant 50 : i32
    %lt3A_0 = arith.cmpi slt, %arg0, %lt3A : i32
    %get3A = arith.constant 0 : index
    %get3A_1 = arith.constant 0 : index
    %get3A_2 = vector.load %arg7[%get3A, %get3A_1] : memref<64x64xf32, #tpu.memory_space<vmem>>, vector<64x64xf32>
    %get3A_3 = arith.constant 0 : index
    %get3A_4 = arith.constant 0 : index
    %get3A_5 = vector.load %arg11[%get3A_3, %get3A_4] : memref<64x64xf32, #tpu.memory_space<vmem>>, vector<64x64xf32>
    %select_n3A = arith.select %lt3A_0, %get3A_2, %get3A_5 : vector<64x64xf32>
    %get3A_6 = arith.constant 0 : index
    %get3A_7 = arith.constant 0 : index
    %get3A_8 = vector.load %arg8[%get3A_6, %get3A_7] : memref<1x64xf32, #tpu.memory_space<vmem>>, vector<1x64xf32>
    %get3A_9 = arith.constant 0 : index
    %get3A_10 = arith.constant 0 : index
    %get3A_11 = vector.load %arg12[%get3A_9, %get3A_10] : memref<1x64xf32, #tpu.memory_space<vmem>>, vector<1x64xf32>
    %select_n3A_12 = arith.select %lt3A_0, %get3A_8, %get3A_11 : vector<1x64xf32>
    %get3A_13 = arith.constant 0 : index
    %get3A_14 = arith.constant 0 : index
    %get3A_15 = vector.load %arg9[%get3A_13, %get3A_14] : memref<64x120xf32, #tpu.memory_space<vmem>>, vector<64x120xf32>
    %get3A_16 = arith.constant 0 : index
    %get3A_17 = arith.constant 0 : index
    %get3A_18 = vector.load %arg13[%get3A_16, %get3A_17] : memref<64x120xf32, #tpu.memory_space<vmem>>, vector<64x120xf32>
    %select_n3A_19 = arith.select %lt3A_0, %get3A_15, %get3A_18 : vector<64x120xf32>
    %get3A_20 = arith.constant 0 : index
    %get3A_21 = arith.constant 0 : index
    %get3A_22 = vector.load %arg10[%get3A_20, %get3A_21] : memref<1x120xf32, #tpu.memory_space<vmem>>, vector<1x120xf32>
    %get3A_23 = arith.constant 0 : index
    %get3A_24 = arith.constant 0 : index
    %get3A_25 = vector.load %arg14[%get3A_23, %get3A_24] : memref<1x120xf32, #tpu.memory_space<vmem>>, vector<1x120xf32>
    %select_n3A_26 = arith.select %lt3A_0, %get3A_22, %get3A_25 : vector<1x120xf32>
    %get3A_27 = arith.constant 0 : index
    %get3A_28 = arith.constant 0 : index
    %get3A_29 = vector.load %arg1[%get3A_27, %get3A_28] : memref<2000x64xf32, #tpu.memory_space<vmem>>, vector<2000x64xf32>
    %dot_general3A = arith.constant dense<0.000000e+00> : vector<2000x64xf32>
    %dot_general3A_30 = tpu.matmul %get3A_29, %select_n3A, %dot_general3A {dimension_numbers = #tpu.dot_dimension_numbers<[1], [0], [0], [1], [0, 0, 1, 1], [], []>, transpose_lhs_hint = false} : vector<2000x64xf32>, vector<64x64xf32>, vector<2000x64xf32> -> vector<2000x64xf32>
    %add3A = vector.broadcast %select_n3A_12 : vector<1x64xf32> to vector<2000x64xf32>
    %add3A_31 = arith.addf %dot_general3A_30, %add3A : vector<2000x64xf32>
    %max3A = arith.constant 0.000000e+00 : f32
    %max3A_32 = vector.broadcast %max3A : f32 to vector<2000x64xf32>
    %max3A_33 = arith.maximumf %add3A_31, %max3A_32 : vector<2000x64xf32>
    %dot_general3A_34 = arith.constant dense<0.000000e+00> : vector<2000x120xf32>
    %dot_general3A_35 = tpu.matmul %max3A_33, %select_n3A_19, %dot_general3A_34 {dimension_numbers = #tpu.dot_dimension_numbers<[1], [0], [0], [1], [0, 0, 1, 1], [], []>, transpose_lhs_hint = false} : vector<2000x64xf32>, vector<64x120xf32>, vector<2000x120xf32> -> vector<2000x120xf32>
    %add3A_36 = vector.broadcast %select_n3A_26 : vector<1x120xf32> to vector<2000x120xf32>
    %add3A_37 = arith.addf %dot_general3A_35, %add3A_36 : vector<2000x120xf32>
    %slice3A = vector.extract_strided_slice %add3A_37 {offsets = [0, 0], sizes = [2000, 48], strides = [1, 1]} : vector<2000x120xf32> to vector<2000x48xf32>
    %slice3A_38 = vector.extract_strided_slice %add3A_37 {offsets = [0, 48], sizes = [2000, 48], strides = [1, 1]} : vector<2000x120xf32> to vector<2000x48xf32>
    %slice3A_39 = vector.extract_strided_slice %add3A_37 {offsets = [0, 96], sizes = [2000, 12], strides = [1, 1]} : vector<2000x120xf32> to vector<2000x12xf32>
    %slice3A_40 = vector.extract_strided_slice %add3A_37 {offsets = [0, 108], sizes = [2000, 12], strides = [1, 1]} : vector<2000x120xf32> to vector<2000x12xf32>
    %get3A_41 = arith.constant 0 : index
    %get3A_42 = arith.constant 0 : index
    %get3A_43 = vector.load %arg6[%get3A_41, %get3A_42] : memref<2000x9xf32, #tpu.memory_space<vmem>>, vector<2000x1xf32>
    %get3A_44 = arith.constant 0 : index
    %get3A_45 = arith.constant 1 : index
    %get3A_46 = vector.load %arg6[%get3A_44, %get3A_45] : memref<2000x9xf32, #tpu.memory_space<vmem>>, vector<2000x1xf32>
    %get3A_47 = arith.constant 0 : index
    %get3A_48 = arith.constant 2 : index
    %get3A_49 = vector.load %arg6[%get3A_47, %get3A_48] : memref<2000x9xf32, #tpu.memory_space<vmem>>, vector<2000x1xf32>
    %get3A_50 = arith.constant 0 : index
    %get3A_51 = arith.constant 3 : index
    %get3A_52 = vector.load %arg6[%get3A_50, %get3A_51] : memref<2000x9xf32, #tpu.memory_space<vmem>>, vector<2000x1xf32>
    %get3A_53 = arith.constant 0 : index
    %get3A_54 = arith.constant 0 : index
    %get3A_55 = vector.load %arg3[%get3A_53, %get3A_54] : memref<2000x12xf32, #tpu.memory_space<vmem>>, vector<2000x12xf32>
    %get3A_56 = arith.constant 0 : index
    %get3A_57 = arith.constant 0 : index
    %get3A_58 = vector.load %arg4[%get3A_56, %get3A_57] : memref<2000x12xf32, #tpu.memory_space<vmem>>, vector<2000x12xf32>
    %get3A_59 = arith.constant 0 : index
    %get3A_60 = arith.constant 0 : index
    %get3A_61 = vector.load %arg5[%get3A_59, %get3A_60] : memref<2000x12xf32, #tpu.memory_space<vmem>>, vector<2000x12xf32>
    %mul3A = vector.broadcast %get3A_46 : vector<2000x1xf32> to vector<2000x12xf32>
    %mul3A_62 = arith.mulf %get3A_55, %mul3A : vector<2000x12xf32>
    %mul3A_63 = vector.broadcast %get3A_49 : vector<2000x1xf32> to vector<2000x12xf32>
    %mul3A_64 = arith.mulf %get3A_58, %mul3A_63 : vector<2000x12xf32>
    %add3A_65 = arith.addf %mul3A_62, %mul3A_64 : vector<2000x12xf32>
    %mul3A_66 = vector.broadcast %get3A_52 : vector<2000x1xf32> to vector<2000x12xf32>
    %mul3A_67 = arith.mulf %get3A_61, %mul3A_66 : vector<2000x12xf32>
    %add3A_68 = arith.addf %add3A_65, %mul3A_67 : vector<2000x12xf32>
    %get3A_69 = arith.constant 0 : index
    %get3A_70 = arith.constant 0 : index
    %get3A_71 = vector.load %arg2[%get3A_69, %get3A_70] : memref<2000x48xf32, #tpu.memory_space<vmem>>, vector<2000x48xf32>
    %mul3A_72 = vector.broadcast %get3A_43 : vector<2000x1xf32> to vector<2000x48xf32>
    %mul3A_73 = arith.mulf %get3A_71, %mul3A_72 : vector<2000x48xf32>
    %mul3A_74 = arith.mulf %mul3A_73, %slice3A : vector<2000x48xf32>
    %get3A_75 = arith.constant 0 : index
    %get3A_76 = arith.constant 0 : index
    %get3A_77 = vector.load %arg15[%get3A_75, %get3A_76] : memref<12x48xf32, #tpu.memory_space<vmem>>, vector<12x48xf32>
    %dot_general3A_78 = arith.constant dense<0.000000e+00> : vector<2000x48xf32>
    %dot_general3A_79 = tpu.matmul %add3A_68, %get3A_77, %dot_general3A_78 {dimension_numbers = #tpu.dot_dimension_numbers<[1], [0], [0], [1], [0, 0, 1, 1], [], []>, transpose_lhs_hint = false} : vector<2000x12xf32>, vector<12x48xf32>, vector<2000x48xf32> -> vector<2000x48xf32>
    %mul3A_80 = arith.mulf %dot_general3A_79, %slice3A_38 : vector<2000x48xf32>
    %add3A_81 = arith.addf %mul3A_74, %mul3A_80 : vector<2000x48xf32>
    %swap3A = arith.constant 0 : index
    %swap3A_82 = arith.constant 0 : index
    %swap3A_83 = vector.load %arg17[%swap3A, %swap3A_82] : memref<2000x48xf32, #tpu.memory_space<vmem>>, vector<2000x48xf32>
    tpu.vector_store %arg17[%swap3A, %swap3A_82], %add3A_81 {strides = array<i32>} : memref<2000x48xf32, #tpu.memory_space<vmem>>, vector<2000x48xf32>,
    %get3A_84 = arith.constant 0 : index
    %get3A_85 = arith.constant 0 : index
    %get3A_86 = vector.load %arg16[%get3A_84, %get3A_85] : memref<48x12xf32, #tpu.memory_space<vmem>>, vector<48x12xf32>
    %dot_general3A_87 = arith.constant dense<0.000000e+00> : vector<2000x12xf32>
    %dot_general3A_88 = tpu.matmul %get3A_71, %get3A_86, %dot_general3A_87 {dimension_numbers = #tpu.dot_dimension_numbers<[1], [0], [0], [1], [0, 0, 1, 1], [], []>, transpose_lhs_hint = false} : vector<2000x48xf32>, vector<48x12xf32>, vector<2000x12xf32> -> vector<2000x12xf32>
    %mul3A_89 = vector.broadcast %get3A_46 : vector<2000x1xf32> to vector<2000x12xf32>
    %mul3A_90 = arith.mulf %dot_general3A_88, %mul3A_89 : vector<2000x12xf32>
    %mul3A_91 = arith.mulf %mul3A_90, %slice3A_39 : vector<2000x12xf32>
    %mul3A_92 = vector.broadcast %get3A_43 : vector<2000x1xf32> to vector<2000x12xf32>
    %mul3A_93 = arith.mulf %get3A_55, %mul3A_92 : vector<2000x12xf32>
    %mul3A_94 = arith.mulf %mul3A_93, %slice3A_40 : vector<2000x12xf32>
    %add3A_95 = arith.addf %mul3A_91, %mul3A_94 : vector<2000x12xf32>
    %swap3A_96 = arith.constant 0 : index
    %swap3A_97 = arith.constant 0 : index
    %swap3A_98 = vector.load %arg18[%swap3A_96, %swap3A_97] : memref<2000x12xf32, #tpu.memory_space<vmem>>, vector<2000x12xf32>
    tpu.vector_store %arg18[%swap3A_96, %swap3A_97], %add3A_95 {strides = array<i32>} : memref<2000x12xf32, #tpu.memory_space<vmem>>, vector<2000x12xf32>,
    %mul3A_99 = vector.broadcast %get3A_49 : vector<2000x1xf32> to vector<2000x12xf32>
    %mul3A_100 = arith.mulf %dot_general3A_88, %mul3A_99 : vector<2000x12xf32>
    %mul3A_101 = arith.mulf %mul3A_100, %slice3A_39 : vector<2000x12xf32>
    %mul3A_102 = vector.broadcast %get3A_43 : vector<2000x1xf32> to vector<2000x12xf32>
    %mul3A_103 = arith.mulf %get3A_58, %mul3A_102 : vector<2000x12xf32>
    %mul3A_104 = arith.mulf %mul3A_103, %slice3A_40 : vector<2000x12xf32>
    %add3A_105 = arith.addf %mul3A_101, %mul3A_104 : vector<2000x12xf32>
    %swap3A_106 = arith.constant 0 : index
    %swap3A_107 = arith.constant 0 : index
    %swap3A_108 = vector.load %arg19[%swap3A_106, %swap3A_107] : memref<2000x12xf32, #tpu.memory_space<vmem>>, vector<2000x12xf32>
    tpu.vector_store %arg19[%swap3A_106, %swap3A_107], %add3A_105 {strides = array<i32>} : memref<2000x12xf32, #tpu.memory_space<vmem>>, vector<2000x12xf32>,
    %mul3A_109 = vector.broadcast %get3A_52 : vector<2000x1xf32> to vector<2000x12xf32>
    %mul3A_110 = arith.mulf %dot_general3A_88, %mul3A_109 : vector<2000x12xf32>
    %mul3A_111 = arith.mulf %mul3A_110, %slice3A_39 : vector<2000x12xf32>
    %mul3A_112 = vector.broadcast %get3A_43 : vector<2000x1xf32> to vector<2000x12xf32>
    %mul3A_113 = arith.mulf %get3A_61, %mul3A_112 : vector<2000x12xf32>
    %mul3A_114 = arith.mulf %mul3A_113, %slice3A_40 : vector<2000x12xf32>
    %add3A_115 = arith.addf %mul3A_111, %mul3A_114 : vector<2000x12xf32>
    %swap3A_116 = arith.constant 0 : index
    %swap3A_117 = arith.constant 0 : index
    %swap3A_118 = vector.load %arg20[%swap3A_116, %swap3A_117] : memref<2000x12xf32, #tpu.memory_space<vmem>>, vector<2000x12xf32>
    tpu.vector_store %arg20[%swap3A_116, %swap3A_117], %add3A_115 {strides = array<i32>} : memref<2000x12xf32, #tpu.memory_space<vmem>>, vector<2000x12xf32>,
    return
  }
  func.func @transform_0(%arg0: i32) -> (i32, i32) {
    %c0_i32 = arith.constant 0 : i32
    %c0_i32_0 = arith.constant 0 : i32
    return %arg0, %c0_i32 : i32, i32
  }
  func.func @transform_1(%arg0: i32) -> (i32, i32) {
    %c0_i32 = arith.constant 0 : i32
    %c0_i32_0 = arith.constant 0 : i32
    return %arg0, %c0_i32 : i32, i32
  }
  func.func @transform_2(%arg0: i32) -> (i32, i32) {
    %c0_i32 = arith.constant 0 : i32
    %c0_i32_0 = arith.constant 0 : i32
    return %arg0, %c0_i32 : i32, i32
  }
  func.func @transform_3(%arg0: i32) -> (i32, i32) {
    %c0_i32 = arith.constant 0 : i32
    %c0_i32_0 = arith.constant 0 : i32
    return %arg0, %c0_i32 : i32, i32
  }
  func.func @transform_4(%arg0: i32) -> (i32, i32) {
    %c0_i32 = arith.constant 0 : i32
    %c0_i32_0 = arith.constant 0 : i32
    return %arg0, %c0_i32 : i32, i32
  }
  func.func @transform_5(%arg0: i32) -> (i32, i32) {
    %c0_i32 = arith.constant 0 : i32
    %c0_i32_0 = arith.constant 0 : i32
    return %arg0, %c0_i32 : i32, i32
  }
  func.func @transform_6(%arg0: i32) -> (i32, i32) {
    %c0_i32 = arith.constant 0 : i32
    %c0_i32_0 = arith.constant 0 : i32
    %c0_i32_1 = arith.constant 0 : i32
    return %c0_i32, %c0_i32_0 : i32, i32
  }
  func.func @transform_7(%arg0: i32) -> (i32, i32) {
    %c0_i32 = arith.constant 0 : i32
    %c0_i32_0 = arith.constant 0 : i32
    %c0_i32_1 = arith.constant 0 : i32
    return %c0_i32, %c0_i32_0 : i32, i32
  }
  func.func @transform_8(%arg0: i32) -> (i32, i32) {
    %c0_i32 = arith.constant 0 : i32
    %c0_i32_0 = arith.constant 0 : i32
    %c0_i32_1 = arith.constant 0 : i32
    return %c0_i32, %c0_i32_0 : i32, i32
  }
  func.func @transform_9(%arg0: i32) -> (i32, i32) {
    %c0_i32 = arith.constant 0 : i32
    %c0_i32_0 = arith.constant 0 : i32
    %c0_i32_1 = arith.constant 0 : i32
    return %c0_i32, %c0_i32_0 : i32, i32
  }
  func.func @transform_10(%arg0: i32) -> (i32, i32) {
    %c0_i32 = arith.constant 0 : i32
    %c0_i32_0 = arith.constant 0 : i32
    %c0_i32_1 = arith.constant 0 : i32
    return %c0_i32, %c0_i32_0 : i32, i32
  }
  func.func @transform_11(%arg0: i32) -> (i32, i32) {
    %c0_i32 = arith.constant 0 : i32
    %c0_i32_0 = arith.constant 0 : i32
    %c0_i32_1 = arith.constant 0 : i32
    return %c0_i32, %c0_i32_0 : i32, i32
  }
  func.func @transform_12(%arg0: i32) -> (i32, i32) {
    %c0_i32 = arith.constant 0 : i32
    %c0_i32_0 = arith.constant 0 : i32
    %c0_i32_1 = arith.constant 0 : i32
    return %c0_i32, %c0_i32_0 : i32, i32
  }
  func.func @transform_13(%arg0: i32) -> (i32, i32) {
    %c0_i32 = arith.constant 0 : i32
    %c0_i32_0 = arith.constant 0 : i32
    %c0_i32_1 = arith.constant 0 : i32
    return %c0_i32, %c0_i32_0 : i32, i32
  }
  func.func @transform_14(%arg0: i32) -> (i32, i32) {
    %c0_i32 = arith.constant 0 : i32
    %c0_i32_0 = arith.constant 0 : i32
    %c0_i32_1 = arith.constant 0 : i32
    return %c0_i32, %c0_i32_0 : i32, i32
  }
  func.func @transform_15(%arg0: i32) -> (i32, i32) {
    %c0_i32 = arith.constant 0 : i32
    %c0_i32_0 = arith.constant 0 : i32
    %c0_i32_1 = arith.constant 0 : i32
    return %c0_i32, %c0_i32_0 : i32, i32
  }
  func.func @transform_16(%arg0: i32) -> (i32, i32) {
    %c0_i32 = arith.constant 0 : i32
    %c0_i32_0 = arith.constant 0 : i32
    return %arg0, %c0_i32 : i32, i32
  }
  func.func @transform_17(%arg0: i32) -> (i32, i32) {
    %c0_i32 = arith.constant 0 : i32
    %c0_i32_0 = arith.constant 0 : i32
    return %arg0, %c0_i32 : i32, i32
  }
  func.func @transform_18(%arg0: i32) -> (i32, i32) {
    %c0_i32 = arith.constant 0 : i32
    %c0_i32_0 = arith.constant 0 : i32
    return %arg0, %c0_i32 : i32, i32
  }
  func.func @transform_19(%arg0: i32) -> (i32, i32) {
    %c0_i32 = arith.constant 0 : i32
    %c0_i32_0 = arith.constant 0 : i32
    return %arg0, %c0_i32 : i32, i32
  }
}

module attributes {stable_mosaic.version = 14 : i64} {
  func.func @_agg_msg_kernel(%arg0: i32, %arg1: memref<2000x84xf32, #tpu.memory_space<vmem>>, %arg2: memref<2000x84xf32, #tpu.memory_space<vmem>>, %arg3: memref<2000x64xf32, #tpu.memory_space<vmem>>, %arg4: memref<2000x9xf32, #tpu.memory_space<vmem>>, %arg5: memref<36x12xf32, #tpu.memory_space<vmem>>, %arg6: memref<36x12xf32, #tpu.memory_space<vmem>>, %arg7: memref<36x12xf32, #tpu.memory_space<vmem>>, %arg8: memref<64x64xf32, #tpu.memory_space<vmem>>, %arg9: memref<1x64xf32, #tpu.memory_space<vmem>>, %arg10: memref<64x160xf32, #tpu.memory_space<vmem>>, %arg11: memref<1x160xf32, #tpu.memory_space<vmem>>, %arg12: memref<48x64xf32, #tpu.memory_space<vmem>>, %arg13: memref<12x64xf32, #tpu.memory_space<vmem>>, %arg14: memref<48x16xf32, #tpu.memory_space<vmem>>, %arg15: memref<12x16xf32, #tpu.memory_space<vmem>>, %arg16: memref<2000x84xf32, #tpu.memory_space<vmem>>, %arg17: memref<2000x64xf32, #tpu.memory_space<vmem>>, %arg18: memref<2000x16xf32, #tpu.memory_space<vmem>>, %arg19: memref<2000x16xf32, #tpu.memory_space<vmem>>, %arg20: memref<2000x16xf32, #tpu.memory_space<vmem>>) attributes {dimension_semantics = [#tpu.dimension_semantics<arbitrary>], iteration_bounds = array<i64: 25>, scalar_prefetch = 0 : i64, scratch_operands = 0 : i64, tpu.core_type = #tpu.core_type<tc>, window_params = [{transform_indices = @transform_0, window_bounds = array<i64: 2000, 84>}, {transform_indices = @transform_1, window_bounds = array<i64: 2000, 84>}, {transform_indices = @transform_2, window_bounds = array<i64: 2000, 64>}, {transform_indices = @transform_3, window_bounds = array<i64: 2000, 9>}, {pipeline_mode = #tpu.pipeline_mode<synchronous>, transform_indices = @transform_4, window_bounds = array<i64: 36, 12>}, {pipeline_mode = #tpu.pipeline_mode<synchronous>, transform_indices = @transform_5, window_bounds = array<i64: 36, 12>}, {pipeline_mode = #tpu.pipeline_mode<synchronous>, transform_indices = @transform_6, window_bounds = array<i64: 36, 12>}, {pipeline_mode = #tpu.pipeline_mode<synchronous>, transform_indices = @transform_7, window_bounds = array<i64: 64, 64>}, {pipeline_mode = #tpu.pipeline_mode<synchronous>, transform_indices = @transform_8, window_bounds = array<i64: 1, 64>}, {pipeline_mode = #tpu.pipeline_mode<synchronous>, transform_indices = @transform_9, window_bounds = array<i64: 64, 160>}, {pipeline_mode = #tpu.pipeline_mode<synchronous>, transform_indices = @transform_10, window_bounds = array<i64: 1, 160>}, {pipeline_mode = #tpu.pipeline_mode<synchronous>, transform_indices = @transform_11, window_bounds = array<i64: 48, 64>}, {pipeline_mode = #tpu.pipeline_mode<synchronous>, transform_indices = @transform_12, window_bounds = array<i64: 12, 64>}, {pipeline_mode = #tpu.pipeline_mode<synchronous>, transform_indices = @transform_13, window_bounds = array<i64: 48, 16>}, {pipeline_mode = #tpu.pipeline_mode<synchronous>, transform_indices = @transform_14, window_bounds = array<i64: 12, 16>}, {transform_indices = @transform_15, window_bounds = array<i64: 2000, 84>}, {transform_indices = @transform_16, window_bounds = array<i64: 2000, 64>}, {transform_indices = @transform_17, window_bounds = array<i64: 2000, 16>}, {transform_indices = @transform_18, window_bounds = array<i64: 2000, 16>}, {transform_indices = @transform_19, window_bounds = array<i64: 2000, 16>}]} {
    %get3A = arith.constant 0 : index
    %get3A_0 = arith.constant 0 : index
    %get3A_1 = vector.load %arg1[%get3A, %get3A_0] : memref<2000x84xf32, #tpu.memory_space<vmem>>, vector<2000x84xf32>
    %get3A_2 = arith.constant 0 : index
    %get3A_3 = arith.constant 0 : index
    %get3A_4 = vector.load %arg2[%get3A_2, %get3A_3] : memref<2000x84xf32, #tpu.memory_space<vmem>>, vector<2000x84xf32>
    %mul3A = arith.constant 2.500000e-01 : f32
    %mul3A_5 = vector.broadcast %mul3A : f32 to vector<2000x84xf32>
    %mul3A_6 = arith.mulf %get3A_4, %mul3A_5 : vector<2000x84xf32>
    %add3A = arith.addf %get3A_1, %mul3A_6 : vector<2000x84xf32>
    %swap3A = arith.constant 0 : index
    %swap3A_7 = arith.constant 0 : index
    %swap3A_8 = vector.load %arg16[%swap3A, %swap3A_7] : memref<2000x84xf32, #tpu.memory_space<vmem>>, vector<2000x84xf32>
    tpu.vector_store %arg16[%swap3A, %swap3A_7], %add3A {strides = array<i32>} : memref<2000x84xf32, #tpu.memory_space<vmem>>, vector<2000x84xf32>,
    %slice3A = vector.extract_strided_slice %add3A {offsets = [0, 0], sizes = [2000, 48], strides = [1, 1]} : vector<2000x84xf32> to vector<2000x48xf32>
    %slice3A_9 = vector.extract_strided_slice %add3A {offsets = [0, 48], sizes = [2000, 36], strides = [1, 1]} : vector<2000x84xf32> to vector<2000x36xf32>
    %get3A_10 = arith.constant 0 : index
    %get3A_11 = arith.constant 0 : index
    %get3A_12 = vector.load %arg5[%get3A_10, %get3A_11] : memref<36x12xf32, #tpu.memory_space<vmem>>, vector<36x12xf32>
    %dot_general3A = arith.constant dense<0.000000e+00> : vector<2000x12xf32>
    %dot_general3A_13 = tpu.matmul %slice3A_9, %get3A_12, %dot_general3A {dimension_numbers = #tpu.dot_dimension_numbers<[1], [0], [0], [1], [0, 0, 1, 1], [], []>, transpose_lhs_hint = false} : vector<2000x36xf32>, vector<36x12xf32>, vector<2000x12xf32> -> vector<2000x12xf32>
    %get3A_14 = arith.constant 0 : index
    %get3A_15 = arith.constant 0 : index
    %get3A_16 = vector.load %arg6[%get3A_14, %get3A_15] : memref<36x12xf32, #tpu.memory_space<vmem>>, vector<36x12xf32>
    %dot_general3A_17 = arith.constant dense<0.000000e+00> : vector<2000x12xf32>
    %dot_general3A_18 = tpu.matmul %slice3A_9, %get3A_16, %dot_general3A_17 {dimension_numbers = #tpu.dot_dimension_numbers<[1], [0], [0], [1], [0, 0, 1, 1], [], []>, transpose_lhs_hint = false} : vector<2000x36xf32>, vector<36x12xf32>, vector<2000x12xf32> -> vector<2000x12xf32>
    %get3A_19 = arith.constant 0 : index
    %get3A_20 = arith.constant 0 : index
    %get3A_21 = vector.load %arg7[%get3A_19, %get3A_20] : memref<36x12xf32, #tpu.memory_space<vmem>>, vector<36x12xf32>
    %dot_general3A_22 = arith.constant dense<0.000000e+00> : vector<2000x12xf32>
    %dot_general3A_23 = tpu.matmul %slice3A_9, %get3A_21, %dot_general3A_22 {dimension_numbers = #tpu.dot_dimension_numbers<[1], [0], [0], [1], [0, 0, 1, 1], [], []>, transpose_lhs_hint = false} : vector<2000x36xf32>, vector<36x12xf32>, vector<2000x12xf32> -> vector<2000x12xf32>
    %get3A_24 = arith.constant 0 : index
    %get3A_25 = arith.constant 0 : index
    %get3A_26 = vector.load %arg3[%get3A_24, %get3A_25] : memref<2000x64xf32, #tpu.memory_space<vmem>>, vector<2000x64xf32>
    %get3A_27 = arith.constant 0 : index
    %get3A_28 = arith.constant 0 : index
    %get3A_29 = vector.load %arg8[%get3A_27, %get3A_28] : memref<64x64xf32, #tpu.memory_space<vmem>>, vector<64x64xf32>
    %dot_general3A_30 = arith.constant dense<0.000000e+00> : vector<2000x64xf32>
    %dot_general3A_31 = tpu.matmul %get3A_26, %get3A_29, %dot_general3A_30 {dimension_numbers = #tpu.dot_dimension_numbers<[1], [0], [0], [1], [0, 0, 1, 1], [], []>, transpose_lhs_hint = false} : vector<2000x64xf32>, vector<64x64xf32>, vector<2000x64xf32> -> vector<2000x64xf32>
    %get3A_32 = arith.constant 0 : index
    %get3A_33 = arith.constant 0 : index
    %get3A_34 = vector.load %arg9[%get3A_32, %get3A_33] : memref<1x64xf32, #tpu.memory_space<vmem>>, vector<1x64xf32>
    %add3A_35 = vector.broadcast %get3A_34 : vector<1x64xf32> to vector<2000x64xf32>
    %add3A_36 = arith.addf %dot_general3A_31, %add3A_35 : vector<2000x64xf32>
    %max3A = arith.constant 0.000000e+00 : f32
    %max3A_37 = vector.broadcast %max3A : f32 to vector<2000x64xf32>
    %max3A_38 = arith.maximumf %add3A_36, %max3A_37 : vector<2000x64xf32>
    %get3A_39 = arith.constant 0 : index
    %get3A_40 = arith.constant 0 : index
    %get3A_41 = vector.load %arg10[%get3A_39, %get3A_40] : memref<64x160xf32, #tpu.memory_space<vmem>>, vector<64x160xf32>
    %dot_general3A_42 = arith.constant dense<0.000000e+00> : vector<2000x160xf32>
    %dot_general3A_43 = tpu.matmul %max3A_38, %get3A_41, %dot_general3A_42 {dimension_numbers = #tpu.dot_dimension_numbers<[1], [0], [0], [1], [0, 0, 1, 1], [], []>, transpose_lhs_hint = false} : vector<2000x64xf32>, vector<64x160xf32>, vector<2000x160xf32> -> vector<2000x160xf32>
    %get3A_44 = arith.constant 0 : index
    %get3A_45 = arith.constant 0 : index
    %get3A_46 = vector.load %arg11[%get3A_44, %get3A_45] : memref<1x160xf32, #tpu.memory_space<vmem>>, vector<1x160xf32>
    %add3A_47 = vector.broadcast %get3A_46 : vector<1x160xf32> to vector<2000x160xf32>
    %add3A_48 = arith.addf %dot_general3A_43, %add3A_47 : vector<2000x160xf32>
    %get3A_49 = arith.constant 0 : index
    %get3A_50 = arith.constant 0 : index
    %get3A_51 = vector.load %arg4[%get3A_49, %get3A_50] : memref<2000x9xf32, #tpu.memory_space<vmem>>, vector<2000x1xf32>
    %get3A_52 = arith.constant 0 : index
    %get3A_53 = arith.constant 1 : index
    %get3A_54 = vector.load %arg4[%get3A_52, %get3A_53] : memref<2000x9xf32, #tpu.memory_space<vmem>>, vector<2000x1xf32>
    %get3A_55 = arith.constant 0 : index
    %get3A_56 = arith.constant 2 : index
    %get3A_57 = vector.load %arg4[%get3A_55, %get3A_56] : memref<2000x9xf32, #tpu.memory_space<vmem>>, vector<2000x1xf32>
    %get3A_58 = arith.constant 0 : index
    %get3A_59 = arith.constant 3 : index
    %get3A_60 = vector.load %arg4[%get3A_58, %get3A_59] : memref<2000x9xf32, #tpu.memory_space<vmem>>, vector<2000x1xf32>
    %mul3A_61 = vector.broadcast %get3A_54 : vector<2000x1xf32> to vector<2000x12xf32>
    %mul3A_62 = arith.mulf %dot_general3A_13, %mul3A_61 : vector<2000x12xf32>
    %mul3A_63 = vector.broadcast %get3A_57 : vector<2000x1xf32> to vector<2000x12xf32>
    %mul3A_64 = arith.mulf %dot_general3A_18, %mul3A_63 : vector<2000x12xf32>
    %add3A_65 = arith.addf %mul3A_62, %mul3A_64 : vector<2000x12xf32>
    %mul3A_66 = vector.broadcast %get3A_60 : vector<2000x1xf32> to vector<2000x12xf32>
    %mul3A_67 = arith.mulf %dot_general3A_23, %mul3A_66 : vector<2000x12xf32>
    %add3A_68 = arith.addf %add3A_65, %mul3A_67 : vector<2000x12xf32>
    %get3A_69 = arith.constant 0 : index
    %get3A_70 = arith.constant 0 : index
    %get3A_71 = vector.load %arg12[%get3A_69, %get3A_70] : memref<48x64xf32, #tpu.memory_space<vmem>>, vector<48x64xf32>
    %dot_general3A_72 = arith.constant dense<0.000000e+00> : vector<2000x64xf32>
    %dot_general3A_73 = tpu.matmul %slice3A, %get3A_71, %dot_general3A_72 {dimension_numbers = #tpu.dot_dimension_numbers<[1], [0], [0], [1], [0, 0, 1, 1], [], []>, transpose_lhs_hint = false} : vector<2000x48xf32>, vector<48x64xf32>, vector<2000x64xf32> -> vector<2000x64xf32>
    %mul3A_74 = vector.broadcast %get3A_51 : vector<2000x1xf32> to vector<2000x64xf32>
    %mul3A_75 = arith.mulf %dot_general3A_73, %mul3A_74 : vector<2000x64xf32>
    %slice3A_76 = vector.extract_strided_slice %add3A_48 {offsets = [0, 0], sizes = [2000, 64], strides = [1, 1]} : vector<2000x160xf32> to vector<2000x64xf32>
    %mul3A_77 = arith.mulf %mul3A_75, %slice3A_76 : vector<2000x64xf32>
    %get3A_78 = arith.constant 0 : index
    %get3A_79 = arith.constant 0 : index
    %get3A_80 = vector.load %arg13[%get3A_78, %get3A_79] : memref<12x64xf32, #tpu.memory_space<vmem>>, vector<12x64xf32>
    %dot_general3A_81 = arith.constant dense<0.000000e+00> : vector<2000x64xf32>
    %dot_general3A_82 = tpu.matmul %add3A_68, %get3A_80, %dot_general3A_81 {dimension_numbers = #tpu.dot_dimension_numbers<[1], [0], [0], [1], [0, 0, 1, 1], [], []>, transpose_lhs_hint = false} : vector<2000x12xf32>, vector<12x64xf32>, vector<2000x64xf32> -> vector<2000x64xf32>
    %slice3A_83 = vector.extract_strided_slice %add3A_48 {offsets = [0, 64], sizes = [2000, 64], strides = [1, 1]} : vector<2000x160xf32> to vector<2000x64xf32>
    %mul3A_84 = arith.mulf %dot_general3A_82, %slice3A_83 : vector<2000x64xf32>
    %add3A_85 = arith.addf %mul3A_77, %mul3A_84 : vector<2000x64xf32>
    %swap3A_86 = arith.constant 0 : index
    %swap3A_87 = arith.constant 0 : index
    %swap3A_88 = vector.load %arg17[%swap3A_86, %swap3A_87] : memref<2000x64xf32, #tpu.memory_space<vmem>>, vector<2000x64xf32>
    tpu.vector_store %arg17[%swap3A_86, %swap3A_87], %add3A_85 {strides = array<i32>} : memref<2000x64xf32, #tpu.memory_space<vmem>>, vector<2000x64xf32>,
    %get3A_89 = arith.constant 0 : index
    %get3A_90 = arith.constant 0 : index
    %get3A_91 = vector.load %arg14[%get3A_89, %get3A_90] : memref<48x16xf32, #tpu.memory_space<vmem>>, vector<48x16xf32>
    %dot_general3A_92 = arith.constant dense<0.000000e+00> : vector<2000x16xf32>
    %dot_general3A_93 = tpu.matmul %slice3A, %get3A_91, %dot_general3A_92 {dimension_numbers = #tpu.dot_dimension_numbers<[1], [0], [0], [1], [0, 0, 1, 1], [], []>, transpose_lhs_hint = false} : vector<2000x48xf32>, vector<48x16xf32>, vector<2000x16xf32> -> vector<2000x16xf32>
    %slice3A_94 = vector.extract_strided_slice %add3A_48 {offsets = [0, 128], sizes = [2000, 16], strides = [1, 1]} : vector<2000x160xf32> to vector<2000x16xf32>
    %slice3A_95 = vector.extract_strided_slice %add3A_48 {offsets = [0, 144], sizes = [2000, 16], strides = [1, 1]} : vector<2000x160xf32> to vector<2000x16xf32>
    %get3A_96 = arith.constant 0 : index
    %get3A_97 = arith.constant 0 : index
    %get3A_98 = vector.load %arg15[%get3A_96, %get3A_97] : memref<12x16xf32, #tpu.memory_space<vmem>>, vector<12x16xf32>
    %dot_general3A_99 = arith.constant dense<0.000000e+00> : vector<2000x16xf32>
    %dot_general3A_100 = tpu.matmul %dot_general3A_13, %get3A_98, %dot_general3A_99 {dimension_numbers = #tpu.dot_dimension_numbers<[1], [0], [0], [1], [0, 0, 1, 1], [], []>, transpose_lhs_hint = false} : vector<2000x12xf32>, vector<12x16xf32>, vector<2000x16xf32> -> vector<2000x16xf32>
    %get3A_101 = arith.constant 0 : index
    %get3A_102 = arith.constant 0 : index
    %get3A_103 = vector.load %arg15[%get3A_101, %get3A_102] : memref<12x16xf32, #tpu.memory_space<vmem>>, vector<12x16xf32>
    %dot_general3A_104 = arith.constant dense<0.000000e+00> : vector<2000x16xf32>
    %dot_general3A_105 = tpu.matmul %dot_general3A_18, %get3A_103, %dot_general3A_104 {dimension_numbers = #tpu.dot_dimension_numbers<[1], [0], [0], [1], [0, 0, 1, 1], [], []>, transpose_lhs_hint = false} : vector<2000x12xf32>, vector<12x16xf32>, vector<2000x16xf32> -> vector<2000x16xf32>
    %get3A_106 = arith.constant 0 : index
    %get3A_107 = arith.constant 0 : index
    %get3A_108 = vector.load %arg15[%get3A_106, %get3A_107] : memref<12x16xf32, #tpu.memory_space<vmem>>, vector<12x16xf32>
    %dot_general3A_109 = arith.constant dense<0.000000e+00> : vector<2000x16xf32>
    %dot_general3A_110 = tpu.matmul %dot_general3A_23, %get3A_108, %dot_general3A_109 {dimension_numbers = #tpu.dot_dimension_numbers<[1], [0], [0], [1], [0, 0, 1, 1], [], []>, transpose_lhs_hint = false} : vector<2000x12xf32>, vector<12x16xf32>, vector<2000x16xf32> -> vector<2000x16xf32>
    %mul3A_111 = vector.broadcast %get3A_54 : vector<2000x1xf32> to vector<2000x16xf32>
    %mul3A_112 = arith.mulf %dot_general3A_93, %mul3A_111 : vector<2000x16xf32>
    %mul3A_113 = arith.mulf %mul3A_112, %slice3A_94 : vector<2000x16xf32>
    %mul3A_114 = vector.broadcast %get3A_51 : vector<2000x1xf32> to vector<2000x16xf32>
    %mul3A_115 = arith.mulf %dot_general3A_100, %mul3A_114 : vector<2000x16xf32>
    %mul3A_116 = arith.mulf %mul3A_115, %slice3A_95 : vector<2000x16xf32>
    %add3A_117 = arith.addf %mul3A_113, %mul3A_116 : vector<2000x16xf32>
    %swap3A_118 = arith.constant 0 : index
    %swap3A_119 = arith.constant 0 : index
    %swap3A_120 = vector.load %arg18[%swap3A_118, %swap3A_119] : memref<2000x16xf32, #tpu.memory_space<vmem>>, vector<2000x16xf32>
    tpu.vector_store %arg18[%swap3A_118, %swap3A_119], %add3A_117 {strides = array<i32>} : memref<2000x16xf32, #tpu.memory_space<vmem>>, vector<2000x16xf32>,
    %mul3A_121 = vector.broadcast %get3A_57 : vector<2000x1xf32> to vector<2000x16xf32>
    %mul3A_122 = arith.mulf %dot_general3A_93, %mul3A_121 : vector<2000x16xf32>
    %mul3A_123 = arith.mulf %mul3A_122, %slice3A_94 : vector<2000x16xf32>
    %mul3A_124 = vector.broadcast %get3A_51 : vector<2000x1xf32> to vector<2000x16xf32>
    %mul3A_125 = arith.mulf %dot_general3A_105, %mul3A_124 : vector<2000x16xf32>
    %mul3A_126 = arith.mulf %mul3A_125, %slice3A_95 : vector<2000x16xf32>
    %add3A_127 = arith.addf %mul3A_123, %mul3A_126 : vector<2000x16xf32>
    %swap3A_128 = arith.constant 0 : index
    %swap3A_129 = arith.constant 0 : index
    %swap3A_130 = vector.load %arg19[%swap3A_128, %swap3A_129] : memref<2000x16xf32, #tpu.memory_space<vmem>>, vector<2000x16xf32>
    tpu.vector_store %arg19[%swap3A_128, %swap3A_129], %add3A_127 {strides = array<i32>} : memref<2000x16xf32, #tpu.memory_space<vmem>>, vector<2000x16xf32>,
    %mul3A_131 = vector.broadcast %get3A_60 : vector<2000x1xf32> to vector<2000x16xf32>
    %mul3A_132 = arith.mulf %dot_general3A_93, %mul3A_131 : vector<2000x16xf32>
    %mul3A_133 = arith.mulf %mul3A_132, %slice3A_94 : vector<2000x16xf32>
    %mul3A_134 = vector.broadcast %get3A_51 : vector<2000x1xf32> to vector<2000x16xf32>
    %mul3A_135 = arith.mulf %dot_general3A_110, %mul3A_134 : vector<2000x16xf32>
    %mul3A_136 = arith.mulf %mul3A_135, %slice3A_95 : vector<2000x16xf32>
    %add3A_137 = arith.addf %mul3A_133, %mul3A_136 : vector<2000x16xf32>
    %swap3A_138 = arith.constant 0 : index
    %swap3A_139 = arith.constant 0 : index
    %swap3A_140 = vector.load %arg20[%swap3A_138, %swap3A_139] : memref<2000x16xf32, #tpu.memory_space<vmem>>, vector<2000x16xf32>
    tpu.vector_store %arg20[%swap3A_138, %swap3A_139], %add3A_137 {strides = array<i32>} : memref<2000x16xf32, #tpu.memory_space<vmem>>, vector<2000x16xf32>,
    return
  }
  func.func @transform_0(%arg0: i32) -> (i32, i32) {
    %c0_i32 = arith.constant 0 : i32
    %c0_i32_0 = arith.constant 0 : i32
    return %arg0, %c0_i32 : i32, i32
  }
  func.func @transform_1(%arg0: i32) -> (i32, i32) {
    %c0_i32 = arith.constant 0 : i32
    %c0_i32_0 = arith.constant 0 : i32
    return %arg0, %c0_i32 : i32, i32
  }
  func.func @transform_2(%arg0: i32) -> (i32, i32) {
    %c0_i32 = arith.constant 0 : i32
    %c0_i32_0 = arith.constant 0 : i32
    return %arg0, %c0_i32 : i32, i32
  }
  func.func @transform_3(%arg0: i32) -> (i32, i32) {
    %c0_i32 = arith.constant 0 : i32
    %c0_i32_0 = arith.constant 0 : i32
    return %arg0, %c0_i32 : i32, i32
  }
  func.func @transform_4(%arg0: i32) -> (i32, i32) {
    %c0_i32 = arith.constant 0 : i32
    %c0_i32_0 = arith.constant 0 : i32
    %c0_i32_1 = arith.constant 0 : i32
    return %c0_i32, %c0_i32_0 : i32, i32
  }
  func.func @transform_5(%arg0: i32) -> (i32, i32) {
    %c0_i32 = arith.constant 0 : i32
    %c0_i32_0 = arith.constant 0 : i32
    %c0_i32_1 = arith.constant 0 : i32
    return %c0_i32, %c0_i32_0 : i32, i32
  }
  func.func @transform_6(%arg0: i32) -> (i32, i32) {
    %c0_i32 = arith.constant 0 : i32
    %c0_i32_0 = arith.constant 0 : i32
    %c0_i32_1 = arith.constant 0 : i32
    return %c0_i32, %c0_i32_0 : i32, i32
  }
  func.func @transform_7(%arg0: i32) -> (i32, i32) {
    %c0_i32 = arith.constant 0 : i32
    %c0_i32_0 = arith.constant 0 : i32
    %c0_i32_1 = arith.constant 0 : i32
    return %c0_i32, %c0_i32_0 : i32, i32
  }
  func.func @transform_8(%arg0: i32) -> (i32, i32) {
    %c0_i32 = arith.constant 0 : i32
    %c0_i32_0 = arith.constant 0 : i32
    %c0_i32_1 = arith.constant 0 : i32
    return %c0_i32, %c0_i32_0 : i32, i32
  }
  func.func @transform_9(%arg0: i32) -> (i32, i32) {
    %c0_i32 = arith.constant 0 : i32
    %c0_i32_0 = arith.constant 0 : i32
    %c0_i32_1 = arith.constant 0 : i32
    return %c0_i32, %c0_i32_0 : i32, i32
  }
  func.func @transform_10(%arg0: i32) -> (i32, i32) {
    %c0_i32 = arith.constant 0 : i32
    %c0_i32_0 = arith.constant 0 : i32
    %c0_i32_1 = arith.constant 0 : i32
    return %c0_i32, %c0_i32_0 : i32, i32
  }
  func.func @transform_11(%arg0: i32) -> (i32, i32) {
    %c0_i32 = arith.constant 0 : i32
    %c0_i32_0 = arith.constant 0 : i32
    %c0_i32_1 = arith.constant 0 : i32
    return %c0_i32, %c0_i32_0 : i32, i32
  }
  func.func @transform_12(%arg0: i32) -> (i32, i32) {
    %c0_i32 = arith.constant 0 : i32
    %c0_i32_0 = arith.constant 0 : i32
    %c0_i32_1 = arith.constant 0 : i32
    return %c0_i32, %c0_i32_0 : i32, i32
  }
  func.func @transform_13(%arg0: i32) -> (i32, i32) {
    %c0_i32 = arith.constant 0 : i32
    %c0_i32_0 = arith.constant 0 : i32
    %c0_i32_1 = arith.constant 0 : i32
    return %c0_i32, %c0_i32_0 : i32, i32
  }
  func.func @transform_14(%arg0: i32) -> (i32, i32) {
    %c0_i32 = arith.constant 0 : i32
    %c0_i32_0 = arith.constant 0 : i32
    %c0_i32_1 = arith.constant 0 : i32
    return %c0_i32, %c0_i32_0 : i32, i32
  }
  func.func @transform_15(%arg0: i32) -> (i32, i32) {
    %c0_i32 = arith.constant 0 : i32
    %c0_i32_0 = arith.constant 0 : i32
    return %arg0, %c0_i32 : i32, i32
  }
  func.func @transform_16(%arg0: i32) -> (i32, i32) {
    %c0_i32 = arith.constant 0 : i32
    %c0_i32_0 = arith.constant 0 : i32
    return %arg0, %c0_i32 : i32, i32
  }
  func.func @transform_17(%arg0: i32) -> (i32, i32) {
    %c0_i32 = arith.constant 0 : i32
    %c0_i32_0 = arith.constant 0 : i32
    return %arg0, %c0_i32 : i32, i32
  }
  func.func @transform_18(%arg0: i32) -> (i32, i32) {
    %c0_i32 = arith.constant 0 : i32
    %c0_i32_0 = arith.constant 0 : i32
    return %arg0, %c0_i32 : i32, i32
  }
  func.func @transform_19(%arg0: i32) -> (i32, i32) {
    %c0_i32 = arith.constant 0 : i32
    %c0_i32_0 = arith.constant 0 : i32
    return %arg0, %c0_i32 : i32, i32
  }
}

module attributes {stable_mosaic.version = 14 : i64} {
  func.func @_res_scalar_kernel(%arg0: i32, %arg1: memref<5000x64xf32, #tpu.memory_space<vmem>>, %arg2: memref<5000x16xf32, #tpu.memory_space<vmem>>, %arg3: memref<5000x16xf32, #tpu.memory_space<vmem>>, %arg4: memref<5000x16xf32, #tpu.memory_space<vmem>>, %arg5: memref<5000x9xf32, #tpu.memory_space<vmem>>, %arg6: memref<5000x256xf32, #tpu.memory_space<vmem>>, %arg7: memref<64x256xf32, #tpu.memory_space<vmem>>, %arg8: memref<16x256xf32, #tpu.memory_space<vmem>>, %arg9: memref<16x256xf32, #tpu.memory_space<vmem>>, %arg10: memref<16x256xf32, #tpu.memory_space<vmem>>, %arg11: memref<1x256xf32, #tpu.memory_space<vmem>>, %arg12: memref<256x256xf32, #tpu.memory_space<vmem>>, %arg13: memref<1x256xf32, #tpu.memory_space<vmem>>, %arg14: memref<256x256xf32, #tpu.memory_space<vmem>>, %arg15: memref<1x256xf32, #tpu.memory_space<vmem>>, %arg16: memref<1x256xf32, #tpu.memory_space<vmem>>, %arg17: memref<1x256xf32, #tpu.memory_space<vmem>>, %arg18: memref<5000x256xf32, #tpu.memory_space<vmem>>) attributes {dimension_semantics = [#tpu.dimension_semantics<arbitrary>], iteration_bounds = array<i64: 1>, scalar_prefetch = 0 : i64, scratch_operands = 0 : i64, tpu.core_type = #tpu.core_type<tc>, window_params = [{transform_indices = @transform_0, window_bounds = array<i64: 5000, 64>}, {transform_indices = @transform_1, window_bounds = array<i64: 5000, 16>}, {transform_indices = @transform_2, window_bounds = array<i64: 5000, 16>}, {transform_indices = @transform_3, window_bounds = array<i64: 5000, 16>}, {transform_indices = @transform_4, window_bounds = array<i64: 5000, 9>}, {transform_indices = @transform_5, window_bounds = array<i64: 5000, 256>}, {pipeline_mode = #tpu.pipeline_mode<synchronous>, transform_indices = @transform_6, window_bounds = array<i64: 64, 256>}, {pipeline_mode = #tpu.pipeline_mode<synchronous>, transform_indices = @transform_7, window_bounds = array<i64: 16, 256>}, {pipeline_mode = #tpu.pipeline_mode<synchronous>, transform_indices = @transform_8, window_bounds = array<i64: 16, 256>}, {pipeline_mode = #tpu.pipeline_mode<synchronous>, transform_indices = @transform_9, window_bounds = array<i64: 16, 256>}, {pipeline_mode = #tpu.pipeline_mode<synchronous>, transform_indices = @transform_10, window_bounds = array<i64: 1, 256>}, {pipeline_mode = #tpu.pipeline_mode<synchronous>, transform_indices = @transform_11, window_bounds = array<i64: 256, 256>}, {pipeline_mode = #tpu.pipeline_mode<synchronous>, transform_indices = @transform_12, window_bounds = array<i64: 1, 256>}, {pipeline_mode = #tpu.pipeline_mode<synchronous>, transform_indices = @transform_13, window_bounds = array<i64: 256, 256>}, {pipeline_mode = #tpu.pipeline_mode<synchronous>, transform_indices = @transform_14, window_bounds = array<i64: 1, 256>}, {pipeline_mode = #tpu.pipeline_mode<synchronous>, transform_indices = @transform_15, window_bounds = array<i64: 1, 256>}, {pipeline_mode = #tpu.pipeline_mode<synchronous>, transform_indices = @transform_16, window_bounds = array<i64: 1, 256>}, {transform_indices = @transform_17, window_bounds = array<i64: 5000, 256>}]} {
    %get3A = arith.constant 0 : index
    %get3A_0 = arith.constant 0 : index
    %get3A_1 = vector.load %arg5[%get3A, %get3A_0] : memref<5000x9xf32, #tpu.memory_space<vmem>>, vector<5000x9xf32>
    %get3A_2 = arith.constant 0 : index
    %get3A_3 = arith.constant 0 : index
    %get3A_4 = vector.load %arg2[%get3A_2, %get3A_3] : memref<5000x16xf32, #tpu.memory_space<vmem>>, vector<5000x16xf32>
    %get3A_5 = arith.constant 0 : index
    %get3A_6 = arith.constant 0 : index
    %get3A_7 = vector.load %arg3[%get3A_5, %get3A_6] : memref<5000x16xf32, #tpu.memory_space<vmem>>, vector<5000x16xf32>
    %get3A_8 = arith.constant 0 : index
    %get3A_9 = arith.constant 0 : index
    %get3A_10 = vector.load %arg4[%get3A_8, %get3A_9] : memref<5000x16xf32, #tpu.memory_space<vmem>>, vector<5000x16xf32>
    %slice3A = vector.extract_strided_slice %get3A_1 {offsets = [0, 0], sizes = [5000, 1], strides = [1, 1]} : vector<5000x9xf32> to vector<5000x1xf32>
    %mul3A = vector.broadcast %slice3A : vector<5000x1xf32> to vector<5000x16xf32>
    %mul3A_11 = arith.mulf %mul3A, %get3A_4 : vector<5000x16xf32>
    %slice3A_12 = vector.extract_strided_slice %get3A_1 {offsets = [0, 3], sizes = [5000, 1], strides = [1, 1]} : vector<5000x9xf32> to vector<5000x1xf32>
    %mul3A_13 = vector.broadcast %slice3A_12 : vector<5000x1xf32> to vector<5000x16xf32>
    %mul3A_14 = arith.mulf %mul3A_13, %get3A_7 : vector<5000x16xf32>
    %add3A = arith.addf %mul3A_11, %mul3A_14 : vector<5000x16xf32>
    %slice3A_15 = vector.extract_strided_slice %get3A_1 {offsets = [0, 6], sizes = [5000, 1], strides = [1, 1]} : vector<5000x9xf32> to vector<5000x1xf32>
    %mul3A_16 = vector.broadcast %slice3A_15 : vector<5000x1xf32> to vector<5000x16xf32>
    %mul3A_17 = arith.mulf %mul3A_16, %get3A_10 : vector<5000x16xf32>
    %add3A_18 = arith.addf %add3A, %mul3A_17 : vector<5000x16xf32>
    %slice3A_19 = vector.extract_strided_slice %get3A_1 {offsets = [0, 1], sizes = [5000, 1], strides = [1, 1]} : vector<5000x9xf32> to vector<5000x1xf32>
    %mul3A_20 = vector.broadcast %slice3A_19 : vector<5000x1xf32> to vector<5000x16xf32>
    %mul3A_21 = arith.mulf %mul3A_20, %get3A_4 : vector<5000x16xf32>
    %slice3A_22 = vector.extract_strided_slice %get3A_1 {offsets = [0, 4], sizes = [5000, 1], strides = [1, 1]} : vector<5000x9xf32> to vector<5000x1xf32>
    %mul3A_23 = vector.broadcast %slice3A_22 : vector<5000x1xf32> to vector<5000x16xf32>
    %mul3A_24 = arith.mulf %mul3A_23, %get3A_7 : vector<5000x16xf32>
    %add3A_25 = arith.addf %mul3A_21, %mul3A_24 : vector<5000x16xf32>
    %slice3A_26 = vector.extract_strided_slice %get3A_1 {offsets = [0, 7], sizes = [5000, 1], strides = [1, 1]} : vector<5000x9xf32> to vector<5000x1xf32>
    %mul3A_27 = vector.broadcast %slice3A_26 : vector<5000x1xf32> to vector<5000x16xf32>
    %mul3A_28 = arith.mulf %mul3A_27, %get3A_10 : vector<5000x16xf32>
    %add3A_29 = arith.addf %add3A_25, %mul3A_28 : vector<5000x16xf32>
    %slice3A_30 = vector.extract_strided_slice %get3A_1 {offsets = [0, 2], sizes = [5000, 1], strides = [1, 1]} : vector<5000x9xf32> to vector<5000x1xf32>
    %mul3A_31 = vector.broadcast %slice3A_30 : vector<5000x1xf32> to vector<5000x16xf32>
    %mul3A_32 = arith.mulf %mul3A_31, %get3A_4 : vector<5000x16xf32>
    %slice3A_33 = vector.extract_strided_slice %get3A_1 {offsets = [0, 5], sizes = [5000, 1], strides = [1, 1]} : vector<5000x9xf32> to vector<5000x1xf32>
    %mul3A_34 = vector.broadcast %slice3A_33 : vector<5000x1xf32> to vector<5000x16xf32>
    %mul3A_35 = arith.mulf %mul3A_34, %get3A_7 : vector<5000x16xf32>
    %add3A_36 = arith.addf %mul3A_32, %mul3A_35 : vector<5000x16xf32>
    %slice3A_37 = vector.extract_strided_slice %get3A_1 {offsets = [0, 8], sizes = [5000, 1], strides = [1, 1]} : vector<5000x9xf32> to vector<5000x1xf32>
    %mul3A_38 = vector.broadcast %slice3A_37 : vector<5000x1xf32> to vector<5000x16xf32>
    %mul3A_39 = arith.mulf %mul3A_38, %get3A_10 : vector<5000x16xf32>
    %add3A_40 = arith.addf %add3A_36, %mul3A_39 : vector<5000x16xf32>
    %get3A_41 = arith.constant 0 : index
    %get3A_42 = arith.constant 0 : index
    %get3A_43 = vector.load %arg1[%get3A_41, %get3A_42] : memref<5000x64xf32, #tpu.memory_space<vmem>>, vector<5000x64xf32>
    %get3A_44 = arith.constant 0 : index
    %get3A_45 = arith.constant 0 : index
    %get3A_46 = vector.load %arg7[%get3A_44, %get3A_45] : memref<64x256xf32, #tpu.memory_space<vmem>>, vector<64x256xf32>
    %dot_general3A = arith.constant dense<0.000000e+00> : vector<5000x256xf32>
    %dot_general3A_47 = tpu.matmul %get3A_43, %get3A_46, %dot_general3A {dimension_numbers = #tpu.dot_dimension_numbers<[1], [0], [0], [1], [0, 0, 1, 1], [], []>, transpose_lhs_hint = false} : vector<5000x64xf32>, vector<64x256xf32>, vector<5000x256xf32> -> vector<5000x256xf32>
    %get3A_48 = arith.constant 0 : index
    %get3A_49 = arith.constant 0 : index
    %get3A_50 = vector.load %arg8[%get3A_48, %get3A_49] : memref<16x256xf32, #tpu.memory_space<vmem>>, vector<16x256xf32>
    %dot_general3A_51 = arith.constant dense<0.000000e+00> : vector<5000x256xf32>
    %dot_general3A_52 = tpu.matmul %add3A_18, %get3A_50, %dot_general3A_51 {dimension_numbers = #tpu.dot_dimension_numbers<[1], [0], [0], [1], [0, 0, 1, 1], [], []>, transpose_lhs_hint = false} : vector<5000x16xf32>, vector<16x256xf32>, vector<5000x256xf32> -> vector<5000x256xf32>
    %add3A_53 = arith.addf %dot_general3A_47, %dot_general3A_52 : vector<5000x256xf32>
    %get3A_54 = arith.constant 0 : index
    %get3A_55 = arith.constant 0 : index
    %get3A_56 = vector.load %arg9[%get3A_54, %get3A_55] : memref<16x256xf32, #tpu.memory_space<vmem>>, vector<16x256xf32>
    %dot_general3A_57 = arith.constant dense<0.000000e+00> : vector<5000x256xf32>
    %dot_general3A_58 = tpu.matmul %add3A_29, %get3A_56, %dot_general3A_57 {dimension_numbers = #tpu.dot_dimension_numbers<[1], [0], [0], [1], [0, 0, 1, 1], [], []>, transpose_lhs_hint = false} : vector<5000x16xf32>, vector<16x256xf32>, vector<5000x256xf32> -> vector<5000x256xf32>
    %add3A_59 = arith.addf %add3A_53, %dot_general3A_58 : vector<5000x256xf32>
    %get3A_60 = arith.constant 0 : index
    %get3A_61 = arith.constant 0 : index
    %get3A_62 = vector.load %arg10[%get3A_60, %get3A_61] : memref<16x256xf32, #tpu.memory_space<vmem>>, vector<16x256xf32>
    %dot_general3A_63 = arith.constant dense<0.000000e+00> : vector<5000x256xf32>
    %dot_general3A_64 = tpu.matmul %add3A_40, %get3A_62, %dot_general3A_63 {dimension_numbers = #tpu.dot_dimension_numbers<[1], [0], [0], [1], [0, 0, 1, 1], [], []>, transpose_lhs_hint = false} : vector<5000x16xf32>, vector<16x256xf32>, vector<5000x256xf32> -> vector<5000x256xf32>
    %add3A_65 = arith.addf %add3A_59, %dot_general3A_64 : vector<5000x256xf32>
    %get3A_66 = arith.constant 0 : index
    %get3A_67 = arith.constant 0 : index
    %get3A_68 = vector.load %arg11[%get3A_66, %get3A_67] : memref<1x256xf32, #tpu.memory_space<vmem>>, vector<1x256xf32>
    %add3A_69 = vector.broadcast %get3A_68 : vector<1x256xf32> to vector<5000x256xf32>
    %add3A_70 = arith.addf %add3A_65, %add3A_69 : vector<5000x256xf32>
    %max3A = arith.constant 0.000000e+00 : f32
    %max3A_71 = vector.broadcast %max3A : f32 to vector<5000x256xf32>
    %max3A_72 = arith.maximumf %add3A_70, %max3A_71 : vector<5000x256xf32>
    %get3A_73 = arith.constant 0 : index
    %get3A_74 = arith.constant 0 : index
    %get3A_75 = vector.load %arg12[%get3A_73, %get3A_74] : memref<256x256xf32, #tpu.memory_space<vmem>>, vector<256x256xf32>
    %dot_general3A_76 = arith.constant dense<0.000000e+00> : vector<5000x256xf32>
    %dot_general3A_77 = tpu.matmul %max3A_72, %get3A_75, %dot_general3A_76 {dimension_numbers = #tpu.dot_dimension_numbers<[1], [0], [0], [1], [0, 0, 1, 1], [], []>, transpose_lhs_hint = false} : vector<5000x256xf32>, vector<256x256xf32>, vector<5000x256xf32> -> vector<5000x256xf32>
    %get3A_78 = arith.constant 0 : index
    %get3A_79 = arith.constant 0 : index
    %get3A_80 = vector.load %arg13[%get3A_78, %get3A_79] : memref<1x256xf32, #tpu.memory_space<vmem>>, vector<1x256xf32>
    %add3A_81 = vector.broadcast %get3A_80 : vector<1x256xf32> to vector<5000x256xf32>
    %add3A_82 = arith.addf %dot_general3A_77, %add3A_81 : vector<5000x256xf32>
    %max3A_83 = arith.constant 0.000000e+00 : f32
    %max3A_84 = vector.broadcast %max3A_83 : f32 to vector<5000x256xf32>
    %max3A_85 = arith.maximumf %add3A_82, %max3A_84 : vector<5000x256xf32>
    %get3A_86 = arith.constant 0 : index
    %get3A_87 = arith.constant 0 : index
    %get3A_88 = vector.load %arg14[%get3A_86, %get3A_87] : memref<256x256xf32, #tpu.memory_space<vmem>>, vector<256x256xf32>
    %dot_general3A_89 = arith.constant dense<0.000000e+00> : vector<5000x256xf32>
    %dot_general3A_90 = tpu.matmul %max3A_85, %get3A_88, %dot_general3A_89 {dimension_numbers = #tpu.dot_dimension_numbers<[1], [0], [0], [1], [0, 0, 1, 1], [], []>, transpose_lhs_hint = false} : vector<5000x256xf32>, vector<256x256xf32>, vector<5000x256xf32> -> vector<5000x256xf32>
    %get3A_91 = arith.constant 0 : index
    %get3A_92 = arith.constant 0 : index
    %get3A_93 = vector.load %arg15[%get3A_91, %get3A_92] : memref<1x256xf32, #tpu.memory_space<vmem>>, vector<1x256xf32>
    %add3A_94 = vector.broadcast %get3A_93 : vector<1x256xf32> to vector<5000x256xf32>
    %add3A_95 = arith.addf %dot_general3A_90, %add3A_94 : vector<5000x256xf32>
    %get3A_96 = arith.constant 0 : index
    %get3A_97 = arith.constant 0 : index
    %get3A_98 = vector.load %arg6[%get3A_96, %get3A_97] : memref<5000x256xf32, #tpu.memory_space<vmem>>, vector<5000x256xf32>
    %add3A_99 = arith.addf %get3A_98, %add3A_95 : vector<5000x256xf32>
    %reduce_sum3A = arith.constant dense<0.000000e+00> : vector<5000xf32>
    %reduce_sum3A_100 = vector.multi_reduction <add>, %add3A_99, %reduce_sum3A [1] : vector<5000x256xf32> to vector<5000xf32>
    %broadcast_in_dim3A = vector.shape_cast %reduce_sum3A_100 : vector<5000xf32> to vector<5000x1xf32>
    %div3A = arith.constant 2.560000e+02 : f32
    %div3A_101 = vector.broadcast %div3A : f32 to vector<5000x1xf32>
    %div3A_102 = arith.divf %broadcast_in_dim3A, %div3A_101 : vector<5000x1xf32>
    %sub3A = vector.broadcast %div3A_102 : vector<5000x1xf32> to vector<5000x256xf32>
    %sub3A_103 = arith.subf %add3A_99, %sub3A : vector<5000x256xf32>
    %sub3A_104 = vector.broadcast %div3A_102 : vector<5000x1xf32> to vector<5000x256xf32>
    %sub3A_105 = arith.subf %add3A_99, %sub3A_104 : vector<5000x256xf32>
    %mul3A_106 = arith.mulf %sub3A_103, %sub3A_105 : vector<5000x256xf32>
    %reduce_sum3A_107 = arith.constant dense<0.000000e+00> : vector<5000xf32>
    %reduce_sum3A_108 = vector.multi_reduction <add>, %mul3A_106, %reduce_sum3A_107 [1] : vector<5000x256xf32> to vector<5000xf32>
    %broadcast_in_dim3A_109 = vector.shape_cast %reduce_sum3A_108 : vector<5000xf32> to vector<5000x1xf32>
    %div3A_110 = arith.constant 2.560000e+02 : f32
    %div3A_111 = vector.broadcast %div3A_110 : f32 to vector<5000x1xf32>
    %div3A_112 = arith.divf %broadcast_in_dim3A_109, %div3A_111 : vector<5000x1xf32>
    %sub3A_113 = vector.broadcast %div3A_102 : vector<5000x1xf32> to vector<5000x256xf32>
    %sub3A_114 = arith.subf %add3A_99, %sub3A_113 : vector<5000x256xf32>
    %add3A_115 = arith.constant 9.99999974E-6 : f32
    %add3A_116 = vector.broadcast %add3A_115 : f32 to vector<5000x1xf32>
    %add3A_117 = arith.addf %div3A_112, %add3A_116 : vector<5000x1xf32>
    %rsqrt3A = math.rsqrt %add3A_117 : vector<5000x1xf32>
    %mul3A_118 = vector.broadcast %rsqrt3A : vector<5000x1xf32> to vector<5000x256xf32>
    %mul3A_119 = arith.mulf %sub3A_114, %mul3A_118 : vector<5000x256xf32>
    %get3A_120 = arith.constant 0 : index
    %get3A_121 = arith.constant 0 : index
    %get3A_122 = vector.load %arg16[%get3A_120, %get3A_121] : memref<1x256xf32, #tpu.memory_space<vmem>>, vector<1x256xf32>
    %mul3A_123 = vector.broadcast %get3A_122 : vector<1x256xf32> to vector<5000x256xf32>
    %mul3A_124 = arith.mulf %mul3A_119, %mul3A_123 : vector<5000x256xf32>
    %get3A_125 = arith.constant 0 : index
    %get3A_126 = arith.constant 0 : index
    %get3A_127 = vector.load %arg17[%get3A_125, %get3A_126] : memref<1x256xf32, #tpu.memory_space<vmem>>, vector<1x256xf32>
    %add3A_128 = vector.broadcast %get3A_127 : vector<1x256xf32> to vector<5000x256xf32>
    %add3A_129 = arith.addf %mul3A_124, %add3A_128 : vector<5000x256xf32>
    %swap3A = arith.constant 0 : index
    %swap3A_130 = arith.constant 0 : index
    %swap3A_131 = vector.load %arg18[%swap3A, %swap3A_130] : memref<5000x256xf32, #tpu.memory_space<vmem>>, vector<5000x256xf32>
    tpu.vector_store %arg18[%swap3A, %swap3A_130], %add3A_129 {strides = array<i32>} : memref<5000x256xf32, #tpu.memory_space<vmem>>, vector<5000x256xf32>,
    return
  }
  func.func @transform_0(%arg0: i32) -> (i32, i32) {
    %c0_i32 = arith.constant 0 : i32
    %c0_i32_0 = arith.constant 0 : i32
    return %arg0, %c0_i32 : i32, i32
  }
  func.func @transform_1(%arg0: i32) -> (i32, i32) {
    %c0_i32 = arith.constant 0 : i32
    %c0_i32_0 = arith.constant 0 : i32
    return %arg0, %c0_i32 : i32, i32
  }
  func.func @transform_2(%arg0: i32) -> (i32, i32) {
    %c0_i32 = arith.constant 0 : i32
    %c0_i32_0 = arith.constant 0 : i32
    return %arg0, %c0_i32 : i32, i32
  }
  func.func @transform_3(%arg0: i32) -> (i32, i32) {
    %c0_i32 = arith.constant 0 : i32
    %c0_i32_0 = arith.constant 0 : i32
    return %arg0, %c0_i32 : i32, i32
  }
  func.func @transform_4(%arg0: i32) -> (i32, i32) {
    %c0_i32 = arith.constant 0 : i32
    %c0_i32_0 = arith.constant 0 : i32
    return %arg0, %c0_i32 : i32, i32
  }
  func.func @transform_5(%arg0: i32) -> (i32, i32) {
    %c0_i32 = arith.constant 0 : i32
    %c0_i32_0 = arith.constant 0 : i32
    return %arg0, %c0_i32 : i32, i32
  }
  func.func @transform_6(%arg0: i32) -> (i32, i32) {
    %c0_i32 = arith.constant 0 : i32
    %c0_i32_0 = arith.constant 0 : i32
    %c0_i32_1 = arith.constant 0 : i32
    return %c0_i32, %c0_i32_0 : i32, i32
  }
  func.func @transform_7(%arg0: i32) -> (i32, i32) {
    %c0_i32 = arith.constant 0 : i32
    %c0_i32_0 = arith.constant 0 : i32
    %c0_i32_1 = arith.constant 0 : i32
    return %c0_i32, %c0_i32_0 : i32, i32
  }
  func.func @transform_8(%arg0: i32) -> (i32, i32) {
    %c0_i32 = arith.constant 0 : i32
    %c0_i32_0 = arith.constant 0 : i32
    %c0_i32_1 = arith.constant 0 : i32
    return %c0_i32, %c0_i32_0 : i32, i32
  }
  func.func @transform_9(%arg0: i32) -> (i32, i32) {
    %c0_i32 = arith.constant 0 : i32
    %c0_i32_0 = arith.constant 0 : i32
    %c0_i32_1 = arith.constant 0 : i32
    return %c0_i32, %c0_i32_0 : i32, i32
  }
  func.func @transform_10(%arg0: i32) -> (i32, i32) {
    %c0_i32 = arith.constant 0 : i32
    %c0_i32_0 = arith.constant 0 : i32
    %c0_i32_1 = arith.constant 0 : i32
    return %c0_i32, %c0_i32_0 : i32, i32
  }
  func.func @transform_11(%arg0: i32) -> (i32, i32) {
    %c0_i32 = arith.constant 0 : i32
    %c0_i32_0 = arith.constant 0 : i32
    %c0_i32_1 = arith.constant 0 : i32
    return %c0_i32, %c0_i32_0 : i32, i32
  }
  func.func @transform_12(%arg0: i32) -> (i32, i32) {
    %c0_i32 = arith.constant 0 : i32
    %c0_i32_0 = arith.constant 0 : i32
    %c0_i32_1 = arith.constant 0 : i32
    return %c0_i32, %c0_i32_0 : i32, i32
  }
  func.func @transform_13(%arg0: i32) -> (i32, i32) {
    %c0_i32 = arith.constant 0 : i32
    %c0_i32_0 = arith.constant 0 : i32
    %c0_i32_1 = arith.constant 0 : i32
    return %c0_i32, %c0_i32_0 : i32, i32
  }
  func.func @transform_14(%arg0: i32) -> (i32, i32) {
    %c0_i32 = arith.constant 0 : i32
    %c0_i32_0 = arith.constant 0 : i32
    %c0_i32_1 = arith.constant 0 : i32
    return %c0_i32, %c0_i32_0 : i32, i32
  }
  func.func @transform_15(%arg0: i32) -> (i32, i32) {
    %c0_i32 = arith.constant 0 : i32
    %c0_i32_0 = arith.constant 0 : i32
    %c0_i32_1 = arith.constant 0 : i32
    return %c0_i32, %c0_i32_0 : i32, i32
  }
  func.func @transform_16(%arg0: i32) -> (i32, i32) {
    %c0_i32 = arith.constant 0 : i32
    %c0_i32_0 = arith.constant 0 : i32
    %c0_i32_1 = arith.constant 0 : i32
    return %c0_i32, %c0_i32_0 : i32, i32
  }
  func.func @transform_17(%arg0: i32) -> (i32, i32) {
    %c0_i32 = arith.constant 0 : i32
    %c0_i32_0 = arith.constant 0 : i32
    return %arg0, %c0_i32 : i32, i32
  }
}

module attributes {stable_mosaic.version = 14 : i64} {
  func.func @_ipmp_kernel(%arg0: i32, %arg1: memref<2000x256xf32, #tpu.memory_space<vmem>>, %arg2: memref<2000x256xf32, #tpu.memory_space<vmem>>, %arg3: memref<2000x128xf32, #tpu.memory_space<vmem>>, %arg4: memref<2000x4xf32, #tpu.memory_space<vmem>>, %arg5: memref<256x256xf32, #tpu.memory_space<vmem>>, %arg6: memref<256x256xf32, #tpu.memory_space<vmem>>, %arg7: memref<128x256xf32, #tpu.memory_space<vmem>>, %arg8: memref<4x256xf32, #tpu.memory_space<vmem>>, %arg9: memref<1x256xf32, #tpu.memory_space<vmem>>, %arg10: memref<256x256xf32, #tpu.memory_space<vmem>>, %arg11: memref<1x256xf32, #tpu.memory_space<vmem>>, %arg12: memref<256x128xf32, #tpu.memory_space<vmem>>, %arg13: memref<1x128xf32, #tpu.memory_space<vmem>>, %arg14: memref<2000x256xf32, #tpu.memory_space<vmem>>, %arg15: memref<2000x128xf32, #tpu.memory_space<vmem>>) attributes {dimension_semantics = [#tpu.dimension_semantics<arbitrary>], iteration_bounds = array<i64: 75>, scalar_prefetch = 0 : i64, scratch_operands = 0 : i64, tpu.core_type = #tpu.core_type<tc>, window_params = [{transform_indices = @transform_0, window_bounds = array<i64: 2000, 256>}, {transform_indices = @transform_1, window_bounds = array<i64: 2000, 256>}, {transform_indices = @transform_2, window_bounds = array<i64: 2000, 128>}, {transform_indices = @transform_3, window_bounds = array<i64: 2000, 4>}, {pipeline_mode = #tpu.pipeline_mode<synchronous>, transform_indices = @transform_4, window_bounds = array<i64: 256, 256>}, {pipeline_mode = #tpu.pipeline_mode<synchronous>, transform_indices = @transform_5, window_bounds = array<i64: 256, 256>}, {pipeline_mode = #tpu.pipeline_mode<synchronous>, transform_indices = @transform_6, window_bounds = array<i64: 128, 256>}, {pipeline_mode = #tpu.pipeline_mode<synchronous>, transform_indices = @transform_7, window_bounds = array<i64: 4, 256>}, {pipeline_mode = #tpu.pipeline_mode<synchronous>, transform_indices = @transform_8, window_bounds = array<i64: 1, 256>}, {pipeline_mode = #tpu.pipeline_mode<synchronous>, transform_indices = @transform_9, window_bounds = array<i64: 256, 256>}, {pipeline_mode = #tpu.pipeline_mode<synchronous>, transform_indices = @transform_10, window_bounds = array<i64: 1, 256>}, {pipeline_mode = #tpu.pipeline_mode<synchronous>, transform_indices = @transform_11, window_bounds = array<i64: 256, 128>}, {pipeline_mode = #tpu.pipeline_mode<synchronous>, transform_indices = @transform_12, window_bounds = array<i64: 1, 128>}, {transform_indices = @transform_13, window_bounds = array<i64: 2000, 256>}, {transform_indices = @transform_14, window_bounds = array<i64: 2000, 128>}]} {
    %get3A = arith.constant 0 : index
    %get3A_0 = arith.constant 0 : index
    %get3A_1 = vector.load %arg1[%get3A, %get3A_0] : memref<2000x256xf32, #tpu.memory_space<vmem>>, vector<2000x256xf32>
    %get3A_2 = arith.constant 0 : index
    %get3A_3 = arith.constant 0 : index
    %get3A_4 = vector.load %arg5[%get3A_2, %get3A_3] : memref<256x256xf32, #tpu.memory_space<vmem>>, vector<256x256xf32>
    %dot_general3A = arith.constant dense<0.000000e+00> : vector<2000x256xf32>
    %dot_general3A_5 = tpu.matmul %get3A_1, %get3A_4, %dot_general3A {dimension_numbers = #tpu.dot_dimension_numbers<[1], [0], [0], [1], [0, 0, 1, 1], [], []>, transpose_lhs_hint = false} : vector<2000x256xf32>, vector<256x256xf32>, vector<2000x256xf32> -> vector<2000x256xf32>
    %get3A_6 = arith.constant 0 : index
    %get3A_7 = arith.constant 0 : index
    %get3A_8 = vector.load %arg2[%get3A_6, %get3A_7] : memref<2000x256xf32, #tpu.memory_space<vmem>>, vector<2000x256xf32>
    %get3A_9 = arith.constant 0 : index
    %get3A_10 = arith.constant 0 : index
    %get3A_11 = vector.load %arg6[%get3A_9, %get3A_10] : memref<256x256xf32, #tpu.memory_space<vmem>>, vector<256x256xf32>
    %dot_general3A_12 = arith.constant dense<0.000000e+00> : vector<2000x256xf32>
    %dot_general3A_13 = tpu.matmul %get3A_8, %get3A_11, %dot_general3A_12 {dimension_numbers = #tpu.dot_dimension_numbers<[1], [0], [0], [1], [0, 0, 1, 1], [], []>, transpose_lhs_hint = false} : vector<2000x256xf32>, vector<256x256xf32>, vector<2000x256xf32> -> vector<2000x256xf32>
    %add3A = arith.addf %dot_general3A_5, %dot_general3A_13 : vector<2000x256xf32>
    %get3A_14 = arith.constant 0 : index
    %get3A_15 = arith.constant 0 : index
    %get3A_16 = vector.load %arg3[%get3A_14, %get3A_15] : memref<2000x128xf32, #tpu.memory_space<vmem>>, vector<2000x128xf32>
    %get3A_17 = arith.constant 0 : index
    %get3A_18 = arith.constant 0 : index
    %get3A_19 = vector.load %arg7[%get3A_17, %get3A_18] : memref<128x256xf32, #tpu.memory_space<vmem>>, vector<128x256xf32>
    %dot_general3A_20 = arith.constant dense<0.000000e+00> : vector<2000x256xf32>
    %dot_general3A_21 = tpu.matmul %get3A_16, %get3A_19, %dot_general3A_20 {dimension_numbers = #tpu.dot_dimension_numbers<[1], [0], [0], [1], [0, 0, 1, 1], [], []>, transpose_lhs_hint = false} : vector<2000x128xf32>, vector<128x256xf32>, vector<2000x256xf32> -> vector<2000x256xf32>
    %add3A_22 = arith.addf %add3A, %dot_general3A_21 : vector<2000x256xf32>
    %get3A_23 = arith.constant 0 : index
    %get3A_24 = arith.constant 0 : index
    %get3A_25 = vector.load %arg4[%get3A_23, %get3A_24] : memref<2000x4xf32, #tpu.memory_space<vmem>>, vector<2000x4xf32>
    %get3A_26 = arith.constant 0 : index
    %get3A_27 = arith.constant 0 : index
    %get3A_28 = vector.load %arg8[%get3A_26, %get3A_27] : memref<4x256xf32, #tpu.memory_space<vmem>>, vector<4x256xf32>
    %dot_general3A_29 = arith.constant dense<0.000000e+00> : vector<2000x256xf32>
    %dot_general3A_30 = tpu.matmul %get3A_25, %get3A_28, %dot_general3A_29 {dimension_numbers = #tpu.dot_dimension_numbers<[1], [0], [0], [1], [0, 0, 1, 1], [], []>, transpose_lhs_hint = false} : vector<2000x4xf32>, vector<4x256xf32>, vector<2000x256xf32> -> vector<2000x256xf32>
    %add3A_31 = arith.addf %add3A_22, %dot_general3A_30 : vector<2000x256xf32>
    %get3A_32 = arith.constant 0 : index
    %get3A_33 = arith.constant 0 : index
    %get3A_34 = vector.load %arg9[%get3A_32, %get3A_33] : memref<1x256xf32, #tpu.memory_space<vmem>>, vector<1x256xf32>
    %add3A_35 = vector.broadcast %get3A_34 : vector<1x256xf32> to vector<2000x256xf32>
    %add3A_36 = arith.addf %add3A_31, %add3A_35 : vector<2000x256xf32>
    %max3A = arith.constant 0.000000e+00 : f32
    %max3A_37 = vector.broadcast %max3A : f32 to vector<2000x256xf32>
    %max3A_38 = arith.maximumf %add3A_36, %max3A_37 : vector<2000x256xf32>
    %get3A_39 = arith.constant 0 : index
    %get3A_40 = arith.constant 0 : index
    %get3A_41 = vector.load %arg10[%get3A_39, %get3A_40] : memref<256x256xf32, #tpu.memory_space<vmem>>, vector<256x256xf32>
    %dot_general3A_42 = arith.constant dense<0.000000e+00> : vector<2000x256xf32>
    %dot_general3A_43 = tpu.matmul %max3A_38, %get3A_41, %dot_general3A_42 {dimension_numbers = #tpu.dot_dimension_numbers<[1], [0], [0], [1], [0, 0, 1, 1], [], []>, transpose_lhs_hint = false} : vector<2000x256xf32>, vector<256x256xf32>, vector<2000x256xf32> -> vector<2000x256xf32>
    %get3A_44 = arith.constant 0 : index
    %get3A_45 = arith.constant 0 : index
    %get3A_46 = vector.load %arg11[%get3A_44, %get3A_45] : memref<1x256xf32, #tpu.memory_space<vmem>>, vector<1x256xf32>
    %add3A_47 = vector.broadcast %get3A_46 : vector<1x256xf32> to vector<2000x256xf32>
    %add3A_48 = arith.addf %dot_general3A_43, %add3A_47 : vector<2000x256xf32>
    %swap3A = arith.constant 0 : index
    %swap3A_49 = arith.constant 0 : index
    %swap3A_50 = vector.load %arg14[%swap3A, %swap3A_49] : memref<2000x256xf32, #tpu.memory_space<vmem>>, vector<2000x256xf32>
    tpu.vector_store %arg14[%swap3A, %swap3A_49], %add3A_48 {strides = array<i32>} : memref<2000x256xf32, #tpu.memory_space<vmem>>, vector<2000x256xf32>,
    %get3A_51 = arith.constant 0 : index
    %get3A_52 = arith.constant 0 : index
    %get3A_53 = vector.load %arg3[%get3A_51, %get3A_52] : memref<2000x128xf32, #tpu.memory_space<vmem>>, vector<2000x128xf32>
    %get3A_54 = arith.constant 0 : index
    %get3A_55 = arith.constant 0 : index
    %get3A_56 = vector.load %arg12[%get3A_54, %get3A_55] : memref<256x128xf32, #tpu.memory_space<vmem>>, vector<256x128xf32>
    %dot_general3A_57 = arith.constant dense<0.000000e+00> : vector<2000x128xf32>
    %dot_general3A_58 = tpu.matmul %add3A_48, %get3A_56, %dot_general3A_57 {dimension_numbers = #tpu.dot_dimension_numbers<[1], [0], [0], [1], [0, 0, 1, 1], [], []>, transpose_lhs_hint = false} : vector<2000x256xf32>, vector<256x128xf32>, vector<2000x128xf32> -> vector<2000x128xf32>
    %add3A_59 = arith.addf %get3A_53, %dot_general3A_58 : vector<2000x128xf32>
    %get3A_60 = arith.constant 0 : index
    %get3A_61 = arith.constant 0 : index
    %get3A_62 = vector.load %arg13[%get3A_60, %get3A_61] : memref<1x128xf32, #tpu.memory_space<vmem>>, vector<1x128xf32>
    %add3A_63 = vector.broadcast %get3A_62 : vector<1x128xf32> to vector<2000x128xf32>
    %add3A_64 = arith.addf %add3A_59, %add3A_63 : vector<2000x128xf32>
    %swap3A_65 = arith.constant 0 : index
    %swap3A_66 = arith.constant 0 : index
    %swap3A_67 = vector.load %arg15[%swap3A_65, %swap3A_66] : memref<2000x128xf32, #tpu.memory_space<vmem>>, vector<2000x128xf32>
    tpu.vector_store %arg15[%swap3A_65, %swap3A_66], %add3A_64 {strides = array<i32>} : memref<2000x128xf32, #tpu.memory_space<vmem>>, vector<2000x128xf32>,
    return
  }
  func.func @transform_0(%arg0: i32) -> (i32, i32) {
    %c0_i32 = arith.constant 0 : i32
    %c0_i32_0 = arith.constant 0 : i32
    return %arg0, %c0_i32 : i32, i32
  }
  func.func @transform_1(%arg0: i32) -> (i32, i32) {
    %c0_i32 = arith.constant 0 : i32
    %c0_i32_0 = arith.constant 0 : i32
    return %arg0, %c0_i32 : i32, i32
  }
  func.func @transform_2(%arg0: i32) -> (i32, i32) {
    %c0_i32 = arith.constant 0 : i32
    %c0_i32_0 = arith.constant 0 : i32
    return %arg0, %c0_i32 : i32, i32
  }
  func.func @transform_3(%arg0: i32) -> (i32, i32) {
    %c0_i32 = arith.constant 0 : i32
    %c0_i32_0 = arith.constant 0 : i32
    return %arg0, %c0_i32 : i32, i32
  }
  func.func @transform_4(%arg0: i32) -> (i32, i32) {
    %c0_i32 = arith.constant 0 : i32
    %c0_i32_0 = arith.constant 0 : i32
    %c0_i32_1 = arith.constant 0 : i32
    return %c0_i32, %c0_i32_0 : i32, i32
  }
  func.func @transform_5(%arg0: i32) -> (i32, i32) {
    %c0_i32 = arith.constant 0 : i32
    %c0_i32_0 = arith.constant 0 : i32
    %c0_i32_1 = arith.constant 0 : i32
    return %c0_i32, %c0_i32_0 : i32, i32
  }
  func.func @transform_6(%arg0: i32) -> (i32, i32) {
    %c0_i32 = arith.constant 0 : i32
    %c0_i32_0 = arith.constant 0 : i32
    %c0_i32_1 = arith.constant 0 : i32
    return %c0_i32, %c0_i32_0 : i32, i32
  }
  func.func @transform_7(%arg0: i32) -> (i32, i32) {
    %c0_i32 = arith.constant 0 : i32
    %c0_i32_0 = arith.constant 0 : i32
    %c0_i32_1 = arith.constant 0 : i32
    return %c0_i32, %c0_i32_0 : i32, i32
  }
  func.func @transform_8(%arg0: i32) -> (i32, i32) {
    %c0_i32 = arith.constant 0 : i32
    %c0_i32_0 = arith.constant 0 : i32
    %c0_i32_1 = arith.constant 0 : i32
    return %c0_i32, %c0_i32_0 : i32, i32
  }
  func.func @transform_9(%arg0: i32) -> (i32, i32) {
    %c0_i32 = arith.constant 0 : i32
    %c0_i32_0 = arith.constant 0 : i32
    %c0_i32_1 = arith.constant 0 : i32
    return %c0_i32, %c0_i32_0 : i32, i32
  }
  func.func @transform_10(%arg0: i32) -> (i32, i32) {
    %c0_i32 = arith.constant 0 : i32
    %c0_i32_0 = arith.constant 0 : i32
    %c0_i32_1 = arith.constant 0 : i32
    return %c0_i32, %c0_i32_0 : i32, i32
  }
  func.func @transform_11(%arg0: i32) -> (i32, i32) {
    %c0_i32 = arith.constant 0 : i32
    %c0_i32_0 = arith.constant 0 : i32
    %c0_i32_1 = arith.constant 0 : i32
    return %c0_i32, %c0_i32_0 : i32, i32
  }
  func.func @transform_12(%arg0: i32) -> (i32, i32) {
    %c0_i32 = arith.constant 0 : i32
    %c0_i32_0 = arith.constant 0 : i32
    %c0_i32_1 = arith.constant 0 : i32
    return %c0_i32, %c0_i32_0 : i32, i32
  }
  func.func @transform_13(%arg0: i32) -> (i32, i32) {
    %c0_i32 = arith.constant 0 : i32
    %c0_i32_0 = arith.constant 0 : i32
    return %arg0, %c0_i32 : i32, i32
  }
  func.func @transform_14(%arg0: i32) -> (i32, i32) {
    %c0_i32 = arith.constant 0 : i32
    %c0_i32_0 = arith.constant 0 : i32
    return %arg0, %c0_i32 : i32, i32
  }
}

module attributes {stable_mosaic.version = 14 : i64} {
  func.func @_node_update_kernel(%arg0: i32, %arg1: memref<5000x256xf32, #tpu.memory_space<vmem>>, %arg2: memref<5000x256xf32, #tpu.memory_space<vmem>>, %arg3: memref<5000x1xf32, #tpu.memory_space<vmem>>, %arg4: memref<256x256xf32, #tpu.memory_space<vmem>>, %arg5: memref<1x256xf32, #tpu.memory_space<vmem>>, %arg6: memref<1x256xf32, #tpu.memory_space<vmem>>, %arg7: memref<1x256xf32, #tpu.memory_space<vmem>>, %arg8: memref<5000x256xf32, #tpu.memory_space<vmem>>) attributes {dimension_semantics = [#tpu.dimension_semantics<arbitrary>], iteration_bounds = array<i64: 1>, scalar_prefetch = 0 : i64, scratch_operands = 0 : i64, tpu.core_type = #tpu.core_type<tc>, window_params = [{transform_indices = @transform_0, window_bounds = array<i64: 5000, 256>}, {transform_indices = @transform_1, window_bounds = array<i64: 5000, 256>}, {transform_indices = @transform_2, window_bounds = array<i64: 5000, 1>}, {pipeline_mode = #tpu.pipeline_mode<synchronous>, transform_indices = @transform_3, window_bounds = array<i64: 256, 256>}, {pipeline_mode = #tpu.pipeline_mode<synchronous>, transform_indices = @transform_4, window_bounds = array<i64: 1, 256>}, {pipeline_mode = #tpu.pipeline_mode<synchronous>, transform_indices = @transform_5, window_bounds = array<i64: 1, 256>}, {pipeline_mode = #tpu.pipeline_mode<synchronous>, transform_indices = @transform_6, window_bounds = array<i64: 1, 256>}, {transform_indices = @transform_7, window_bounds = array<i64: 5000, 256>}]} {
    %get3A = arith.constant 0 : index
    %get3A_0 = arith.constant 0 : index
    %get3A_1 = vector.load %arg2[%get3A, %get3A_0] : memref<5000x256xf32, #tpu.memory_space<vmem>>, vector<5000x256xf32>
    %max3A = arith.constant 0.000000e+00 : f32
    %max3A_2 = vector.broadcast %max3A : f32 to vector<5000x256xf32>
    %max3A_3 = arith.maximumf %get3A_1, %max3A_2 : vector<5000x256xf32>
    %get3A_4 = arith.constant 0 : index
    %get3A_5 = arith.constant 0 : index
    %get3A_6 = vector.load %arg4[%get3A_4, %get3A_5] : memref<256x256xf32, #tpu.memory_space<vmem>>, vector<256x256xf32>
    %dot_general3A = arith.constant dense<0.000000e+00> : vector<5000x256xf32>
    %dot_general3A_7 = tpu.matmul %max3A_3, %get3A_6, %dot_general3A {dimension_numbers = #tpu.dot_dimension_numbers<[1], [0], [0], [1], [0, 0, 1, 1], [], []>, transpose_lhs_hint = false} : vector<5000x256xf32>, vector<256x256xf32>, vector<5000x256xf32> -> vector<5000x256xf32>
    %get3A_8 = arith.constant 0 : index
    %get3A_9 = arith.constant 0 : index
    %get3A_10 = vector.load %arg5[%get3A_8, %get3A_9] : memref<1x256xf32, #tpu.memory_space<vmem>>, vector<1x256xf32>
    %add3A = vector.broadcast %get3A_10 : vector<1x256xf32> to vector<5000x256xf32>
    %add3A_11 = arith.addf %dot_general3A_7, %add3A : vector<5000x256xf32>
    %get3A_12 = arith.constant 0 : index
    %get3A_13 = arith.constant 0 : index
    %get3A_14 = vector.load %arg1[%get3A_12, %get3A_13] : memref<5000x256xf32, #tpu.memory_space<vmem>>, vector<5000x256xf32>
    %add3A_15 = arith.addf %get3A_14, %add3A_11 : vector<5000x256xf32>
    %reduce_sum3A = arith.constant dense<0.000000e+00> : vector<5000xf32>
    %reduce_sum3A_16 = vector.multi_reduction <add>, %add3A_15, %reduce_sum3A [1] : vector<5000x256xf32> to vector<5000xf32>
    %broadcast_in_dim3A = vector.shape_cast %reduce_sum3A_16 : vector<5000xf32> to vector<5000x1xf32>
    %div3A = arith.constant 2.560000e+02 : f32
    %div3A_17 = vector.broadcast %div3A : f32 to vector<5000x1xf32>
    %div3A_18 = arith.divf %broadcast_in_dim3A, %div3A_17 : vector<5000x1xf32>
    %sub3A = vector.broadcast %div3A_18 : vector<5000x1xf32> to vector<5000x256xf32>
    %sub3A_19 = arith.subf %add3A_15, %sub3A : vector<5000x256xf32>
    %sub3A_20 = vector.broadcast %div3A_18 : vector<5000x1xf32> to vector<5000x256xf32>
    %sub3A_21 = arith.subf %add3A_15, %sub3A_20 : vector<5000x256xf32>
    %mul3A = arith.mulf %sub3A_19, %sub3A_21 : vector<5000x256xf32>
    %reduce_sum3A_22 = arith.constant dense<0.000000e+00> : vector<5000xf32>
    %reduce_sum3A_23 = vector.multi_reduction <add>, %mul3A, %reduce_sum3A_22 [1] : vector<5000x256xf32> to vector<5000xf32>
    %broadcast_in_dim3A_24 = vector.shape_cast %reduce_sum3A_23 : vector<5000xf32> to vector<5000x1xf32>
    %div3A_25 = arith.constant 2.560000e+02 : f32
    %div3A_26 = vector.broadcast %div3A_25 : f32 to vector<5000x1xf32>
    %div3A_27 = arith.divf %broadcast_in_dim3A_24, %div3A_26 : vector<5000x1xf32>
    %sub3A_28 = vector.broadcast %div3A_18 : vector<5000x1xf32> to vector<5000x256xf32>
    %sub3A_29 = arith.subf %add3A_15, %sub3A_28 : vector<5000x256xf32>
    %add3A_30 = arith.constant 9.99999974E-6 : f32
    %add3A_31 = vector.broadcast %add3A_30 : f32 to vector<5000x1xf32>
    %add3A_32 = arith.addf %div3A_27, %add3A_31 : vector<5000x1xf32>
    %rsqrt3A = math.rsqrt %add3A_32 : vector<5000x1xf32>
    %mul3A_33 = vector.broadcast %rsqrt3A : vector<5000x1xf32> to vector<5000x256xf32>
    %mul3A_34 = arith.mulf %sub3A_29, %mul3A_33 : vector<5000x256xf32>
    %get3A_35 = arith.constant 0 : index
    %get3A_36 = arith.constant 0 : index
    %get3A_37 = vector.load %arg6[%get3A_35, %get3A_36] : memref<1x256xf32, #tpu.memory_space<vmem>>, vector<1x256xf32>
    %mul3A_38 = vector.broadcast %get3A_37 : vector<1x256xf32> to vector<5000x256xf32>
    %mul3A_39 = arith.mulf %mul3A_34, %mul3A_38 : vector<5000x256xf32>
    %get3A_40 = arith.constant 0 : index
    %get3A_41 = arith.constant 0 : index
    %get3A_42 = vector.load %arg7[%get3A_40, %get3A_41] : memref<1x256xf32, #tpu.memory_space<vmem>>, vector<1x256xf32>
    %add3A_43 = vector.broadcast %get3A_42 : vector<1x256xf32> to vector<5000x256xf32>
    %add3A_44 = arith.addf %mul3A_39, %add3A_43 : vector<5000x256xf32>
    %get3A_45 = arith.constant 0 : index
    %get3A_46 = arith.constant 0 : index
    %get3A_47 = vector.load %arg3[%get3A_45, %get3A_46] : memref<5000x1xf32, #tpu.memory_space<vmem>>, vector<5000x1xf32>
    %mul3A_48 = vector.broadcast %get3A_47 : vector<5000x1xf32> to vector<5000x256xf32>
    %mul3A_49 = arith.mulf %add3A_44, %mul3A_48 : vector<5000x256xf32>
    %swap3A = arith.constant 0 : index
    %swap3A_50 = arith.constant 0 : index
    %swap3A_51 = vector.load %arg8[%swap3A, %swap3A_50] : memref<5000x256xf32, #tpu.memory_space<vmem>>, vector<5000x256xf32>
    tpu.vector_store %arg8[%swap3A, %swap3A_50], %mul3A_49 {strides = array<i32>} : memref<5000x256xf32, #tpu.memory_space<vmem>>, vector<5000x256xf32>,
    return
  }
  func.func @transform_0(%arg0: i32) -> (i32, i32) {
    %c0_i32 = arith.constant 0 : i32
    %c0_i32_0 = arith.constant 0 : i32
    return %arg0, %c0_i32 : i32, i32
  }
  func.func @transform_1(%arg0: i32) -> (i32, i32) {
    %c0_i32 = arith.constant 0 : i32
    %c0_i32_0 = arith.constant 0 : i32
    return %arg0, %c0_i32 : i32, i32
  }
  func.func @transform_2(%arg0: i32) -> (i32, i32) {
    %c0_i32 = arith.constant 0 : i32
    %c0_i32_0 = arith.constant 0 : i32
    return %arg0, %c0_i32 : i32, i32
  }
  func.func @transform_3(%arg0: i32) -> (i32, i32) {
    %c0_i32 = arith.constant 0 : i32
    %c0_i32_0 = arith.constant 0 : i32
    %c0_i32_1 = arith.constant 0 : i32
    return %c0_i32, %c0_i32_0 : i32, i32
  }
  func.func @transform_4(%arg0: i32) -> (i32, i32) {
    %c0_i32 = arith.constant 0 : i32
    %c0_i32_0 = arith.constant 0 : i32
    %c0_i32_1 = arith.constant 0 : i32
    return %c0_i32, %c0_i32_0 : i32, i32
  }
  func.func @transform_5(%arg0: i32) -> (i32, i32) {
    %c0_i32 = arith.constant 0 : i32
    %c0_i32_0 = arith.constant 0 : i32
    %c0_i32_1 = arith.constant 0 : i32
    return %c0_i32, %c0_i32_0 : i32, i32
  }
  func.func @transform_6(%arg0: i32) -> (i32, i32) {
    %c0_i32 = arith.constant 0 : i32
    %c0_i32_0 = arith.constant 0 : i32
    %c0_i32_1 = arith.constant 0 : i32
    return %c0_i32, %c0_i32_0 : i32, i32
  }
  func.func @transform_7(%arg0: i32) -> (i32, i32) {
    %c0_i32 = arith.constant 0 : i32
    %c0_i32_0 = arith.constant 0 : i32
    return %arg0, %c0_i32 : i32, i32
  }
}

</mosaic_0001>

<sc_bundles>
// kernel: scatter_offload_async_start.1
scs
__scs_entry_jumppad:
0x0: {  	(pc) =	sbr.rel $0x88, $3  }
0x1: {  	(tag) =	ssettag $0x0;
	lr =	simm.s32 $0x1  }
0x2: {  	[smem:$0x3F6F] =	sst lr;
	_ =	strace $0xD0000000  }
0x3: {  	_ = 	snop  }
0x4: {  	_ = 	snop  }
0x5: {  	_ = 	snop  }
0x6: {  	_ = 	snop  }
0x7: {  	_ = 	snop  }
__scs_overlays_trampoline_lowered:
0x8: {  	[smem:$0x3F7E] =	sst s0  }
0x9: {  	[smem:$0x3F7F] =	sst s1  }
0xa: {  	[smem:$0x3F80] =	sst s2  }
0xb: {  	[smem:$0x3F81] =	sst s3  }
0xc: {  	[smem:$0x3F82] =	sst s4  }
0xd: {  	[smem:$0x3F83] =	sst s5  }
0xe: {  	[smem:$0x3F84] =	sst s6  }
0xf: {  	[smem:$0x3F85] =	sst s7  }
0x10: {  	[smem:$0x3F86] =	sst s8  }
0x11: {  	[smem:$0x3F87] =	sst s9;
	s0 =	simm.s32 @!p0 $0x0  }
0x12: {  	s1 =	sld [smem:$0x3F6D];
	s0 =	simm.s32 @p0 $0x1  }
0x13: {  	[smem:$0x3F88] =	sst s0;
	s0 =	simm.s32 @!p1 $0x0  }
0x14: {  	s2 =	sld [smem:$0x3F6C];
	s0 =	simm.s32 @p1 $0x1  }
0x15: {  	[smem:$0x3F89] =	sst s0;
	s0 =	simm.s32 @!p2 $0x0  }
0x16: {  	s3 =	sld [smem:$0x3FDB];
	s0 =	simm.s32 @p2 $0x1  }
0x17: {  	s4 =	simm.s32 $0x1BF5;
	[smem:$0x3F8B] =	sst s0  }
0x18: {  	s0 =	sld [smem:$0x3F6E];
	_ =	swait.ge [sflag:s4], $0x0  }
0x19: {  	s7 =	sld [smem:$0x3F6F]  }
0x1a: {  	s8 =	sadd.s32 $0xFFFFE003, lr  }
0x1b: {  	s9 =	sadd.s32 $0xFFFFFEF7, lr;
	s5 =	simm.s32 $0xFFFFFFFF;
	p2 =	slt.u32 s8, $0xFFFFF086  }
0x1c: {  	p1 =	slt.u32 s9, $0xF7A;
	s5 =	simm.s32 @!p2 $0x0  }
0x1d: {  	s5 =	simm.s32 @p1 $0x1;
	p0 =	seq.s32 s7, s2  }
0x1e: {  	s7 =	smul.u32 @!p0 $0xF7A, s2;
	p2 =	seq.s32 @!p0 s5, $0x0  }
0x1f: {  	s9 =	smul.u32 $0xF7A, s1;
	s8 =	simm.s32 @!p0 $0x1BF5;
	p2 =	por !p2, p0  }
0x20: {  	[sflag:s8] =	ssyncset.s32 @!p0 $0xFFFFF086;
	s6 =	sadd.s32 @!p0 s3, s7;
	s7 =	simm.s32 @!p0 $0x108  }
0x21: {  	s3 =	sadd.s32 s3, s9;
	s6 =	sadd.s32 @!p0 $0x88, s6;
	s7 =	simm.s32 @p2 $0x1082  }
0x22: {  	[simem:s7], [sflag:s8] =	dma.local @!p0 [hbm:s6], $0xF7A  }
0x23: {  	s9 =	sor.u32 $0xD0000000, s2;
	s6 =	simm.s32 $0x108;
	_ =	swait.ge @!p0 [sflag:s8], $0x0  }
0x24: {  	s3 =	sadd.s32 $0x88, s3;
	s6 =	simm.s32 @!p1 $0x1082;
	[sflag:s4] =	ssyncset.s32 $0xFFFFF086  }
0x25: {  	[simem:s6], [sflag:s4] =	dma.local [hbm:s3], $0xF7A  }
0x26: {  	[smem:$0x3F6F] =	sst s1;
	(tag) =	ssettag s2;
	_ =	strace s9  }
0x27: {  	s1 =	sld [smem:$0x3F7F]  }
0x28: {  	s2 =	sld [smem:$0x3F80]  }
0x29: {  	s4 =	sld [smem:$0x3F82]  }
0x2a: {  	p0 =	seq.s32 s5, $0x0;
	s5 =	sld [smem:$0x3F83]  }
0x2b: {  	s6 =	sld [smem:$0x3F84]  }
0x2c: {  	s7 =	sld [smem:$0x3F85]  }
0x2d: {  	s3 =	simm.s32 $0x108;
	s8 =	sld [smem:$0x3F86]  }
0x2e: {  	s3 =	simm.s32 @!p0 $0x1082;
	s9 =	sld [smem:$0x3F87]  }
0x2f: {  	lr =	sadd.s32 s0, s3;
	s0 =	sld [smem:$0x3F7E]  }
0x30: {  	s3 =	sld [smem:$0x3F81]  }
0x31: {  	[smem:$0x3F8A] =	sst s10  }
0x32: {  	s10 =	sld [smem:$0x3F88];
	_ =	sdelay $0x3  }
0x33: {  	p0 =	seq.s32 s10, $0x1;
	s10 =	sld [smem:$0x3F8A];
	_ =	sdelay $0x3  }
0x34: {  	[smem:$0x3F8A] =	sst s10  }
0x35: {  	s10 =	sld [smem:$0x3F89];
	_ =	sdelay $0x3  }
0x36: {  	p1 =	seq.s32 s10, $0x1;
	s10 =	sld [smem:$0x3F8A];
	_ =	sdelay $0x3  }
0x37: {  	[smem:$0x3F8A] =	sst s10  }
0x38: {  	s10 =	sld [smem:$0x3F8B]  }
0x39: {  	_ = 	snop;
	(pc) =	sbr.ind lr, $3  }
0x3a: {  	_ = 	snop  }
0x3b: {  	_ = 	snop  }
0x3c: {  	p2 =	seq.s32 s10, $0x1;
	s10 =	sld [smem:$0x3F8A]  }
0x3d: {  	_ =	shalt  }
0x3e: {  	_ =	shalt  }
0x3f: {  	_ =	shalt  }
0x40: {  	_ =	shalt  }
0x41: {  	_ =	shalt  }
0x42: {  	_ =	shalt  }
0x43: {  	_ =	shalt  }
0x44: {  	_ =	shalt  }
0x45: {  	_ =	shalt  }
0x46: {  	_ =	shalt  }
0x47: {  	_ =	shalt  }
0x48: {  	_ =	shalt  }
0x49: {  	_ =	shalt  }
0x4a: {  	_ =	shalt  }
0x4b: {  	_ =	shalt  }
0x4c: {  	_ =	shalt  }
0x4d: {  	_ =	shalt  }
0x4e: {  	_ =	shalt  }
0x4f: {  	_ =	shalt  }
0x50: {  	_ =	shalt  }
0x51: {  	_ =	shalt  }
0x52: {  	_ =	shalt  }
0x53: {  	_ =	shalt  }
0x54: {  	_ =	shalt  }
0x55: {  	_ =	shalt  }
0x56: {  	_ =	shalt  }
0x57: {  	_ =	shalt  }
0x58: {  	_ =	shalt  }
0x59: {  	_ =	shalt  }
0x5a: {  	_ =	shalt  }
0x5b: {  	_ =	shalt  }
0x5c: {  	_ =	shalt  }
0x5d: {  	_ =	shalt  }
0x5e: {  	_ =	shalt  }
0x5f: {  	_ =	shalt  }
0x60: {  	_ =	shalt  }
0x61: {  	_ =	shalt  }
0x62: {  	_ =	shalt  }
0x63: {  	_ =	shalt  }
0x64: {  	_ =	shalt  }
0x65: {  	_ =	shalt  }
0x66: {  	_ =	shalt  }
0x67: {  	_ =	shalt  }
0x68: {  	_ =	shalt  }
0x69: {  	_ =	shalt  }
0x6a: {  	_ =	shalt  }
0x6b: {  	_ =	shalt  }
0x6c: {  	_ =	shalt  }
0x6d: {  	_ =	shalt  }
0x6e: {  	_ =	shalt  }
0x6f: {  	_ =	shalt  }
0x70: {  	_ =	shalt  }
0x71: {  	_ =	shalt  }
0x72: {  	_ =	shalt  }
0x73: {  	_ =	shalt  }
0x74: {  	_ =	shalt  }
0x75: {  	_ =	shalt  }
0x76: {  	_ =	shalt  }
0x77: {  	_ =	shalt  }
0x78: {  	_ =	shalt  }
0x79: {  	_ =	shalt  }
0x7a: {  	_ =	shalt  }
0x7b: {  	_ =	shalt  }
0x7c: {  	_ =	shalt  }
0x7d: {  	_ =	shalt  }
0x7e: {  	_ =	shalt  }
0x7f: {  	_ =	shalt  }
0x80: {  	_ =	shalt  }
0x81: {  	_ =	shalt  }
0x82: {  	_ =	shalt  }
0x83: {  	_ =	shalt  }
0x84: {  	_ =	shalt  }
0x85: {  	_ =	shalt  }
0x86: {  	_ =	shalt  }
0x87: {  	_ =	shalt  }
.Lfunc_end0:
.L_simem_size_0:
called_computation.1_lowered:
.L_overlay_start_0:
0x88: {  	s0 =	sld [smem:$0x3FD9]  }
0x89: {  	s1 =	sld [smem:$0x3FFE];
	_ =	sdelay $0x3  }
0x8a: {  	s0 =	sadd.s32 s1, s0  }
0x8b: {  	[smem:$0x3F96] =	sst s0  }
0x8c: {  	_ = 	snop  }
0x8d: {  	s0 =	sld [smem:$0x3FD0];
	_ =	sdelay $0x2  }
0x8e: {  	s13 =	simm.s32 $0xA;
	s2 =	simm.s32 $0x10  }
0x8f: {  	[smem:s2], [sflag:s13] =	dma.local [hbm:s0], $0x1  }
0x90: {  	_ =	swait.eq [sflag:s13], $0x1  }
0x91: {  	[sflag:s13] =	ssyncset.done $0x0  }
0x92: {  	[sflag:s13] =	ssyncadd.s32 $0xFFFFFFFF  }
0x93: {  	s14 =	sld [smem:$0x11];
	(tm) =	ssettm $0x1  }
0x94: {  	s15 =	sld [smem:$0x3FFB];
	_ =	sdelay $0x3  }
0x95: {  	_ =	strace s15  }
0x96: {  	s1 =	sld [smem:$0x3FFC];
	_ =	sdelay $0x3  }
0x97: {  	_ =	strace s1  }
0x98: {  	s1 =	sld [smem:$0x3FFD];
	_ =	sdelay $0x3  }
0x99: {  	_ =	strace s1  }
0x9a: {  	_ =	strace $0x8FFFFFFF  }
0x9b: {  	s16 =	sld [smem:$0x3FDB];
	_ =	sdelay $0x1  }
0x9c: {  	s17 =	simm.s32 $_scs_section_size  }
0x9d: {  	s3 =	simm.s32 $_size__tile_overlayer_lowered;
	s4 =	simm.s32 $_tile_overlayer_lowered  }
0x9e: {  	s20 =	simm.s32 $0x1BFF;
	s19 =	sshll.u32 s4, $0x1;
	s1 =	sadd.s32 s17, s16  }
0x9f: {  	s5 =	simm.s32 $0x0;
	s18 =	sshll.u32 s3, $0x1;
	s3 =	sadd.s32 s19, s1  }
0xa0: {  	[timem:s5], [sflag:s20] =	dma.local [hbm:s3], s18  }
0xa1: {  	_ =	swait.ge [sflag:s20], s18  }
0xa2: {  	s2 =	ssub.s32 $0x0, s18;
	[sflag:s20] =	ssyncset.done $0x0  }
0xa3: {  	[sflag:s20] =	ssyncadd.s32 s2;
	_ =	sdelay $0x1  }
0xa4: {  	s21 =	simm.s32 $0x1B8B  }
0xa5: {  	_ =	swait.ge [sflag:s21], $0x1  }
0xa6: {  	[sflag:s21] =	ssyncset.done $0x0  }
0xa7: {  	s23 =	simm.s32 $0x1B8E;
	s22 =	sld [smem:$0x3FFE];
	[sflag:s21] =	ssyncadd.s32 $0xFFFFFFFF  }
0xa8: {  	s24 =	simm.s32 $execute0_lowered;
	[smem:$0x3FD2] =	sst s23  }
0xa9: {  	s3 =	sshll.u32 s24, $0x1;
	_ =	strace $0x80000052;
	[dreg:$0x1] =	wrdreg $0xFFFFFFFF  }
0xaa: {  	s25 =	simm.s32 $_size_execute0_lowered;
	s1 =	sadd.s32 s1, s3;
	[dreg:$0x0] =	wrdreg $0x0  }
0xab: {  	s3 =	sshll.u32 s25, $0x1;
	[dreg:$0x2] =	wrdreg s1  }
0xac: {  	[dreg:$0x3] =	wrdreg s3  }
0xad: {  	[dreg:$0x4] =	wrdreg $0xC0  }
0xae: {  	_ =	task [dreg:s5], $0x5FFFF  }
0xaf: {  	[dreg:$0x1] =	wrdreg $0xFFFFFFFF  }
0xb0: {  	[dreg:$0x0] =	wrdreg $0x60  }
0xb1: {  	[dreg:$0x2] =	wrdreg s14  }
0xb2: {  	[dreg:$0x3] =	wrdreg s22  }
0xb3: {  	[dreg:$0x4] =	wrdreg $0x9  }
0xb4: {  	_ =	task.clear_ibuf [dreg:s5], $0x5FFFF;
	_ =	strace $0x90000052  }
0xb5: {  	s26 =	simm.s32 $0x9;
	_ =	strace $0x80000054  }
0xb6: {  	_ =	swait.ge [sflag:s26], $0x1  }
0xb7: {  	[sflag:s26] =	ssyncadd.s32 $0xFFFFFFFF  }
0xb8: {  	_ =	strace $0x90000054  }
0xb9: {  	_ =	sfence  }
0xba: {  	s28 =	sld [smem:$0x0];
	_ =	sdelay $0x1  }
0xbb: {  	s29 =	srdreg.scid  }
0xbc: {  	s30 =	sshll.u32 s29, $0xD;
	s31 =	sshrl.u32 s29, $0x2  }
0xbd: {  	s2 =	sand.u32 $0x4000, s30;
	s1 =	sand.u32 $0x1, s29;
	s0 =	sadd.s32 s31, s28  }
0xbe: {  	s1 =	sor.u32 s2, s1;
	s0 =	sshll.u32 s0, $0x11  }
0xbf: {  	s0 =	sor.u32 s0, s1  }
0xc0: {  	s0 =	sadd.s32 $0x8F2B, s0  }
0xc1: {  	[sflag:s0] =	ssyncadd.remote.s32 $0x1  }
0xc2: {  	_ =	sfence.sel $0xFFFF  }
0xc3: {  	[dreg:$0x0] =	wrdreg $0xFFFFFFFF;
	(pc) =	sbr.abs _section_cstart, $3  }
0xc4: {  	[dreg:$0x1] =	wrdreg $0xFFFFFFFF  }
0xc5: {  	_ =	task.clear_ibuf [dreg:s5], $0x2FFFF;
	_ =	strace $0x9FFFFFFF  }
0xc6: {  	(tm) =	ssettm $0x7FFFFFFF  }
0xc7: {  	_ =	shalt  }
tec
execute0_lowered:
.L_overlay_start_1:
0x0: {  	(tag) =	ssettag $0x1  }
0x1: {  	s1 =	rddreg [dreg:$0x0]  }
0x2: {  	s3 =	rddreg [dreg:$0x1];
	_ =	strace $0x80000053;
	s2 =	simm.s32 $0x1  }
0x3: {  	v0 =	vimm.s32 $0x0;
	[sflag:s2] =	ssyncpa.u1 $0x0  }
0x4: {  	[tilespmem:$0xE8] =	vst v0  }
0x5: {  	[tilespmem:$0xF8] =	vst v0  }
0x6: {  	[tilespmem:$0x108] =	vst v0  }
0x7: {  	[tilespmem:$0x118] =	vst v0  }
0x8: {  	[tilespmem:$0x128] =	vst v0  }
0x9: {  	[tilespmem:$0x138] =	vst v0  }
0xa: {  	[tilespmem:$0x148] =	vst v0  }
0xb: {  	[tilespmem:$0x158] =	vst v0  }
0xc: {  	[tilespmem:$0x168] =	vst v0  }
0xd: {  	[tilespmem:$0x178] =	vst v0  }
0xe: {  	[tilespmem:$0x188] =	vst v0  }
0xf: {  	[tilespmem:$0x198] =	vst v0  }
0x10: {  	[tilespmem:$0x1A8] =	vst v0  }
0x11: {  	[tilespmem:$0x1B8] =	vst v0  }
0x12: {  	[tilespmem:$0x1C8] =	vst v0  }
0x13: {  	[tilespmem:$0x1D8] =	vst v0  }
0x14: {  	[tilespmem:$0x1E8] =	vst v0  }
0x15: {  	[tilespmem:$0x1F8] =	vst v0  }
0x16: {  	[tilespmem:$0x208] =	vst v0  }
0x17: {  	[tilespmem:$0x218] =	vst v0  }
0x18: {  	[tilespmem:$0x228] =	vst v0  }
0x19: {  	[tilespmem:$0x238] =	vst v0  }
0x1a: {  	[tilespmem:$0x248] =	vst v0  }
0x1b: {  	[tilespmem:$0x258] =	vst v0  }
0x1c: {  	[tilespmem:$0x268] =	vst v0  }
0x1d: {  	[tilespmem:$0x278] =	vst v0  }
0x1e: {  	[tilespmem:$0x288] =	vst v0  }
0x1f: {  	[tilespmem:$0x298] =	vst v0  }
0x20: {  	[tilespmem:$0x2A8] =	vst v0  }
0x21: {  	[tilespmem:$0x2B8] =	vst v0  }
0x22: {  	[tilespmem:$0x2C8] =	vst v0  }
0x23: {  	[tilespmem:$0x2D8] =	vst v0  }
0x24: {  	[tilespmem:$0x2E8] =	vst v0  }
0x25: {  	[tilespmem:$0x2F8] =	vst v0  }
0x26: {  	[tilespmem:$0x308] =	vst v0  }
0x27: {  	[tilespmem:$0x318] =	vst v0  }
0x28: {  	[tilespmem:$0x328] =	vst v0  }
0x29: {  	[tilespmem:$0x338] =	vst v0  }
0x2a: {  	[tilespmem:$0x348] =	vst v0  }
0x2b: {  	[tilespmem:$0x358] =	vst v0  }
0x2c: {  	[tilespmem:$0x368] =	vst v0  }
0x2d: {  	[tilespmem:$0x378] =	vst v0  }
0x2e: {  	[tilespmem:$0x388] =	vst v0  }
0x2f: {  	[tilespmem:$0x398] =	vst v0  }
0x30: {  	[tilespmem:$0x3A8] =	vst v0  }
0x31: {  	[tilespmem:$0x3B8] =	vst v0  }
0x32: {  	[tilespmem:$0x3C8] =	vst v0  }
0x33: {  	[tilespmem:$0x3D8] =	vst v0  }
0x34: {  	[tilespmem:$0x3E8] =	vst v0  }
0x35: {  	[tilespmem:$0x3F8] =	vst v0  }
0x36: {  	[tilespmem:$0x408] =	vst v0  }
0x37: {  	[tilespmem:$0x418] =	vst v0  }
0x38: {  	[tilespmem:$0x428] =	vst v0  }
0x39: {  	[tilespmem:$0x438] =	vst v0  }
0x3a: {  	[tilespmem:$0x448] =	vst v0  }
0x3b: {  	[tilespmem:$0x458] =	vst v0  }
0x3c: {  	[tilespmem:$0x468] =	vst v0  }
0x3d: {  	[tilespmem:$0x478] =	vst v0  }
0x3e: {  	[tilespmem:$0x488] =	vst v0  }
0x3f: {  	[tilespmem:$0x498] =	vst v0  }
0x40: {  	[tilespmem:$0x4A8] =	vst v0  }
0x41: {  	[tilespmem:$0x4B8] =	vst v0  }
0x42: {  	[tilespmem:$0x4C8] =	vst v0  }
0x43: {  	[tilespmem:$0x4D8] =	vst v0  }
0x44: {  	[tilespmem:$0x4E8] =	vst v0  }
0x45: {  	[tilespmem:$0x4F8] =	vst v0  }
0x46: {  	[tilespmem:$0x508] =	vst v0  }
0x47: {  	[tilespmem:$0x518] =	vst v0  }
0x48: {  	[tilespmem:$0x528] =	vst v0  }
0x49: {  	[tilespmem:$0x538] =	vst v0  }
0x4a: {  	[tilespmem:$0x548] =	vst v0  }
0x4b: {  	[tilespmem:$0x558] =	vst v0  }
0x4c: {  	[tilespmem:$0x568] =	vst v0  }
0x4d: {  	[tilespmem:$0x578] =	vst v0  }
0x4e: {  	[tilespmem:$0x588] =	vst v0  }
0x4f: {  	[tilespmem:$0x598] =	vst v0  }
0x50: {  	[tilespmem:$0x5A8] =	vst v0  }
0x51: {  	[tilespmem:$0x5B8] =	vst v0  }
0x52: {  	[tilespmem:$0x5C8] =	vst v0  }
0x53: {  	[tilespmem:$0x5D8] =	vst v0  }
0x54: {  	[tilespmem:$0x5E8] =	vst v0  }
0x55: {  	[tilespmem:$0x5F8] =	vst v0  }
0x56: {  	[tilespmem:$0x608] =	vst v0  }
0x57: {  	[tilespmem:$0x618] =	vst v0  }
0x58: {  	[tilespmem:$0x628] =	vst v0  }
0x59: {  	[tilespmem:$0x638] =	vst v0  }
0x5a: {  	[tilespmem:$0x648] =	vst v0  }
0x5b: {  	[tilespmem:$0x658] =	vst v0  }
0x5c: {  	[tilespmem:$0x668] =	vst v0  }
0x5d: {  	[tilespmem:$0x678] =	vst v0  }
0x5e: {  	[tilespmem:$0x688] =	vst v0  }
0x5f: {  	[tilespmem:$0x698] =	vst v0  }
0x60: {  	[tilespmem:$0x6A8] =	vst v0  }
0x61: {  	[tilespmem:$0x6B8] =	vst v0  }
0x62: {  	[tilespmem:$0x6C8] =	vst v0  }
0x63: {  	[tilespmem:$0x6D8] =	vst v0  }
0x64: {  	[tilespmem:$0x6E8] =	vst v0  }
0x65: {  	[tilespmem:$0x6F8] =	vst v0  }
0x66: {  	[tilespmem:$0x708] =	vst v0  }
0x67: {  	[tilespmem:$0x718] =	vst v0  }
0x68: {  	[tilespmem:$0x728] =	vst v0  }
0x69: {  	[tilespmem:$0x738] =	vst v0  }
0x6a: {  	[tilespmem:$0x748] =	vst v0  }
0x6b: {  	[tilespmem:$0x758] =	vst v0  }
0x6c: {  	[tilespmem:$0x768] =	vst v0  }
0x6d: {  	[tilespmem:$0x778] =	vst v0  }
0x6e: {  	[tilespmem:$0x788] =	vst v0  }
0x6f: {  	[tilespmem:$0x798] =	vst v0  }
0x70: {  	[tilespmem:$0x7A8] =	vst v0  }
0x71: {  	[tilespmem:$0x7B8] =	vst v0  }
0x72: {  	[tilespmem:$0x7C8] =	vst v0  }
0x73: {  	[tilespmem:$0x7D8] =	vst v0  }
0x74: {  	[tilespmem:$0x7E8] =	vst v0  }
0x75: {  	[tilespmem:$0x7F8] =	vst v0  }
0x76: {  	[tilespmem:$0x808] =	vst v0  }
0x77: {  	[tilespmem:$0x818] =	vst v0  }
0x78: {  	[tilespmem:$0x828] =	vst v0  }
0x79: {  	[tilespmem:$0x838] =	vst v0  }
0x7a: {  	[tilespmem:$0x848] =	vst v0  }
0x7b: {  	[tilespmem:$0x858] =	vst v0  }
0x7c: {  	[tilespmem:$0x868] =	vst v0  }
0x7d: {  	[tilespmem:$0x878] =	vst v0  }
0x7e: {  	[tilespmem:$0x888] =	vst v0  }
0x7f: {  	[tilespmem:$0x898] =	vst v0  }
0x80: {  	[tilespmem:$0x8A8] =	vst v0  }
0x81: {  	[tilespmem:$0x8B8] =	vst v0  }
0x82: {  	[tilespmem:$0x8C8] =	vst v0  }
0x83: {  	[tilespmem:$0x8D8] =	vst v0  }
0x84: {  	[tilespmem:$0x8E8] =	vst v0  }
0x85: {  	[tilespmem:$0x8F8] =	vst v0  }
0x86: {  	[tilespmem:$0x908] =	vst v0  }
0x87: {  	[tilespmem:$0x918] =	vst v0  }
0x88: {  	[tilespmem:$0x928] =	vst v0  }
0x89: {  	[tilespmem:$0x938] =	vst v0  }
0x8a: {  	[tilespmem:$0x948] =	vst v0  }
0x8b: {  	[tilespmem:$0x958] =	vst v0  }
0x8c: {  	[tilespmem:$0x968] =	vst v0  }
0x8d: {  	[tilespmem:$0x978] =	vst v0  }
0x8e: {  	[tilespmem:$0x988] =	vst v0  }
0x8f: {  	[tilespmem:$0x998] =	vst v0  }
0x90: {  	[tilespmem:$0x9A8] =	vst v0  }
0x91: {  	[tilespmem:$0x9B8] =	vst v0  }
0x92: {  	[tilespmem:$0x9C8] =	vst v0  }
0x93: {  	[tilespmem:$0x9D8] =	vst v0  }
0x94: {  	[tilespmem:$0x9E8] =	vst v0  }
0x95: {  	[tilespmem:$0x9F8] =	vst v0  }
0x96: {  	[tilespmem:$0xA08] =	vst v0  }
0x97: {  	[tilespmem:$0xA18] =	vst v0  }
0x98: {  	[tilespmem:$0xA28] =	vst v0  }
0x99: {  	[tilespmem:$0xA38] =	vst v0  }
0x9a: {  	[tilespmem:$0xA48] =	vst v0  }
0x9b: {  	[tilespmem:$0xA58] =	vst v0  }
0x9c: {  	[tilespmem:$0xA68] =	vst v0  }
0x9d: {  	[tilespmem:$0xA78] =	vst v0  }
0x9e: {  	[tilespmem:$0xA88] =	vst v0  }
0x9f: {  	[tilespmem:$0xA98] =	vst v0  }
0xa0: {  	[tilespmem:$0xAA8] =	vst v0  }
0xa1: {  	[tilespmem:$0xAB8] =	vst v0  }
0xa2: {  	[tilespmem:$0xAC8] =	vst v0  }
0xa3: {  	[tilespmem:$0xAD8] =	vst v0  }
0xa4: {  	[tilespmem:$0xAE8] =	vst v0  }
0xa5: {  	[tilespmem:$0xAF8] =	vst v0  }
0xa6: {  	[tilespmem:$0xB08] =	vst v0  }
0xa7: {  	[tilespmem:$0xB18] =	vst v0  }
0xa8: {  	[tilespmem:$0xB28] =	vst v0  }
0xa9: {  	[tilespmem:$0xB38] =	vst v0  }
0xaa: {  	[tilespmem:$0xB48] =	vst v0  }
0xab: {  	[tilespmem:$0xB58] =	vst v0  }
0xac: {  	[tilespmem:$0xB68] =	vst v0  }
0xad: {  	[tilespmem:$0xB78] =	vst v0  }
0xae: {  	[tilespmem:$0xB88] =	vst v0  }
0xaf: {  	[tilespmem:$0xB98] =	vst v0  }
0xb0: {  	[tilespmem:$0xBA8] =	vst v0  }
0xb1: {  	[tilespmem:$0xBB8] =	vst v0  }
0xb2: {  	[tilespmem:$0xBC8] =	vst v0  }
0xb3: {  	[tilespmem:$0xBD8] =	vst v0  }
0xb4: {  	[tilespmem:$0xBE8] =	vst v0  }
0xb5: {  	[tilespmem:$0xBF8] =	vst v0  }
0xb6: {  	[tilespmem:$0xC08] =	vst v0  }
0xb7: {  	[tilespmem:$0xC18] =	vst v0  }
0xb8: {  	[tilespmem:$0xC28] =	vst v0  }
0xb9: {  	[tilespmem:$0xC38] =	vst v0  }
0xba: {  	[tilespmem:$0xC48] =	vst v0  }
0xbb: {  	[tilespmem:$0xC58] =	vst v0  }
0xbc: {  	[tilespmem:$0xC68] =	vst v0  }
0xbd: {  	[tilespmem:$0xC78] =	vst v0  }
0xbe: {  	[tilespmem:$0xC88] =	vst v0  }
0xbf: {  	[tilespmem:$0xC98] =	vst v0  }
0xc0: {  	[tilespmem:$0xCA8] =	vst v0  }
0xc1: {  	[tilespmem:$0xCB8] =	vst v0  }
0xc2: {  	[tilespmem:$0xCC8] =	vst v0  }
0xc3: {  	[tilespmem:$0xCD8] =	vst v0  }
0xc4: {  	[tilespmem:$0xCE8] =	vst v0  }
0xc5: {  	[tilespmem:$0xCF8] =	vst v0  }
0xc6: {  	[tilespmem:$0xD08] =	vst v0  }
0xc7: {  	[tilespmem:$0xD18] =	vst v0  }
0xc8: {  	[tilespmem:$0xD28] =	vst v0  }
0xc9: {  	[tilespmem:$0xD38] =	vst v0  }
0xca: {  	[tilespmem:$0xD48] =	vst v0  }
0xcb: {  	[tilespmem:$0xD58] =	vst v0  }
0xcc: {  	[tilespmem:$0xD68] =	vst v0  }
0xcd: {  	[tilespmem:$0xD78] =	vst v0  }
0xce: {  	[tilespmem:$0xD88] =	vst v0  }
0xcf: {  	[tilespmem:$0xD98] =	vst v0  }
0xd0: {  	[tilespmem:$0xDA8] =	vst v0  }
0xd1: {  	[tilespmem:$0xDB8] =	vst v0  }
0xd2: {  	[tilespmem:$0xDC8] =	vst v0  }
0xd3: {  	[tilespmem:$0xDD8] =	vst v0  }
0xd4: {  	[tilespmem:$0xDE8] =	vst v0  }
0xd5: {  	[tilespmem:$0xDF8] =	vst v0  }
0xd6: {  	[tilespmem:$0xE08] =	vst v0  }
0xd7: {  	[tilespmem:$0xE18] =	vst v0  }
0xd8: {  	[tilespmem:$0xE28] =	vst v0  }
0xd9: {  	[tilespmem:$0xE38] =	vst v0  }
0xda: {  	[tilespmem:$0xE48] =	vst v0  }
0xdb: {  	[tilespmem:$0xE58] =	vst v0  }
0xdc: {  	[tilespmem:$0xE68] =	vst v0  }
0xdd: {  	[tilespmem:$0xE78] =	vst v0  }
0xde: {  	[tilespmem:$0xE88] =	vst v0  }
0xdf: {  	[tilespmem:$0xE98] =	vst v0  }
0xe0: {  	[tilespmem:$0xEA8] =	vst v0  }
0xe1: {  	[tilespmem:$0xEB8] =	vst v0  }
0xe2: {  	[tilespmem:$0xEC8] =	vst v0  }
0xe3: {  	[tilespmem:$0xED8] =	vst v0  }
0xe4: {  	[tilespmem:$0xEE8] =	vst v0  }
0xe5: {  	[tilespmem:$0xEF8] =	vst v0  }
0xe6: {  	[tilespmem:$0xF08] =	vst v0  }
0xe7: {  	[tilespmem:$0xF18] =	vst v0  }
0xe8: {  	[tilespmem:$0xF28] =	vst v0  }
0xe9: {  	[tilespmem:$0xF38] =	vst v0  }
0xea: {  	[tilespmem:$0xF48] =	vst v0  }
0xeb: {  	[tilespmem:$0xF58] =	vst v0  }
0xec: {  	[tilespmem:$0xF68] =	vst v0  }
0xed: {  	[tilespmem:$0xF78] =	vst v0  }
0xee: {  	[tilespmem:$0xF88] =	vst v0  }
0xef: {  	[tilespmem:$0xF98] =	vst v0  }
0xf0: {  	[tilespmem:$0xFA8] =	vst v0  }
0xf1: {  	[tilespmem:$0xFB8] =	vst v0  }
0xf2: {  	[tilespmem:$0xFC8] =	vst v0  }
0xf3: {  	[tilespmem:$0xFD8] =	vst v0  }
0xf4: {  	[tilespmem:$0xFE8] =	vst v0  }
0xf5: {  	[tilespmem:$0xFF8] =	vst v0  }
0xf6: {  	[tilespmem:$0x1008] =	vst v0  }
0xf7: {  	[tilespmem:$0x1018] =	vst v0  }
0xf8: {  	[tilespmem:$0x1028] =	vst v0  }
0xf9: {  	[tilespmem:$0x1038] =	vst v0  }
0xfa: {  	[tilespmem:$0x1048] =	vst v0  }
0xfb: {  	[tilespmem:$0x1058] =	vst v0  }
0xfc: {  	[tilespmem:$0x1068] =	vst v0  }
0xfd: {  	[tilespmem:$0x1078] =	vst v0  }
0xfe: {  	[tilespmem:$0x1088] =	vst v0  }
0xff: {  	[tilespmem:$0x1098] =	vst v0  }
0x100: {  	[tilespmem:$0x10A8] =	vst v0  }
0x101: {  	[tilespmem:$0x10B8] =	vst v0  }
0x102: {  	[tilespmem:$0x10C8] =	vst v0  }
0x103: {  	[tilespmem:$0x10D8] =	vst v0  }
0x104: {  	[tilespmem:$0x10E8] =	vst v0  }
0x105: {  	[tilespmem:$0x10F8] =	vst v0  }
0x106: {  	[tilespmem:$0x1108] =	vst v0  }
0x107: {  	[tilespmem:$0x1118] =	vst v0  }
0x108: {  	[tilespmem:$0x1128] =	vst v0  }
0x109: {  	[tilespmem:$0x1138] =	vst v0  }
0x10a: {  	[tilespmem:$0x1148] =	vst v0  }
0x10b: {  	[tilespmem:$0x1158] =	vst v0  }
0x10c: {  	[tilespmem:$0x1168] =	vst v0  }
0x10d: {  	[tilespmem:$0x1178] =	vst v0  }
0x10e: {  	[tilespmem:$0x1188] =	vst v0  }
0x10f: {  	[tilespmem:$0x1198] =	vst v0  }
0x110: {  	[tilespmem:$0x11A8] =	vst v0  }
0x111: {  	[tilespmem:$0x11B8] =	vst v0  }
0x112: {  	[tilespmem:$0x11C8] =	vst v0  }
0x113: {  	[tilespmem:$0x11D8] =	vst v0  }
0x114: {  	[tilespmem:$0x11E8] =	vst v0  }
0x115: {  	[tilespmem:$0x11F8] =	vst v0  }
0x116: {  	[tilespmem:$0x1208] =	vst v0  }
0x117: {  	[tilespmem:$0x1218] =	vst v0  }
0x118: {  	[tilespmem:$0x1228] =	vst v0  }
0x119: {  	[tilespmem:$0x1238] =	vst v0  }
0x11a: {  	[tilespmem:$0x1248] =	vst v0  }
0x11b: {  	[tilespmem:$0x1258] =	vst v0  }
0x11c: {  	[tilespmem:$0x1268] =	vst v0  }
0x11d: {  	[tilespmem:$0x1278] =	vst v0  }
0x11e: {  	[tilespmem:$0x1288] =	vst v0  }
0x11f: {  	[tilespmem:$0x1298] =	vst v0  }
0x120: {  	[tilespmem:$0x12A8] =	vst v0  }
0x121: {  	[tilespmem:$0x12B8] =	vst v0  }
0x122: {  	[tilespmem:$0x12C8] =	vst v0  }
0x123: {  	[tilespmem:$0x12D8] =	vst v0  }
0x124: {  	[tilespmem:$0x12E8] =	vst v0  }
0x125: {  	[tilespmem:$0x12F8] =	vst v0  }
0x126: {  	[tilespmem:$0x1308] =	vst v0  }
0x127: {  	[tilespmem:$0x1318] =	vst v0  }
0x128: {  	[tilespmem:$0x1328] =	vst v0  }
0x129: {  	[tilespmem:$0x1338] =	vst v0  }
0x12a: {  	[tilespmem:$0x1348] =	vst v0  }
0x12b: {  	[tilespmem:$0x1358] =	vst v0  }
0x12c: {  	[tilespmem:$0x1368] =	vst v0  }
0x12d: {  	[tilespmem:$0x1378] =	vst v0  }
0x12e: {  	[tilespmem:$0x1388] =	vst v0  }
0x12f: {  	[tilespmem:$0x1398] =	vst v0  }
0x130: {  	[tilespmem:$0x13A8] =	vst v0  }
0x131: {  	[tilespmem:$0x13B8] =	vst v0  }
0x132: {  	[tilespmem:$0x13C8] =	vst v0  }
0x133: {  	[tilespmem:$0x13D8] =	vst v0  }
0x134: {  	[tilespmem:$0x13E8] =	vst v0  }
0x135: {  	[tilespmem:$0x13F8] =	vst v0  }
0x136: {  	[tilespmem:$0x1408] =	vst v0  }
0x137: {  	[tilespmem:$0x1418] =	vst v0  }
0x138: {  	[tilespmem:$0x1428] =	vst v0  }
0x139: {  	[tilespmem:$0x1438] =	vst v0  }
0x13a: {  	[tilespmem:$0x1448] =	vst v0  }
0x13b: {  	[tilespmem:$0x1458] =	vst v0  }
0x13c: {  	[tilespmem:$0x1468] =	vst v0  }
0x13d: {  	[tilespmem:$0x1478] =	vst v0  }
0x13e: {  	[tilespmem:$0x1488] =	vst v0  }
0x13f: {  	[tilespmem:$0x1498] =	vst v0  }
0x140: {  	[tilespmem:$0x14A8] =	vst v0  }
0x141: {  	[tilespmem:$0x14B8] =	vst v0  }
0x142: {  	[tilespmem:$0x14C8] =	vst v0  }
0x143: {  	[tilespmem:$0x14D8] =	vst v0  }
0x144: {  	[tilespmem:$0x14E8] =	vst v0  }
0x145: {  	[tilespmem:$0x14F8] =	vst v0  }
0x146: {  	[tilespmem:$0x1508] =	vst v0  }
0x147: {  	[tilespmem:$0x1518] =	vst v0  }
0x148: {  	[tilespmem:$0x1528] =	vst v0  }
0x149: {  	[tilespmem:$0x1538] =	vst v0  }
0x14a: {  	[tilespmem:$0x1548] =	vst v0  }
0x14b: {  	[tilespmem:$0x1558] =	vst v0  }
0x14c: {  	[tilespmem:$0x1568] =	vst v0  }
0x14d: {  	[tilespmem:$0x1578] =	vst v0  }
0x14e: {  	[tilespmem:$0x1588] =	vst v0  }
0x14f: {  	[tilespmem:$0x1598] =	vst v0  }
0x150: {  	[tilespmem:$0x15A8] =	vst v0  }
0x151: {  	[tilespmem:$0x15B8] =	vst v0  }
0x152: {  	[tilespmem:$0x15C8] =	vst v0  }
0x153: {  	[tilespmem:$0x15D8] =	vst v0  }
0x154: {  	[tilespmem:$0x15E8] =	vst v0  }
0x155: {  	[tilespmem:$0x15F8] =	vst v0  }
0x156: {  	[tilespmem:$0x1608] =	vst v0  }
0x157: {  	[tilespmem:$0x1618] =	vst v0  }
0x158: {  	[tilespmem:$0x1628] =	vst v0  }
0x159: {  	[tilespmem:$0x1638] =	vst v0  }
0x15a: {  	[tilespmem:$0x1648] =	vst v0  }
0x15b: {  	[tilespmem:$0x1658] =	vst v0  }
0x15c: {  	[tilespmem:$0x1668] =	vst v0  }
0x15d: {  	[tilespmem:$0x1678] =	vst v0  }
0x15e: {  	[tilespmem:$0x1688] =	vst v0  }
0x15f: {  	[tilespmem:$0x1698] =	vst v0  }
0x160: {  	[tilespmem:$0x16A8] =	vst v0  }
0x161: {  	[tilespmem:$0x16B8] =	vst v0  }
0x162: {  	[tilespmem:$0x16C8] =	vst v0  }
0x163: {  	[tilespmem:$0x16D8] =	vst v0  }
0x164: {  	[tilespmem:$0x16E8] =	vst v0  }
0x165: {  	[tilespmem:$0x16F8] =	vst v0  }
0x166: {  	[tilespmem:$0x1708] =	vst v0  }
0x167: {  	[tilespmem:$0x1718] =	vst v0  }
0x168: {  	[tilespmem:$0x1728] =	vst v0  }
0x169: {  	[tilespmem:$0x1738] =	vst v0  }
0x16a: {  	[tilespmem:$0x1748] =	vst v0  }
0x16b: {  	[tilespmem:$0x1758] =	vst v0  }
0x16c: {  	[tilespmem:$0x1768] =	vst v0  }
0x16d: {  	[tilespmem:$0x1778] =	vst v0  }
0x16e: {  	[tilespmem:$0x1788] =	vst v0  }
0x16f: {  	[tilespmem:$0x1798] =	vst v0  }
0x170: {  	[tilespmem:$0x17A8] =	vst v0  }
0x171: {  	[tilespmem:$0x17B8] =	vst v0  }
0x172: {  	[tilespmem:$0x17C8] =	vst v0  }
0x173: {  	[tilespmem:$0x17D8] =	vst v0  }
0x174: {  	[tilespmem:$0x17E8] =	vst v0  }
0x175: {  	[tilespmem:$0x17F8] =	vst v0  }
0x176: {  	[tilespmem:$0x1808] =	vst v0  }
0x177: {  	[tilespmem:$0x1818] =	vst v0  }
0x178: {  	[tilespmem:$0x1828] =	vst v0  }
0x179: {  	[tilespmem:$0x1838] =	vst v0  }
0x17a: {  	[tilespmem:$0x1848] =	vst v0  }
0x17b: {  	[tilespmem:$0x1858] =	vst v0  }
0x17c: {  	[tilespmem:$0x1868] =	vst v0  }
0x17d: {  	[tilespmem:$0x1878] =	vst v0  }
0x17e: {  	[tilespmem:$0x1888] =	vst v0  }
0x17f: {  	[tilespmem:$0x1898] =	vst v0  }
0x180: {  	[tilespmem:$0x18A8] =	vst v0  }
0x181: {  	[tilespmem:$0x18B8] =	vst v0  }
0x182: {  	[tilespmem:$0x18C8] =	vst v0  }
0x183: {  	[tilespmem:$0x18D8] =	vst v0  }
0x184: {  	[tilespmem:$0x18E8] =	vst v0  }
0x185: {  	[tilespmem:$0x18F8] =	vst v0  }
0x186: {  	[tilespmem:$0x1908] =	vst v0  }
0x187: {  	[tilespmem:$0x1918] =	vst v0  }
0x188: {  	[tilespmem:$0x1928] =	vst v0  }
0x189: {  	[tilespmem:$0x1938] =	vst v0  }
0x18a: {  	[tilespmem:$0x1948] =	vst v0  }
0x18b: {  	[tilespmem:$0x1958] =	vst v0  }
0x18c: {  	[tilespmem:$0x1968] =	vst v0  }
0x18d: {  	[tilespmem:$0x1978] =	vst v0  }
0x18e: {  	[tilespmem:$0x1988] =	vst v0  }
0x18f: {  	[tilespmem:$0x1998] =	vst v0  }
0x190: {  	[tilespmem:$0x19A8] =	vst v0  }
0x191: {  	[tilespmem:$0x19B8] =	vst v0  }
0x192: {  	[tilespmem:$0x19C8] =	vst v0  }
0x193: {  	[tilespmem:$0x19D8] =	vst v0  }
0x194: {  	[tilespmem:$0x19E8] =	vst v0  }
0x195: {  	[tilespmem:$0x19F8] =	vst v0  }
0x196: {  	[tilespmem:$0x1A08] =	vst v0  }
0x197: {  	[tilespmem:$0x1A18] =	vst v0  }
0x198: {  	[tilespmem:$0x1A28] =	vst v0  }
0x199: {  	[tilespmem:$0x1A38] =	vst v0  }
0x19a: {  	[tilespmem:$0x1A48] =	vst v0  }
0x19b: {  	[tilespmem:$0x1A58] =	vst v0  }
0x19c: {  	[tilespmem:$0x1A68] =	vst v0  }
0x19d: {  	[tilespmem:$0x1A78] =	vst v0  }
0x19e: {  	[tilespmem:$0x1A88] =	vst v0  }
0x19f: {  	[tilespmem:$0x1A98] =	vst v0  }
0x1a0: {  	[tilespmem:$0x1AA8] =	vst v0  }
0x1a1: {  	[tilespmem:$0x1AB8] =	vst v0  }
0x1a2: {  	[tilespmem:$0x1AC8] =	vst v0  }
0x1a3: {  	[tilespmem:$0x1AD8] =	vst v0  }
0x1a4: {  	[tilespmem:$0x1AE8] =	vst v0  }
0x1a5: {  	[tilespmem:$0x1AF8] =	vst v0  }
0x1a6: {  	[tilespmem:$0x1B08] =	vst v0  }
0x1a7: {  	[tilespmem:$0x1B18] =	vst v0  }
0x1a8: {  	[tilespmem:$0x1B28] =	vst v0  }
0x1a9: {  	[tilespmem:$0x1B38] =	vst v0  }
0x1aa: {  	[tilespmem:$0x1B48] =	vst v0  }
0x1ab: {  	[tilespmem:$0x1B58] =	vst v0  }
0x1ac: {  	[tilespmem:$0x1B68] =	vst v0  }
0x1ad: {  	[tilespmem:$0x1B78] =	vst v0  }
0x1ae: {  	[tilespmem:$0x1B88] =	vst v0  }
0x1af: {  	[tilespmem:$0x1B98] =	vst v0  }
0x1b0: {  	[tilespmem:$0x1BA8] =	vst v0  }
0x1b1: {  	[tilespmem:$0x1BB8] =	vst v0  }
0x1b2: {  	[tilespmem:$0x1BC8] =	vst v0  }
0x1b3: {  	[tilespmem:$0x1BD8] =	vst v0  }
0x1b4: {  	[tilespmem:$0x1BE8] =	vst v0  }
0x1b5: {  	[tilespmem:$0x1BF8] =	vst v0  }
0x1b6: {  	[tilespmem:$0x1C08] =	vst v0  }
0x1b7: {  	[tilespmem:$0x1C18] =	vst v0  }
0x1b8: {  	[tilespmem:$0x1C28] =	vst v0  }
0x1b9: {  	[tilespmem:$0x1C38] =	vst v0  }
0x1ba: {  	[tilespmem:$0x1C48] =	vst v0  }
0x1bb: {  	[tilespmem:$0x1C58] =	vst v0  }
0x1bc: {  	[tilespmem:$0x1C68] =	vst v0  }
0x1bd: {  	[tilespmem:$0x1C78] =	vst v0  }
0x1be: {  	[tilespmem:$0x1C88] =	vst v0  }
0x1bf: {  	[tilespmem:$0x1C98] =	vst v0  }
0x1c0: {  	[tilespmem:$0x1CA8] =	vst v0  }
0x1c1: {  	[tilespmem:$0x1CB8] =	vst v0  }
0x1c2: {  	[tilespmem:$0x1CC8] =	vst v0  }
0x1c3: {  	[tilespmem:$0x1CD8] =	vst v0  }
0x1c4: {  	[tilespmem:$0x1CE8] =	vst v0  }
0x1c5: {  	[tilespmem:$0x1CF8] =	vst v0  }
0x1c6: {  	[tilespmem:$0x1D08] =	vst v0  }
0x1c7: {  	[tilespmem:$0x1D18] =	vst v0  }
0x1c8: {  	[tilespmem:$0x1D28] =	vst v0  }
0x1c9: {  	[tilespmem:$0x1D38] =	vst v0  }
0x1ca: {  	[tilespmem:$0x1D48] =	vst v0  }
0x1cb: {  	[tilespmem:$0x1D58] =	vst v0  }
0x1cc: {  	[tilespmem:$0x1D68] =	vst v0  }
0x1cd: {  	[tilespmem:$0x1D78] =	vst v0  }
0x1ce: {  	[tilespmem:$0x1D88] =	vst v0  }
0x1cf: {  	[tilespmem:$0x1D98] =	vst v0  }
0x1d0: {  	[tilespmem:$0x1DA8] =	vst v0  }
0x1d1: {  	[tilespmem:$0x1DB8] =	vst v0  }
0x1d2: {  	[tilespmem:$0x1DC8] =	vst v0  }
0x1d3: {  	[tilespmem:$0x1DD8] =	vst v0  }
0x1d4: {  	[tilespmem:$0x1DE8] =	vst v0  }
0x1d5: {  	[tilespmem:$0x1DF8] =	vst v0  }
0x1d6: {  	[tilespmem:$0x1E08] =	vst v0  }
0x1d7: {  	[tilespmem:$0x1E18] =	vst v0  }
0x1d8: {  	[tilespmem:$0x1E28] =	vst v0  }
0x1d9: {  	[tilespmem:$0x1E38] =	vst v0  }
0x1da: {  	[tilespmem:$0x1E48] =	vst v0  }
0x1db: {  	[tilespmem:$0x1E58] =	vst v0  }
0x1dc: {  	[tilespmem:$0x1E68] =	vst v0  }
0x1dd: {  	[tilespmem:$0x1E78] =	vst v0  }
0x1de: {  	[tilespmem:$0x1E88] =	vst v0  }
0x1df: {  	[tilespmem:$0x1E98] =	vst v0  }
0x1e0: {  	[tilespmem:$0x1EA8] =	vst v0  }
0x1e1: {  	[tilespmem:$0x1EB8] =	vst v0  }
0x1e2: {  	[tilespmem:$0x1EC8] =	vst v0  }
0x1e3: {  	[tilespmem:$0x1ED8] =	vst v0  }
0x1e4: {  	[tilespmem:$0x1EE8] =	vst v0  }
0x1e5: {  	[tilespmem:$0x1EF8] =	vst v0  }
0x1e6: {  	[tilespmem:$0x1F08] =	vst v0  }
0x1e7: {  	[tilespmem:$0x1F18] =	vst v0  }
0x1e8: {  	[tilespmem:$0x1F28] =	vst v0  }
0x1e9: {  	[tilespmem:$0x1F38] =	vst v0  }
0x1ea: {  	[tilespmem:$0x1F48] =	vst v0  }
0x1eb: {  	[tilespmem:$0x1F58] =	vst v0  }
0x1ec: {  	[tilespmem:$0x1F68] =	vst v0  }
0x1ed: {  	[tilespmem:$0x1F78] =	vst v0  }
0x1ee: {  	[tilespmem:$0x1F88] =	vst v0  }
0x1ef: {  	[tilespmem:$0x1F98] =	vst v0  }
0x1f0: {  	[tilespmem:$0x1FA8] =	vst v0  }
0x1f1: {  	[tilespmem:$0x1FB8] =	vst v0  }
0x1f2: {  	[tilespmem:$0x1FC8] =	vst v0  }
0x1f3: {  	[tilespmem:$0x1FD8] =	vst v0  }
0x1f4: {  	[tilespmem:$0x1FE8] =	vst v0  }
0x1f5: {  	[tilespmem:$0x1FF8] =	vst v0  }
0x1f6: {  	[tilespmem:$0x2008] =	vst v0  }
0x1f7: {  	[tilespmem:$0x2018] =	vst v0  }
0x1f8: {  	[tilespmem:$0x2028] =	vst v0  }
0x1f9: {  	[tilespmem:$0x2038] =	vst v0  }
0x1fa: {  	[tilespmem:$0x2048] =	vst v0  }
0x1fb: {  	[tilespmem:$0x2058] =	vst v0  }
0x1fc: {  	[tilespmem:$0x2068] =	vst v0  }
0x1fd: {  	[tilespmem:$0x2078] =	vst v0  }
0x1fe: {  	[tilespmem:$0x2088] =	vst v0  }
0x1ff: {  	[tilespmem:$0x2098] =	vst v0  }
0x200: {  	[tilespmem:$0x20A8] =	vst v0  }
0x201: {  	[tilespmem:$0x20B8] =	vst v0  }
0x202: {  	[tilespmem:$0x20C8] =	vst v0  }
0x203: {  	[tilespmem:$0x20D8] =	vst v0  }
0x204: {  	[tilespmem:$0x20E8] =	vst v0  }
0x205: {  	[tilespmem:$0x20F8] =	vst v0  }
0x206: {  	[tilespmem:$0x2108] =	vst v0  }
0x207: {  	[tilespmem:$0x2118] =	vst v0  }
0x208: {  	[tilespmem:$0x2128] =	vst v0  }
0x209: {  	[tilespmem:$0x2138] =	vst v0  }
0x20a: {  	[tilespmem:$0x2148] =	vst v0  }
0x20b: {  	[tilespmem:$0x2158] =	vst v0  }
0x20c: {  	[tilespmem:$0x2168] =	vst v0  }
0x20d: {  	[tilespmem:$0x2178] =	vst v0  }
0x20e: {  	[tilespmem:$0x2188] =	vst v0  }
0x20f: {  	[tilespmem:$0x2198] =	vst v0  }
0x210: {  	[tilespmem:$0x21A8] =	vst v0  }
0x211: {  	[tilespmem:$0x21B8] =	vst v0  }
0x212: {  	[tilespmem:$0x21C8] =	vst v0  }
0x213: {  	[tilespmem:$0x21D8] =	vst v0  }
0x214: {  	[tilespmem:$0x21E8] =	vst v0  }
0x215: {  	[tilespmem:$0x21F8] =	vst v0  }
0x216: {  	[tilespmem:$0x2208] =	vst v0  }
0x217: {  	[tilespmem:$0x2218] =	vst v0  }
0x218: {  	[tilespmem:$0x2228] =	vst v0  }
0x219: {  	[tilespmem:$0x2238] =	vst v0  }
0x21a: {  	[tilespmem:$0x2248] =	vst v0  }
0x21b: {  	[tilespmem:$0x2258] =	vst v0  }
0x21c: {  	[tilespmem:$0x2268] =	vst v0  }
0x21d: {  	[tilespmem:$0x2278] =	vst v0  }
0x21e: {  	[tilespmem:$0x2288] =	vst v0  }
0x21f: {  	[tilespmem:$0x2298] =	vst v0  }
0x220: {  	[tilespmem:$0x22A8] =	vst v0  }
0x221: {  	[tilespmem:$0x22B8] =	vst v0  }
0x222: {  	[tilespmem:$0x22C8] =	vst v0  }
0x223: {  	[tilespmem:$0x22D8] =	vst v0  }
0x224: {  	[tilespmem:$0x22E8] =	vst v0  }
0x225: {  	[tilespmem:$0x22F8] =	vst v0  }
0x226: {  	[tilespmem:$0x2308] =	vst v0  }
0x227: {  	[tilespmem:$0x2318] =	vst v0  }
0x228: {  	[tilespmem:$0x2328] =	vst v0  }
0x229: {  	[tilespmem:$0x2338] =	vst v0  }
0x22a: {  	[tilespmem:$0x2348] =	vst v0  }
0x22b: {  	[tilespmem:$0x2358] =	vst v0  }
0x22c: {  	[tilespmem:$0x2368] =	vst v0  }
0x22d: {  	[tilespmem:$0x2378] =	vst v0  }
0x22e: {  	[tilespmem:$0x2388] =	vst v0  }
0x22f: {  	[tilespmem:$0x2398] =	vst v0  }
0x230: {  	[tilespmem:$0x23A8] =	vst v0  }
0x231: {  	[tilespmem:$0x23B8] =	vst v0  }
0x232: {  	[tilespmem:$0x23C8] =	vst v0  }
0x233: {  	[tilespmem:$0x23D8] =	vst v0  }
0x234: {  	[tilespmem:$0x23E8] =	vst v0  }
0x235: {  	[tilespmem:$0x23F8] =	vst v0  }
0x236: {  	[tilespmem:$0x2408] =	vst v0  }
0x237: {  	[tilespmem:$0x2418] =	vst v0  }
0x238: {  	[tilespmem:$0x2428] =	vst v0  }
0x239: {  	[tilespmem:$0x2438] =	vst v0  }
0x23a: {  	[tilespmem:$0x2448] =	vst v0  }
0x23b: {  	[tilespmem:$0x2458] =	vst v0  }
0x23c: {  	[tilespmem:$0x2468] =	vst v0  }
0x23d: {  	[tilespmem:$0x2478] =	vst v0  }
0x23e: {  	[tilespmem:$0x2488] =	vst v0  }
0x23f: {  	[tilespmem:$0x2498] =	vst v0  }
0x240: {  	[tilespmem:$0x24A8] =	vst v0  }
0x241: {  	[tilespmem:$0x24B8] =	vst v0  }
0x242: {  	[tilespmem:$0x24C8] =	vst v0  }
0x243: {  	[tilespmem:$0x24D8] =	vst v0  }
0x244: {  	[tilespmem:$0x24E8] =	vst v0  }
0x245: {  	[tilespmem:$0x24F8] =	vst v0  }
0x246: {  	[tilespmem:$0x2508] =	vst v0  }
0x247: {  	[tilespmem:$0x2518] =	vst v0  }
0x248: {  	[tilespmem:$0x2528] =	vst v0  }
0x249: {  	[tilespmem:$0x2538] =	vst v0  }
0x24a: {  	[tilespmem:$0x2548] =	vst v0  }
0x24b: {  	[tilespmem:$0x2558] =	vst v0  }
0x24c: {  	[tilespmem:$0x2568] =	vst v0  }
0x24d: {  	[tilespmem:$0x2578] =	vst v0  }
0x24e: {  	[tilespmem:$0x2588] =	vst v0  }
0x24f: {  	[tilespmem:$0x2598] =	vst v0  }
0x250: {  	[tilespmem:$0x25A8] =	vst v0  }
0x251: {  	[tilespmem:$0x25B8] =	vst v0  }
0x252: {  	[tilespmem:$0x25C8] =	vst v0  }
0x253: {  	[tilespmem:$0x25D8] =	vst v0  }
0x254: {  	[tilespmem:$0x25E8] =	vst v0  }
0x255: {  	[tilespmem:$0x25F8] =	vst v0  }
0x256: {  	[tilespmem:$0x2608] =	vst v0  }
0x257: {  	[tilespmem:$0x2618] =	vst v0  }
0x258: {  	[tilespmem:$0x2628] =	vst v0  }
0x259: {  	[tilespmem:$0x2638] =	vst v0  }
0x25a: {  	[tilespmem:$0x2648] =	vst v0  }
0x25b: {  	[tilespmem:$0x2658] =	vst v0  }
0x25c: {  	[tilespmem:$0x2668] =	vst v0  }
0x25d: {  	[tilespmem:$0x2678] =	vst v0  }
0x25e: {  	[tilespmem:$0x2688] =	vst v0  }
0x25f: {  	[tilespmem:$0x2698] =	vst v0  }
0x260: {  	[tilespmem:$0x26A8] =	vst v0  }
0x261: {  	[tilespmem:$0x26B8] =	vst v0  }
0x262: {  	[tilespmem:$0x26C8] =	vst v0  }
0x263: {  	[tilespmem:$0x26D8] =	vst v0  }
0x264: {  	[tilespmem:$0x26E8] =	vst v0  }
0x265: {  	[tilespmem:$0x26F8] =	vst v0  }
0x266: {  	[tilespmem:$0x2708] =	vst v0  }
0x267: {  	[tilespmem:$0x2718] =	vst v0  }
0x268: {  	[tilespmem:$0x2728] =	vst v0  }
0x269: {  	[tilespmem:$0x2738] =	vst v0  }
0x26a: {  	[tilespmem:$0x2748] =	vst v0  }
0x26b: {  	[tilespmem:$0x2758] =	vst v0  }
0x26c: {  	[tilespmem:$0x2768] =	vst v0  }
0x26d: {  	[tilespmem:$0x2778] =	vst v0  }
0x26e: {  	[tilespmem:$0x2788] =	vst v0  }
0x26f: {  	[tilespmem:$0x2798] =	vst v0  }
0x270: {  	[tilespmem:$0x27A8] =	vst v0  }
0x271: {  	[tilespmem:$0x27B8] =	vst v0  }
0x272: {  	[tilespmem:$0x27C8] =	vst v0  }
0x273: {  	[tilespmem:$0x27D8] =	vst v0  }
0x274: {  	[tilespmem:$0x27E8] =	vst v0  }
0x275: {  	[tilespmem:$0x27F8] =	vst v0  }
0x276: {  	[tilespmem:$0x2808] =	vst v0  }
0x277: {  	[tilespmem:$0x2818] =	vst v0  }
0x278: {  	[tilespmem:$0x2828] =	vst v0  }
0x279: {  	[tilespmem:$0x2838] =	vst v0  }
0x27a: {  	[tilespmem:$0x2848] =	vst v0  }
0x27b: {  	[tilespmem:$0x2858] =	vst v0  }
0x27c: {  	[tilespmem:$0x2868] =	vst v0  }
0x27d: {  	[tilespmem:$0x2878] =	vst v0  }
0x27e: {  	[tilespmem:$0x2888] =	vst v0  }
0x27f: {  	[tilespmem:$0x2898] =	vst v0  }
0x280: {  	[tilespmem:$0x28A8] =	vst v0  }
0x281: {  	[tilespmem:$0x28B8] =	vst v0  }
0x282: {  	[tilespmem:$0x28C8] =	vst v0  }
0x283: {  	[tilespmem:$0x28D8] =	vst v0  }
0x284: {  	[tilespmem:$0x28E8] =	vst v0  }
0x285: {  	[tilespmem:$0x28F8] =	vst v0  }
0x286: {  	[tilespmem:$0x2908] =	vst v0  }
0x287: {  	[tilespmem:$0x2918] =	vst v0  }
0x288: {  	[tilespmem:$0x2928] =	vst v0  }
0x289: {  	[tilespmem:$0x2938] =	vst v0  }
0x28a: {  	[tilespmem:$0x2948] =	vst v0  }
0x28b: {  	[tilespmem:$0x2958] =	vst v0  }
0x28c: {  	[tilespmem:$0x2968] =	vst v0  }
0x28d: {  	[tilespmem:$0x2978] =	vst v0  }
0x28e: {  	[tilespmem:$0x2988] =	vst v0  }
0x28f: {  	[tilespmem:$0x2998] =	vst v0  }
0x290: {  	[tilespmem:$0x29A8] =	vst v0  }
0x291: {  	[tilespmem:$0x29B8] =	vst v0  }
0x292: {  	[tilespmem:$0x29C8] =	vst v0  }
0x293: {  	[tilespmem:$0x29D8] =	vst v0  }
0x294: {  	[tilespmem:$0x29E8] =	vst v0  }
0x295: {  	[tilespmem:$0x29F8] =	vst v0  }
0x296: {  	[tilespmem:$0x2A08] =	vst v0  }
0x297: {  	[tilespmem:$0x2A18] =	vst v0  }
0x298: {  	[tilespmem:$0x2A28] =	vst v0  }
0x299: {  	[tilespmem:$0x2A38] =	vst v0  }
0x29a: {  	[tilespmem:$0x2A48] =	vst v0  }
0x29b: {  	[tilespmem:$0x2A58] =	vst v0  }
0x29c: {  	[tilespmem:$0x2A68] =	vst v0  }
0x29d: {  	[tilespmem:$0x2A78] =	vst v0  }
0x29e: {  	[tilespmem:$0x2A88] =	vst v0  }
0x29f: {  	[tilespmem:$0x2A98] =	vst v0  }
0x2a0: {  	[tilespmem:$0x2AA8] =	vst v0  }
0x2a1: {  	[tilespmem:$0x2AB8] =	vst v0  }
0x2a2: {  	[tilespmem:$0x2AC8] =	vst v0  }
0x2a3: {  	[tilespmem:$0x2AD8] =	vst v0  }
0x2a4: {  	[tilespmem:$0x2AE8] =	vst v0  }
0x2a5: {  	[tilespmem:$0x2AF8] =	vst v0  }
0x2a6: {  	[tilespmem:$0x2B08] =	vst v0  }
0x2a7: {  	[tilespmem:$0x2B18] =	vst v0  }
0x2a8: {  	[tilespmem:$0x2B28] =	vst v0  }
0x2a9: {  	[tilespmem:$0x2B38] =	vst v0  }
0x2aa: {  	[tilespmem:$0x2B48] =	vst v0  }
0x2ab: {  	[tilespmem:$0x2B58] =	vst v0  }
0x2ac: {  	[tilespmem:$0x2B68] =	vst v0  }
0x2ad: {  	[tilespmem:$0x2B78] =	vst v0  }
0x2ae: {  	[tilespmem:$0x2B88] =	vst v0  }
0x2af: {  	[tilespmem:$0x2B98] =	vst v0  }
0x2b0: {  	[tilespmem:$0x2BA8] =	vst v0  }
0x2b1: {  	[tilespmem:$0x2BB8] =	vst v0  }
0x2b2: {  	[tilespmem:$0x2BC8] =	vst v0  }
0x2b3: {  	[tilespmem:$0x2BD8] =	vst v0  }
0x2b4: {  	[tilespmem:$0x2BE8] =	vst v0  }
0x2b5: {  	[tilespmem:$0x2BF8] =	vst v0  }
0x2b6: {  	[tilespmem:$0x2C08] =	vst v0  }
0x2b7: {  	[tilespmem:$0x2C18] =	vst v0  }
0x2b8: {  	[tilespmem:$0x2C28] =	vst v0  }
0x2b9: {  	[tilespmem:$0x2C38] =	vst v0  }
0x2ba: {  	[tilespmem:$0x2C48] =	vst v0  }
0x2bb: {  	[tilespmem:$0x2C58] =	vst v0  }
0x2bc: {  	[tilespmem:$0x2C68] =	vst v0  }
0x2bd: {  	[tilespmem:$0x2C78] =	vst v0  }
0x2be: {  	[tilespmem:$0x2C88] =	vst v0  }
0x2bf: {  	[tilespmem:$0x2C98] =	vst v0  }
0x2c0: {  	[tilespmem:$0x2CA8] =	vst v0  }
0x2c1: {  	[tilespmem:$0x2CB8] =	vst v0  }
0x2c2: {  	[tilespmem:$0x2CC8] =	vst v0  }
0x2c3: {  	[tilespmem:$0x2CD8] =	vst v0  }
0x2c4: {  	[tilespmem:$0x2CE8] =	vst v0  }
0x2c5: {  	[tilespmem:$0x2CF8] =	vst v0  }
0x2c6: {  	[tilespmem:$0x2D08] =	vst v0  }
0x2c7: {  	[tilespmem:$0x2D18] =	vst v0  }
0x2c8: {  	[tilespmem:$0x2D28] =	vst v0  }
0x2c9: {  	[tilespmem:$0x2D38] =	vst v0  }
0x2ca: {  	[tilespmem:$0x2D48] =	vst v0  }
0x2cb: {  	[tilespmem:$0x2D58] =	vst v0  }
0x2cc: {  	[tilespmem:$0x2D68] =	vst v0  }
0x2cd: {  	[tilespmem:$0x2D78] =	vst v0  }
0x2ce: {  	[tilespmem:$0x2D88] =	vst v0  }
0x2cf: {  	[tilespmem:$0x2D98] =	vst v0  }
0x2d0: {  	[tilespmem:$0x2DA8] =	vst v0  }
0x2d1: {  	[tilespmem:$0x2DB8] =	vst v0  }
0x2d2: {  	[tilespmem:$0x2DC8] =	vst v0  }
0x2d3: {  	[tilespmem:$0x2DD8] =	vst v0  }
0x2d4: {  	[tilespmem:$0x2DE8] =	vst v0  }
0x2d5: {  	[tilespmem:$0x2DF8] =	vst v0  }
0x2d6: {  	[tilespmem:$0x2E08] =	vst v0  }
0x2d7: {  	[tilespmem:$0x2E18] =	vst v0  }
0x2d8: {  	[tilespmem:$0x2E28] =	vst v0  }
0x2d9: {  	[tilespmem:$0x2E38] =	vst v0  }
0x2da: {  	[tilespmem:$0x2E48] =	vst v0  }
0x2db: {  	[tilespmem:$0x2E58] =	vst v0  }
0x2dc: {  	[tilespmem:$0x2E68] =	vst v0  }
0x2dd: {  	[tilespmem:$0x2E78] =	vst v0  }
0x2de: {  	[tilespmem:$0x2E88] =	vst v0  }
0x2df: {  	[tilespmem:$0x2E98] =	vst v0  }
0x2e0: {  	[tilespmem:$0x2EA8] =	vst v0  }
0x2e1: {  	[tilespmem:$0x2EB8] =	vst v0  }
0x2e2: {  	[tilespmem:$0x2EC8] =	vst v0  }
0x2e3: {  	[tilespmem:$0x2ED8] =	vst v0  }
0x2e4: {  	[tilespmem:$0x2EE8] =	vst v0  }
0x2e5: {  	[tilespmem:$0x2EF8] =	vst v0  }
0x2e6: {  	[tilespmem:$0x2F08] =	vst v0  }
0x2e7: {  	[tilespmem:$0x2F18] =	vst v0  }
0x2e8: {  	[tilespmem:$0x2F28] =	vst v0  }
0x2e9: {  	[tilespmem:$0x2F38] =	vst v0  }
0x2ea: {  	[tilespmem:$0x2F48] =	vst v0  }
0x2eb: {  	[tilespmem:$0x2F58] =	vst v0  }
0x2ec: {  	[tilespmem:$0x2F68] =	vst v0  }
0x2ed: {  	[tilespmem:$0x2F78] =	vst v0  }
0x2ee: {  	[tilespmem:$0x2F88] =	vst v0  }
0x2ef: {  	[tilespmem:$0x2F98] =	vst v0  }
0x2f0: {  	[tilespmem:$0x2FA8] =	vst v0  }
0x2f1: {  	[tilespmem:$0x2FB8] =	vst v0  }
0x2f2: {  	[tilespmem:$0x2FC8] =	vst v0  }
0x2f3: {  	[tilespmem:$0x2FD8] =	vst v0  }
0x2f4: {  	[tilespmem:$0x2FE8] =	vst v0  }
0x2f5: {  	[tilespmem:$0x2FF8] =	vst v0  }
0x2f6: {  	[tilespmem:$0x3008] =	vst v0  }
0x2f7: {  	[tilespmem:$0x3018] =	vst v0  }
0x2f8: {  	[tilespmem:$0x3028] =	vst v0  }
0x2f9: {  	[tilespmem:$0x3038] =	vst v0  }
0x2fa: {  	[tilespmem:$0x3048] =	vst v0  }
0x2fb: {  	[tilespmem:$0x3058] =	vst v0  }
0x2fc: {  	[tilespmem:$0x3068] =	vst v0  }
0x2fd: {  	[tilespmem:$0x3078] =	vst v0  }
0x2fe: {  	[tilespmem:$0x3088] =	vst v0  }
0x2ff: {  	[tilespmem:$0x3098] =	vst v0  }
0x300: {  	[tilespmem:$0x30A8] =	vst v0  }
0x301: {  	[tilespmem:$0x30B8] =	vst v0  }
0x302: {  	[tilespmem:$0x30C8] =	vst v0  }
0x303: {  	[tilespmem:$0x30D8] =	vst v0  }
0x304: {  	[tilespmem:$0x30E8] =	vst v0  }
0x305: {  	[tilespmem:$0x30F8] =	vst v0  }
0x306: {  	[tilespmem:$0x3108] =	vst v0  }
0x307: {  	[tilespmem:$0x3118] =	vst v0  }
0x308: {  	[tilespmem:$0x3128] =	vst v0  }
0x309: {  	[tilespmem:$0x3138] =	vst v0  }
0x30a: {  	[tilespmem:$0x3148] =	vst v0  }
0x30b: {  	[tilespmem:$0x3158] =	vst v0  }
0x30c: {  	[tilespmem:$0x3168] =	vst v0  }
0x30d: {  	[tilespmem:$0x3178] =	vst v0  }
0x30e: {  	[tilespmem:$0x3188] =	vst v0  }
0x30f: {  	[tilespmem:$0x3198] =	vst v0  }
0x310: {  	[tilespmem:$0x31A8] =	vst v0  }
0x311: {  	[tilespmem:$0x31B8] =	vst v0  }
0x312: {  	[tilespmem:$0x31C8] =	vst v0  }
0x313: {  	[tilespmem:$0x31D8] =	vst v0  }
0x314: {  	[tilespmem:$0x31E8] =	vst v0  }
0x315: {  	[tilespmem:$0x31F8] =	vst v0  }
0x316: {  	[tilespmem:$0x3208] =	vst v0  }
0x317: {  	[tilespmem:$0x3218] =	vst v0  }
0x318: {  	[tilespmem:$0x3228] =	vst v0  }
0x319: {  	[tilespmem:$0x3238] =	vst v0  }
0x31a: {  	[tilespmem:$0x3248] =	vst v0  }
0x31b: {  	[tilespmem:$0x3258] =	vst v0  }
0x31c: {  	[tilespmem:$0x3268] =	vst v0  }
0x31d: {  	[tilespmem:$0x3278] =	vst v0  }
0x31e: {  	[tilespmem:$0x3288] =	vst v0  }
0x31f: {  	[tilespmem:$0x3298] =	vst v0  }
0x320: {  	[tilespmem:$0x32A8] =	vst v0  }
0x321: {  	[tilespmem:$0x32B8] =	vst v0  }
0x322: {  	[tilespmem:$0x32C8] =	vst v0  }
0x323: {  	[tilespmem:$0x32D8] =	vst v0  }
0x324: {  	[tilespmem:$0x32E8] =	vst v0  }
0x325: {  	[tilespmem:$0x32F8] =	vst v0  }
0x326: {  	[tilespmem:$0x3308] =	vst v0  }
0x327: {  	[tilespmem:$0x3318] =	vst v0  }
0x328: {  	[tilespmem:$0x3328] =	vst v0  }
0x329: {  	[tilespmem:$0x3338] =	vst v0  }
0x32a: {  	[tilespmem:$0x3348] =	vst v0  }
0x32b: {  	[tilespmem:$0x3358] =	vst v0  }
0x32c: {  	[tilespmem:$0x3368] =	vst v0  }
0x32d: {  	[tilespmem:$0x3378] =	vst v0  }
0x32e: {  	[tilespmem:$0x3388] =	vst v0  }
0x32f: {  	[tilespmem:$0x3398] =	vst v0  }
0x330: {  	[tilespmem:$0x33A8] =	vst v0  }
0x331: {  	[tilespmem:$0x33B8] =	vst v0  }
0x332: {  	[tilespmem:$0x33C8] =	vst v0  }
0x333: {  	[tilespmem:$0x33D8] =	vst v0  }
0x334: {  	[tilespmem:$0x33E8] =	vst v0  }
0x335: {  	[tilespmem:$0x33F8] =	vst v0  }
0x336: {  	[tilespmem:$0x3408] =	vst v0  }
0x337: {  	[tilespmem:$0x3418] =	vst v0  }
0x338: {  	[tilespmem:$0x3428] =	vst v0  }
0x339: {  	[tilespmem:$0x3438] =	vst v0  }
0x33a: {  	[tilespmem:$0x3448] =	vst v0  }
0x33b: {  	[tilespmem:$0x3458] =	vst v0  }
0x33c: {  	[tilespmem:$0x3468] =	vst v0  }
0x33d: {  	[tilespmem:$0x3478] =	vst v0  }
0x33e: {  	[tilespmem:$0x3488] =	vst v0  }
0x33f: {  	[tilespmem:$0x3498] =	vst v0  }
0x340: {  	[tilespmem:$0x34A8] =	vst v0  }
0x341: {  	[tilespmem:$0x34B8] =	vst v0  }
0x342: {  	[tilespmem:$0x34C8] =	vst v0  }
0x343: {  	[tilespmem:$0x34D8] =	vst v0  }
0x344: {  	[tilespmem:$0x34E8] =	vst v0  }
0x345: {  	[tilespmem:$0x34F8] =	vst v0  }
0x346: {  	[tilespmem:$0x3508] =	vst v0  }
0x347: {  	[tilespmem:$0x3518] =	vst v0  }
0x348: {  	[tilespmem:$0x3528] =	vst v0  }
0x349: {  	[tilespmem:$0x3538] =	vst v0  }
0x34a: {  	[tilespmem:$0x3548] =	vst v0  }
0x34b: {  	[tilespmem:$0x3558] =	vst v0  }
0x34c: {  	[tilespmem:$0x3568] =	vst v0  }
0x34d: {  	[tilespmem:$0x3578] =	vst v0  }
0x34e: {  	[tilespmem:$0x3588] =	vst v0  }
0x34f: {  	[tilespmem:$0x3598] =	vst v0  }
0x350: {  	[tilespmem:$0x35A8] =	vst v0  }
0x351: {  	[tilespmem:$0x35B8] =	vst v0  }
0x352: {  	[tilespmem:$0x35C8] =	vst v0  }
0x353: {  	[tilespmem:$0x35D8] =	vst v0  }
0x354: {  	[tilespmem:$0x35E8] =	vst v0  }
0x355: {  	[tilespmem:$0x35F8] =	vst v0  }
0x356: {  	[tilespmem:$0x3608] =	vst v0  }
0x357: {  	[tilespmem:$0x3618] =	vst v0  }
0x358: {  	[tilespmem:$0x3628] =	vst v0  }
0x359: {  	[tilespmem:$0x3638] =	vst v0  }
0x35a: {  	[tilespmem:$0x3648] =	vst v0  }
0x35b: {  	[tilespmem:$0x3658] =	vst v0  }
0x35c: {  	[tilespmem:$0x3668] =	vst v0  }
0x35d: {  	[tilespmem:$0x3678] =	vst v0  }
0x35e: {  	[tilespmem:$0x3688] =	vst v0  }
0x35f: {  	[tilespmem:$0x3698] =	vst v0  }
0x360: {  	[tilespmem:$0x36A8] =	vst v0  }
0x361: {  	[tilespmem:$0x36B8] =	vst v0  }
0x362: {  	[tilespmem:$0x36C8] =	vst v0  }
0x363: {  	[tilespmem:$0x36D8] =	vst v0  }
0x364: {  	[tilespmem:$0x36E8] =	vst v0  }
0x365: {  	[tilespmem:$0x36F8] =	vst v0  }
0x366: {  	[tilespmem:$0x3708] =	vst v0  }
0x367: {  	[tilespmem:$0x3718] =	vst v0  }
0x368: {  	[tilespmem:$0x3728] =	vst v0  }
0x369: {  	[tilespmem:$0x3738] =	vst v0  }
0x36a: {  	[tilespmem:$0x3748] =	vst v0  }
0x36b: {  	[tilespmem:$0x3758] =	vst v0  }
0x36c: {  	[tilespmem:$0x3768] =	vst v0  }
0x36d: {  	[tilespmem:$0x3778] =	vst v0  }
0x36e: {  	[tilespmem:$0x3788] =	vst v0  }
0x36f: {  	[tilespmem:$0x3798] =	vst v0  }
0x370: {  	[tilespmem:$0x37A8] =	vst v0  }
0x371: {  	[tilespmem:$0x37B8] =	vst v0  }
0x372: {  	[tilespmem:$0x37C8] =	vst v0  }
0x373: {  	[tilespmem:$0x37D8] =	vst v0  }
0x374: {  	[tilespmem:$0x37E8] =	vst v0  }
0x375: {  	[tilespmem:$0x37F8] =	vst v0  }
0x376: {  	[tilespmem:$0x3808] =	vst v0  }
0x377: {  	[tilespmem:$0x3818] =	vst v0  }
0x378: {  	[tilespmem:$0x3828] =	vst v0  }
0x379: {  	[tilespmem:$0x3838] =	vst v0  }
0x37a: {  	[tilespmem:$0x3848] =	vst v0  }
0x37b: {  	[tilespmem:$0x3858] =	vst v0  }
0x37c: {  	[tilespmem:$0x3868] =	vst v0  }
0x37d: {  	[tilespmem:$0x3878] =	vst v0  }
0x37e: {  	[tilespmem:$0x3888] =	vst v0  }
0x37f: {  	[tilespmem:$0x3898] =	vst v0  }
0x380: {  	[tilespmem:$0x38A8] =	vst v0  }
0x381: {  	[tilespmem:$0x38B8] =	vst v0  }
0x382: {  	[tilespmem:$0x38C8] =	vst v0  }
0x383: {  	[tilespmem:$0x38D8] =	vst v0  }
0x384: {  	[tilespmem:$0x38E8] =	vst v0  }
0x385: {  	[tilespmem:$0x38F8] =	vst v0  }
0x386: {  	[tilespmem:$0x3908] =	vst v0  }
0x387: {  	[tilespmem:$0x3918] =	vst v0  }
0x388: {  	[tilespmem:$0x3928] =	vst v0  }
0x389: {  	[tilespmem:$0x3938] =	vst v0  }
0x38a: {  	[tilespmem:$0x3948] =	vst v0  }
0x38b: {  	[tilespmem:$0x3958] =	vst v0  }
0x38c: {  	[tilespmem:$0x3968] =	vst v0  }
0x38d: {  	[tilespmem:$0x3978] =	vst v0  }
0x38e: {  	[tilespmem:$0x3988] =	vst v0  }
0x38f: {  	[tilespmem:$0x3998] =	vst v0  }
0x390: {  	[tilespmem:$0x39A8] =	vst v0  }
0x391: {  	[tilespmem:$0x39B8] =	vst v0  }
0x392: {  	[tilespmem:$0x39C8] =	vst v0  }
0x393: {  	[tilespmem:$0x39D8] =	vst v0  }
0x394: {  	[tilespmem:$0x39E8] =	vst v0  }
0x395: {  	[tilespmem:$0x39F8] =	vst v0  }
0x396: {  	[tilespmem:$0x3A08] =	vst v0  }
0x397: {  	[tilespmem:$0x3A18] =	vst v0  }
0x398: {  	[tilespmem:$0x3A28] =	vst v0  }
0x399: {  	[tilespmem:$0x3A38] =	vst v0  }
0x39a: {  	[tilespmem:$0x3A48] =	vst v0  }
0x39b: {  	[tilespmem:$0x3A58] =	vst v0  }
0x39c: {  	[tilespmem:$0x3A68] =	vst v0  }
0x39d: {  	[tilespmem:$0x3A78] =	vst v0  }
0x39e: {  	[tilespmem:$0x3A88] =	vst v0  }
0x39f: {  	[tilespmem:$0x3A98] =	vst v0  }
0x3a0: {  	[tilespmem:$0x3AA8] =	vst v0  }
0x3a1: {  	[tilespmem:$0x3AB8] =	vst v0  }
0x3a2: {  	[tilespmem:$0x3AC8] =	vst v0  }
0x3a3: {  	[tilespmem:$0x3AD8] =	vst v0  }
0x3a4: {  	[tilespmem:$0x3AE8] =	vst v0  }
0x3a5: {  	[tilespmem:$0x3AF8] =	vst v0  }
0x3a6: {  	[tilespmem:$0x3B08] =	vst v0  }
0x3a7: {  	[tilespmem:$0x3B18] =	vst v0  }
0x3a8: {  	[tilespmem:$0x3B28] =	vst v0  }
0x3a9: {  	[tilespmem:$0x3B38] =	vst v0  }
0x3aa: {  	[tilespmem:$0x3B48] =	vst v0  }
0x3ab: {  	[tilespmem:$0x3B58] =	vst v0  }
0x3ac: {  	[tilespmem:$0x3B68] =	vst v0  }
0x3ad: {  	[tilespmem:$0x3B78] =	vst v0  }
0x3ae: {  	[tilespmem:$0x3B88] =	vst v0  }
0x3af: {  	[tilespmem:$0x3B98] =	vst v0  }
0x3b0: {  	[tilespmem:$0x3BA8] =	vst v0  }
0x3b1: {  	[tilespmem:$0x3BB8] =	vst v0  }
0x3b2: {  	[tilespmem:$0x3BC8] =	vst v0  }
0x3b3: {  	[tilespmem:$0x3BD8] =	vst v0  }
0x3b4: {  	[tilespmem:$0x3BE8] =	vst v0  }
0x3b5: {  	[tilespmem:$0x3BF8] =	vst v0  }
0x3b6: {  	[tilespmem:$0x3C08] =	vst v0  }
0x3b7: {  	[tilespmem:$0x3C18] =	vst v0  }
0x3b8: {  	[tilespmem:$0x3C28] =	vst v0  }
0x3b9: {  	[tilespmem:$0x3C38] =	vst v0  }
0x3ba: {  	[tilespmem:$0x3C48] =	vst v0  }
0x3bb: {  	[tilespmem:$0x3C58] =	vst v0  }
0x3bc: {  	[tilespmem:$0x3C68] =	vst v0  }
0x3bd: {  	[tilespmem:$0x3C78] =	vst v0  }
0x3be: {  	[tilespmem:$0x3C88] =	vst v0  }
0x3bf: {  	[tilespmem:$0x3C98] =	vst v0  }
0x3c0: {  	[tilespmem:$0x3CA8] =	vst v0  }
0x3c1: {  	[tilespmem:$0x3CB8] =	vst v0  }
0x3c2: {  	[tilespmem:$0x3CC8] =	vst v0  }
0x3c3: {  	[tilespmem:$0x3CD8] =	vst v0  }
0x3c4: {  	[tilespmem:$0x3CE8] =	vst v0  }
0x3c5: {  	[tilespmem:$0x3CF8] =	vst v0  }
0x3c6: {  	[tilespmem:$0x3D08] =	vst v0  }
0x3c7: {  	[tilespmem:$0x3D18] =	vst v0  }
0x3c8: {  	[tilespmem:$0x3D28] =	vst v0  }
0x3c9: {  	[tilespmem:$0x3D38] =	vst v0  }
0x3ca: {  	[tilespmem:$0x3D48] =	vst v0  }
0x3cb: {  	[tilespmem:$0x3D58] =	vst v0  }
0x3cc: {  	[tilespmem:$0x3D68] =	vst v0  }
0x3cd: {  	[tilespmem:$0x3D78] =	vst v0  }
0x3ce: {  	[tilespmem:$0x3D88] =	vst v0  }
0x3cf: {  	[tilespmem:$0x3D98] =	vst v0  }
0x3d0: {  	[tilespmem:$0x3DA8] =	vst v0  }
0x3d1: {  	[tilespmem:$0x3DB8] =	vst v0  }
0x3d2: {  	[tilespmem:$0x3DC8] =	vst v0  }
0x3d3: {  	[tilespmem:$0x3DD8] =	vst v0  }
0x3d4: {  	[tilespmem:$0x3DE8] =	vst v0  }
0x3d5: {  	[tilespmem:$0x3DF8] =	vst v0  }
0x3d6: {  	[tilespmem:$0x3E08] =	vst v0  }
0x3d7: {  	[tilespmem:$0x3E18] =	vst v0  }
0x3d8: {  	[tilespmem:$0x3E28] =	vst v0  }
0x3d9: {  	[tilespmem:$0x3E38] =	vst v0  }
0x3da: {  	[tilespmem:$0x3E48] =	vst v0  }
0x3db: {  	[tilespmem:$0x3E58] =	vst v0  }
0x3dc: {  	[tilespmem:$0x3E68] =	vst v0  }
0x3dd: {  	[tilespmem:$0x3E78] =	vst v0  }
0x3de: {  	[tilespmem:$0x3E88] =	vst v0  }
0x3df: {  	[tilespmem:$0x3E98] =	vst v0  }
0x3e0: {  	[tilespmem:$0x3EA8] =	vst v0  }
0x3e1: {  	[tilespmem:$0x3EB8] =	vst v0  }
0x3e2: {  	[tilespmem:$0x3EC8] =	vst v0  }
0x3e3: {  	[tilespmem:$0x3ED8] =	vst v0  }
0x3e4: {  	[tilespmem:$0x3EE8] =	vst v0  }
0x3e5: {  	[tilespmem:$0x3EF8] =	vst v0  }
0x3e6: {  	[tilespmem:$0x3F08] =	vst v0  }
0x3e7: {  	[tilespmem:$0x3F18] =	vst v0  }
0x3e8: {  	[tilespmem:$0x3F28] =	vst v0  }
0x3e9: {  	[tilespmem:$0x3F38] =	vst v0  }
0x3ea: {  	[tilespmem:$0x3F48] =	vst v0  }
0x3eb: {  	[tilespmem:$0x3F58] =	vst v0  }
0x3ec: {  	[tilespmem:$0x3F68] =	vst v0  }
0x3ed: {  	[tilespmem:$0x3F78] =	vst v0  }
0x3ee: {  	[tilespmem:$0x3F88] =	vst v0  }
0x3ef: {  	[tilespmem:$0x3F98] =	vst v0  }
0x3f0: {  	[tilespmem:$0x3FA8] =	vst v0  }
0x3f1: {  	[tilespmem:$0x3FB8] =	vst v0  }
0x3f2: {  	[tilespmem:$0x3FC8] =	vst v0  }
0x3f3: {  	[tilespmem:$0x3FD8] =	vst v0  }
0x3f4: {  	[tilespmem:$0x3FE8] =	vst v0  }
0x3f5: {  	[tilespmem:$0x3FF8] =	vst v0  }
0x3f6: {  	[tilespmem:$0x4008] =	vst v0  }
0x3f7: {  	[tilespmem:$0x4018] =	vst v0  }
0x3f8: {  	[tilespmem:$0x4028] =	vst v0  }
0x3f9: {  	[tilespmem:$0x4038] =	vst v0  }
0x3fa: {  	[tilespmem:$0x4048] =	vst v0  }
0x3fb: {  	[tilespmem:$0x4058] =	vst v0  }
0x3fc: {  	[tilespmem:$0x4068] =	vst v0  }
0x3fd: {  	[tilespmem:$0x4078] =	vst v0  }
0x3fe: {  	[tilespmem:$0x4088] =	vst v0  }
0x3ff: {  	[tilespmem:$0x4098] =	vst v0  }
0x400: {  	[tilespmem:$0x40A8] =	vst v0  }
0x401: {  	[tilespmem:$0x40B8] =	vst v0  }
0x402: {  	[tilespmem:$0x40C8] =	vst v0  }
0x403: {  	[tilespmem:$0x40D8] =	vst v0  }
0x404: {  	[tilespmem:$0x40E8] =	vst v0  }
0x405: {  	[tilespmem:$0x40F8] =	vst v0  }
0x406: {  	[tilespmem:$0x4108] =	vst v0  }
0x407: {  	[tilespmem:$0x4118] =	vst v0  }
0x408: {  	[tilespmem:$0x4128] =	vst v0  }
0x409: {  	[tilespmem:$0x4138] =	vst v0  }
0x40a: {  	[tilespmem:$0x4148] =	vst v0  }
0x40b: {  	[tilespmem:$0x4158] =	vst v0  }
0x40c: {  	[tilespmem:$0x4168] =	vst v0  }
0x40d: {  	[tilespmem:$0x4178] =	vst v0  }
0x40e: {  	[tilespmem:$0x4188] =	vst v0  }
0x40f: {  	[tilespmem:$0x4198] =	vst v0  }
0x410: {  	[tilespmem:$0x41A8] =	vst v0  }
0x411: {  	[tilespmem:$0x41B8] =	vst v0  }
0x412: {  	[tilespmem:$0x41C8] =	vst v0  }
0x413: {  	[tilespmem:$0x41D8] =	vst v0  }
0x414: {  	[tilespmem:$0x41E8] =	vst v0  }
0x415: {  	[tilespmem:$0x41F8] =	vst v0  }
0x416: {  	[tilespmem:$0x4208] =	vst v0  }
0x417: {  	[tilespmem:$0x4218] =	vst v0  }
0x418: {  	[tilespmem:$0x4228] =	vst v0  }
0x419: {  	[tilespmem:$0x4238] =	vst v0  }
0x41a: {  	[tilespmem:$0x4248] =	vst v0  }
0x41b: {  	[tilespmem:$0x4258] =	vst v0  }
0x41c: {  	[tilespmem:$0x4268] =	vst v0  }
0x41d: {  	[tilespmem:$0x4278] =	vst v0  }
0x41e: {  	[tilespmem:$0x4288] =	vst v0  }
0x41f: {  	[tilespmem:$0x4298] =	vst v0  }
0x420: {  	[tilespmem:$0x42A8] =	vst v0  }
0x421: {  	[tilespmem:$0x42B8] =	vst v0  }
0x422: {  	[tilespmem:$0x42C8] =	vst v0  }
0x423: {  	[tilespmem:$0x42D8] =	vst v0  }
0x424: {  	[tilespmem:$0x42E8] =	vst v0  }
0x425: {  	[tilespmem:$0x42F8] =	vst v0  }
0x426: {  	[tilespmem:$0x4308] =	vst v0  }
0x427: {  	[tilespmem:$0x4318] =	vst v0  }
0x428: {  	[tilespmem:$0x4328] =	vst v0  }
0x429: {  	[tilespmem:$0x4338] =	vst v0  }
0x42a: {  	[tilespmem:$0x4348] =	vst v0  }
0x42b: {  	[tilespmem:$0x4358] =	vst v0  }
0x42c: {  	[tilespmem:$0x4368] =	vst v0  }
0x42d: {  	[tilespmem:$0x4378] =	vst v0  }
0x42e: {  	[tilespmem:$0x4388] =	vst v0  }
0x42f: {  	[tilespmem:$0x4398] =	vst v0  }
0x430: {  	[tilespmem:$0x43A8] =	vst v0  }
0x431: {  	[tilespmem:$0x43B8] =	vst v0  }
0x432: {  	[tilespmem:$0x43C8] =	vst v0  }
0x433: {  	[tilespmem:$0x43D8] =	vst v0  }
0x434: {  	[tilespmem:$0x43E8] =	vst v0  }
0x435: {  	[tilespmem:$0x43F8] =	vst v0  }
0x436: {  	[tilespmem:$0x4408] =	vst v0  }
0x437: {  	[tilespmem:$0x4418] =	vst v0  }
0x438: {  	[tilespmem:$0x4428] =	vst v0  }
0x439: {  	[tilespmem:$0x4438] =	vst v0  }
0x43a: {  	[tilespmem:$0x4448] =	vst v0  }
0x43b: {  	[tilespmem:$0x4458] =	vst v0  }
0x43c: {  	[tilespmem:$0x4468] =	vst v0  }
0x43d: {  	[tilespmem:$0x4478] =	vst v0  }
0x43e: {  	[tilespmem:$0x4488] =	vst v0  }
0x43f: {  	[tilespmem:$0x4498] =	vst v0  }
0x440: {  	[tilespmem:$0x44A8] =	vst v0  }
0x441: {  	[tilespmem:$0x44B8] =	vst v0  }
0x442: {  	[tilespmem:$0x44C8] =	vst v0  }
0x443: {  	[tilespmem:$0x44D8] =	vst v0  }
0x444: {  	[tilespmem:$0x44E8] =	vst v0  }
0x445: {  	[tilespmem:$0x44F8] =	vst v0  }
0x446: {  	[tilespmem:$0x4508] =	vst v0  }
0x447: {  	[tilespmem:$0x4518] =	vst v0  }
0x448: {  	[tilespmem:$0x4528] =	vst v0  }
0x449: {  	[tilespmem:$0x4538] =	vst v0  }
0x44a: {  	[tilespmem:$0x4548] =	vst v0  }
0x44b: {  	[tilespmem:$0x4558] =	vst v0  }
0x44c: {  	[tilespmem:$0x4568] =	vst v0  }
0x44d: {  	[tilespmem:$0x4578] =	vst v0  }
0x44e: {  	[tilespmem:$0x4588] =	vst v0  }
0x44f: {  	[tilespmem:$0x4598] =	vst v0  }
0x450: {  	[tilespmem:$0x45A8] =	vst v0  }
0x451: {  	[tilespmem:$0x45B8] =	vst v0  }
0x452: {  	[tilespmem:$0x45C8] =	vst v0  }
0x453: {  	[tilespmem:$0x45D8] =	vst v0  }
0x454: {  	[tilespmem:$0x45E8] =	vst v0  }
0x455: {  	[tilespmem:$0x45F8] =	vst v0  }
0x456: {  	[tilespmem:$0x4608] =	vst v0  }
0x457: {  	[tilespmem:$0x4618] =	vst v0  }
0x458: {  	[tilespmem:$0x4628] =	vst v0  }
0x459: {  	[tilespmem:$0x4638] =	vst v0  }
0x45a: {  	[tilespmem:$0x4648] =	vst v0  }
0x45b: {  	[tilespmem:$0x4658] =	vst v0  }
0x45c: {  	[tilespmem:$0x4668] =	vst v0  }
0x45d: {  	[tilespmem:$0x4678] =	vst v0  }
0x45e: {  	[tilespmem:$0x4688] =	vst v0  }
0x45f: {  	[tilespmem:$0x4698] =	vst v0  }
0x460: {  	[tilespmem:$0x46A8] =	vst v0  }
0x461: {  	[tilespmem:$0x46B8] =	vst v0  }
0x462: {  	[tilespmem:$0x46C8] =	vst v0  }
0x463: {  	[tilespmem:$0x46D8] =	vst v0  }
0x464: {  	[tilespmem:$0x46E8] =	vst v0  }
0x465: {  	[tilespmem:$0x46F8] =	vst v0  }
0x466: {  	[tilespmem:$0x4708] =	vst v0  }
0x467: {  	[tilespmem:$0x4718] =	vst v0  }
0x468: {  	[tilespmem:$0x4728] =	vst v0  }
0x469: {  	[tilespmem:$0x4738] =	vst v0  }
0x46a: {  	[tilespmem:$0x4748] =	vst v0  }
0x46b: {  	[tilespmem:$0x4758] =	vst v0  }
0x46c: {  	[tilespmem:$0x4768] =	vst v0  }
0x46d: {  	[tilespmem:$0x4778] =	vst v0  }
0x46e: {  	[tilespmem:$0x4788] =	vst v0  }
0x46f: {  	[tilespmem:$0x4798] =	vst v0  }
0x470: {  	[tilespmem:$0x47A8] =	vst v0  }
0x471: {  	[tilespmem:$0x47B8] =	vst v0  }
0x472: {  	[tilespmem:$0x47C8] =	vst v0  }
0x473: {  	[tilespmem:$0x47D8] =	vst v0  }
0x474: {  	[tilespmem:$0x47E8] =	vst v0  }
0x475: {  	[tilespmem:$0x47F8] =	vst v0  }
0x476: {  	[tilespmem:$0x4808] =	vst v0  }
0x477: {  	[tilespmem:$0x4818] =	vst v0  }
0x478: {  	[tilespmem:$0x4828] =	vst v0  }
0x479: {  	[tilespmem:$0x4838] =	vst v0  }
0x47a: {  	[tilespmem:$0x4848] =	vst v0  }
0x47b: {  	[tilespmem:$0x4858] =	vst v0  }
0x47c: {  	[tilespmem:$0x4868] =	vst v0  }
0x47d: {  	[tilespmem:$0x4878] =	vst v0  }
0x47e: {  	[tilespmem:$0x4888] =	vst v0  }
0x47f: {  	[tilespmem:$0x4898] =	vst v0  }
0x480: {  	[tilespmem:$0x48A8] =	vst v0  }
0x481: {  	[tilespmem:$0x48B8] =	vst v0  }
0x482: {  	[tilespmem:$0x48C8] =	vst v0  }
0x483: {  	[tilespmem:$0x48D8] =	vst v0  }
0x484: {  	[tilespmem:$0x48E8] =	vst v0  }
0x485: {  	[tilespmem:$0x48F8] =	vst v0  }
0x486: {  	[tilespmem:$0x4908] =	vst v0  }
0x487: {  	[tilespmem:$0x4918] =	vst v0  }
0x488: {  	[tilespmem:$0x4928] =	vst v0  }
0x489: {  	[tilespmem:$0x4938] =	vst v0  }
0x48a: {  	[tilespmem:$0x4948] =	vst v0  }
0x48b: {  	[tilespmem:$0x4958] =	vst v0  }
0x48c: {  	[tilespmem:$0x4968] =	vst v0  }
0x48d: {  	[tilespmem:$0x4978] =	vst v0  }
0x48e: {  	[tilespmem:$0x4988] =	vst v0  }
0x48f: {  	[tilespmem:$0x4998] =	vst v0  }
0x490: {  	[tilespmem:$0x49A8] =	vst v0  }
0x491: {  	[tilespmem:$0x49B8] =	vst v0  }
0x492: {  	[tilespmem:$0x49C8] =	vst v0  }
0x493: {  	[tilespmem:$0x49D8] =	vst v0  }
0x494: {  	[tilespmem:$0x49E8] =	vst v0  }
0x495: {  	[tilespmem:$0x49F8] =	vst v0  }
0x496: {  	[tilespmem:$0x4A08] =	vst v0  }
0x497: {  	[tilespmem:$0x4A18] =	vst v0  }
0x498: {  	[tilespmem:$0x4A28] =	vst v0  }
0x499: {  	[tilespmem:$0x4A38] =	vst v0  }
0x49a: {  	[tilespmem:$0x4A48] =	vst v0  }
0x49b: {  	[tilespmem:$0x4A58] =	vst v0  }
0x49c: {  	[tilespmem:$0x4A68] =	vst v0  }
0x49d: {  	[tilespmem:$0x4A78] =	vst v0  }
0x49e: {  	[tilespmem:$0x4A88] =	vst v0  }
0x49f: {  	[tilespmem:$0x4A98] =	vst v0  }
0x4a0: {  	[tilespmem:$0x4AA8] =	vst v0  }
0x4a1: {  	[tilespmem:$0x4AB8] =	vst v0  }
0x4a2: {  	[tilespmem:$0x4AC8] =	vst v0  }
0x4a3: {  	[tilespmem:$0x4AD8] =	vst v0  }
0x4a4: {  	[tilespmem:$0x4AE8] =	vst v0  }
0x4a5: {  	[tilespmem:$0x4AF8] =	vst v0  }
0x4a6: {  	[tilespmem:$0x4B08] =	vst v0  }
0x4a7: {  	[tilespmem:$0x4B18] =	vst v0  }
0x4a8: {  	[tilespmem:$0x4B28] =	vst v0  }
0x4a9: {  	[tilespmem:$0x4B38] =	vst v0  }
0x4aa: {  	[tilespmem:$0x4B48] =	vst v0  }
0x4ab: {  	[tilespmem:$0x4B58] =	vst v0  }
0x4ac: {  	[tilespmem:$0x4B68] =	vst v0  }
0x4ad: {  	[tilespmem:$0x4B78] =	vst v0  }
0x4ae: {  	[tilespmem:$0x4B88] =	vst v0  }
0x4af: {  	[tilespmem:$0x4B98] =	vst v0  }
0x4b0: {  	[tilespmem:$0x4BA8] =	vst v0  }
0x4b1: {  	[tilespmem:$0x4BB8] =	vst v0  }
0x4b2: {  	[tilespmem:$0x4BC8] =	vst v0  }
0x4b3: {  	[tilespmem:$0x4BD8] =	vst v0  }
0x4b4: {  	[tilespmem:$0x4BE8] =	vst v0  }
0x4b5: {  	[tilespmem:$0x4BF8] =	vst v0  }
0x4b6: {  	[tilespmem:$0x4C08] =	vst v0  }
0x4b7: {  	[tilespmem:$0x4C18] =	vst v0  }
0x4b8: {  	[tilespmem:$0x4C28] =	vst v0  }
0x4b9: {  	[tilespmem:$0x4C38] =	vst v0  }
0x4ba: {  	[tilespmem:$0x4C48] =	vst v0  }
0x4bb: {  	[tilespmem:$0x4C58] =	vst v0  }
0x4bc: {  	[tilespmem:$0x4C68] =	vst v0  }
0x4bd: {  	[tilespmem:$0x4C78] =	vst v0  }
0x4be: {  	[tilespmem:$0x4C88] =	vst v0  }
0x4bf: {  	[tilespmem:$0x4C98] =	vst v0  }
0x4c0: {  	[tilespmem:$0x4CA8] =	vst v0  }
0x4c1: {  	[tilespmem:$0x4CB8] =	vst v0  }
0x4c2: {  	[tilespmem:$0x4CC8] =	vst v0  }
0x4c3: {  	[tilespmem:$0x4CD8] =	vst v0  }
0x4c4: {  	[tilespmem:$0x4CE8] =	vst v0  }
0x4c5: {  	[tilespmem:$0x4CF8] =	vst v0  }
0x4c6: {  	[tilespmem:$0x4D08] =	vst v0  }
0x4c7: {  	[tilespmem:$0x4D18] =	vst v0  }
0x4c8: {  	[tilespmem:$0x4D28] =	vst v0  }
0x4c9: {  	[tilespmem:$0x4D38] =	vst v0  }
0x4ca: {  	[tilespmem:$0x4D48] =	vst v0  }
0x4cb: {  	[tilespmem:$0x4D58] =	vst v0  }
0x4cc: {  	[tilespmem:$0x4D68] =	vst v0  }
0x4cd: {  	[tilespmem:$0x4D78] =	vst v0  }
0x4ce: {  	[tilespmem:$0x4D88] =	vst v0  }
0x4cf: {  	[tilespmem:$0x4D98] =	vst v0  }
0x4d0: {  	[tilespmem:$0x4DA8] =	vst v0  }
0x4d1: {  	[tilespmem:$0x4DB8] =	vst v0  }
0x4d2: {  	[tilespmem:$0x4DC8] =	vst v0  }
0x4d3: {  	[tilespmem:$0x4DD8] =	vst v0  }
0x4d4: {  	[tilespmem:$0x4DE8] =	vst v0  }
0x4d5: {  	[tilespmem:$0x4DF8] =	vst v0  }
0x4d6: {  	[tilespmem:$0x4E08] =	vst v0  }
0x4d7: {  	[tilespmem:$0x4E18] =	vst v0  }
0x4d8: {  	[tilespmem:$0x4E28] =	vst v0  }
0x4d9: {  	[tilespmem:$0x4E38] =	vst v0  }
0x4da: {  	[tilespmem:$0x4E48] =	vst v0  }
0x4db: {  	[tilespmem:$0x4E58] =	vst v0  }
0x4dc: {  	[tilespmem:$0x4E68] =	vst v0  }
0x4dd: {  	[tilespmem:$0x4E78] =	vst v0  }
0x4de: {  	[tilespmem:$0x4E88] =	vst v0  }
0x4df: {  	[tilespmem:$0x4E98] =	vst v0  }
0x4e0: {  	[tilespmem:$0x4EA8] =	vst v0  }
0x4e1: {  	[tilespmem:$0x4EB8] =	vst v0  }
0x4e2: {  	[tilespmem:$0x4EC8] =	vst v0  }
0x4e3: {  	[tilespmem:$0x4ED8] =	vst v0  }
0x4e4: {  	[tilespmem:$0x4EE8] =	vst v0  }
0x4e5: {  	[tilespmem:$0x4EF8] =	vst v0  }
0x4e6: {  	[tilespmem:$0x4F08] =	vst v0  }
0x4e7: {  	[tilespmem:$0x4F18] =	vst v0  }
0x4e8: {  	[tilespmem:$0x4F28] =	vst v0  }
0x4e9: {  	[tilespmem:$0x4F38] =	vst v0  }
0x4ea: {  	[tilespmem:$0x4F48] =	vst v0  }
0x4eb: {  	[tilespmem:$0x4F58] =	vst v0  }
0x4ec: {  	[tilespmem:$0x4F68] =	vst v0  }
0x4ed: {  	[tilespmem:$0x4F78] =	vst v0  }
0x4ee: {  	[tilespmem:$0x4F88] =	vst v0  }
0x4ef: {  	[tilespmem:$0x4F98] =	vst v0  }
0x4f0: {  	[tilespmem:$0x4FA8] =	vst v0  }
0x4f1: {  	[tilespmem:$0x4FB8] =	vst v0  }
0x4f2: {  	[tilespmem:$0x4FC8] =	vst v0  }
0x4f3: {  	[tilespmem:$0x4FD8] =	vst v0  }
0x4f4: {  	[tilespmem:$0x4FE8] =	vst v0  }
0x4f5: {  	[tilespmem:$0x4FF8] =	vst v0  }
0x4f6: {  	[tilespmem:$0x5008] =	vst v0  }
0x4f7: {  	[tilespmem:$0x5018] =	vst v0  }
0x4f8: {  	[tilespmem:$0x5028] =	vst v0  }
0x4f9: {  	[tilespmem:$0x5038] =	vst v0  }
0x4fa: {  	[tilespmem:$0x5048] =	vst v0  }
0x4fb: {  	[tilespmem:$0x5058] =	vst v0  }
0x4fc: {  	[tilespmem:$0x5068] =	vst v0  }
0x4fd: {  	[tilespmem:$0x5078] =	vst v0  }
0x4fe: {  	[tilespmem:$0x5088] =	vst v0  }
0x4ff: {  	[tilespmem:$0x5098] =	vst v0  }
0x500: {  	[tilespmem:$0x50A8] =	vst v0  }
0x501: {  	[tilespmem:$0x50B8] =	vst v0  }
0x502: {  	[tilespmem:$0x50C8] =	vst v0  }
0x503: {  	[tilespmem:$0x50D8] =	vst v0  }
0x504: {  	[tilespmem:$0x50E8] =	vst v0  }
0x505: {  	[tilespmem:$0x50F8] =	vst v0  }
0x506: {  	[tilespmem:$0x5108] =	vst v0  }
0x507: {  	[tilespmem:$0x5118] =	vst v0  }
0x508: {  	[tilespmem:$0x5128] =	vst v0  }
0x509: {  	[tilespmem:$0x5138] =	vst v0  }
0x50a: {  	[tilespmem:$0x5148] =	vst v0  }
0x50b: {  	[tilespmem:$0x5158] =	vst v0  }
0x50c: {  	[tilespmem:$0x5168] =	vst v0  }
0x50d: {  	[tilespmem:$0x5178] =	vst v0  }
0x50e: {  	[tilespmem:$0x5188] =	vst v0  }
0x50f: {  	[tilespmem:$0x5198] =	vst v0  }
0x510: {  	[tilespmem:$0x51A8] =	vst v0  }
0x511: {  	[tilespmem:$0x51B8] =	vst v0  }
0x512: {  	[tilespmem:$0x51C8] =	vst v0  }
0x513: {  	[tilespmem:$0x51D8] =	vst v0  }
0x514: {  	[tilespmem:$0x51E8] =	vst v0  }
0x515: {  	[tilespmem:$0x51F8] =	vst v0  }
0x516: {  	[tilespmem:$0x5208] =	vst v0  }
0x517: {  	[tilespmem:$0x5218] =	vst v0  }
0x518: {  	[tilespmem:$0x5228] =	vst v0  }
0x519: {  	[tilespmem:$0x5238] =	vst v0  }
0x51a: {  	[tilespmem:$0x5248] =	vst v0  }
0x51b: {  	[tilespmem:$0x5258] =	vst v0  }
0x51c: {  	[tilespmem:$0x5268] =	vst v0  }
0x51d: {  	[tilespmem:$0x5278] =	vst v0  }
0x51e: {  	[tilespmem:$0x5288] =	vst v0  }
0x51f: {  	[tilespmem:$0x5298] =	vst v0  }
0x520: {  	[tilespmem:$0x52A8] =	vst v0  }
0x521: {  	[tilespmem:$0x52B8] =	vst v0  }
0x522: {  	[tilespmem:$0x52C8] =	vst v0  }
0x523: {  	[tilespmem:$0x52D8] =	vst v0  }
0x524: {  	[tilespmem:$0x52E8] =	vst v0  }
0x525: {  	[tilespmem:$0x52F8] =	vst v0  }
0x526: {  	[tilespmem:$0x5308] =	vst v0  }
0x527: {  	[tilespmem:$0x5318] =	vst v0  }
0x528: {  	[tilespmem:$0x5328] =	vst v0  }
0x529: {  	[tilespmem:$0x5338] =	vst v0  }
0x52a: {  	[tilespmem:$0x5348] =	vst v0  }
0x52b: {  	[tilespmem:$0x5358] =	vst v0  }
0x52c: {  	[tilespmem:$0x5368] =	vst v0  }
0x52d: {  	[tilespmem:$0x5378] =	vst v0  }
0x52e: {  	[tilespmem:$0x5388] =	vst v0  }
0x52f: {  	[tilespmem:$0x5398] =	vst v0  }
0x530: {  	[tilespmem:$0x53A8] =	vst v0  }
0x531: {  	[tilespmem:$0x53B8] =	vst v0  }
0x532: {  	[tilespmem:$0x53C8] =	vst v0  }
0x533: {  	[tilespmem:$0x53D8] =	vst v0  }
0x534: {  	[tilespmem:$0x53E8] =	vst v0  }
0x535: {  	[tilespmem:$0x53F8] =	vst v0  }
0x536: {  	[tilespmem:$0x5408] =	vst v0  }
0x537: {  	[tilespmem:$0x5418] =	vst v0  }
0x538: {  	[tilespmem:$0x5428] =	vst v0  }
0x539: {  	[tilespmem:$0x5438] =	vst v0  }
0x53a: {  	[tilespmem:$0x5448] =	vst v0  }
0x53b: {  	[tilespmem:$0x5458] =	vst v0  }
0x53c: {  	[tilespmem:$0x5468] =	vst v0  }
0x53d: {  	[tilespmem:$0x5478] =	vst v0  }
0x53e: {  	[tilespmem:$0x5488] =	vst v0  }
0x53f: {  	[tilespmem:$0x5498] =	vst v0  }
0x540: {  	[tilespmem:$0x54A8] =	vst v0  }
0x541: {  	[tilespmem:$0x54B8] =	vst v0  }
0x542: {  	[tilespmem:$0x54C8] =	vst v0  }
0x543: {  	[tilespmem:$0x54D8] =	vst v0  }
0x544: {  	[tilespmem:$0x54E8] =	vst v0  }
0x545: {  	[tilespmem:$0x54F8] =	vst v0  }
0x546: {  	[tilespmem:$0x5508] =	vst v0  }
0x547: {  	[tilespmem:$0x5518] =	vst v0  }
0x548: {  	[tilespmem:$0x5528] =	vst v0  }
0x549: {  	[tilespmem:$0x5538] =	vst v0  }
0x54a: {  	[tilespmem:$0x5548] =	vst v0  }
0x54b: {  	[tilespmem:$0x5558] =	vst v0  }
0x54c: {  	[tilespmem:$0x5568] =	vst v0  }
0x54d: {  	[tilespmem:$0x5578] =	vst v0  }
0x54e: {  	[tilespmem:$0x5588] =	vst v0  }
0x54f: {  	[tilespmem:$0x5598] =	vst v0  }
0x550: {  	[tilespmem:$0x55A8] =	vst v0  }
0x551: {  	[tilespmem:$0x55B8] =	vst v0  }
0x552: {  	[tilespmem:$0x55C8] =	vst v0  }
0x553: {  	[tilespmem:$0x55D8] =	vst v0  }
0x554: {  	[tilespmem:$0x55E8] =	vst v0  }
0x555: {  	[tilespmem:$0x55F8] =	vst v0  }
0x556: {  	[tilespmem:$0x5608] =	vst v0  }
0x557: {  	[tilespmem:$0x5618] =	vst v0  }
0x558: {  	[tilespmem:$0x5628] =	vst v0  }
0x559: {  	[tilespmem:$0x5638] =	vst v0  }
0x55a: {  	[tilespmem:$0x5648] =	vst v0  }
0x55b: {  	[tilespmem:$0x5658] =	vst v0  }
0x55c: {  	[tilespmem:$0x5668] =	vst v0  }
0x55d: {  	[tilespmem:$0x5678] =	vst v0  }
0x55e: {  	[tilespmem:$0x5688] =	vst v0  }
0x55f: {  	[tilespmem:$0x5698] =	vst v0  }
0x560: {  	[tilespmem:$0x56A8] =	vst v0  }
0x561: {  	[tilespmem:$0x56B8] =	vst v0  }
0x562: {  	[tilespmem:$0x56C8] =	vst v0  }
0x563: {  	[tilespmem:$0x56D8] =	vst v0  }
0x564: {  	[tilespmem:$0x56E8] =	vst v0  }
0x565: {  	[tilespmem:$0x56F8] =	vst v0  }
0x566: {  	[tilespmem:$0x5708] =	vst v0  }
0x567: {  	[tilespmem:$0x5718] =	vst v0  }
0x568: {  	[tilespmem:$0x5728] =	vst v0  }
0x569: {  	[tilespmem:$0x5738] =	vst v0  }
0x56a: {  	[tilespmem:$0x5748] =	vst v0  }
0x56b: {  	[tilespmem:$0x5758] =	vst v0  }
0x56c: {  	[tilespmem:$0x5768] =	vst v0  }
0x56d: {  	[tilespmem:$0x5778] =	vst v0  }
0x56e: {  	[tilespmem:$0x5788] =	vst v0  }
0x56f: {  	[tilespmem:$0x5798] =	vst v0  }
0x570: {  	[tilespmem:$0x57A8] =	vst v0  }
0x571: {  	[tilespmem:$0x57B8] =	vst v0  }
0x572: {  	[tilespmem:$0x57C8] =	vst v0  }
0x573: {  	[tilespmem:$0x57D8] =	vst v0  }
0x574: {  	[tilespmem:$0x57E8] =	vst v0  }
0x575: {  	[tilespmem:$0x57F8] =	vst v0  }
0x576: {  	[tilespmem:$0x5808] =	vst v0  }
0x577: {  	[tilespmem:$0x5818] =	vst v0  }
0x578: {  	[tilespmem:$0x5828] =	vst v0  }
0x579: {  	[tilespmem:$0x5838] =	vst v0  }
0x57a: {  	[tilespmem:$0x5848] =	vst v0  }
0x57b: {  	[tilespmem:$0x5858] =	vst v0  }
0x57c: {  	[tilespmem:$0x5868] =	vst v0  }
0x57d: {  	[tilespmem:$0x5878] =	vst v0  }
0x57e: {  	[tilespmem:$0x5888] =	vst v0  }
0x57f: {  	[tilespmem:$0x5898] =	vst v0  }
0x580: {  	[tilespmem:$0x58A8] =	vst v0  }
0x581: {  	[tilespmem:$0x58B8] =	vst v0  }
0x582: {  	[tilespmem:$0x58C8] =	vst v0  }
0x583: {  	[tilespmem:$0x58D8] =	vst v0  }
0x584: {  	[tilespmem:$0x58E8] =	vst v0  }
0x585: {  	[tilespmem:$0x58F8] =	vst v0  }
0x586: {  	[tilespmem:$0x5908] =	vst v0  }
0x587: {  	[tilespmem:$0x5918] =	vst v0  }
0x588: {  	[tilespmem:$0x5928] =	vst v0  }
0x589: {  	[tilespmem:$0x5938] =	vst v0  }
0x58a: {  	[tilespmem:$0x5948] =	vst v0  }
0x58b: {  	[tilespmem:$0x5958] =	vst v0  }
0x58c: {  	[tilespmem:$0x5968] =	vst v0  }
0x58d: {  	[tilespmem:$0x5978] =	vst v0  }
0x58e: {  	[tilespmem:$0x5988] =	vst v0  }
0x58f: {  	[tilespmem:$0x5998] =	vst v0  }
0x590: {  	[tilespmem:$0x59A8] =	vst v0  }
0x591: {  	[tilespmem:$0x59B8] =	vst v0  }
0x592: {  	[tilespmem:$0x59C8] =	vst v0  }
0x593: {  	[tilespmem:$0x59D8] =	vst v0  }
0x594: {  	[tilespmem:$0x59E8] =	vst v0  }
0x595: {  	[tilespmem:$0x59F8] =	vst v0  }
0x596: {  	[tilespmem:$0x5A08] =	vst v0  }
0x597: {  	[tilespmem:$0x5A18] =	vst v0  }
0x598: {  	[tilespmem:$0x5A28] =	vst v0  }
0x599: {  	[tilespmem:$0x5A38] =	vst v0  }
0x59a: {  	[tilespmem:$0x5A48] =	vst v0  }
0x59b: {  	[tilespmem:$0x5A58] =	vst v0  }
0x59c: {  	[tilespmem:$0x5A68] =	vst v0  }
0x59d: {  	[tilespmem:$0x5A78] =	vst v0  }
0x59e: {  	[tilespmem:$0x5A88] =	vst v0  }
0x59f: {  	[tilespmem:$0x5A98] =	vst v0  }
0x5a0: {  	[tilespmem:$0x5AA8] =	vst v0  }
0x5a1: {  	[tilespmem:$0x5AB8] =	vst v0  }
0x5a2: {  	[tilespmem:$0x5AC8] =	vst v0  }
0x5a3: {  	[tilespmem:$0x5AD8] =	vst v0  }
0x5a4: {  	[tilespmem:$0x5AE8] =	vst v0  }
0x5a5: {  	[tilespmem:$0x5AF8] =	vst v0  }
0x5a6: {  	[tilespmem:$0x5B08] =	vst v0  }
0x5a7: {  	[tilespmem:$0x5B18] =	vst v0  }
0x5a8: {  	[tilespmem:$0x5B28] =	vst v0  }
0x5a9: {  	[tilespmem:$0x5B38] =	vst v0  }
0x5aa: {  	[tilespmem:$0x5B48] =	vst v0  }
0x5ab: {  	[tilespmem:$0x5B58] =	vst v0  }
0x5ac: {  	[tilespmem:$0x5B68] =	vst v0  }
0x5ad: {  	[tilespmem:$0x5B78] =	vst v0  }
0x5ae: {  	[tilespmem:$0x5B88] =	vst v0  }
0x5af: {  	[tilespmem:$0x5B98] =	vst v0  }
0x5b0: {  	[tilespmem:$0x5BA8] =	vst v0  }
0x5b1: {  	[tilespmem:$0x5BB8] =	vst v0  }
0x5b2: {  	[tilespmem:$0x5BC8] =	vst v0  }
0x5b3: {  	[tilespmem:$0x5BD8] =	vst v0  }
0x5b4: {  	[tilespmem:$0x5BE8] =	vst v0  }
0x5b5: {  	[tilespmem:$0x5BF8] =	vst v0  }
0x5b6: {  	[tilespmem:$0x5C08] =	vst v0  }
0x5b7: {  	[tilespmem:$0x5C18] =	vst v0  }
0x5b8: {  	[tilespmem:$0x5C28] =	vst v0  }
0x5b9: {  	[tilespmem:$0x5C38] =	vst v0  }
0x5ba: {  	[tilespmem:$0x5C48] =	vst v0  }
0x5bb: {  	[tilespmem:$0x5C58] =	vst v0  }
0x5bc: {  	[tilespmem:$0x5C68] =	vst v0  }
0x5bd: {  	[tilespmem:$0x5C78] =	vst v0  }
0x5be: {  	[tilespmem:$0x5C88] =	vst v0  }
0x5bf: {  	[tilespmem:$0x5C98] =	vst v0  }
0x5c0: {  	[tilespmem:$0x5CA8] =	vst v0  }
0x5c1: {  	[tilespmem:$0x5CB8] =	vst v0  }
0x5c2: {  	[tilespmem:$0x5CC8] =	vst v0  }
0x5c3: {  	[tilespmem:$0x5CD8] =	vst v0  }
0x5c4: {  	[tilespmem:$0x5CE8] =	vst v0  }
0x5c5: {  	[tilespmem:$0x5CF8] =	vst v0  }
0x5c6: {  	[tilespmem:$0x5D08] =	vst v0  }
0x5c7: {  	[tilespmem:$0x5D18] =	vst v0  }
0x5c8: {  	[tilespmem:$0x5D28] =	vst v0  }
0x5c9: {  	[tilespmem:$0x5D38] =	vst v0  }
0x5ca: {  	[tilespmem:$0x5D48] =	vst v0  }
0x5cb: {  	[tilespmem:$0x5D58] =	vst v0  }
0x5cc: {  	[tilespmem:$0x5D68] =	vst v0  }
0x5cd: {  	[tilespmem:$0x5D78] =	vst v0  }
0x5ce: {  	[tilespmem:$0x5D88] =	vst v0  }
0x5cf: {  	[tilespmem:$0x5D98] =	vst v0  }
0x5d0: {  	[tilespmem:$0x5DA8] =	vst v0  }
0x5d1: {  	[tilespmem:$0x5DB8] =	vst v0  }
0x5d2: {  	[tilespmem:$0x5DC8] =	vst v0  }
0x5d3: {  	[tilespmem:$0x5DD8] =	vst v0  }
0x5d4: {  	[tilespmem:$0x5DE8] =	vst v0  }
0x5d5: {  	[tilespmem:$0x5DF8] =	vst v0  }
0x5d6: {  	[tilespmem:$0x5E08] =	vst v0  }
0x5d7: {  	[tilespmem:$0x5E18] =	vst v0  }
0x5d8: {  	[tilespmem:$0x5E28] =	vst v0  }
0x5d9: {  	[tilespmem:$0x5E38] =	vst v0  }
0x5da: {  	[tilespmem:$0x5E48] =	vst v0  }
0x5db: {  	[tilespmem:$0x5E58] =	vst v0  }
0x5dc: {  	[tilespmem:$0x5E68] =	vst v0  }
0x5dd: {  	[tilespmem:$0x5E78] =	vst v0  }
0x5de: {  	[tilespmem:$0x5E88] =	vst v0  }
0x5df: {  	[tilespmem:$0x5E98] =	vst v0  }
0x5e0: {  	[tilespmem:$0x5EA8] =	vst v0  }
0x5e1: {  	[tilespmem:$0x5EB8] =	vst v0  }
0x5e2: {  	[tilespmem:$0x5EC8] =	vst v0  }
0x5e3: {  	[tilespmem:$0x5ED8] =	vst v0  }
0x5e4: {  	[tilespmem:$0x5EE8] =	vst v0  }
0x5e5: {  	[tilespmem:$0x5EF8] =	vst v0  }
0x5e6: {  	[tilespmem:$0x5F08] =	vst v0  }
0x5e7: {  	[tilespmem:$0x5F18] =	vst v0  }
0x5e8: {  	[tilespmem:$0x5F28] =	vst v0  }
0x5e9: {  	[tilespmem:$0x5F38] =	vst v0  }
0x5ea: {  	[tilespmem:$0x5F48] =	vst v0  }
0x5eb: {  	[tilespmem:$0x5F58] =	vst v0  }
0x5ec: {  	[tilespmem:$0x5F68] =	vst v0  }
0x5ed: {  	[tilespmem:$0x5F78] =	vst v0  }
0x5ee: {  	[tilespmem:$0x5F88] =	vst v0  }
0x5ef: {  	[tilespmem:$0x5F98] =	vst v0  }
0x5f0: {  	[tilespmem:$0x5FA8] =	vst v0  }
0x5f1: {  	[tilespmem:$0x5FB8] =	vst v0  }
0x5f2: {  	[tilespmem:$0x5FC8] =	vst v0  }
0x5f3: {  	[tilespmem:$0x5FD8] =	vst v0  }
0x5f4: {  	[tilespmem:$0x5FE8] =	vst v0  }
0x5f5: {  	[tilespmem:$0x5FF8] =	vst v0  }
0x5f6: {  	[tilespmem:$0x6008] =	vst v0  }
0x5f7: {  	[tilespmem:$0x6018] =	vst v0  }
0x5f8: {  	[tilespmem:$0x6028] =	vst v0  }
0x5f9: {  	[tilespmem:$0x6038] =	vst v0  }
0x5fa: {  	[tilespmem:$0x6048] =	vst v0  }
0x5fb: {  	[tilespmem:$0x6058] =	vst v0  }
0x5fc: {  	[tilespmem:$0x6068] =	vst v0  }
0x5fd: {  	[tilespmem:$0x6078] =	vst v0  }
0x5fe: {  	[tilespmem:$0x6088] =	vst v0  }
0x5ff: {  	[tilespmem:$0x6098] =	vst v0  }
0x600: {  	[tilespmem:$0x60A8] =	vst v0  }
0x601: {  	[tilespmem:$0x60B8] =	vst v0  }
0x602: {  	[tilespmem:$0x60C8] =	vst v0  }
0x603: {  	[tilespmem:$0x60D8] =	vst v0  }
0x604: {  	[tilespmem:$0x60E8] =	vst v0  }
0x605: {  	[tilespmem:$0x60F8] =	vst v0  }
0x606: {  	[tilespmem:$0x6108] =	vst v0  }
0x607: {  	[tilespmem:$0x6118] =	vst v0  }
0x608: {  	[tilespmem:$0x6128] =	vst v0  }
0x609: {  	[tilespmem:$0x6138] =	vst v0  }
0x60a: {  	[tilespmem:$0x6148] =	vst v0  }
0x60b: {  	[tilespmem:$0x6158] =	vst v0  }
0x60c: {  	[tilespmem:$0x6168] =	vst v0  }
0x60d: {  	[tilespmem:$0x6178] =	vst v0  }
0x60e: {  	[tilespmem:$0x6188] =	vst v0  }
0x60f: {  	[tilespmem:$0x6198] =	vst v0  }
0x610: {  	[tilespmem:$0x61A8] =	vst v0  }
0x611: {  	[tilespmem:$0x61B8] =	vst v0  }
0x612: {  	[tilespmem:$0x61C8] =	vst v0  }
0x613: {  	[tilespmem:$0x61D8] =	vst v0  }
0x614: {  	[tilespmem:$0x61E8] =	vst v0  }
0x615: {  	[tilespmem:$0x61F8] =	vst v0  }
0x616: {  	[tilespmem:$0x6208] =	vst v0  }
0x617: {  	[tilespmem:$0x6218] =	vst v0  }
0x618: {  	[tilespmem:$0x6228] =	vst v0  }
0x619: {  	[tilespmem:$0x6238] =	vst v0  }
0x61a: {  	[tilespmem:$0x6248] =	vst v0  }
0x61b: {  	[tilespmem:$0x6258] =	vst v0  }
0x61c: {  	[tilespmem:$0x62A8] =	vst v0  }
0x61d: {  	[tilespmem:$0x7148] =	vst v0  }
0x61e: {  	[tilespmem:$0x7138] =	vst v0  }
0x61f: {  	[tilespmem:$0x7128] =	vst v0  }
0x620: {  	[tilespmem:$0x7118] =	vst v0  }
0x621: {  	[tilespmem:$0x7108] =	vst v0  }
0x622: {  	[tilespmem:$0x70F8] =	vst v0  }
0x623: {  	[tilespmem:$0x70E8] =	vst v0  }
0x624: {  	[tilespmem:$0x70D8] =	vst v0  }
0x625: {  	[tilespmem:$0x70C8] =	vst v0  }
0x626: {  	[tilespmem:$0x70B8] =	vst v0  }
0x627: {  	[tilespmem:$0x70A8] =	vst v0  }
0x628: {  	[tilespmem:$0x7098] =	vst v0  }
0x629: {  	[tilespmem:$0x7088] =	vst v0  }
0x62a: {  	[tilespmem:$0x7078] =	vst v0  }
0x62b: {  	[tilespmem:$0x7068] =	vst v0  }
0x62c: {  	[tilespmem:$0x7058] =	vst v0  }
0x62d: {  	[tilespmem:$0x7048] =	vst v0  }
0x62e: {  	[tilespmem:$0x7038] =	vst v0  }
0x62f: {  	[tilespmem:$0x7028] =	vst v0  }
0x630: {  	[tilespmem:$0x7018] =	vst v0  }
0x631: {  	[tilespmem:$0x7008] =	vst v0  }
0x632: {  	[tilespmem:$0x6FF8] =	vst v0  }
0x633: {  	[tilespmem:$0x6FE8] =	vst v0  }
0x634: {  	[tilespmem:$0x6FD8] =	vst v0  }
0x635: {  	[tilespmem:$0x6FC8] =	vst v0  }
0x636: {  	[tilespmem:$0x6FB8] =	vst v0  }
0x637: {  	[tilespmem:$0x6FA8] =	vst v0  }
0x638: {  	[tilespmem:$0x6F98] =	vst v0  }
0x639: {  	[tilespmem:$0x6F88] =	vst v0  }
0x63a: {  	[tilespmem:$0x6F78] =	vst v0  }
0x63b: {  	[tilespmem:$0x6F68] =	vst v0  }
0x63c: {  	[tilespmem:$0x6F58] =	vst v0  }
0x63d: {  	[tilespmem:$0x6F48] =	vst v0  }
0x63e: {  	[tilespmem:$0x6F38] =	vst v0  }
0x63f: {  	[tilespmem:$0x6F28] =	vst v0  }
0x640: {  	[tilespmem:$0x6F18] =	vst v0  }
0x641: {  	[tilespmem:$0x6F08] =	vst v0  }
0x642: {  	[tilespmem:$0x6EF8] =	vst v0  }
0x643: {  	[tilespmem:$0x6EE8] =	vst v0  }
0x644: {  	[tilespmem:$0x6ED8] =	vst v0  }
0x645: {  	[tilespmem:$0x6EC8] =	vst v0  }
0x646: {  	[tilespmem:$0x6EB8] =	vst v0  }
0x647: {  	[tilespmem:$0x6EA8] =	vst v0  }
0x648: {  	[tilespmem:$0x6E98] =	vst v0  }
0x649: {  	[tilespmem:$0x6E88] =	vst v0  }
0x64a: {  	[tilespmem:$0x6E78] =	vst v0  }
0x64b: {  	[tilespmem:$0x6E68] =	vst v0  }
0x64c: {  	[tilespmem:$0x6E58] =	vst v0  }
0x64d: {  	[tilespmem:$0x6E48] =	vst v0  }
0x64e: {  	[tilespmem:$0x6E38] =	vst v0  }
0x64f: {  	[tilespmem:$0x6E28] =	vst v0  }
0x650: {  	[tilespmem:$0x6E18] =	vst v0  }
0x651: {  	[tilespmem:$0x6E08] =	vst v0  }
0x652: {  	[tilespmem:$0x6DF8] =	vst v0  }
0x653: {  	[tilespmem:$0x6DE8] =	vst v0  }
0x654: {  	[tilespmem:$0x6DD8] =	vst v0  }
0x655: {  	[tilespmem:$0x6DC8] =	vst v0  }
0x656: {  	[tilespmem:$0x6DB8] =	vst v0  }
0x657: {  	[tilespmem:$0x6DA8] =	vst v0  }
0x658: {  	[tilespmem:$0x6D98] =	vst v0  }
0x659: {  	[tilespmem:$0x6D88] =	vst v0  }
0x65a: {  	[tilespmem:$0x6D78] =	vst v0  }
0x65b: {  	[tilespmem:$0x6D68] =	vst v0  }
0x65c: {  	[tilespmem:$0x6D58] =	vst v0  }
0x65d: {  	[tilespmem:$0x6D48] =	vst v0  }
0x65e: {  	[tilespmem:$0x6D38] =	vst v0  }
0x65f: {  	[tilespmem:$0x6D28] =	vst v0  }
0x660: {  	[tilespmem:$0x6D18] =	vst v0  }
0x661: {  	[tilespmem:$0x6D08] =	vst v0  }
0x662: {  	[tilespmem:$0x6CF8] =	vst v0  }
0x663: {  	[tilespmem:$0x6CE8] =	vst v0  }
0x664: {  	[tilespmem:$0x6CD8] =	vst v0  }
0x665: {  	[tilespmem:$0x6CC8] =	vst v0  }
0x666: {  	[tilespmem:$0x6CB8] =	vst v0  }
0x667: {  	[tilespmem:$0x6CA8] =	vst v0  }
0x668: {  	[tilespmem:$0x6C98] =	vst v0  }
0x669: {  	[tilespmem:$0x6C88] =	vst v0  }
0x66a: {  	[tilespmem:$0x6C78] =	vst v0  }
0x66b: {  	[tilespmem:$0x6C68] =	vst v0  }
0x66c: {  	[tilespmem:$0x6C58] =	vst v0  }
0x66d: {  	[tilespmem:$0x6C48] =	vst v0  }
0x66e: {  	[tilespmem:$0x6C38] =	vst v0  }
0x66f: {  	[tilespmem:$0x6C28] =	vst v0  }
0x670: {  	[tilespmem:$0x6C18] =	vst v0  }
0x671: {  	[tilespmem:$0x6C08] =	vst v0  }
0x672: {  	[tilespmem:$0x6BF8] =	vst v0  }
0x673: {  	[tilespmem:$0x6BE8] =	vst v0  }
0x674: {  	[tilespmem:$0x6BD8] =	vst v0  }
0x675: {  	[tilespmem:$0x6BC8] =	vst v0  }
0x676: {  	[tilespmem:$0x6BB8] =	vst v0  }
0x677: {  	[tilespmem:$0x6BA8] =	vst v0  }
0x678: {  	[tilespmem:$0x6B98] =	vst v0  }
0x679: {  	[tilespmem:$0x6B88] =	vst v0  }
0x67a: {  	[tilespmem:$0x6B78] =	vst v0  }
0x67b: {  	[tilespmem:$0x6B68] =	vst v0  }
0x67c: {  	[tilespmem:$0x6B58] =	vst v0  }
0x67d: {  	[tilespmem:$0x6B48] =	vst v0  }
0x67e: {  	[tilespmem:$0x6B38] =	vst v0  }
0x67f: {  	[tilespmem:$0x6B28] =	vst v0  }
0x680: {  	[tilespmem:$0x6B18] =	vst v0  }
0x681: {  	[tilespmem:$0x6B08] =	vst v0  }
0x682: {  	[tilespmem:$0x6AF8] =	vst v0  }
0x683: {  	[tilespmem:$0x6AE8] =	vst v0  }
0x684: {  	[tilespmem:$0x6AD8] =	vst v0  }
0x685: {  	[tilespmem:$0x6AC8] =	vst v0  }
0x686: {  	[tilespmem:$0x6AB8] =	vst v0  }
0x687: {  	[tilespmem:$0x6AA8] =	vst v0  }
0x688: {  	[tilespmem:$0x6A98] =	vst v0  }
0x689: {  	[tilespmem:$0x6A88] =	vst v0  }
0x68a: {  	[tilespmem:$0x6A78] =	vst v0  }
0x68b: {  	[tilespmem:$0x6A68] =	vst v0  }
0x68c: {  	[tilespmem:$0x6A58] =	vst v0  }
0x68d: {  	[tilespmem:$0x6A48] =	vst v0  }
0x68e: {  	[tilespmem:$0x6A38] =	vst v0  }
0x68f: {  	[tilespmem:$0x6A28] =	vst v0  }
0x690: {  	[tilespmem:$0x6A18] =	vst v0  }
0x691: {  	[tilespmem:$0x6A08] =	vst v0  }
0x692: {  	[tilespmem:$0x69F8] =	vst v0  }
0x693: {  	[tilespmem:$0x69E8] =	vst v0  }
0x694: {  	[tilespmem:$0x69D8] =	vst v0  }
0x695: {  	[tilespmem:$0x69C8] =	vst v0  }
0x696: {  	[tilespmem:$0x69B8] =	vst v0  }
0x697: {  	[tilespmem:$0x69A8] =	vst v0  }
0x698: {  	[tilespmem:$0x6998] =	vst v0  }
0x699: {  	[tilespmem:$0x6988] =	vst v0  }
0x69a: {  	[tilespmem:$0x6978] =	vst v0  }
0x69b: {  	[tilespmem:$0x6968] =	vst v0  }
0x69c: {  	[tilespmem:$0x6958] =	vst v0  }
0x69d: {  	[tilespmem:$0x6948] =	vst v0  }
0x69e: {  	[tilespmem:$0x6938] =	vst v0  }
0x69f: {  	[tilespmem:$0x6928] =	vst v0  }
0x6a0: {  	[tilespmem:$0x6918] =	vst v0  }
0x6a1: {  	[tilespmem:$0x6908] =	vst v0  }
0x6a2: {  	[tilespmem:$0x68F8] =	vst v0  }
0x6a3: {  	[tilespmem:$0x68E8] =	vst v0  }
0x6a4: {  	[tilespmem:$0x68D8] =	vst v0  }
0x6a5: {  	[tilespmem:$0x68C8] =	vst v0  }
0x6a6: {  	[tilespmem:$0x68B8] =	vst v0  }
0x6a7: {  	[tilespmem:$0x68A8] =	vst v0  }
0x6a8: {  	[tilespmem:$0x6898] =	vst v0  }
0x6a9: {  	[tilespmem:$0x6888] =	vst v0  }
0x6aa: {  	[tilespmem:$0x6878] =	vst v0  }
0x6ab: {  	[tilespmem:$0x6868] =	vst v0  }
0x6ac: {  	[tilespmem:$0x6858] =	vst v0  }
0x6ad: {  	[tilespmem:$0x6848] =	vst v0  }
0x6ae: {  	[tilespmem:$0x6838] =	vst v0  }
0x6af: {  	[tilespmem:$0x6828] =	vst v0  }
0x6b0: {  	[tilespmem:$0x6818] =	vst v0  }
0x6b1: {  	[tilespmem:$0x6808] =	vst v0  }
0x6b2: {  	[tilespmem:$0x67F8] =	vst v0  }
0x6b3: {  	[tilespmem:$0x67E8] =	vst v0  }
0x6b4: {  	[tilespmem:$0x67D8] =	vst v0  }
0x6b5: {  	[tilespmem:$0x67C8] =	vst v0  }
0x6b6: {  	[tilespmem:$0x67B8] =	vst v0  }
0x6b7: {  	[tilespmem:$0x67A8] =	vst v0  }
0x6b8: {  	[tilespmem:$0x6798] =	vst v0  }
0x6b9: {  	[tilespmem:$0x6788] =	vst v0  }
0x6ba: {  	[tilespmem:$0x6778] =	vst v0  }
0x6bb: {  	[tilespmem:$0x6768] =	vst v0  }
0x6bc: {  	[tilespmem:$0x6758] =	vst v0  }
0x6bd: {  	[tilespmem:$0x6748] =	vst v0  }
0x6be: {  	[tilespmem:$0x6738] =	vst v0  }
0x6bf: {  	[tilespmem:$0x6728] =	vst v0  }
0x6c0: {  	[tilespmem:$0x6718] =	vst v0  }
0x6c1: {  	[tilespmem:$0x6708] =	vst v0  }
0x6c2: {  	[tilespmem:$0x66F8] =	vst v0  }
0x6c3: {  	[tilespmem:$0x66E8] =	vst v0  }
0x6c4: {  	[tilespmem:$0x66D8] =	vst v0  }
0x6c5: {  	[tilespmem:$0x66C8] =	vst v0  }
0x6c6: {  	[tilespmem:$0x66B8] =	vst v0  }
0x6c7: {  	[tilespmem:$0x66A8] =	vst v0  }
0x6c8: {  	[tilespmem:$0x6698] =	vst v0  }
0x6c9: {  	[tilespmem:$0x6688] =	vst v0  }
0x6ca: {  	[tilespmem:$0x6678] =	vst v0  }
0x6cb: {  	[tilespmem:$0x6668] =	vst v0  }
0x6cc: {  	[tilespmem:$0x6658] =	vst v0  }
0x6cd: {  	[tilespmem:$0x6648] =	vst v0  }
0x6ce: {  	[tilespmem:$0x6638] =	vst v0  }
0x6cf: {  	[tilespmem:$0x6628] =	vst v0  }
0x6d0: {  	[tilespmem:$0x6618] =	vst v0  }
0x6d1: {  	[tilespmem:$0x6608] =	vst v0  }
0x6d2: {  	[tilespmem:$0x65F8] =	vst v0  }
0x6d3: {  	[tilespmem:$0x65E8] =	vst v0  }
0x6d4: {  	[tilespmem:$0x65D8] =	vst v0  }
0x6d5: {  	[tilespmem:$0x65C8] =	vst v0  }
0x6d6: {  	[tilespmem:$0x65B8] =	vst v0  }
0x6d7: {  	[tilespmem:$0x65A8] =	vst v0  }
0x6d8: {  	[tilespmem:$0x6598] =	vst v0  }
0x6d9: {  	[tilespmem:$0x6588] =	vst v0  }
0x6da: {  	[tilespmem:$0x6578] =	vst v0  }
0x6db: {  	[tilespmem:$0x6568] =	vst v0  }
0x6dc: {  	[tilespmem:$0x6558] =	vst v0  }
0x6dd: {  	[tilespmem:$0x6548] =	vst v0  }
0x6de: {  	[tilespmem:$0x6538] =	vst v0  }
0x6df: {  	[tilespmem:$0x6528] =	vst v0  }
0x6e0: {  	[tilespmem:$0x6518] =	vst v0  }
0x6e1: {  	[tilespmem:$0x6508] =	vst v0  }
0x6e2: {  	[tilespmem:$0x64F8] =	vst v0  }
0x6e3: {  	[tilespmem:$0x64E8] =	vst v0  }
0x6e4: {  	[tilespmem:$0x64D8] =	vst v0  }
0x6e5: {  	[tilespmem:$0x64C8] =	vst v0  }
0x6e6: {  	[tilespmem:$0x64B8] =	vst v0  }
0x6e7: {  	[tilespmem:$0x64A8] =	vst v0  }
0x6e8: {  	[tilespmem:$0x6498] =	vst v0  }
0x6e9: {  	[tilespmem:$0x6488] =	vst v0  }
0x6ea: {  	[tilespmem:$0x6478] =	vst v0  }
0x6eb: {  	[tilespmem:$0x6468] =	vst v0  }
0x6ec: {  	[tilespmem:$0x6458] =	vst v0  }
0x6ed: {  	[tilespmem:$0x6448] =	vst v0  }
0x6ee: {  	[tilespmem:$0x6438] =	vst v0  }
0x6ef: {  	[tilespmem:$0x6428] =	vst v0  }
0x6f0: {  	[tilespmem:$0x6418] =	vst v0  }
0x6f1: {  	[tilespmem:$0x6408] =	vst v0  }
0x6f2: {  	[tilespmem:$0x63F8] =	vst v0  }
0x6f3: {  	[tilespmem:$0x63E8] =	vst v0  }
0x6f4: {  	[tilespmem:$0x63D8] =	vst v0  }
0x6f5: {  	[tilespmem:$0x63C8] =	vst v0  }
0x6f6: {  	[tilespmem:$0x63B8] =	vst v0  }
0x6f7: {  	[tilespmem:$0x63A8] =	vst v0  }
0x6f8: {  	[tilespmem:$0x6398] =	vst v0  }
0x6f9: {  	[tilespmem:$0x6388] =	vst v0  }
0x6fa: {  	[tilespmem:$0x6378] =	vst v0  }
0x6fb: {  	[tilespmem:$0x6368] =	vst v0  }
0x6fc: {  	[tilespmem:$0x6358] =	vst v0  }
0x6fd: {  	[tilespmem:$0x6348] =	vst v0  }
0x6fe: {  	[tilespmem:$0x6338] =	vst v0  }
0x6ff: {  	[tilespmem:$0x6328] =	vst v0  }
0x700: {  	s6 =	stileid.u32;
	[tilespmem:$0x6318] =	vst v0  }
0x701: {  	s28 =	simm.s32 $0x2;
	s0 =	smul.u32 $0xC, s6;
	[tilespmem:$0x6308] =	vst v0  }
0x702: {  	s29 =	simm.s32 $0x7;
	s30 =	simm.s32 $0x8;
	s4 =	smin.u32 s6, $0x4;
	[tilespmem:$0x62F8] =	vst v0  }
0x703: {  	p0 =	slt.u32 s6, $0x4;
	s0 =	sadd.s32 s4, s0;
	s4 =	simm.s32 $0xD00;
	[tilespmem:$0x62E8] =	vst v0  }
0x704: {  	s11 =	simm.s32 $0x9;
	[tilespmem:$0x62D8] =	vst v0;
	s5 =	sshll.u32 s0, $0x8;
	s4 =	simm.s32 @!p0 $0xC00  }
0x705: {  	s15 =	simm.s32 $0x0;
	p1 =	por $0x0, $0x0;
	[tilespmem:$0x62C8] =	vst v0;
	s0 =	sadd.s32 s4, s5  }
0x706: {  	s16 =	simm.s32 $0xA;
	s20 =	simm.s32 $0x0;
	[tilespmem:$0x62B8] =	vst v0;
	s7 =	smin.u32 s0, $0xC350  }
0x707: {  	s17 =	simm.s32 $0x0;
	s19 =	simm.s32 $0x0;
	[tilespmem:$0x6298] =	vst v0;
	s0 =	ssub.s32 s7, s5  }
0x708: {  	s8 =	sadd.s32 $0x250600, s3;
	s10 =	sadd.s32 $0x6400, s3;
	p0 =	sgt.s32 s0, $0x0;
	[tilespmem:$0x6278] =	vst v0  }
0x709: {  	s6 =	smul.u32 $0x380, s6;
	s3 =	sadd.s32 $0x252000, s3;
	s0 =	simm.s32 @!p0 $0x0;
	[tilespmem:$0x6288] =	vst v0  }
.Ltmp0:
0x70a: {  	[tilespmem:$0x6268] =	vst v0;
	[sflag:s28] =	ssyncpa.u1 $0x0;
	v0 =	vimm.s32 $0xFFFFFFFF;
	s31 =	sand.u32 $0x50, s0;
	(pc) =	sbr.rel .LBB2_1-.Ltmp0, $4  }
0x70b: {  	[tilespmem:$0xE1C8] =	vst v0;
	[sflag:s29] =	ssyncpa.u1 $0x0;
	s4 =	simm.s32 $0x1;
	p0 =	sne.s32 s31, $0x0  }
0x70c: {  	[sflag:s30] =	ssyncpa.u1 $0x0;
	s0 =	sshrl.u32 s0, $0x8;
	s4 =	simm.s32 @!p0 $0x0  }
0x70d: {  	s13 =	sshrl.u32 s6, $0x2;
	[sflag:s11] =	ssyncpa.u1 $0x0;
	s12 =	sadd.s32 s4, s0  }
0x70e: {  	v0 =	vlaneseq.u32;
	s18 =	smov.u32 s5;
	p0 =	por $0x1, $0x1;
	s14 =	sadd.s32 $0x1, s12  }
.LBB2_22:
0x70f: {  	s0 =	sshrl.u32 s29, $0x2  }
.LBB2_24:
0x710: {  	_ =	swait.ge [sflag:s16], s0  }
0x711: {  	s31 =	ssub.s32 $0x0, s0;
	v1 =	vmov s22;
	vm0 =	veq.s32 v0, $0x0;
	[sflag:s16] =	ssyncset.done $0x0  }
0x712: {  	vm15 =	veq.s32 v0, $0x2;
	v1 =	vsel vm0, s28, v1;
	[sflag:s16] =	ssyncadd.s32 s31  }
0x713: {  	v1 =	vsel vm15, s20, v1;
	[sflag:s16] =	ssyncpa.u1 $0x1  }
0x714: {  	[tilespmem:$0xE1C8] =	vst v1  }
.LBB2_25:
0x715: {  	s0 =	sadd.s32 $0x100, s18  }
0x716: {  	s4 =	smov.u32 s5;
	p2 =	slt.s32 s0, s7  }
0x717: {  	s4 =	smov.u32 @p2 s0;
	p2 =	sne.s32 s19, s14  }
.Ltmp1:
0x718: {  	_ = 	snop;
	(pc) =	sbr.rel @!p2 .LBB2_26-.Ltmp1, $4  }
0x719: {  	_ = 	snop  }
0x71a: {  	s20 =	smov.u32 s17  }
0x71b: {  	s31 =	sadd.s32 $0x1, s19;
	s17 =	smov.u32 s18;
	p0 =	por !p0, !p0  }
0x71c: {  	p1 =	por !p1, !p1;
	s19 =	smov.u32 s31;
	s18 =	smov.u32 s4  }
.LBB2_1:
0x71d: {  	p2 =	sge.u32 s19, s12  }
0x71e: {  	s0 =	smov.u32 s18;
	p3 =	sgt.s32 @!p2 s18, $0xC250  }
0x71f: {  	s4 =	sshra.s32 @!p2 s18, $0x1F;
	s6 =	smulhi.u32 @!p2 $0xAAAAAAAB, s19;
	p3 =	por !p3, p2  }
0x720: {  	s4 =	sand.u32 @!p2 s4, s18;
	s0 =	simm.s32 @p3 $0xC250  }
0x721: {  	s0 =	ssub.s32 @!p2 s0, s4;
	s4 =	sshrl.u32 @!p2 s6, $0x1  }
0x722: {  	s22 =	sadd.s32 $0xFFFFFFFF, s19;
	s0 =	sadd.s32 @!p2 $0xFFFF3DB0, s0;
	s4 =	smul.u32 @!p2 $0x3, s4  }
0x723: {  	s21 =	sand.u32 @!p2 $0x7, s18;
	s6 =	sshll.u32 @!p2 s0, $0x2;
	p3 =	sgt.s32 @!p2 s0, $0xFF  }
0x724: {  	s0 =	ssub.s32 @!p2 $0x400, s6;
	s4 =	ssub.s32 @!p2 s19, s4;
	p3 =	por !p3, p2  }
0x725: {  	s6 =	sshrl.u32 @!p2 s18, $0x3;
	s0 =	sshrl.u32 @!p2 s0, $0x2;
	s4 =	sshll.u32 @!p2 s4, $0x8  }
0x726: {  	s6 =	sadd.s32 @!p2 s3, s6;
	s0 =	simm.s32 @!p3 $0x0;
	s4 =	sadd.s32 @!p2 $0xEFF8, s4  }
0x727: {  	[tilespmem:s4], [sflag:$0x8] =	stream.linear.gather @!p2 [hbm4b:s6+s21], s0, $0x38;
	[tilespmem:$0x1F4F8] =	vst v63  }
0x728: {  	p2 =	sge.u32 s22, s12  }
0x729: {  	p3 =	sgt.s32 @!p2 s17, $0xC250  }
0x72a: {  	s0 =	smov.u32 s17;
	s4 =	sshra.s32 @!p2 s17, $0x1F;
	p3 =	por !p3, p2  }
0x72b: {  	s4 =	sand.u32 @!p2 s4, s17;
	s0 =	simm.s32 @p3 $0xC250  }
0x72c: {  	s0 =	ssub.s32 @!p2 s0, s4  }
0x72d: {  	s0 =	sadd.s32 @!p2 $0xFFFF3DB0, s0  }
0x72e: {  	s4 =	sshll.u32 @!p2 s0, $0x2  }
0x72f: {  	p3 =	sgt.s32 @!p2 s0, $0xFF;
	s0 =	ssub.s32 @!p2 $0x400, s4  }
0x730: {  	p3 =	por !p3, p2;
	s0 =	sshrl.u32 @!p2 s0, $0x2  }
0x731: {  	s4 =	simm.s32 @!p2 $0x8;
	s0 =	simm.s32 @!p3 $0x0  }
0x732: {  	_ =	swait.ge @!p2 [sflag:s4], s0  }
0x733: {  	s6 =	sand.u32 @!p2 $0x1, s22;
	s21 =	ssub.s32 @!p2 $0x0, s0;
	[sflag:s4] =	ssyncset.done @!p2 $0x0  }
0x734: {  	s6 =	sshll.u32 @!p2 s6, $0x8;
	[sflag:s4] =	ssyncadd.s32 @!p2 s21;
	s4 =	sshrl.u32 @!p2 s17, $0x3  }
0x735: {  	s6 =	sor.u32 @!p2 $0xF2F8, s6;
	s21 =	sand.u32 @!p2 $0x7, s17;
	s4 =	sadd.s32 @!p2 s8, s4  }
0x736: {  	[tilespmem:s6], [sflag:$0x9] =	stream.linear.gather @!p2 [hbm4b:s4+s21], s0, $0x38;
	[tilespmem:$0x1F4F8] =	vst v63  }
0x737: {  	s21 =	ssub.s32 @!p2 $0xC350, s17  }
0x738: {  	p3 =	slt.s32 @!p2 s21, $0x1  }
0x739: {  	p3 =	por p2, p3  }
.Ltmp2:
0x73a: {  	_ = 	snop;
	(pc) =	sbr.rel @p3 .LBB2_7-.Ltmp2, $1  }
0x73b: {  	_ =	sdelay $0x3  }
0x73c: {  	s0 =	smulhi.u32 $0xAAAAAAAB, s22;
	_ =	sdelay $0x1  }
0x73d: {  	s0 =	sshrl.u32 s0, $0x1  }
0x73e: {  	s0 =	smul.u32 $0x3, s0  }
.Ltmp3:
0x73f: {  	_ = 	snop;
	(pc) =	sbr.rel .LBB2_4-.Ltmp3, $4  }
0x740: {  	s4 =	simm.s32 $0x1;
	s0 =	ssub.s32 s22, s0  }
0x741: {  	p3 =	slt.s32 @!p2 s21, $0x100;
	s4 =	simm.s32 @!p0 $0x0;
	s0 =	sshll.u32 s0, $0x8  }
0x742: {  	p2 =	por !p3, p2;
	s4 =	sshll.u32 s4, $0xF;
	s0 =	sadd.s32 $0xEFF8, s0  }
0x743: {  	s23 =	simm.s32 $0x0;
	s21 =	simm.s32 @p2 $0x100;
	s22 =	sadd.s32 $0xF4F8, s4;
	v1 =	vmov s0  }
.LBB2_3:
0x744: {  	p2 =	sge.s32 s23, s21  }
.Ltmp4:
0x745: {  	_ = 	snop;
	(pc) =	sbr.rel @p2 .LBB2_7-.Ltmp4, $2  }
0x746: {  	_ =	sdelay $0x2  }
0x747: {  	s22 =	sadd.s32 $0x800, s22  }
.LBB2_4:
0x748: {  	p2 =	sle.s32 s21, s23  }
.Ltmp5:
0x749: {  	_ = 	snop;
	(pc) =	sbr.rel @p2 .LBB2_3-.Ltmp5, $2  }
0x74a: {  	_ =	sdelay $0x2  }
0x74b: {  	s24 =	smov.u32 s23;
	s23 =	sadd.s32 $0x10, s23  }
0x74c: {  	s0 =	ssub.s32 s21, s24  }
0x74d: {  	p2 =	slt.s32 s0, $0x10  }
0x74e: {  	s0 =	simm.s32 @!p2 $0x10  }
0x74f: {  	v2 =	vmov s0  }
0x750: {  	vm0 =	vgt.s32 v2, v0;
	_ =	sdelay $0x5  }
0x751: {  	v2 =	vld.idx.msk [tilespmem:v1+s24+$0x0 ss:$0x1], vm0;
	_ =	sdelay $0x2  }
0x752: {  	p2 =	slt.s32 s23, s21;
	s0 =	smov.u32 s21  }
0x753: {  	s4 =	smov.u32 s22;
	s25 =	simm.s32 $0x0;
	s0 =	smov.u32 @p2 s23  }
.LBB2_6:
0x754: {  	(v2sf) =	vpush v2, s25;
	_ =	sdelay $0xc  }
0x755: {  	s25 =	sadd.s32 $0x1, s25  }
0x756: {  	s31 =	sadd.s32 s25, s24  }
0x757: {  	p2 =	slt.s32 s31, s0;
	s6 =	spop (v2sf)  }
.Ltmp6:
0x758: {  	s6 =	sshll.u32 s6, $0x4;
	(pc) =	sbr.rel @p2 .LBB2_6-.Ltmp6, $4  }
0x759: {  	s6 =	sand.u32 $0x1FFFFFF0, s6  }
0x75a: {  	s6 =	sadd.s32 s10, s6  }
0x75b: {  	[tilespmem:s4], [sflag:$0x7] =	stream.linear.gather [hbm4b:s6+s15], $0x70, $0x38;
	[tilespmem:$0x1F4F8] =	vst v63  }
0x75c: {  	s4 =	sadd.s32 $0x80, s4  }
.Ltmp7:
0x75d: {  	_ = 	snop;
	(pc) =	sbr.rel .LBB2_3-.Ltmp7, $1  }
0x75e: {  	_ =	sdelay $0x3  }
.LBB2_7:
0x75f: {  	p2 =	slt.u32 s19, $0x2  }
.Ltmp8:
0x760: {  	_ = 	snop;
	(pc) =	sbr.rel @p2 .LBB2_25-.Ltmp8, $1  }
0x761: {  	_ =	sdelay $0x3  }
0x762: {  	s0 =	ssub.s32 $0xC350, s20;
	p2 =	sgt.s32 s20, $0xC250;
	s4 =	smov.u32 s20  }
0x763: {  	s6 =	sshra.s32 s20, $0x1F;
	p3 =	slt.s32 s0, $0x100;
	s21 =	smov.u32 s0  }
0x764: {  	s4 =	simm.s32 @!p2 $0xC250;
	s6 =	sand.u32 s6, s20;
	s21 =	simm.s32 @!p3 $0x100  }
0x765: {  	s4 =	ssub.s32 s4, s6;
	s26 =	smul.u32 $0x1C0, s21  }
0x766: {  	s4 =	sadd.s32 $0xFFFF3DB0, s4  }
0x767: {  	s9 =	simm.s32 $0x7;
	s29 =	sshll.u32 s4, $0x2;
	s6 =	sshrl.u32 s26, $0x2  }
0x768: {  	p2 =	sgt.s32 s4, $0xFF;
	s30 =	ssub.s32 $0x400, s29;
	_ =	swait.ge [sflag:s9], s6  }
0x769: {  	s6 =	ssub.s32 $0x0, s6;
	s4 =	sshrl.u32 s30, $0x2;
	[sflag:s9] =	ssyncset.done $0x0  }
0x76a: {  	s4 =	simm.s32 @p2 $0x0;
	[sflag:s9] =	ssyncadd.s32 s6  }
0x76b: {  	_ =	swait.ge [sflag:s11], s4  }
0x76c: {  	s4 =	ssub.s32 $0x0, s4;
	[sflag:s11] =	ssyncset.done $0x0  }
0x76d: {  	[sflag:s11] =	ssyncadd.s32 s4  }
0x76e: {  	v1 =	vld [tilespmem:$0xE1C8];
	_ =	sdelay $0x4  }
0x76f: {  	(v2sf) =	vpush v1, $0x0  }
0x770: {  	(v2sf) =	vpush v1, $0x1  }
0x771: {  	(v2sf) =	vpush v1, $0x2;
	_ =	sdelay $0x3  }
0x772: {  	s4 =	sadd.s32 $0x100, s20  }
0x773: {  	p2 =	slt.s32 s7, s4  }
0x774: {  	s4 =	smov.u32 @p2 s7;
	p2 =	sgt.s32 s0, $0x0  }
0x775: {  	s23 =	ssub.s32 s4, s20;
	s0 =	simm.s32 @!p2 $0x0  }
0x776: {  	p2 =	slt.s32 s0, s23  }
0x777: {  	s23 =	smov.u32 @p2 s0  }
0x778: {  	p2 =	slt.s32 s23, $0x1  }
.Ltmp9:
0x779: {  	_ = 	snop;
	(pc) =	sbr.rel @p2 .LBB2_12-.Ltmp9, $4  }
0x77a: {  	s24 =	simm.s32 $0x1  }
0x77b: {  	s24 =	simm.s32 @!p1 $0x0;
	s25 =	spop (v2sf)  }
0x77c: {  	s31 =	sshll.u32 s24, $0x8;
	s28 =	spop (v2sf)  }
0x77d: {  	s21 =	sor.u32 $0xF2F8, s31;
	s20 =	spop (v2sf)  }
0x77e: {  	s0 =	smin.u32 s23, $0x10  }
0x77f: {  	v1 =	vmov s0  }
0x780: {  	p3 =	sgt.s32 s23, $0x10;
	vm1 =	vgt.u32 v1, v0  }
.Ltmp10:
0x781: {  	_ = 	snop;
	(pc) =	sbr.rel @!p3 .LBB2_11-.Ltmp10, $2  }
0x782: {  	_ =	sdelay $0x2  }
0x783: {  	s26 =	simm.s32 $0x10;
	s29 =	sadd.s32 $0xFFFFFFF0, s23;
	s22 =	smov.u32 s21;
	vm0 =	vmmov vm1  }
.LBB2_10:
0x784: {  	s0 =	smin.u32 s29, $0x10;
	s26 =	sadd.s32 $0x10, s26;
	v1 =	vld.msk [tilespmem:s22+$0x0 ss:$0x1], vm1  }
0x785: {  	v2 =	vmov s0;
	p3 =	slt.s32 s26, s23  }
0x786: {  	vm1 =	vgt.u32 v2, v0  }
.Ltmp11:
0x787: {  	(pc) =	sbr.rel @p3 .LBB2_10-.Ltmp11, $3  }
0x788: {  	_ =	sdelay $0x1  }
0x789: {  	v1 =	vshll.u32 v1, $0x4  }
0x78a: {  	s29 =	sadd.s32 $0xFFFFFFF0, s29;
	[tilespmem:s22+$0x0] =	vst.msk vm0, v1;
	s22 =	sadd.s32 $0x10, s22;
	vm0 =	vmmov vm1  }
.LBB2_11:
0x78b: {  	_ =	sdelay $0x4  }
0x78c: {  	v1 =	vld.msk [tilespmem:s22+$0x0 ss:$0x1], vm1;
	_ =	sdelay $0x4  }
0x78d: {  	v1 =	vshll.u32 v1, $0x4  }
0x78e: {  	[tilespmem:s22+$0x0] =	vst.msk vm0, v1  }
.LBB2_12:
0x78f: {  	s0 =	sand.u32 $0x1, s19  }
0x790: {  	p3 =	sne.s32 s28, $0xFFFFFFFF;
	s0 =	sshll.u32 s0, $0x8  }
0x791: {  	v1 =	vld.msk @!p3 [tilespmem:s0+$0xF2F8], $0x1;
	_ =	sdelay $0x4  }
0x792: {  	(v2sf) =	vpush @!p3 v1, $0x0;
	_ =	sdelay $0xc  }
.Ltmp12:
0x793: {  	_ = 	snop;
	(pc) =	sbr.rel @p2 .LBB2_23-.Ltmp12, $4  }
0x794: {  	_ = 	snop  }
0x795: {  	s26 =	spop @!p3 (v2sf)  }
0x796: {  	s20 =	simm.s32 @!p3 $0x0;
	s22 =	smov.u32 s26  }
0x797: {  	[sflag:s16] =	ssyncpa.u1 $0x0;
	s26 =	smov.u32 @p3 s25;
	s22 =	smov.u32 @p3 s28  }
0x798: {  	v1 =	vld.msk [tilespmem:s21+$0x0], $0x1;
	_ =	sdelay $0x4  }
0x799: {  	(v2sf) =	vpush v1, $0x0;
	_ =	sdelay $0xe  }
0x79a: {  	s0 =	sshll.u32 s24, $0xF;
	s23 =	ssub.s32 $0x0, s23;
	s30 =	spop (v2sf)  }
0x79b: {  	s24 =	simm.s32 $0x0;
	s28 =	sadd.s32 $0x1, s23;
	p2 =	seq.s32 s26, s30  }
0x79c: {  	p4 =	seq.s32 s28, $0x0;
	p3 =	sgt.s32 @!p2 s26, $0x0;
	s4 =	smul.u32 @!p2 $0x1C0, s24  }
.Ltmp13:
0x79d: {  	s6 =	smov.u32 s26;
	p3 =	por !p3, p2;
	(pc) =	sbr.rel @p4 .LBB2_15-.Ltmp13, $4  }
0x79e: {  	s25 =	sadd.s32 $0xF528, s0;
	s6 =	simm.s32 @p3 $0x0  }
0x79f: {  	s31 =	simm.s32 @!p2 $0x1;
	s0 =	sshra.s32 @!p2 s4, $0x2;
	s4 =	smin.u32 @!p2 s6, $0x13872  }
0x7a0: {  	s29 =	sadd.s32 $0x1, s21;
	s31 =	smov.u32 @p2 s24;
	s6 =	sand.u32 @!p2 $0x1FFF8, s4  }
0x7a1: {  	s0 =	sadd.s32 @!p2 $0x7158, s0;
	s4 =	sand.u32 @!p2 $0x7, s4;
	s6 =	sadd.s32 @!p2 s1, s6  }
.LBB2_14:
0x7a2: {  	s9 =	smov.u32 s31  }
0x7a3: {  	[tilespmem:s0], [sflag:$0x2] =	stream.linear.gather @!p2 [hbm4b:s6+s4], $0x70, $0x38;
	[tilespmem:$0x1F4F8] =	vst v63  }
0x7a4: {  	s28 =	sadd.s32 $0x1, s28;
	s0 =	smov.u32 s30;
	v1 =	vld.msk [tilespmem:s29+$0x0], $0x1  }
0x7a5: {  	p3 =	seq.s32 s28, $0x0;
	_ =	sdelay $0x3  }
0x7a6: {  	(v2sf) =	vpush v1, $0x0;
	_ =	sdelay $0xe  }
0x7a7: {  	s30 =	spop (v2sf)  }
0x7a8: {  	p2 =	seq.s32 s0, s30  }
0x7a9: {  	p4 =	sgt.s32 @!p2 s0, $0x0;
	s4 =	smul.u32 @!p2 $0x1C0, s31;
	s31 =	sadd.s32 @!p2 $0x1, s31  }
.Ltmp14:
0x7aa: {  	p4 =	por !p4, p2;
	s31 =	smov.u32 @p2 s9;
	(pc) =	sbr.rel @!p3 .LBB2_14-.Ltmp14, $4  }
0x7ab: {  	s0 =	simm.s32 @p4 $0x0;
	s4 =	sshra.s32 @!p2 s4, $0x2  }
0x7ac: {  	s6 =	smin.u32 @!p2 s0, $0x13872;
	s0 =	sadd.s32 @!p2 $0x7158, s4  }
0x7ad: {  	s9 =	sand.u32 @!p2 $0x1FFF8, s6;
	s4 =	sand.u32 @!p2 $0x7, s6  }
0x7ae: {  	s29 =	sadd.s32 $0x1, s29;
	s6 =	sadd.s32 @!p2 s1, s9  }
.LBB2_15:
0x7af: {  	s9 =	smul.u32 $0x1C0, s31  }
0x7b0: {  	[tilespmem:s0], [sflag:$0x2] =	stream.linear.gather @!p2 [hbm4b:s6+s4], $0x70, $0x38;
	[tilespmem:$0x1F4F8] =	vst v63  }
.Ltmp15:
0x7b1: {  	_ = 	snop;
	(pc) =	sbr.rel .LBB2_16-.Ltmp15, $4  }
0x7b2: {  	s31 =	simm.s32 $0x2;
	s30 =	sshrl.u32 s9, $0x2  }
0x7b3: {  	_ =	swait.ge [sflag:s31], s30  }
0x7b4: {  	s0 =	ssub.s32 $0x0, s30;
	[sflag:s31] =	ssyncset.done $0x0  }
0x7b5: {  	s29 =	simm.s32 $0x0;
	[sflag:s31] =	ssyncadd.s32 s0  }
.LBB2_17:
0x7b6: {  	v1 =	vld [tilespmem:s25+$0xFFFFFFD0];
	_ =	sdelay $0x4  }
0x7b7: {  	[tilespmem:s30+$0xE8] =	vst.add.f32.msk $0xffff, v1  }
0x7b8: {  	v1 =	vld [tilespmem:s25+$0xFFFFFFE0];
	_ =	sdelay $0x4  }
0x7b9: {  	[tilespmem:s30+$0xF8] =	vst.add.f32.msk $0xffff, v1  }
0x7ba: {  	v1 =	vld [tilespmem:s25+$0xFFFFFFF0];
	_ =	sdelay $0x4  }
0x7bb: {  	[tilespmem:s30+$0x108] =	vst.add.f32.msk $0xffff, v1  }
0x7bc: {  	v1 =	vld [tilespmem:s25+$0x0];
	_ =	sdelay $0x4  }
0x7bd: {  	[tilespmem:s30+$0x118] =	vst.add.f32.msk $0xffff, v1  }
0x7be: {  	v1 =	vld [tilespmem:s25+$0x10];
	_ =	sdelay $0x4  }
0x7bf: {  	[tilespmem:s30+$0x128] =	vst.add.f32.msk $0xffff, v1  }
0x7c0: {  	v1 =	vld [tilespmem:s25+$0x20];
	_ =	sdelay $0x4  }
0x7c1: {  	[tilespmem:s30+$0x138] =	vst.add.f32.msk $0xffff, v1  }
0x7c2: {  	v1 =	vld [tilespmem:s25+$0x30];
	_ =	sdelay $0x4  }
0x7c3: {  	[tilespmem:s30+$0x148] =	vst.add.f32.msk $0xffff, v1  }
.LBB2_21:
0x7c4: {  	s23 =	sadd.s32 $0x1, s23  }
0x7c5: {  	p2 =	seq.s32 s23, $0x0  }
.Ltmp16:
0x7c6: {  	_ = 	snop;
	(pc) =	sbr.rel @p2 .LBB2_22-.Ltmp16, $2  }
0x7c7: {  	_ =	sdelay $0x2  }
0x7c8: {  	s21 =	sadd.s32 $0x1, s21;
	s25 =	sadd.s32 $0x80, s25;
	s26 =	smov.u32 s28  }
.LBB2_16:
0x7c9: {  	v1 =	vld.msk [tilespmem:s21+$0x0], $0x1;
	_ =	sdelay $0x4  }
0x7ca: {  	(v2sf) =	vpush v1, $0x0;
	_ =	sdelay $0xe  }
0x7cb: {  	s28 =	spop (v2sf)  }
0x7cc: {  	p2 =	sne.s32 s26, s28  }
.Ltmp17:
0x7cd: {  	_ = 	snop;
	(pc) =	sbr.rel @!p2 .LBB2_17-.Ltmp17, $3  }
0x7ce: {  	_ = 	snop  }
0x7cf: {  	s0 =	smul.u32 $0x1C0, s20;
	_ =	sdelay $0x1  }
0x7d0: {  	s30 =	sshra.s32 s0, $0x2  }
0x7d1: {  	p2 =	seq.s32 s26, s22  }
.Ltmp18:
0x7d2: {  	_ = 	snop;
	(pc) =	sbr.rel @!p2 .LBB2_19-.Ltmp18, $1  }
0x7d3: {  	_ =	sdelay $0x3  }
.Ltmp19:
0x7d4: {  	s0 =	sadd.s32 $0xE8, s30;
	(pc) =	sbr.rel .LBB2_20-.Ltmp19, $4  }
0x7d5: {  	[spmem:s13] =	stream.linear.scatter [tilespmem:s0], [sflag:$0x1], $0x70, $0x38;
	[tilespmem:$0x1F4F8] =	vst v63  }
0x7d6: {  	_ =	swait.ge [sflag:s2], $0x70  }
0x7d7: {  	[sflag:s2] =	ssyncset.done $0x0  }
0x7d8: {  	[sflag:s2] =	ssyncadd.s32 $0xFFFFFF90  }
.LBB2_19:
0x7d9: {  	s0 =	smul.u32 $0x1C0, s24;
	_ =	sdelay $0x1  }
0x7da: {  	s0 =	sshra.s32 s0, $0x2  }
0x7db: {  	v1 =	vld [tilespmem:s0+$0x7158];
	_ =	sdelay $0x4  }
0x7dc: {  	[tilespmem:s30+$0xE8] =	vst.add.f32.msk $0xffff, v1  }
0x7dd: {  	v1 =	vld [tilespmem:s0+$0x7168];
	_ =	sdelay $0x4  }
0x7de: {  	[tilespmem:s30+$0xF8] =	vst.add.f32.msk $0xffff, v1  }
0x7df: {  	v1 =	vld [tilespmem:s0+$0x7178];
	_ =	sdelay $0x4  }
0x7e0: {  	[tilespmem:s30+$0x108] =	vst.add.f32.msk $0xffff, v1  }
0x7e1: {  	v1 =	vld [tilespmem:s0+$0x7188];
	_ =	sdelay $0x4  }
0x7e2: {  	[tilespmem:s30+$0x118] =	vst.add.f32.msk $0xffff, v1  }
0x7e3: {  	v1 =	vld [tilespmem:s0+$0x7198];
	_ =	sdelay $0x4  }
0x7e4: {  	[tilespmem:s30+$0x128] =	vst.add.f32.msk $0xffff, v1  }
0x7e5: {  	v1 =	vld [tilespmem:s0+$0x71A8];
	_ =	sdelay $0x4  }
0x7e6: {  	[tilespmem:s30+$0x138] =	vst.add.f32.msk $0xffff, v1  }
0x7e7: {  	v1 =	vld [tilespmem:s0+$0x71B8];
	_ =	sdelay $0x2  }
0x7e8: {  	p2 =	sgt.u32 s26, $0x13872  }
0x7e9: {  	s0 =	sand.u32 @!p2 $0x1FFF8, s26  }
0x7ea: {  	s4 =	sadd.s32 $0xE8, s30;
	s6 =	sand.u32 @!p2 $0x7, s26;
	s0 =	sadd.s32 @!p2 s1, s0;
	[tilespmem:s30+$0x148] =	vst.add.f32.msk $0xffff, v1  }
0x7eb: {  	[hbm4b:s0+s6] =	stream.linear.scatter @!p2 [tilespmem:s4], [sflag:$0xA], $0x70, $0x38;
	[tilespmem:$0x1F4F8] =	vst v63  }
0x7ec: {  	s0 =	simm.s32 $0x0  }
0x7ed: {  	s0 =	simm.s32 @!p2 $0x1C0  }
0x7ee: {  	s29 =	sadd.s32 s0, s29  }
.LBB2_20:
0x7ef: {  	s0 =	sadd.s32 $0x1, s20;
	v1 =	vld [tilespmem:s25+$0xFFFFFFD0]  }
0x7f0: {  	s20 =	sand.u32 $0xFF, s0  }
0x7f1: {  	s0 =	smul.u32 $0x1C0, s20;
	_ =	sdelay $0x1  }
0x7f2: {  	s0 =	sshrl.u32 s0, $0x2  }
0x7f3: {  	[tilespmem:s0+$0xE8] =	vst v1  }
0x7f4: {  	v1 =	vld [tilespmem:s25+$0xFFFFFFE0];
	_ =	sdelay $0x4  }
0x7f5: {  	[tilespmem:s0+$0xF8] =	vst v1  }
0x7f6: {  	v1 =	vld [tilespmem:s25+$0xFFFFFFF0];
	_ =	sdelay $0x4  }
0x7f7: {  	[tilespmem:s0+$0x108] =	vst v1  }
0x7f8: {  	v1 =	vld [tilespmem:s25+$0x0];
	_ =	sdelay $0x4  }
0x7f9: {  	[tilespmem:s0+$0x118] =	vst v1  }
0x7fa: {  	v1 =	vld [tilespmem:s25+$0x10];
	_ =	sdelay $0x4  }
0x7fb: {  	[tilespmem:s0+$0x128] =	vst v1  }
0x7fc: {  	v1 =	vld [tilespmem:s25+$0x20];
	_ =	sdelay $0x4  }
0x7fd: {  	[tilespmem:s0+$0x138] =	vst v1  }
0x7fe: {  	v1 =	vld [tilespmem:s25+$0x30]  }
.Ltmp20:
0x7ff: {  	_ = 	snop;
	(pc) =	sbr.rel .LBB2_21-.Ltmp20, $2  }
0x800: {  	_ =	sdelay $0x2  }
0x801: {  	s24 =	sadd.s32 $0x1, s24;
	[tilespmem:s0+$0x148] =	vst v1  }
.LBB2_23:
.Ltmp21:
0x802: {  	(pc) =	sbr.rel .LBB2_24-.Ltmp21, $4  }
0x803: {  	_ = 	snop  }
0x804: {  	s0 =	simm.s32 $0x2  }
0x805: {  	_ =	swait.ge [sflag:s0], $0x0  }
0x806: {  	s28 =	smov.u32 s26;
	[sflag:s0] =	ssyncset.done $0x0;
	s0 =	simm.s32 $0x0  }
.LBB2_26:
0x807: {  	_ =	sfence.sel $0x180000  }
0x808: {  	s0 =	simm.s32 $0x7;
	[bflag:$0x0] =	sbarrier.arrive $0xFFFF  }
0x809: {  	s25 =	simm.s32 $0x8;
	[sflag:s0] =	ssyncpa.u1 $0x1  }
0x80a: {  	s26 =	simm.s32 $0x9;
	[sflag:s25] =	ssyncpa.u1 $0x1  }
0x80b: {  	s28 =	simm.s32 $0x2;
	[sflag:s26] =	ssyncpa.u1 $0x1  }
0x80c: {  	[sflag:s28] =	ssyncpa.u1 $0x1  }
0x80d: {  	v0 =	vld [tilespmem:$0xE1C8];
	_ =	sdelay $0x4  }
0x80e: {  	(v2sf) =	vpush v0, $0x0  }
0x80f: {  	(v2sf) =	vpush v0, $0x1  }
0x810: {  	(v2sf) =	vpush v0, $0x2;
	_ =	sdelay $0xc  }
0x811: {  	s0 =	spop (v2sf)  }
0x812: {  	s2 =	spop (v2sf)  }
0x813: {  	s3 =	smov.u32 s0;
	p0 =	sne.s32 s0, s2;
	s4 =	spop (v2sf)  }
0x814: {  	s3 =	simm.s32 @!p0 $0xFFFFFFFF;
	p0 =	seq.s32 s4, $0xFFFFFFFF  }
0x815: {  	v2 =	vimm.s32 $0x1;
	v3 =	vlaneseq.u32;
	v1 =	vmov s3;
	p1 =	sne.s32 @!p0 s0, s2  }
0x816: {  	s7 =	stileid.u32;
	v0 =	vperm.xlane v0, v2;
	s0 =	simm.s32 @!p0 $0x1;
	v1 =	vperm.xlane v1, v3;
	p1 =	por !p1, p0  }
0x817: {  	vm0 =	vcmask $0x3F04;
	s3 =	sshll.u32 s7, $0x1;
	s2 =	smul.u32 @!p0 $0x1C0, s4;
	s0 =	simm.s32 @p1 $0x0  }
0x818: {  	s6 =	simm.s32 $0xE1C8;
	v0 =	vsel vm0, v1, v0;
	s0 =	sor.u32 @!p0 s0, s3  }
0x819: {  	s5 =	sor.u32 $0xE00, s3;
	s2 =	sshra.s32 @!p0 s2, $0x2;
	[tilespmem:$0xE1C8] =	vst v0;
	s0 =	smul.u32 @!p0 $0x1C0, s0  }
0x81a: {  	[spmem:s5] =	stream.linear.scatter [tilespmem:s6], [sflag:$0x1], $0x2, $0x38;
	[tilespmem:$0x1F4F8] =	vst v63  }
0x81b: {  	s2 =	sadd.s32 @!p0 $0xE8, s2;
	s0 =	sshrl.u32 @!p0 s0, $0x2  }
0x81c: {  	[spmem:s0] =	stream.linear.scatter @!p0 [tilespmem:s2], [sflag:$0x1], $0x70, $0x38;
	[tilespmem:$0x1F4F8] =	vst v63  }
0x81d: {  	s2 =	simm.s32 @!p0 $0x72  }
0x81e: {  	s0 =	simm.s32 $0x1;
	s2 =	simm.s32 @p0 $0x2  }
0x81f: {  	_ =	swait.ge [sflag:s0], s2  }
0x820: {  	s2 =	ssub.s32 $0x0, s2;
	[sflag:s0] =	ssyncset.done $0x0  }
0x821: {  	[sflag:s0] =	ssyncadd.s32 s2  }
0x822: {  	_ =	sfence.stream.spmem  }
0x823: {  	s29 =	simm.s32 $0x3;
	[bflag:$0x0] =	sbarrier.arrive $0xFFFF  }
0x824: {  	s30 =	simm.s32 $0x4;
	[sflag:s29] =	ssyncpa.u1 $0x1  }
0x825: {  	s31 =	simm.s32 $0x3C;
	[sflag:s30] =	ssyncpa.u1 $0x1  }
0x826: {  	p0 =	sne.s32 s7, $0x0;
	[sflag:s31] =	ssyncpa.u1 $0x1  }
0x827: {  	_ =	sfence @p0  }
0x828: {  	[sflag:s0] =	ssyncpa.u1 @p0 $0x1  }
0x829: {  	_ =	strace @p0 $0x90000053  }
0x82a: {  	[bflag:$0x2] =	sbarrier.arrive @p0 $0xFFFF  }
0x82b: {  	_ =	shalt @p0  }
.LBB2_27:
0x82c: {  	_ =	sfence.stream.spmem;
	s0 =	simm.s32 $0x5  }
0x82d: {  	s2 =	simm.s32 $0xE00;
	s3 =	simm.s32 $0xE1D8;
	[sflag:s0] =	ssyncpa.u1 $0x0  }
0x82e: {  	[tilespmem:s3], [sflag:$0x5] =	stream.linear.gather [spmem:s2], $0x20, $0x38;
	[tilespmem:$0x1F4F8] =	vst v63  }
0x82f: {  	s30 =	simm.s32 $0xE1F8;
	s2 =	simm.s32 $0x0  }
0x830: {  	[tilespmem:s30], [sflag:$0x5] =	stream.linear.gather [spmem:s2], $0xE00, $0x38;
	[tilespmem:$0x1F4F8] =	vst v63  }
.Ltmp22:
0x831: {  	_ = 	snop;
	(pc) =	sbr.rel .LBB2_28-.Ltmp22, $4  }
0x832: {  	_ =	swait.ge [sflag:s0], $0xE20  }
0x833: {  	[sflag:s0] =	ssyncset.done $0x0  }
0x834: {  	s31 =	simm.s32 $0x6;
	[sflag:s0] =	ssyncadd.s32 $0xFFFFF1E0  }
0x835: {  	s3 =	simm.s32 $0x0;
	[sflag:s31] =	ssyncpa.u1 $0x0  }
.LBB2_34:
0x836: {  	p0 =	slt.u32 s4, $0x13873  }
0x837: {  	s0 =	sand.u32 @p0 $0x1FFF8, s4  }
0x838: {  	s4 =	sand.u32 @p0 $0x7, s4;
	s5 =	simm.s32 @p0 $0xE158;
	s0 =	sadd.s32 @p0 s1, s0  }
0x839: {  	[tilespmem:s5], [sflag:$0x6] =	stream.linear.gather @p0 [hbm4b:s0+s4], $0x70, $0x38;
	[tilespmem:$0x1F4F8] =	vst v63  }
0x83a: {  	s0 =	simm.s32 @p0 $0x6  }
0x83b: {  	_ =	swait.ge @p0 [sflag:s0], $0x70  }
0x83c: {  	[sflag:s0] =	ssyncset.done @p0 $0x0  }
0x83d: {  	[sflag:s0] =	ssyncadd.s32 @p0 $0xFFFFFF90  }
0x83e: {  	v1 =	vld @p0 [tilespmem:$0xE158];
	_ =	sdelay $0x1  }
0x83f: {  	s0 =	smul.u32 @p0 $0x1C0, s3;
	_ =	sdelay $0x1  }
0x840: {  	s4 =	sshra.s32 @p0 s0, $0x2  }
0x841: {  	[tilespmem:s4+$0xE1F8] =	vst.add.f32.msk @p0 $0xffff, v1  }
0x842: {  	v1 =	vld @p0 [tilespmem:$0xE168];
	_ =	sdelay $0x4  }
0x843: {  	[tilespmem:s4+$0xE208] =	vst.add.f32.msk @p0 $0xffff, v1  }
0x844: {  	v1 =	vld @p0 [tilespmem:$0xE178];
	_ =	sdelay $0x4  }
0x845: {  	[tilespmem:s4+$0xE218] =	vst.add.f32.msk @p0 $0xffff, v1  }
0x846: {  	v1 =	vld @p0 [tilespmem:$0xE188];
	_ =	sdelay $0x4  }
0x847: {  	[tilespmem:s4+$0xE228] =	vst.add.f32.msk @p0 $0xffff, v1  }
0x848: {  	v1 =	vld @p0 [tilespmem:$0xE198];
	_ =	sdelay $0x4  }
0x849: {  	[tilespmem:s4+$0xE238] =	vst.add.f32.msk @p0 $0xffff, v1  }
0x84a: {  	v1 =	vld @p0 [tilespmem:$0xE1A8];
	_ =	sdelay $0x4  }
0x84b: {  	[tilespmem:s4+$0xE248] =	vst.add.f32.msk @p0 $0xffff, v1  }
0x84c: {  	v1 =	vld @p0 [tilespmem:$0xE1B8];
	_ =	sdelay $0x2  }
0x84d: {  	s5 =	smul.u32 @!p0 $0x1C0, s3;
	_ =	sdelay $0x1  }
0x84e: {  	s5 =	smov.u32 @p0 s0;
	[tilespmem:s4+$0xE258] =	vst.add.f32.msk @p0 $0xffff, v1  }
0x84f: {  	s0 =	sshra.s32 s5, $0x2;
	[tilespmem:s2+$0xE1D8] =	vst.msk $0x1, v0  }
0x850: {  	v0 =	vld [tilespmem:s0+$0xE1F8];
	_ =	sdelay $0x1  }
0x851: {  	s31 =	smul.u32 $0x1C0, s2;
	_ =	sdelay $0x1  }
0x852: {  	s4 =	sshra.s32 s31, $0x2  }
0x853: {  	[tilespmem:s4+$0xE1F8] =	vst v0  }
0x854: {  	v0 =	vld [tilespmem:s0+$0xE208];
	_ =	sdelay $0x4  }
0x855: {  	[tilespmem:s4+$0xE208] =	vst v0  }
0x856: {  	v0 =	vld [tilespmem:s0+$0xE218];
	_ =	sdelay $0x4  }
0x857: {  	[tilespmem:s4+$0xE218] =	vst v0  }
0x858: {  	v0 =	vld [tilespmem:s0+$0xE228];
	_ =	sdelay $0x4  }
0x859: {  	[tilespmem:s4+$0xE228] =	vst v0  }
0x85a: {  	v0 =	vld [tilespmem:s0+$0xE238];
	_ =	sdelay $0x4  }
0x85b: {  	[tilespmem:s4+$0xE238] =	vst v0  }
0x85c: {  	v0 =	vld [tilespmem:s0+$0xE248];
	_ =	sdelay $0x4  }
0x85d: {  	[tilespmem:s4+$0xE248] =	vst v0  }
0x85e: {  	v0 =	vld [tilespmem:s0+$0xE258];
	_ =	sdelay $0x4  }
0x85f: {  	s2 =	sadd.s32 $0x1, s2;
	[tilespmem:s4+$0xE258] =	vst v0  }
.LBB2_35:
0x860: {  	s3 =	sadd.s32 $0x1, s3  }
0x861: {  	p0 =	sne.s32 s3, $0x20  }
.Ltmp23:
0x862: {  	_ = 	snop;
	(pc) =	sbr.rel @!p0 .LBB2_36-.Ltmp23, $1  }
0x863: {  	_ =	sdelay $0x3  }
.LBB2_28:
0x864: {  	v0 =	vld.msk [tilespmem:s3+$0xE1D8], $0x1;
	_ =	sdelay $0x4  }
0x865: {  	(v2sf) =	vpush v0, $0x0;
	_ =	sdelay $0xe  }
0x866: {  	s4 =	spop (v2sf)  }
0x867: {  	p0 =	seq.s32 s4, $0xFFFFFFFF  }
.Ltmp24:
0x868: {  	_ = 	snop;
	(pc) =	sbr.rel @p0 .LBB2_35-.Ltmp24, $1  }
0x869: {  	_ =	sdelay $0x3  }
0x86a: {  	p0 =	slt.s32 s2, $0x1  }
.Ltmp25:
0x86b: {  	_ = 	snop;
	(pc) =	sbr.rel @p0 .LBB2_34-.Ltmp25, $1  }
0x86c: {  	_ =	sdelay $0x3  }
0x86d: {  	s5 =	simm.s32 $0xE1D8;
	p0 =	por $0x0, $0x0  }
0x86e: {  	v1 =	vld.msk @!p0 [tilespmem:s5+$0x0], $0x1;
	_ =	sdelay $0x4  }
0x86f: {  	(v2sf) =	vpush @!p0 v1, $0x0;
	_ =	sdelay $0xd  }
0x870: {  	p2 =	sne.s32 s2, $0x1  }
.Ltmp26:
0x871: {  	s0 =	spop @!p0 (v2sf);
	(pc) =	sbr.rel @!p2 .LBB2_32-.Ltmp26, $4  }
0x872: {  	p1 =	seq.s32 @!p0 s4, s0  }
0x873: {  	s6 =	simm.s32 $0x0;
	p1 =	por !p1, p0  }
0x874: {  	s0 =	simm.s32 $0xFFFFFFFF;
	s6 =	simm.s32 @p1 $0xFFFFFFFF  }
0x875: {  	s7 =	simm.s32 $0x1;
	s6 =	smov.u32 @p0 s0  }
.LBB2_31:
0x876: {  	s0 =	smov.u32 s6;
	p0 =	sne.s32 s6, $0xFFFFFFFF  }
0x877: {  	s5 =	sadd.s32 $0x1, s5;
	s6 =	smov.u32 s7;
	s7 =	sadd.s32 $0x1, s7  }
0x878: {  	p1 =	sne.s32 s2, s7;
	v1 =	vld.msk @!p0 [tilespmem:s5+$0x0], $0x1;
	_ =	sdelay $0x4  }
0x879: {  	(v2sf) =	vpush @!p0 v1, $0x0;
	_ =	sdelay $0xe  }
.Ltmp27:
0x87a: {  	s8 =	spop @!p0 (v2sf);
	(pc) =	sbr.rel @p1 .LBB2_31-.Ltmp27, $4  }
0x87b: {  	p2 =	seq.s32 @!p0 s4, s8  }
0x87c: {  	p2 =	por !p2, p0  }
0x87d: {  	s6 =	simm.s32 @p2 $0xFFFFFFFF  }
0x87e: {  	s6 =	smov.u32 @p0 s0  }
.LBB2_32:
0x87f: {  	p0 =	seq.s32 s6, $0xFFFFFFFF  }
.Ltmp28:
0x880: {  	_ = 	snop;
	(pc) =	sbr.rel @p0 .LBB2_34-.Ltmp28, $1  }
0x881: {  	_ =	sdelay $0x3  }
0x882: {  	s0 =	smul.u32 $0x1C0, s3;
	_ =	sdelay $0x1  }
0x883: {  	s0 =	sshra.s32 s0, $0x2  }
0x884: {  	v0 =	vld [tilespmem:s0+$0xE1F8];
	_ =	sdelay $0x1  }
0x885: {  	s4 =	smul.u32 $0x1C0, s6;
	_ =	sdelay $0x1  }
0x886: {  	s4 =	sshra.s32 s4, $0x2  }
0x887: {  	[tilespmem:s4+$0xE1F8] =	vst.add.f32.msk $0xffff, v0  }
0x888: {  	v0 =	vld [tilespmem:s0+$0xE208];
	_ =	sdelay $0x4  }
0x889: {  	[tilespmem:s4+$0xE208] =	vst.add.f32.msk $0xffff, v0  }
0x88a: {  	v0 =	vld [tilespmem:s0+$0xE218];
	_ =	sdelay $0x4  }
0x88b: {  	[tilespmem:s4+$0xE218] =	vst.add.f32.msk $0xffff, v0  }
0x88c: {  	v0 =	vld [tilespmem:s0+$0xE228];
	_ =	sdelay $0x4  }
0x88d: {  	[tilespmem:s4+$0xE228] =	vst.add.f32.msk $0xffff, v0  }
0x88e: {  	v0 =	vld [tilespmem:s0+$0xE238];
	_ =	sdelay $0x4  }
0x88f: {  	[tilespmem:s4+$0xE238] =	vst.add.f32.msk $0xffff, v0  }
0x890: {  	v0 =	vld [tilespmem:s0+$0xE248];
	_ =	sdelay $0x4  }
0x891: {  	[tilespmem:s4+$0xE248] =	vst.add.f32.msk $0xffff, v0  }
0x892: {  	v0 =	vld [tilespmem:s0+$0xE258]  }
.Ltmp29:
0x893: {  	_ = 	snop;
	(pc) =	sbr.rel .LBB2_35-.Ltmp29, $2  }
0x894: {  	_ =	sdelay $0x2  }
0x895: {  	[tilespmem:s4+$0xE258] =	vst.add.f32.msk $0xffff, v0  }
.LBB2_36:
0x896: {  	p0 =	slt.s32 s2, $0x1  }
.Ltmp30:
0x897: {  	_ = 	snop;
	(pc) =	sbr.rel @p0 .LBB2_40-.Ltmp30, $3  }
0x898: {  	_ =	sdelay $0x1  }
0x899: {  	s0 =	simm.s32 $0x6  }
0x89a: {  	s3 =	simm.s32 $0x0;
	[sflag:s0] =	ssyncpa.u1 $0x1  }
0x89b: {  	s0 =	simm.s32 $0xE1D8  }
0x89c: {  	v0 =	vld.msk [tilespmem:s0+$0x0], $0x1;
	_ =	sdelay $0x4  }
0x89d: {  	(v2sf) =	vpush v0, $0x0;
	_ =	sdelay $0xd  }
0x89e: {  	s2 =	sadd.s32 $0xFFFFFFFF, s2  }
0x89f: {  	p1 =	sne.s32 s2, $0x0;
	s0 =	spop (v2sf)  }
.Ltmp31:
0x8a0: {  	p0 =	sgt.u32 s0, $0x13872;
	(pc) =	sbr.rel @!p1 .LBB2_39-.Ltmp31, $4  }
0x8a1: {  	s4 =	simm.s32 $0xE1F8;
	s5 =	sand.u32 @!p0 $0x1FFF8, s0  }
0x8a2: {  	s6 =	simm.s32 $0x0;
	s0 =	sand.u32 @!p0 $0x7, s0;
	s5 =	sadd.s32 @!p0 s1, s5  }
0x8a3: {  	[hbm4b:s5+s0] =	stream.linear.scatter @!p0 [tilespmem:s4], [sflag:$0x5], $0x70, $0x38;
	[tilespmem:$0x1F4F8] =	vst v63  }
0x8a4: {  	s6 =	simm.s32 @!p0 $0x1C0;
	s5 =	simm.s32 $0xE1D9  }
.LBB2_38:
0x8a5: {  	v0 =	vld.msk [tilespmem:s5+$0x0], $0x1;
	s2 =	sadd.s32 $0xFFFFFFFF, s2;
	s3 =	sadd.s32 s3, s6  }
0x8a6: {  	p0 =	sne.s32 s2, $0x0;
	_ =	sdelay $0x3  }
0x8a7: {  	(v2sf) =	vpush v0, $0x0;
	_ =	sdelay $0xe  }
.Ltmp32:
0x8a8: {  	s0 =	spop (v2sf);
	(pc) =	sbr.rel @p0 .LBB2_38-.Ltmp32, $4  }
0x8a9: {  	s6 =	simm.s32 $0x0;
	p1 =	sgt.u32 s0, $0x13872  }
0x8aa: {  	s4 =	sadd.s32 $0x70, s4;
	s6 =	simm.s32 @!p1 $0x1C0;
	s7 =	sand.u32 @!p1 $0x1FFF8, s0  }
0x8ab: {  	s5 =	sadd.s32 $0x1, s5;
	s0 =	sand.u32 @!p1 $0x7, s0;
	s7 =	sadd.s32 @!p1 s1, s7  }
0x8ac: {  	[hbm4b:s7+s0] =	stream.linear.scatter @!p1 [tilespmem:s4], [sflag:$0x5], $0x70, $0x38;
	[tilespmem:$0x1F4F8] =	vst v63  }
.LBB2_39:
0x8ad: {  	s0 =	sadd.s32 s3, s6  }
0x8ae: {  	s3 =	sshrl.u32 s0, $0x2  }
.LBB2_40:
0x8af: {  	s0 =	simm.s32 $0x5  }
0x8b0: {  	_ =	swait.ge [sflag:s0], s3  }
0x8b1: {  	s1 =	ssub.s32 $0x0, s3;
	[sflag:s0] =	ssyncset.done $0x0  }
0x8b2: {  	[sflag:s0] =	ssyncadd.s32 s1  }
0x8b3: {  	[sflag:s0] =	ssyncpa.u1 $0x1  }
0x8b4: {  	s30 =	simm.s32 $0x1;
	_ =	sfence  }
0x8b5: {  	[sflag:s30] =	ssyncpa.u1 $0x1  }
0x8b6: {  	_ =	strace $0x90000053  }
0x8b7: {  	[bflag:$0x2] =	sbarrier.arrive $0xFFFF  }
0x8b8: {  	s31 =	rddreg [dreg:$0x2]  }
0x8b9: {  	s0 =	sadd.s32 $0x100000, s31  }
0x8ba: {  	[sflag:s0] =	ssyncadd.tile.s32 $0x1;
	_ =	shalt  }
.Lfunc_end2:
_tile_overlayer_lowered:
.L_overlay_start_2:
0x8bb: {  	(tag) =	ssettag $0x2  }
0x8bc: {  	s0 =	rddreg [dreg:$0x0];
	s2 =	stileid.u32  }
0x8bd: {  	s1 =	rddreg [dreg:$0x1];
	p0 =	sne.s32 s2, $0x0  }
0x8be: {  	s3 =	rddreg [dreg:$0x2];
	[bflag:$0x3] =	sbarrier.arrive $0xFFFF;
	s2 =	simm.s32 @!p0 $0x1C01  }
0x8bf: {  	[timem:s3], [sflag:s2] =	dma.local @!p0 [hbm:s0], s1  }
0x8c0: {  	s0 =	simm.s32 @!p0 $0x1  }
0x8c1: {  	_ =	swait.ge @!p0 [sflag:s0], s1  }
0x8c2: {  	s1 =	ssub.s32 @!p0 $0x0, s1;
	[sflag:s0] =	ssyncset.done @!p0 $0x0  }
0x8c3: {  	[sflag:s0] =	ssyncadd.s32 @!p0 s1  }
0x8c4: {  	[bflag:$0x3] =	sbarrier.arrive $0xFFFF  }
0x8c5: {  	_ =	shalt  }

// kernel: scatter_offload_async_start.2
scs
__scs_entry_jumppad:
0x0: {  	(pc) =	sbr.rel $0x88, $3  }
0x1: {  	(tag) =	ssettag $0x0;
	lr =	simm.s32 $0x1  }
0x2: {  	[smem:$0x3F6F] =	sst lr;
	_ =	strace $0xD0000000  }
0x3: {  	_ = 	snop  }
0x4: {  	_ = 	snop  }
0x5: {  	_ = 	snop  }
0x6: {  	_ = 	snop  }
0x7: {  	_ = 	snop  }
__scs_overlays_trampoline_lowered:
0x8: {  	[smem:$0x3F7E] =	sst s0  }
0x9: {  	[smem:$0x3F7F] =	sst s1  }
0xa: {  	[smem:$0x3F80] =	sst s2  }
0xb: {  	[smem:$0x3F81] =	sst s3  }
0xc: {  	[smem:$0x3F82] =	sst s4  }
0xd: {  	[smem:$0x3F83] =	sst s5  }
0xe: {  	[smem:$0x3F84] =	sst s6  }
0xf: {  	[smem:$0x3F85] =	sst s7  }
0x10: {  	[smem:$0x3F86] =	sst s8  }
0x11: {  	[smem:$0x3F87] =	sst s9;
	s0 =	simm.s32 @!p0 $0x0  }
0x12: {  	s1 =	sld [smem:$0x3F6D];
	s0 =	simm.s32 @p0 $0x1  }
0x13: {  	[smem:$0x3F88] =	sst s0;
	s0 =	simm.s32 @!p1 $0x0  }
0x14: {  	s2 =	sld [smem:$0x3F6C];
	s0 =	simm.s32 @p1 $0x1  }
0x15: {  	[smem:$0x3F89] =	sst s0;
	s0 =	simm.s32 @!p2 $0x0  }
0x16: {  	s3 =	sld [smem:$0x3FDB];
	s0 =	simm.s32 @p2 $0x1  }
0x17: {  	s4 =	simm.s32 $0x1BF5;
	[smem:$0x3F8B] =	sst s0  }
0x18: {  	s0 =	sld [smem:$0x3F6E];
	_ =	swait.ge [sflag:s4], $0x0  }
0x19: {  	s7 =	sld [smem:$0x3F6F]  }
0x1a: {  	s8 =	sadd.s32 $0xFFFFE003, lr  }
0x1b: {  	s9 =	sadd.s32 $0xFFFFFEF7, lr;
	s5 =	simm.s32 $0xFFFFFFFF;
	p2 =	slt.u32 s8, $0xFFFFF086  }
0x1c: {  	p1 =	slt.u32 s9, $0xF7A;
	s5 =	simm.s32 @!p2 $0x0  }
0x1d: {  	s5 =	simm.s32 @p1 $0x1;
	p0 =	seq.s32 s7, s2  }
0x1e: {  	s7 =	smul.u32 @!p0 $0xF7A, s2;
	p2 =	seq.s32 @!p0 s5, $0x0  }
0x1f: {  	s9 =	smul.u32 $0xF7A, s1;
	s8 =	simm.s32 @!p0 $0x1BF5;
	p2 =	por !p2, p0  }
0x20: {  	[sflag:s8] =	ssyncset.s32 @!p0 $0xFFFFF086;
	s6 =	sadd.s32 @!p0 s3, s7;
	s7 =	simm.s32 @!p0 $0x108  }
0x21: {  	s3 =	sadd.s32 s3, s9;
	s6 =	sadd.s32 @!p0 $0x88, s6;
	s7 =	simm.s32 @p2 $0x1082  }
0x22: {  	[simem:s7], [sflag:s8] =	dma.local @!p0 [hbm:s6], $0xF7A  }
0x23: {  	s9 =	sor.u32 $0xD0000000, s2;
	s6 =	simm.s32 $0x108;
	_ =	swait.ge @!p0 [sflag:s8], $0x0  }
0x24: {  	s3 =	sadd.s32 $0x88, s3;
	s6 =	simm.s32 @!p1 $0x1082;
	[sflag:s4] =	ssyncset.s32 $0xFFFFF086  }
0x25: {  	[simem:s6], [sflag:s4] =	dma.local [hbm:s3], $0xF7A  }
0x26: {  	[smem:$0x3F6F] =	sst s1;
	(tag) =	ssettag s2;
	_ =	strace s9  }
0x27: {  	s1 =	sld [smem:$0x3F7F]  }
0x28: {  	s2 =	sld [smem:$0x3F80]  }
0x29: {  	s4 =	sld [smem:$0x3F82]  }
0x2a: {  	p0 =	seq.s32 s5, $0x0;
	s5 =	sld [smem:$0x3F83]  }
0x2b: {  	s6 =	sld [smem:$0x3F84]  }
0x2c: {  	s7 =	sld [smem:$0x3F85]  }
0x2d: {  	s3 =	simm.s32 $0x108;
	s8 =	sld [smem:$0x3F86]  }
0x2e: {  	s3 =	simm.s32 @!p0 $0x1082;
	s9 =	sld [smem:$0x3F87]  }
0x2f: {  	lr =	sadd.s32 s0, s3;
	s0 =	sld [smem:$0x3F7E]  }
0x30: {  	s3 =	sld [smem:$0x3F81]  }
0x31: {  	[smem:$0x3F8A] =	sst s10  }
0x32: {  	s10 =	sld [smem:$0x3F88];
	_ =	sdelay $0x3  }
0x33: {  	p0 =	seq.s32 s10, $0x1;
	s10 =	sld [smem:$0x3F8A];
	_ =	sdelay $0x3  }
0x34: {  	[smem:$0x3F8A] =	sst s10  }
0x35: {  	s10 =	sld [smem:$0x3F89];
	_ =	sdelay $0x3  }
0x36: {  	p1 =	seq.s32 s10, $0x1;
	s10 =	sld [smem:$0x3F8A];
	_ =	sdelay $0x3  }
0x37: {  	[smem:$0x3F8A] =	sst s10  }
0x38: {  	s10 =	sld [smem:$0x3F8B]  }
0x39: {  	_ = 	snop;
	(pc) =	sbr.ind lr, $3  }
0x3a: {  	_ = 	snop  }
0x3b: {  	_ = 	snop  }
0x3c: {  	p2 =	seq.s32 s10, $0x1;
	s10 =	sld [smem:$0x3F8A]  }
0x3d: {  	_ =	shalt  }
0x3e: {  	_ =	shalt  }
0x3f: {  	_ =	shalt  }
0x40: {  	_ =	shalt  }
0x41: {  	_ =	shalt  }
0x42: {  	_ =	shalt  }
0x43: {  	_ =	shalt  }
0x44: {  	_ =	shalt  }
0x45: {  	_ =	shalt  }
0x46: {  	_ =	shalt  }
0x47: {  	_ =	shalt  }
0x48: {  	_ =	shalt  }
0x49: {  	_ =	shalt  }
0x4a: {  	_ =	shalt  }
0x4b: {  	_ =	shalt  }
0x4c: {  	_ =	shalt  }
0x4d: {  	_ =	shalt  }
0x4e: {  	_ =	shalt  }
0x4f: {  	_ =	shalt  }
0x50: {  	_ =	shalt  }
0x51: {  	_ =	shalt  }
0x52: {  	_ =	shalt  }
0x53: {  	_ =	shalt  }
0x54: {  	_ =	shalt  }
0x55: {  	_ =	shalt  }
0x56: {  	_ =	shalt  }
0x57: {  	_ =	shalt  }
0x58: {  	_ =	shalt  }
0x59: {  	_ =	shalt  }
0x5a: {  	_ =	shalt  }
0x5b: {  	_ =	shalt  }
0x5c: {  	_ =	shalt  }
0x5d: {  	_ =	shalt  }
0x5e: {  	_ =	shalt  }
0x5f: {  	_ =	shalt  }
0x60: {  	_ =	shalt  }
0x61: {  	_ =	shalt  }
0x62: {  	_ =	shalt  }
0x63: {  	_ =	shalt  }
0x64: {  	_ =	shalt  }
0x65: {  	_ =	shalt  }
0x66: {  	_ =	shalt  }
0x67: {  	_ =	shalt  }
0x68: {  	_ =	shalt  }
0x69: {  	_ =	shalt  }
0x6a: {  	_ =	shalt  }
0x6b: {  	_ =	shalt  }
0x6c: {  	_ =	shalt  }
0x6d: {  	_ =	shalt  }
0x6e: {  	_ =	shalt  }
0x6f: {  	_ =	shalt  }
0x70: {  	_ =	shalt  }
0x71: {  	_ =	shalt  }
0x72: {  	_ =	shalt  }
0x73: {  	_ =	shalt  }
0x74: {  	_ =	shalt  }
0x75: {  	_ =	shalt  }
0x76: {  	_ =	shalt  }
0x77: {  	_ =	shalt  }
0x78: {  	_ =	shalt  }
0x79: {  	_ =	shalt  }
0x7a: {  	_ =	shalt  }
0x7b: {  	_ =	shalt  }
0x7c: {  	_ =	shalt  }
0x7d: {  	_ =	shalt  }
0x7e: {  	_ =	shalt  }
0x7f: {  	_ =	shalt  }
0x80: {  	_ =	shalt  }
0x81: {  	_ =	shalt  }
0x82: {  	_ =	shalt  }
0x83: {  	_ =	shalt  }
0x84: {  	_ =	shalt  }
0x85: {  	_ =	shalt  }
0x86: {  	_ =	shalt  }
0x87: {  	_ =	shalt  }
.Lfunc_end0:
.L_simem_size_0:
called_computation.2_lowered:
.L_overlay_start_0:
0x88: {  	s0 =	sld [smem:$0x3FD9]  }
0x89: {  	s1 =	sld [smem:$0x3FFE];
	_ =	sdelay $0x3  }
0x8a: {  	s0 =	sadd.s32 s1, s0  }
0x8b: {  	[smem:$0x3F96] =	sst s0  }
0x8c: {  	_ = 	snop  }
0x8d: {  	(tm) =	ssettm $0x1  }
0x8e: {  	s15 =	sld [smem:$0x3FFB];
	_ =	sdelay $0x3  }
0x8f: {  	_ =	strace s15  }
0x90: {  	s0 =	sld [smem:$0x3FFC];
	_ =	sdelay $0x3  }
0x91: {  	_ =	strace s0  }
0x92: {  	s0 =	sld [smem:$0x3FFD];
	_ =	sdelay $0x3  }
0x93: {  	_ =	strace s0  }
0x94: {  	_ =	strace $0x8FFFFFFF  }
0x95: {  	s16 =	sld [smem:$0x3FDB];
	_ =	sdelay $0x1  }
0x96: {  	s17 =	simm.s32 $_scs_section_size  }
0x97: {  	s2 =	simm.s32 $_size__tile_overlayer_lowered;
	s3 =	simm.s32 $_tile_overlayer_lowered  }
0x98: {  	s20 =	simm.s32 $0x1BFF;
	s19 =	sshll.u32 s3, $0x1;
	s0 =	sadd.s32 s17, s16  }
0x99: {  	s4 =	simm.s32 $0x0;
	s18 =	sshll.u32 s2, $0x1;
	s2 =	sadd.s32 s19, s0  }
0x9a: {  	[timem:s4], [sflag:s20] =	dma.local [hbm:s2], s18  }
0x9b: {  	_ =	swait.ge [sflag:s20], s18  }
0x9c: {  	s1 =	ssub.s32 $0x0, s18;
	[sflag:s20] =	ssyncset.done $0x0  }
0x9d: {  	[sflag:s20] =	ssyncadd.s32 s1;
	_ =	sdelay $0x1  }
0x9e: {  	s21 =	simm.s32 $0x1B8B  }
0x9f: {  	_ =	swait.ge [sflag:s21], $0x1  }
0xa0: {  	[sflag:s21] =	ssyncset.done $0x0  }
0xa1: {  	s23 =	simm.s32 $0x1B8E;
	s22 =	sld [smem:$0x3FFE];
	[sflag:s21] =	ssyncadd.s32 $0xFFFFFFFF  }
0xa2: {  	s24 =	simm.s32 $execute0_lowered;
	[smem:$0x3FD2] =	sst s23  }
0xa3: {  	s2 =	sshll.u32 s24, $0x1;
	_ =	strace $0x80000055;
	[dreg:$0x1] =	wrdreg $0xFFFFFFFF  }
0xa4: {  	s25 =	simm.s32 $_size_execute0_lowered;
	s0 =	sadd.s32 s0, s2;
	[dreg:$0x0] =	wrdreg $0x0  }
0xa5: {  	s2 =	sshll.u32 s25, $0x1;
	[dreg:$0x2] =	wrdreg s0  }
0xa6: {  	[dreg:$0x3] =	wrdreg s2  }
0xa7: {  	[dreg:$0x4] =	wrdreg $0xC0  }
0xa8: {  	_ =	task [dreg:s4], $0x5FFFF  }
0xa9: {  	[dreg:$0x1] =	wrdreg $0xFFFFFFFF  }
0xaa: {  	[dreg:$0x0] =	wrdreg $0x60  }
0xab: {  	[dreg:$0x2] =	wrdreg s22  }
0xac: {  	[dreg:$0x3] =	wrdreg $0x9  }
0xad: {  	_ =	task.clear_ibuf [dreg:s4], $0x4FFFF;
	_ =	strace $0x90000055  }
0xae: {  	s26 =	simm.s32 $0x9;
	_ =	strace $0x80000057  }
0xaf: {  	_ =	swait.ge [sflag:s26], $0x1  }
0xb0: {  	[sflag:s26] =	ssyncadd.s32 $0xFFFFFFFF  }
0xb1: {  	_ =	strace $0x90000057  }
0xb2: {  	_ =	sfence  }
0xb3: {  	s28 =	sld [smem:$0x0];
	_ =	sdelay $0x1  }
0xb4: {  	s29 =	srdreg.scid  }
0xb5: {  	s30 =	sshll.u32 s29, $0xD;
	s31 =	sshrl.u32 s29, $0x2  }
0xb6: {  	s1 =	sand.u32 $0x1, s29;
	s2 =	sand.u32 $0x4000, s30;
	s0 =	sadd.s32 s31, s28  }
0xb7: {  	s1 =	sor.u32 s2, s1;
	s0 =	sshll.u32 s0, $0x11  }
0xb8: {  	s0 =	sor.u32 s0, s1  }
0xb9: {  	s0 =	sadd.s32 $0x8F2B, s0  }
0xba: {  	[sflag:s0] =	ssyncadd.remote.s32 $0x1  }
0xbb: {  	_ =	sfence.sel $0xFFFF  }
0xbc: {  	[dreg:$0x0] =	wrdreg $0xFFFFFFFF;
	(pc) =	sbr.abs _section_cstart, $3  }
0xbd: {  	[dreg:$0x1] =	wrdreg $0xFFFFFFFF  }
0xbe: {  	_ =	task.clear_ibuf [dreg:s4], $0x2FFFF;
	_ =	strace $0x9FFFFFFF  }
0xbf: {  	(tm) =	ssettm $0x7FFFFFFF  }
tec
execute0_lowered:
.L_overlay_start_1:
0x0: {  	(tag) =	ssettag $0x1  }
0x1: {  	s0 =	rddreg [dreg:$0x0];
	_ =	strace $0x80000056;
	s1 =	simm.s32 $0x1  }
0x2: {  	s8 =	simm.s32 $0x208;
	v0 =	vimm.s32 $0x0;
	[sflag:s1] =	ssyncpa.u1 $0x0  }
0x3: {  	[tilespmem:s8+$0x70] =	vst v0  }
0x4: {  	[tilespmem:s8+$0x60] =	vst v0  }
0x5: {  	[tilespmem:s8+$0x50] =	vst v0  }
0x6: {  	[tilespmem:s8+$0x40] =	vst v0  }
0x7: {  	[tilespmem:s8+$0x30] =	vst v0  }
0x8: {  	s1 =	sadd.s32 $0x4A6E00, s0;
	s10 =	sadd.s32 $0x49DA00, s0;
	[tilespmem:s8+$0x20] =	vst v0  }
0x9: {  	s4 =	sadd.s32 $0xF4C400, s0;
	s5 =	sadd.s32 $0x4A2400, s0;
	s0 =	simm.s32 $0x40;
	[tilespmem:s8+$0x10] =	vst v0  }
.LBB2_1:
0xa: {  	s0 =	sadd.s32 $0x40, s0;
	[tilespmem:s8+$0x0] =	vst v0;
	s8 =	sadd.s32 $0x80, s8  }
0xb: {  	p0 =	slt.u32 s0, $0x3880;
	[tilespmem:s8+$0x70] =	vst v0  }
0xc: {  	[tilespmem:s8+$0x60] =	vst v0  }
.Ltmp0:
0xd: {  	[tilespmem:s8+$0x50] =	vst v0;
	(pc) =	sbr.rel @p0 .LBB2_1-.Ltmp0, $4  }
0xe: {  	[tilespmem:s8+$0x40] =	vst v0  }
0xf: {  	[tilespmem:s8+$0x30] =	vst v0  }
0x10: {  	[tilespmem:s8+$0x20] =	vst v0  }
0x11: {  	[tilespmem:s8+$0x10] =	vst v0  }
0x12: {  	s3 =	stileid.u32  }
0x13: {  	s0 =	smul.u32 $0x53, s3  }
0x14: {  	s2 =	smin.u32 s3, $0xC  }
0x15: {  	s0 =	sadd.s32 s2, s0  }
0x16: {  	p0 =	slt.u32 s3, $0xC;
	s6 =	smul.u32 $0x70, s0;
	s0 =	simm.s32 $0x24C0  }
0x17: {  	s0 =	simm.s32 @!p0 $0x2450  }
0x18: {  	s0 =	sadd.s32 s0, s6  }
0x19: {  	s7 =	smin.u32 s0, $0x249F0  }
0x1a: {  	s0 =	ssub.s32 s7, s6  }
0x1b: {  	p0 =	sgt.s32 s0, $0x0  }
0x1c: {  	s26 =	simm.s32 $0x2;
	s0 =	simm.s32 @!p0 $0x0  }
0x1d: {  	s29 =	simm.s32 $0x7;
	s30 =	simm.s32 $0x8;
	s28 =	smulhi.u32 $0x92492493, s0  }
0x1e: {  	s31 =	simm.s32 $0x9;
	s11 =	simm.s32 $0x1;
	s21 =	simm.s32 $0x0  }
0x1f: {  	p1 =	por $0x0, $0x0;
	s15 =	simm.s32 $0x80;
	s2 =	sshrl.u32 s28, $0x6  }
0x20: {  	s16 =	simm.s32 $0x400;
	s17 =	simm.s32 $0xA;
	s9 =	smul.u32 $0x70, s2  }
.Ltmp1:
0x21: {  	[tilespmem:s8+$0x0] =	vst v0;
	v0 =	vimm.s32 $0xFFFFFFFF;
	s18 =	simm.s32 $0x0;
	[sflag:s26] =	ssyncpa.u1 $0x0;
	(pc) =	sbr.rel .LBB2_3-.Ltmp1, $4  }
0x22: {  	[tilespmem:$0xE408] =	vst v0;
	[sflag:s29] =	ssyncpa.u1 $0x0;
	p0 =	sne.s32 s0, s9;
	s0 =	simm.s32 $0x1  }
0x23: {  	s20 =	simm.s32 $0x0;
	[sflag:s30] =	ssyncpa.u1 $0x0;
	s0 =	simm.s32 @!p0 $0x0  }
0x24: {  	s13 =	sshll.u32 s3, $0x9;
	[sflag:s31] =	ssyncpa.u1 $0x0;
	s12 =	sadd.s32 s0, s2  }
0x25: {  	v0 =	vlaneseq.u32;
	s19 =	smov.u32 s6;
	p0 =	por $0x1, $0x1;
	s14 =	sadd.s32 $0x1, s12  }
.LBB2_24:
0x26: {  	s0 =	sshrl.u32 s30, $0x2  }
.LBB2_26:
0x27: {  	_ =	swait.ge [sflag:s17], s0  }
0x28: {  	s31 =	ssub.s32 $0x0, s0;
	v1 =	vmov s23;
	vm0 =	veq.s32 v0, $0x0;
	[sflag:s17] =	ssyncset.done $0x0  }
0x29: {  	vm15 =	veq.s32 v0, $0x2;
	v1 =	vsel vm0, s29, v1;
	[sflag:s17] =	ssyncadd.s32 s31  }
0x2a: {  	v1 =	vsel vm15, s21, v1;
	[sflag:s17] =	ssyncpa.u1 $0x1  }
0x2b: {  	[tilespmem:$0xE408] =	vst v1  }
.LBB2_27:
0x2c: {  	s0 =	sadd.s32 $0x70, s19  }
0x2d: {  	s2 =	smov.u32 s6;
	p2 =	slt.s32 s0, s7  }
0x2e: {  	s2 =	smov.u32 @p2 s0;
	p2 =	sne.s32 s20, s14  }
.Ltmp2:
0x2f: {  	_ = 	snop;
	(pc) =	sbr.rel @!p2 .LBB2_28-.Ltmp2, $4  }
0x30: {  	_ = 	snop  }
0x31: {  	s21 =	smov.u32 s18  }
0x32: {  	s31 =	sadd.s32 $0x1, s20;
	s18 =	smov.u32 s19;
	p0 =	por !p0, !p0  }
0x33: {  	p1 =	por !p1, !p1;
	s20 =	smov.u32 s31;
	s19 =	smov.u32 s2  }
.LBB2_3:
0x34: {  	p2 =	sge.u32 s20, s12  }
0x35: {  	s0 =	smulhi.u32 @!p2 $0xAAAAAAAB, s20  }
0x36: {  	s2 =	smov.u32 s19;
	p3 =	sgt.s32 @!p2 s19, $0x24980  }
0x37: {  	s8 =	sshra.s32 @!p2 s19, $0x1F;
	p3 =	por !p3, p2;
	s0 =	sshrl.u32 @!p2 s0, $0x1  }
0x38: {  	s8 =	sand.u32 @!p2 s8, s19;
	s2 =	simm.s32 @p3 $0x24980;
	s0 =	smul.u32 @!p2 $0x3, s0  }
0x39: {  	s2 =	ssub.s32 @!p2 s2, s8  }
0x3a: {  	s2 =	sadd.s32 @!p2 $0xFFFDB680, s2;
	s0 =	ssub.s32 @!p2 s20, s0  }
0x3b: {  	s8 =	sshll.u32 @!p2 s2, $0x2;
	p3 =	sgt.s32 @!p2 s2, $0x6F;
	s0 =	smul.u32 @!p2 $0x1C0, s0  }
0x3c: {  	s9 =	sand.u32 @!p2 $0x7, s19;
	s2 =	ssub.s32 @!p2 $0x1C0, s8;
	p3 =	por !p3, p2  }
0x3d: {  	s8 =	sshrl.u32 @!p2 s19, $0x3;
	s2 =	sshrl.u32 @!p2 s2, $0x2;
	s0 =	sshrl.u32 @!p2 s0, $0x2  }
0x3e: {  	s8 =	sadd.s32 @!p2 s5, s8;
	s2 =	simm.s32 @!p3 $0x0;
	s0 =	sadd.s32 @!p2 $0x10438, s0  }
0x3f: {  	[tilespmem:s0], [sflag:$0x8] =	stream.linear.gather @!p2 [hbm4b:s8+s9], s2, $0x38;
	[tilespmem:$0x1E668] =	vst v63  }
0x40: {  	s0 =	sadd.s32 $0xFFFFFFFF, s20  }
0x41: {  	p2 =	sge.u32 s0, s12  }
0x42: {  	p3 =	sgt.s32 @!p2 s18, $0x24980  }
0x43: {  	s2 =	smov.u32 s18;
	s8 =	sshra.s32 @!p2 s18, $0x1F;
	p3 =	por !p3, p2  }
0x44: {  	s8 =	sand.u32 @!p2 s8, s18;
	s2 =	simm.s32 @p3 $0x24980  }
0x45: {  	s2 =	ssub.s32 @!p2 s2, s8  }
0x46: {  	s2 =	sadd.s32 @!p2 $0xFFFDB680, s2  }
0x47: {  	s8 =	sshll.u32 @!p2 s2, $0x2  }
0x48: {  	p3 =	sgt.s32 @!p2 s2, $0x6F;
	s2 =	ssub.s32 @!p2 $0x1C0, s8  }
0x49: {  	p3 =	por !p3, p2;
	s2 =	sshrl.u32 @!p2 s2, $0x2  }
0x4a: {  	s9 =	simm.s32 @!p2 $0x8;
	s8 =	sand.u32 @!p2 $0x1, s0;
	s2 =	simm.s32 @!p3 $0x0  }
0x4b: {  	s8 =	smul.u32 @!p2 $0x1C0, s8;
	_ =	swait.ge @!p2 [sflag:s9], s2  }
0x4c: {  	s22 =	ssub.s32 @!p2 $0x0, s2;
	[sflag:s9] =	ssyncset.done @!p2 $0x0  }
0x4d: {  	s8 =	sshrl.u32 @!p2 s8, $0x2;
	[sflag:s9] =	ssyncadd.s32 @!p2 s22;
	s9 =	sshrl.u32 @!p2 s18, $0x3  }
0x4e: {  	s8 =	sor.u32 @!p2 $0x10588, s8;
	s22 =	sand.u32 @!p2 $0x7, s18;
	s9 =	sadd.s32 @!p2 s10, s9  }
0x4f: {  	[tilespmem:s8], [sflag:$0x9] =	stream.linear.gather @!p2 [hbm4b:s9+s22], s2, $0x38;
	[tilespmem:$0x1E668] =	vst v63  }
0x50: {  	s22 =	ssub.s32 @!p2 $0x249F0, s18  }
0x51: {  	p3 =	slt.s32 @!p2 s22, $0x1  }
0x52: {  	p3 =	por p2, p3  }
.Ltmp3:
0x53: {  	_ = 	snop;
	(pc) =	sbr.rel @p3 .LBB2_9-.Ltmp3, $1  }
0x54: {  	_ =	sdelay $0x3  }
0x55: {  	s2 =	smulhi.u32 $0xAAAAAAAB, s0;
	_ =	sdelay $0x1  }
0x56: {  	s2 =	sshrl.u32 s2, $0x1  }
0x57: {  	s2 =	smul.u32 $0x3, s2;
	_ =	sdelay $0x1  }
0x58: {  	s29 =	ssub.s32 s0, s2  }
0x59: {  	s8 =	simm.s32 $0x1;
	s0 =	smul.u32 $0x1C0, s29  }
.Ltmp4:
0x5a: {  	s8 =	simm.s32 @!p0 $0x0;
	(pc) =	sbr.rel .LBB2_6-.Ltmp4, $4  }
0x5b: {  	s30 =	smul.u32 $0x1C000, s8  }
0x5c: {  	p3 =	slt.s32 @!p2 s22, $0x70;
	s0 =	sshrl.u32 s0, $0x2  }
0x5d: {  	p2 =	por !p3, p2;
	s2 =	sshrl.u32 s30, $0x2;
	s31 =	sadd.s32 $0x10438, s0  }
0x5e: {  	s22 =	simm.s32 @p2 $0x70;
	s23 =	sor.u32 $0x10668, s2;
	s0 =	simm.s32 $0x0;
	v1 =	vmov s31  }
.LBB2_5:
0x5f: {  	p2 =	sge.s32 s0, s22  }
.Ltmp5:
0x60: {  	_ = 	snop;
	(pc) =	sbr.rel @p2 .LBB2_9-.Ltmp5, $2  }
0x61: {  	_ =	sdelay $0x2  }
0x62: {  	s23 =	sadd.s32 $0x1000, s23  }
.LBB2_6:
0x63: {  	p2 =	sle.s32 s22, s0  }
.Ltmp6:
0x64: {  	_ = 	snop;
	(pc) =	sbr.rel @p2 .LBB2_5-.Ltmp6, $2  }
0x65: {  	_ =	sdelay $0x2  }
0x66: {  	s24 =	smov.u32 s0;
	s0 =	sadd.s32 $0x10, s0  }
0x67: {  	s2 =	ssub.s32 s22, s24  }
0x68: {  	p2 =	slt.s32 s2, $0x10  }
0x69: {  	s2 =	simm.s32 @!p2 $0x10  }
0x6a: {  	v2 =	vmov s2  }
0x6b: {  	vm0 =	vgt.s32 v2, v0;
	_ =	sdelay $0x5  }
0x6c: {  	v2 =	vld.idx.msk [tilespmem:v1+s24+$0x0 ss:$0x1], vm0;
	_ =	sdelay $0x2  }
0x6d: {  	p2 =	slt.s32 s0, s22;
	s2 =	smov.u32 s22  }
0x6e: {  	s8 =	smov.u32 s23;
	s25 =	simm.s32 $0x0;
	s2 =	smov.u32 @p2 s0  }
.LBB2_8:
0x6f: {  	(v2sf) =	vpush v2, s25;
	_ =	sdelay $0xe  }
0x70: {  	s25 =	sadd.s32 $0x1, s25;
	s9 =	spop (v2sf)  }
0x71: {  	s31 =	sadd.s32 s25, s24;
	s26 =	sshll.u32 s9, $0x8;
	s9 =	sshll.u32 s9, $0x7  }
0x72: {  	p2 =	slt.s32 s31, s2;
	s26 =	sand.u32 $0xFFFFF800, s26;
	s9 =	sand.u32 $0x380, s9  }
.Ltmp7:
0x73: {  	s9 =	sor.u32 s9, s26;
	(pc) =	sbr.rel @p2 .LBB2_8-.Ltmp7, $4  }
0x74: {  	s9 =	sshrl.u32 s9, $0x3  }
0x75: {  	s9 =	sadd.s32 s4, s9  }
0x76: {  	[tilespmem:s8], [sflag:$0x7] =	stream.strided.gather [hbm4b:s9+s15], $0x100, s16, s15, $0x38;
	[tilespmem:$0x1E668] =	vst v63  }
0x77: {  	s8 =	sadd.s32 $0x100, s8  }
.Ltmp8:
0x78: {  	_ = 	snop;
	(pc) =	sbr.rel .LBB2_5-.Ltmp8, $1  }
0x79: {  	_ =	sdelay $0x3  }
.LBB2_9:
0x7a: {  	p2 =	slt.u32 s20, $0x2  }
.Ltmp9:
0x7b: {  	_ = 	snop;
	(pc) =	sbr.rel @p2 .LBB2_27-.Ltmp9, $1  }
0x7c: {  	_ =	sdelay $0x3  }
0x7d: {  	p2 =	sgt.s32 s21, $0x24980;
	s0 =	smov.u32 s21  }
0x7e: {  	s2 =	sshra.s32 s21, $0x1F;
	s8 =	ssub.s32 $0x249F0, s21;
	s0 =	simm.s32 @!p2 $0x24980  }
0x7f: {  	s2 =	sand.u32 s2, s21;
	p2 =	slt.s32 s8, $0x70;
	s9 =	smov.u32 s8  }
0x80: {  	s0 =	ssub.s32 s0, s2;
	s9 =	simm.s32 @!p2 $0x70  }
0x81: {  	s0 =	sadd.s32 $0xFFFDB680, s0;
	s25 =	sshll.u32 s9, $0x8  }
0x82: {  	s3 =	simm.s32 $0x7;
	s26 =	sshll.u32 s0, $0x2;
	s2 =	sand.u32 $0x3FFFFF00, s25  }
0x83: {  	p2 =	sgt.s32 s0, $0x6F;
	s28 =	ssub.s32 $0x1C0, s26;
	_ =	swait.ge [sflag:s3], s2  }
0x84: {  	s2 =	ssub.s32 $0x0, s2;
	[sflag:s3] =	ssyncset.done $0x0;
	s0 =	sshrl.u32 s28, $0x2  }
0x85: {  	s30 =	simm.s32 $0x9;
	[sflag:s3] =	ssyncadd.s32 s2;
	s0 =	simm.s32 @p2 $0x0  }
0x86: {  	_ =	swait.ge [sflag:s30], s0  }
0x87: {  	s0 =	ssub.s32 $0x0, s0;
	[sflag:s30] =	ssyncset.done $0x0  }
0x88: {  	[sflag:s30] =	ssyncadd.s32 s0  }
0x89: {  	v1 =	vld [tilespmem:$0xE408];
	_ =	sdelay $0x4  }
0x8a: {  	(v2sf) =	vpush v1, $0x0  }
0x8b: {  	(v2sf) =	vpush v1, $0x1  }
0x8c: {  	(v2sf) =	vpush v1, $0x2;
	_ =	sdelay $0x3  }
0x8d: {  	s0 =	sadd.s32 $0x70, s21  }
0x8e: {  	p2 =	slt.s32 s7, s0  }
0x8f: {  	s0 =	smov.u32 @p2 s7;
	p2 =	sgt.s32 s8, $0x0  }
0x90: {  	s25 =	ssub.s32 s0, s21;
	s8 =	simm.s32 @!p2 $0x0  }
0x91: {  	p2 =	slt.s32 s8, s25  }
0x92: {  	s25 =	smov.u32 @p2 s8  }
0x93: {  	s24 =	simm.s32 $0x1;
	p2 =	slt.s32 s25, $0x1  }
.Ltmp10:
0x94: {  	s24 =	simm.s32 @!p1 $0x0;
	(pc) =	sbr.rel @p2 .LBB2_14-.Ltmp10, $4  }
0x95: {  	s31 =	smul.u32 $0x1C0, s24  }
0x96: {  	s26 =	spop (v2sf)  }
0x97: {  	s0 =	sshrl.u32 s31, $0x2;
	s29 =	spop (v2sf)  }
0x98: {  	s22 =	sor.u32 $0x10588, s0;
	s21 =	spop (v2sf)  }
0x99: {  	s0 =	smin.u32 s25, $0x10  }
0x9a: {  	v1 =	vmov s0  }
0x9b: {  	vm1 =	vgt.u32 v1, v0  }
0x9c: {  	p3 =	sgt.s32 s25, $0x10  }
.Ltmp11:
0x9d: {  	_ = 	snop;
	(pc) =	sbr.rel @!p3 .LBB2_13-.Ltmp11, $2  }
0x9e: {  	_ =	sdelay $0x2  }
0x9f: {  	s23 =	simm.s32 $0x10;
	s28 =	sadd.s32 $0xFFFFFFF0, s25;
	s0 =	smov.u32 s22;
	vm0 =	vmmov vm1;
	v1 =	vld.msk [tilespmem:s22+$0x0 ss:$0x1], vm1  }
.LBB2_12:
0xa0: {  	s2 =	smin.u32 s28, $0x10;
	s23 =	sadd.s32 $0x10, s23  }
0xa1: {  	v2 =	vmov s2;
	p3 =	slt.s32 s23, s25  }
0xa2: {  	vm1 =	vgt.u32 v2, v0;
	_ =	sdelay $0x1  }
0xa3: {  	v2 =	vshll.u32 v1, $0x5;
	v1 =	vshll.u32 v1, $0x4  }
.Ltmp12:
0xa4: {  	v2 =	vand.u32 $0xFFFFFF00, v2;
	v1 =	vand.u32 $0x70, v1;
	(pc) =	sbr.rel @p3 .LBB2_12-.Ltmp12, $4  }
0xa5: {  	v1 =	vor.u32 v1, v2  }
0xa6: {  	[tilespmem:s0+$0x0] =	vst.msk vm0, v1;
	s0 =	sadd.s32 $0x10, s0;
	vm0 =	vmmov vm1  }
0xa7: {  	v1 =	vld.msk [tilespmem:s0+$0x0 ss:$0x1], vm1  }
0xa8: {  	s28 =	sadd.s32 $0xFFFFFFF0, s28  }
.LBB2_13:
0xa9: {  	_ =	sdelay $0x3  }
0xaa: {  	v2 =	vshll.u32 v1, $0x5;
	v1 =	vshll.u32 v1, $0x4  }
0xab: {  	v2 =	vand.u32 $0xFFFFFF00, v2;
	v1 =	vand.u32 $0x70, v1  }
0xac: {  	v1 =	vor.u32 v1, v2  }
0xad: {  	[tilespmem:s0+$0x0] =	vst.msk vm0, v1  }
.LBB2_14:
0xae: {  	s0 =	sand.u32 $0x1, s20  }
0xaf: {  	s0 =	smul.u32 $0x70, s0  }
0xb0: {  	p3 =	sne.s32 s29, $0xFFFFFFFF  }
0xb1: {  	v1 =	vld.msk @!p3 [tilespmem:s0+$0x10588], $0x1;
	_ =	sdelay $0x4  }
0xb2: {  	(v2sf) =	vpush @!p3 v1, $0x0;
	_ =	sdelay $0xc  }
.Ltmp13:
0xb3: {  	_ = 	snop;
	(pc) =	sbr.rel @p2 .LBB2_25-.Ltmp13, $4  }
0xb4: {  	_ = 	snop  }
0xb5: {  	s28 =	spop @!p3 (v2sf)  }
0xb6: {  	s21 =	simm.s32 @!p3 $0x0;
	s23 =	smov.u32 s28  }
0xb7: {  	[sflag:s17] =	ssyncpa.u1 $0x0;
	s28 =	smov.u32 @p3 s26;
	s23 =	smov.u32 @p3 s29  }
0xb8: {  	v1 =	vld.msk [tilespmem:s22+$0x0], $0x1;
	_ =	sdelay $0x4  }
0xb9: {  	(v2sf) =	vpush v1, $0x0;
	_ =	sdelay $0xd  }
0xba: {  	s17 =	smov.u32 s6  }
0xbb: {  	s6 =	smov.u32 s14;
	s14 =	smov.u32 s5;
	s30 =	spop (v2sf)  }
0xbc: {  	s5 =	smov.u32 s10;
	s0 =	smul.u32 $0x1C000, s24;
	p2 =	seq.s32 s28, s30  }
0xbd: {  	s2 =	smov.u32 s28;
	s25 =	ssub.s32 $0x0, s25;
	p3 =	sgt.s32 @!p2 s28, $0x0  }
0xbe: {  	s26 =	simm.s32 $0x0;
	s0 =	sshrl.u32 s0, $0x2;
	p3 =	por !p3, p2  }
0xbf: {  	s29 =	sadd.s32 $0x1, s25;
	s24 =	sor.u32 $0x106E8, s0;
	s2 =	simm.s32 @p3 $0x0  }
0xc0: {  	s0 =	simm.s32 @!p2 $0x1;
	p3 =	seq.s32 s29, $0x0;
	s2 =	smin.u32 @!p2 s2, $0x27070  }
.Ltmp14:
0xc1: {  	s9 =	simm.s32 @!p2 $0x7308;
	s8 =	sand.u32 @!p2 $0x3FFF8, s2;
	(pc) =	sbr.rel @p3 .LBB2_17-.Ltmp14, $4  }
0xc2: {  	s31 =	sadd.s32 @!p2 $0x80, s2;
	s10 =	sadd.s32 @!p2 s1, s8;
	s8 =	sand.u32 @!p2 $0x7, s2  }
0xc3: {  	[tilespmem:s9], [sflag:$0x2] =	stream.linear.gather @!p2 [hbm4b:s10+s8], $0x80, $0x38;
	[tilespmem:$0x1E668] =	vst v63  }
0xc4: {  	s0 =	smov.u32 @p2 s26;
	s9 =	sand.u32 @!p2 $0x7FFF8, s31  }
0xc5: {  	s2 =	simm.s32 @!p2 $0x7388;
	s31 =	sadd.s32 $0x1, s22;
	s9 =	sadd.s32 @!p2 s1, s9  }
.LBB2_16:
0xc6: {  	s10 =	smov.u32 s0  }
0xc7: {  	[tilespmem:s2], [sflag:$0x2] =	stream.linear.gather @!p2 [hbm4b:s9+s8], $0x80, $0x38;
	[tilespmem:$0x1E668] =	vst v63  }
0xc8: {  	s29 =	sadd.s32 $0x1, s29;
	s8 =	smov.u32 s30;
	v1 =	vld.msk [tilespmem:s31+$0x0], $0x1  }
0xc9: {  	p3 =	seq.s32 s29, $0x0;
	_ =	sdelay $0x3  }
0xca: {  	(v2sf) =	vpush v1, $0x0;
	_ =	sdelay $0xe  }
0xcb: {  	s30 =	spop (v2sf)  }
0xcc: {  	p2 =	seq.s32 s8, s30  }
0xcd: {  	p4 =	sgt.s32 @!p2 s8, $0x0;
	s2 =	sshll.u32 @!p2 s0, $0xA;
	s0 =	sadd.s32 @!p2 $0x1, s0  }
0xce: {  	p4 =	por !p4, p2;
	s2 =	sshra.s32 @!p2 s2, $0x2;
	s0 =	smov.u32 @p2 s10  }
0xcf: {  	s8 =	simm.s32 @p4 $0x0;
	s9 =	sadd.s32 @!p2 $0x7308, s2;
	s2 =	sadd.s32 @!p2 $0x7388, s2  }
.Ltmp15:
0xd0: {  	s8 =	smin.u32 @!p2 s8, $0x27070;
	(pc) =	sbr.rel @!p3 .LBB2_16-.Ltmp15, $4  }
0xd1: {  	s10 =	sand.u32 @!p2 $0x3FFF8, s8;
	s3 =	sadd.s32 @!p2 $0x80, s8  }
0xd2: {  	s8 =	sand.u32 @!p2 $0x7, s8;
	s10 =	sadd.s32 @!p2 s1, s10;
	s3 =	sand.u32 @!p2 $0x7FFF8, s3  }
0xd3: {  	[tilespmem:s9], [sflag:$0x2] =	stream.linear.gather @!p2 [hbm4b:s10+s8], $0x80, $0x38;
	[tilespmem:$0x1E668] =	vst v63  }
0xd4: {  	s31 =	sadd.s32 $0x1, s31;
	s9 =	sadd.s32 @!p2 s1, s3  }
.LBB2_17:
0xd5: {  	[tilespmem:s2], [sflag:$0x2] =	stream.linear.gather @!p2 [hbm4b:s9+s8], $0x80, $0x38;
	[tilespmem:$0x1E668] =	vst v63  }
.Ltmp16:
0xd6: {  	s0 =	sshll.u32 s0, $0x8;
	(pc) =	sbr.rel .LBB2_18-.Ltmp16, $4  }
0xd7: {  	s31 =	simm.s32 $0x2;
	s30 =	simm.s32 $0x0;
	s0 =	sand.u32 $0x3FFFFF00, s0  }
0xd8: {  	s10 =	smov.u32 s5;
	s5 =	smov.u32 s14;
	_ =	swait.ge [sflag:s31], s0  }
0xd9: {  	s14 =	smov.u32 s6;
	s0 =	ssub.s32 $0x0, s0;
	[sflag:s31] =	ssyncset.done $0x0  }
0xda: {  	s6 =	smov.u32 s17;
	s17 =	simm.s32 $0xA;
	[sflag:s31] =	ssyncadd.s32 s0  }
.LBB2_19:
0xdb: {  	v1 =	vld [tilespmem:s24+$0xFFFFFF80];
	_ =	sdelay $0x4  }
0xdc: {  	[tilespmem:s31+$0x208] =	vst.add.f32.msk $0xffff, v1  }
0xdd: {  	v1 =	vld [tilespmem:s24+$0xFFFFFF90];
	_ =	sdelay $0x4  }
0xde: {  	[tilespmem:s31+$0x218] =	vst.add.f32.msk $0xffff, v1  }
0xdf: {  	v1 =	vld [tilespmem:s24+$0xFFFFFFA0];
	_ =	sdelay $0x4  }
0xe0: {  	[tilespmem:s31+$0x228] =	vst.add.f32.msk $0xffff, v1  }
0xe1: {  	v1 =	vld [tilespmem:s24+$0xFFFFFFB0];
	_ =	sdelay $0x4  }
0xe2: {  	[tilespmem:s31+$0x238] =	vst.add.f32.msk $0xffff, v1  }
0xe3: {  	v1 =	vld [tilespmem:s24+$0xFFFFFFC0];
	_ =	sdelay $0x4  }
0xe4: {  	[tilespmem:s31+$0x248] =	vst.add.f32.msk $0xffff, v1  }
0xe5: {  	v1 =	vld [tilespmem:s24+$0xFFFFFFD0];
	_ =	sdelay $0x4  }
0xe6: {  	[tilespmem:s31+$0x258] =	vst.add.f32.msk $0xffff, v1  }
0xe7: {  	v1 =	vld [tilespmem:s24+$0xFFFFFFE0];
	_ =	sdelay $0x4  }
0xe8: {  	[tilespmem:s31+$0x268] =	vst.add.f32.msk $0xffff, v1  }
0xe9: {  	v1 =	vld [tilespmem:s24+$0xFFFFFFF0];
	_ =	sdelay $0x4  }
0xea: {  	[tilespmem:s31+$0x278] =	vst.add.f32.msk $0xffff, v1  }
0xeb: {  	v1 =	vld [tilespmem:s24+$0x0];
	_ =	sdelay $0x4  }
0xec: {  	[tilespmem:s31+$0x288] =	vst.add.f32.msk $0xffff, v1  }
0xed: {  	v1 =	vld [tilespmem:s24+$0x10];
	_ =	sdelay $0x4  }
0xee: {  	[tilespmem:s31+$0x298] =	vst.add.f32.msk $0xffff, v1  }
0xef: {  	v1 =	vld [tilespmem:s24+$0x20];
	_ =	sdelay $0x4  }
0xf0: {  	[tilespmem:s31+$0x2A8] =	vst.add.f32.msk $0xffff, v1  }
0xf1: {  	v1 =	vld [tilespmem:s24+$0x30];
	_ =	sdelay $0x4  }
0xf2: {  	[tilespmem:s31+$0x2B8] =	vst.add.f32.msk $0xffff, v1  }
0xf3: {  	v1 =	vld [tilespmem:s24+$0x40];
	_ =	sdelay $0x4  }
0xf4: {  	[tilespmem:s31+$0x2C8] =	vst.add.f32.msk $0xffff, v1  }
0xf5: {  	v1 =	vld [tilespmem:s24+$0x50];
	_ =	sdelay $0x4  }
0xf6: {  	[tilespmem:s31+$0x2D8] =	vst.add.f32.msk $0xffff, v1  }
0xf7: {  	v1 =	vld [tilespmem:s24+$0x60];
	_ =	sdelay $0x4  }
0xf8: {  	[tilespmem:s31+$0x2E8] =	vst.add.f32.msk $0xffff, v1  }
0xf9: {  	v1 =	vld [tilespmem:s24+$0x70];
	_ =	sdelay $0x4  }
0xfa: {  	[tilespmem:s31+$0x2F8] =	vst.add.f32.msk $0xffff, v1  }
.LBB2_23:
0xfb: {  	s25 =	sadd.s32 $0x1, s25  }
0xfc: {  	p2 =	seq.s32 s25, $0x0  }
.Ltmp17:
0xfd: {  	_ = 	snop;
	(pc) =	sbr.rel @p2 .LBB2_24-.Ltmp17, $2  }
0xfe: {  	_ =	sdelay $0x2  }
0xff: {  	s22 =	sadd.s32 $0x1, s22;
	s24 =	sadd.s32 $0x100, s24;
	s28 =	smov.u32 s29  }
.LBB2_18:
0x100: {  	v1 =	vld.msk [tilespmem:s22+$0x0], $0x1;
	_ =	sdelay $0x4  }
0x101: {  	(v2sf) =	vpush v1, $0x0;
	_ =	sdelay $0xe  }
0x102: {  	s29 =	spop (v2sf)  }
0x103: {  	p2 =	sne.s32 s28, s29  }
.Ltmp18:
0x104: {  	_ = 	snop;
	(pc) =	sbr.rel @!p2 .LBB2_19-.Ltmp18, $3  }
0x105: {  	_ =	sdelay $0x1  }
0x106: {  	s0 =	sshll.u32 s21, $0xA  }
0x107: {  	s31 =	sshra.s32 s0, $0x2  }
0x108: {  	p2 =	seq.s32 s28, s23  }
.Ltmp19:
0x109: {  	_ = 	snop;
	(pc) =	sbr.rel @!p2 .LBB2_21-.Ltmp19, $1  }
0x10a: {  	_ =	sdelay $0x3  }
.Ltmp20:
0x10b: {  	s0 =	sadd.s32 $0x208, s31;
	(pc) =	sbr.rel .LBB2_22-.Ltmp20, $4  }
0x10c: {  	[spmem:s13] =	stream.linear.scatter [tilespmem:s0], [sflag:$0x1], $0x100, $0x38;
	[tilespmem:$0x1E668] =	vst v63  }
0x10d: {  	_ =	swait.ge [sflag:s11], $0x100  }
0x10e: {  	[sflag:s11] =	ssyncset.done $0x0  }
0x10f: {  	[sflag:s11] =	ssyncadd.s32 $0xFFFFFF00  }
.LBB2_21:
0x110: {  	s0 =	sshll.u32 s26, $0xA  }
0x111: {  	s0 =	sshra.s32 s0, $0x2  }
0x112: {  	v1 =	vld [tilespmem:s0+$0x7308];
	_ =	sdelay $0x4  }
0x113: {  	[tilespmem:s31+$0x208] =	vst.add.f32.msk $0xffff, v1  }
0x114: {  	v1 =	vld [tilespmem:s0+$0x7318];
	_ =	sdelay $0x4  }
0x115: {  	[tilespmem:s31+$0x218] =	vst.add.f32.msk $0xffff, v1  }
0x116: {  	v1 =	vld [tilespmem:s0+$0x7328];
	_ =	sdelay $0x4  }
0x117: {  	[tilespmem:s31+$0x228] =	vst.add.f32.msk $0xffff, v1  }
0x118: {  	v1 =	vld [tilespmem:s0+$0x7338];
	_ =	sdelay $0x4  }
0x119: {  	[tilespmem:s31+$0x238] =	vst.add.f32.msk $0xffff, v1  }
0x11a: {  	v1 =	vld [tilespmem:s0+$0x7348];
	_ =	sdelay $0x4  }
0x11b: {  	[tilespmem:s31+$0x248] =	vst.add.f32.msk $0xffff, v1  }
0x11c: {  	v1 =	vld [tilespmem:s0+$0x7358];
	_ =	sdelay $0x4  }
0x11d: {  	[tilespmem:s31+$0x258] =	vst.add.f32.msk $0xffff, v1  }
0x11e: {  	v1 =	vld [tilespmem:s0+$0x7368];
	_ =	sdelay $0x4  }
0x11f: {  	[tilespmem:s31+$0x268] =	vst.add.f32.msk $0xffff, v1  }
0x120: {  	v1 =	vld [tilespmem:s0+$0x7378];
	_ =	sdelay $0x4  }
0x121: {  	[tilespmem:s31+$0x278] =	vst.add.f32.msk $0xffff, v1  }
0x122: {  	v1 =	vld [tilespmem:s0+$0x7388];
	_ =	sdelay $0x4  }
0x123: {  	[tilespmem:s31+$0x288] =	vst.add.f32.msk $0xffff, v1  }
0x124: {  	v1 =	vld [tilespmem:s0+$0x7398];
	_ =	sdelay $0x4  }
0x125: {  	[tilespmem:s31+$0x298] =	vst.add.f32.msk $0xffff, v1  }
0x126: {  	v1 =	vld [tilespmem:s0+$0x73A8];
	_ =	sdelay $0x4  }
0x127: {  	[tilespmem:s31+$0x2A8] =	vst.add.f32.msk $0xffff, v1  }
0x128: {  	v1 =	vld [tilespmem:s0+$0x73B8];
	_ =	sdelay $0x4  }
0x129: {  	[tilespmem:s31+$0x2B8] =	vst.add.f32.msk $0xffff, v1  }
0x12a: {  	v1 =	vld [tilespmem:s0+$0x73C8];
	_ =	sdelay $0x4  }
0x12b: {  	[tilespmem:s31+$0x2C8] =	vst.add.f32.msk $0xffff, v1  }
0x12c: {  	v1 =	vld [tilespmem:s0+$0x73D8];
	_ =	sdelay $0x4  }
0x12d: {  	[tilespmem:s31+$0x2D8] =	vst.add.f32.msk $0xffff, v1  }
0x12e: {  	v1 =	vld [tilespmem:s0+$0x73E8];
	_ =	sdelay $0x4  }
0x12f: {  	[tilespmem:s31+$0x2E8] =	vst.add.f32.msk $0xffff, v1  }
0x130: {  	v1 =	vld [tilespmem:s0+$0x73F8];
	_ =	sdelay $0x2  }
0x131: {  	p2 =	sgt.u32 s28, $0x27070  }
0x132: {  	s0 =	sand.u32 @!p2 $0x3FFF8, s28  }
0x133: {  	s2 =	sadd.s32 $0x208, s31;
	s3 =	sand.u32 @!p2 $0x7, s28;
	s0 =	sadd.s32 @!p2 s1, s0;
	[tilespmem:s31+$0x2F8] =	vst.add.f32.msk $0xffff, v1  }
0x134: {  	[hbm4b:s0+s3] =	stream.linear.scatter @!p2 [tilespmem:s2], [sflag:$0xA], $0x80, $0x38;
	[tilespmem:$0x1E668] =	vst v63  }
0x135: {  	s0 =	sadd.s32 @!p2 $0x80, s28  }
0x136: {  	s0 =	sand.u32 @!p2 $0x7FFF8, s0  }
0x137: {  	s2 =	sadd.s32 $0x288, s31;
	s0 =	sadd.s32 @!p2 s1, s0  }
0x138: {  	[hbm4b:s0+s3] =	stream.linear.scatter @!p2 [tilespmem:s2], [sflag:$0xA], $0x80, $0x38;
	[tilespmem:$0x1E668] =	vst v63  }
0x139: {  	s0 =	simm.s32 $0x0  }
0x13a: {  	s0 =	simm.s32 @!p2 $0x400  }
0x13b: {  	s30 =	sadd.s32 s0, s30  }
.LBB2_22:
0x13c: {  	s0 =	sadd.s32 $0x1, s21  }
0x13d: {  	s2 =	sshrl.u32 s0, $0x4  }
0x13e: {  	s2 =	smulhi.u32 $0x24924925, s2  }
0x13f: {  	v1 =	vld [tilespmem:s24+$0xFFFFFF80]  }
0x140: {  	s2 =	smul.u32 $0x70, s2;
	_ =	sdelay $0x1  }
0x141: {  	s21 =	ssub.s32 s0, s2  }
0x142: {  	s0 =	sshll.u32 s21, $0x8  }
0x143: {  	[tilespmem:s0+$0x208] =	vst v1  }
0x144: {  	v1 =	vld [tilespmem:s24+$0xFFFFFF90];
	_ =	sdelay $0x4  }
0x145: {  	[tilespmem:s0+$0x218] =	vst v1  }
0x146: {  	v1 =	vld [tilespmem:s24+$0xFFFFFFA0];
	_ =	sdelay $0x4  }
0x147: {  	[tilespmem:s0+$0x228] =	vst v1  }
0x148: {  	v1 =	vld [tilespmem:s24+$0xFFFFFFB0];
	_ =	sdelay $0x4  }
0x149: {  	[tilespmem:s0+$0x238] =	vst v1  }
0x14a: {  	v1 =	vld [tilespmem:s24+$0xFFFFFFC0];
	_ =	sdelay $0x4  }
0x14b: {  	[tilespmem:s0+$0x248] =	vst v1  }
0x14c: {  	v1 =	vld [tilespmem:s24+$0xFFFFFFD0];
	_ =	sdelay $0x4  }
0x14d: {  	[tilespmem:s0+$0x258] =	vst v1  }
0x14e: {  	v1 =	vld [tilespmem:s24+$0xFFFFFFE0];
	_ =	sdelay $0x4  }
0x14f: {  	[tilespmem:s0+$0x268] =	vst v1  }
0x150: {  	v1 =	vld [tilespmem:s24+$0xFFFFFFF0];
	_ =	sdelay $0x4  }
0x151: {  	[tilespmem:s0+$0x278] =	vst v1  }
0x152: {  	v1 =	vld [tilespmem:s24+$0x0];
	_ =	sdelay $0x4  }
0x153: {  	[tilespmem:s0+$0x288] =	vst v1  }
0x154: {  	v1 =	vld [tilespmem:s24+$0x10];
	_ =	sdelay $0x4  }
0x155: {  	[tilespmem:s0+$0x298] =	vst v1  }
0x156: {  	v1 =	vld [tilespmem:s24+$0x20];
	_ =	sdelay $0x4  }
0x157: {  	[tilespmem:s0+$0x2A8] =	vst v1  }
0x158: {  	v1 =	vld [tilespmem:s24+$0x30];
	_ =	sdelay $0x4  }
0x159: {  	[tilespmem:s0+$0x2B8] =	vst v1  }
0x15a: {  	v1 =	vld [tilespmem:s24+$0x40];
	_ =	sdelay $0x4  }
0x15b: {  	[tilespmem:s0+$0x2C8] =	vst v1  }
0x15c: {  	v1 =	vld [tilespmem:s24+$0x50];
	_ =	sdelay $0x4  }
0x15d: {  	[tilespmem:s0+$0x2D8] =	vst v1  }
0x15e: {  	v1 =	vld [tilespmem:s24+$0x60];
	_ =	sdelay $0x4  }
0x15f: {  	[tilespmem:s0+$0x2E8] =	vst v1  }
0x160: {  	v1 =	vld [tilespmem:s24+$0x70]  }
.Ltmp21:
0x161: {  	_ = 	snop;
	(pc) =	sbr.rel .LBB2_23-.Ltmp21, $2  }
0x162: {  	_ =	sdelay $0x2  }
0x163: {  	s26 =	sadd.s32 $0x1, s26;
	[tilespmem:s0+$0x2F8] =	vst v1  }
.LBB2_25:
.Ltmp22:
0x164: {  	(pc) =	sbr.rel .LBB2_26-.Ltmp22, $4  }
0x165: {  	_ = 	snop  }
0x166: {  	s0 =	simm.s32 $0x2  }
0x167: {  	_ =	swait.ge [sflag:s0], $0x0  }
0x168: {  	s29 =	smov.u32 s28;
	[sflag:s0] =	ssyncset.done $0x0;
	s0 =	simm.s32 $0x0  }
.LBB2_28:
0x169: {  	_ =	sfence.sel $0x180000  }
0x16a: {  	s0 =	simm.s32 $0x7;
	[bflag:$0x0] =	sbarrier.arrive $0xFFFF  }
0x16b: {  	s25 =	simm.s32 $0x8;
	[sflag:s0] =	ssyncpa.u1 $0x1  }
0x16c: {  	s26 =	simm.s32 $0x9;
	[sflag:s25] =	ssyncpa.u1 $0x1  }
0x16d: {  	s28 =	simm.s32 $0x2;
	[sflag:s26] =	ssyncpa.u1 $0x1  }
0x16e: {  	[sflag:s28] =	ssyncpa.u1 $0x1  }
0x16f: {  	v0 =	vld [tilespmem:$0xE408];
	_ =	sdelay $0x4  }
0x170: {  	(v2sf) =	vpush v0, $0x0  }
0x171: {  	(v2sf) =	vpush v0, $0x1;
	_ =	sdelay $0x1  }
0x172: {  	(v2sf) =	vpush v0, $0x2;
	_ =	sdelay $0xb  }
0x173: {  	s0 =	spop (v2sf)  }
0x174: {  	s2 =	spop (v2sf)  }
0x175: {  	s3 =	smov.u32 s0;
	p0 =	sne.s32 s0, s2  }
0x176: {  	s4 =	spop (v2sf);
	s3 =	simm.s32 @!p0 $0xFFFFFFFF  }
0x177: {  	v2 =	vimm.s32 $0x1;
	v3 =	vlaneseq.u32;
	p0 =	seq.s32 s4, $0xFFFFFFFF;
	v1 =	vmov s3  }
0x178: {  	s7 =	stileid.u32;
	v0 =	vperm.xlane v0, v2;
	p1 =	sne.s32 @!p0 s0, s2;
	v1 =	vperm.xlane v1, v3  }
0x179: {  	vm0 =	vcmask $0x3F04;
	s6 =	simm.s32 $0xE408;
	s0 =	simm.s32 @!p0 $0x1;
	p1 =	por !p1, p0  }
0x17a: {  	s3 =	sshll.u32 s7, $0x1;
	s2 =	sshll.u32 @!p0 s4, $0xA;
	s0 =	simm.s32 @p1 $0x0;
	v0 =	vsel vm0, v1, v0  }
0x17b: {  	s5 =	sor.u32 $0x2000, s3;
	s2 =	sshra.s32 @!p0 s2, $0x2;
	s0 =	sor.u32 @!p0 s0, s3;
	[tilespmem:$0xE408] =	vst v0  }
0x17c: {  	[spmem:s5] =	stream.linear.scatter [tilespmem:s6], [sflag:$0x1], $0x2, $0x38;
	[tilespmem:$0x1E668] =	vst v63  }
0x17d: {  	s2 =	sadd.s32 @!p0 $0x208, s2;
	s0 =	sshll.u32 @!p0 s0, $0x8  }
0x17e: {  	[spmem:s0] =	stream.linear.scatter @!p0 [tilespmem:s2], [sflag:$0x1], $0x100, $0x38;
	[tilespmem:$0x1E668] =	vst v63  }
0x17f: {  	s2 =	simm.s32 @!p0 $0x102  }
0x180: {  	s0 =	simm.s32 $0x1;
	s2 =	simm.s32 @p0 $0x2  }
0x181: {  	_ =	swait.ge [sflag:s0], s2  }
0x182: {  	s2 =	ssub.s32 $0x0, s2;
	[sflag:s0] =	ssyncset.done $0x0  }
0x183: {  	[sflag:s0] =	ssyncadd.s32 s2  }
0x184: {  	_ =	sfence.stream.spmem  }
0x185: {  	s29 =	simm.s32 $0x3;
	[bflag:$0x0] =	sbarrier.arrive $0xFFFF  }
0x186: {  	s30 =	simm.s32 $0x4;
	[sflag:s29] =	ssyncpa.u1 $0x1  }
0x187: {  	s31 =	simm.s32 $0x3C;
	[sflag:s30] =	ssyncpa.u1 $0x1  }
0x188: {  	p0 =	sne.s32 s7, $0x0;
	[sflag:s31] =	ssyncpa.u1 $0x1  }
0x189: {  	_ =	sfence @p0  }
0x18a: {  	[sflag:s0] =	ssyncpa.u1 @p0 $0x1  }
0x18b: {  	_ =	strace @p0 $0x90000056  }
0x18c: {  	[bflag:$0x2] =	sbarrier.arrive @p0 $0xFFFF  }
0x18d: {  	_ =	shalt @p0  }
.LBB2_29:
0x18e: {  	_ =	sfence.stream.spmem;
	s0 =	simm.s32 $0x5  }
0x18f: {  	s2 =	simm.s32 $0x2000;
	s3 =	simm.s32 $0xE418;
	[sflag:s0] =	ssyncpa.u1 $0x0  }
0x190: {  	[tilespmem:s3], [sflag:$0x5] =	stream.linear.gather [spmem:s2], $0x20, $0x38;
	[tilespmem:$0x1E668] =	vst v63  }
0x191: {  	s30 =	simm.s32 $0xE438;
	s2 =	simm.s32 $0x0  }
0x192: {  	[tilespmem:s30], [sflag:$0x5] =	stream.linear.gather [spmem:s2], $0x2000, $0x38;
	[tilespmem:$0x1E668] =	vst v63  }
.Ltmp23:
0x193: {  	_ = 	snop;
	(pc) =	sbr.rel .LBB2_30-.Ltmp23, $4  }
0x194: {  	_ =	swait.ge [sflag:s0], $0x2020  }
0x195: {  	[sflag:s0] =	ssyncset.done $0x0  }
0x196: {  	s31 =	simm.s32 $0x6;
	[sflag:s0] =	ssyncadd.s32 $0xFFFFDFE0  }
0x197: {  	s3 =	simm.s32 $0x0;
	[sflag:s31] =	ssyncpa.u1 $0x0  }
.LBB2_36:
0x198: {  	p0 =	slt.u32 s4, $0x27071  }
0x199: {  	s0 =	sand.u32 @p0 $0x3FFF8, s4  }
0x19a: {  	s5 =	sand.u32 @p0 $0x7, s4;
	s6 =	simm.s32 @p0 $0xE308;
	s0 =	sadd.s32 @p0 s1, s0  }
0x19b: {  	[tilespmem:s6], [sflag:$0x6] =	stream.linear.gather @p0 [hbm4b:s0+s5], $0x80, $0x38;
	[tilespmem:$0x1E668] =	vst v63  }
0x19c: {  	s0 =	sadd.s32 @p0 $0x80, s4  }
0x19d: {  	s0 =	sand.u32 @p0 $0x7FFF8, s0  }
0x19e: {  	s4 =	simm.s32 @p0 $0xE388;
	s0 =	sadd.s32 @p0 s1, s0  }
0x19f: {  	[tilespmem:s4], [sflag:$0x6] =	stream.linear.gather @p0 [hbm4b:s0+s5], $0x80, $0x38;
	[tilespmem:$0x1E668] =	vst v63  }
0x1a0: {  	s0 =	simm.s32 @p0 $0x6  }
0x1a1: {  	_ =	swait.ge @p0 [sflag:s0], $0x100  }
0x1a2: {  	[sflag:s0] =	ssyncset.done @p0 $0x0  }
0x1a3: {  	[sflag:s0] =	ssyncadd.s32 @p0 $0xFFFFFF00  }
0x1a4: {  	v1 =	vld @p0 [tilespmem:$0xE308];
	_ =	sdelay $0x2  }
0x1a5: {  	s0 =	sshll.u32 @p0 s3, $0xA  }
0x1a6: {  	s4 =	sshrl.u32 @p0 s0, $0x2  }
0x1a7: {  	[tilespmem:s4+$0xE438] =	vst.add.f32.msk @p0 $0xffff, v1  }
0x1a8: {  	v1 =	vld @p0 [tilespmem:$0xE318];
	_ =	sdelay $0x4  }
0x1a9: {  	[tilespmem:s4+$0xE448] =	vst.add.f32.msk @p0 $0xffff, v1  }
0x1aa: {  	v1 =	vld @p0 [tilespmem:$0xE328];
	_ =	sdelay $0x4  }
0x1ab: {  	[tilespmem:s4+$0xE458] =	vst.add.f32.msk @p0 $0xffff, v1  }
0x1ac: {  	v1 =	vld @p0 [tilespmem:$0xE338];
	_ =	sdelay $0x4  }
0x1ad: {  	[tilespmem:s4+$0xE468] =	vst.add.f32.msk @p0 $0xffff, v1  }
0x1ae: {  	v1 =	vld @p0 [tilespmem:$0xE348];
	_ =	sdelay $0x4  }
0x1af: {  	[tilespmem:s4+$0xE478] =	vst.add.f32.msk @p0 $0xffff, v1  }
0x1b0: {  	v1 =	vld @p0 [tilespmem:$0xE358];
	_ =	sdelay $0x4  }
0x1b1: {  	[tilespmem:s4+$0xE488] =	vst.add.f32.msk @p0 $0xffff, v1  }
0x1b2: {  	v1 =	vld @p0 [tilespmem:$0xE368];
	_ =	sdelay $0x4  }
0x1b3: {  	[tilespmem:s4+$0xE498] =	vst.add.f32.msk @p0 $0xffff, v1  }
0x1b4: {  	v1 =	vld @p0 [tilespmem:$0xE378];
	_ =	sdelay $0x4  }
0x1b5: {  	[tilespmem:s4+$0xE4A8] =	vst.add.f32.msk @p0 $0xffff, v1  }
0x1b6: {  	v1 =	vld @p0 [tilespmem:$0xE388];
	_ =	sdelay $0x4  }
0x1b7: {  	[tilespmem:s4+$0xE4B8] =	vst.add.f32.msk @p0 $0xffff, v1  }
0x1b8: {  	v1 =	vld @p0 [tilespmem:$0xE398];
	_ =	sdelay $0x4  }
0x1b9: {  	[tilespmem:s4+$0xE4C8] =	vst.add.f32.msk @p0 $0xffff, v1  }
0x1ba: {  	v1 =	vld @p0 [tilespmem:$0xE3A8];
	_ =	sdelay $0x4  }
0x1bb: {  	[tilespmem:s4+$0xE4D8] =	vst.add.f32.msk @p0 $0xffff, v1  }
0x1bc: {  	v1 =	vld @p0 [tilespmem:$0xE3B8];
	_ =	sdelay $0x4  }
0x1bd: {  	[tilespmem:s4+$0xE4E8] =	vst.add.f32.msk @p0 $0xffff, v1  }
0x1be: {  	v1 =	vld @p0 [tilespmem:$0xE3C8];
	_ =	sdelay $0x4  }
0x1bf: {  	[tilespmem:s4+$0xE4F8] =	vst.add.f32.msk @p0 $0xffff, v1  }
0x1c0: {  	v1 =	vld @p0 [tilespmem:$0xE3D8];
	_ =	sdelay $0x4  }
0x1c1: {  	[tilespmem:s4+$0xE508] =	vst.add.f32.msk @p0 $0xffff, v1  }
0x1c2: {  	v1 =	vld @p0 [tilespmem:$0xE3E8];
	_ =	sdelay $0x4  }
0x1c3: {  	[tilespmem:s4+$0xE518] =	vst.add.f32.msk @p0 $0xffff, v1  }
0x1c4: {  	v1 =	vld @p0 [tilespmem:$0xE3F8];
	_ =	sdelay $0x3  }
0x1c5: {  	s5 =	sshll.u32 @!p0 s3, $0xA  }
0x1c6: {  	s5 =	smov.u32 @p0 s0;
	[tilespmem:s4+$0xE528] =	vst.add.f32.msk @p0 $0xffff, v1  }
0x1c7: {  	s0 =	sshrl.u32 s5, $0x2;
	[tilespmem:s2+$0xE418] =	vst.msk $0x1, v0  }
0x1c8: {  	v0 =	vld [tilespmem:s0+$0xE438];
	_ =	sdelay $0x2  }
0x1c9: {  	s31 =	sshll.u32 s2, $0xA  }
0x1ca: {  	s4 =	sshra.s32 s31, $0x2  }
0x1cb: {  	[tilespmem:s4+$0xE438] =	vst v0  }
0x1cc: {  	v0 =	vld [tilespmem:s0+$0xE448];
	_ =	sdelay $0x4  }
0x1cd: {  	[tilespmem:s4+$0xE448] =	vst v0  }
0x1ce: {  	v0 =	vld [tilespmem:s0+$0xE458];
	_ =	sdelay $0x4  }
0x1cf: {  	[tilespmem:s4+$0xE458] =	vst v0  }
0x1d0: {  	v0 =	vld [tilespmem:s0+$0xE468];
	_ =	sdelay $0x4  }
0x1d1: {  	[tilespmem:s4+$0xE468] =	vst v0  }
0x1d2: {  	v0 =	vld [tilespmem:s0+$0xE478];
	_ =	sdelay $0x4  }
0x1d3: {  	[tilespmem:s4+$0xE478] =	vst v0  }
0x1d4: {  	v0 =	vld [tilespmem:s0+$0xE488];
	_ =	sdelay $0x4  }
0x1d5: {  	[tilespmem:s4+$0xE488] =	vst v0  }
0x1d6: {  	v0 =	vld [tilespmem:s0+$0xE498];
	_ =	sdelay $0x4  }
0x1d7: {  	[tilespmem:s4+$0xE498] =	vst v0  }
0x1d8: {  	v0 =	vld [tilespmem:s0+$0xE4A8];
	_ =	sdelay $0x4  }
0x1d9: {  	[tilespmem:s4+$0xE4A8] =	vst v0  }
0x1da: {  	v0 =	vld [tilespmem:s0+$0xE4B8];
	_ =	sdelay $0x4  }
0x1db: {  	[tilespmem:s4+$0xE4B8] =	vst v0  }
0x1dc: {  	v0 =	vld [tilespmem:s0+$0xE4C8];
	_ =	sdelay $0x4  }
0x1dd: {  	[tilespmem:s4+$0xE4C8] =	vst v0  }
0x1de: {  	v0 =	vld [tilespmem:s0+$0xE4D8];
	_ =	sdelay $0x4  }
0x1df: {  	[tilespmem:s4+$0xE4D8] =	vst v0  }
0x1e0: {  	v0 =	vld [tilespmem:s0+$0xE4E8];
	_ =	sdelay $0x4  }
0x1e1: {  	[tilespmem:s4+$0xE4E8] =	vst v0  }
0x1e2: {  	v0 =	vld [tilespmem:s0+$0xE4F8];
	_ =	sdelay $0x4  }
0x1e3: {  	[tilespmem:s4+$0xE4F8] =	vst v0  }
0x1e4: {  	v0 =	vld [tilespmem:s0+$0xE508];
	_ =	sdelay $0x4  }
0x1e5: {  	[tilespmem:s4+$0xE508] =	vst v0  }
0x1e6: {  	v0 =	vld [tilespmem:s0+$0xE518];
	_ =	sdelay $0x4  }
0x1e7: {  	[tilespmem:s4+$0xE518] =	vst v0  }
0x1e8: {  	v0 =	vld [tilespmem:s0+$0xE528];
	_ =	sdelay $0x4  }
0x1e9: {  	s2 =	sadd.s32 $0x1, s2;
	[tilespmem:s4+$0xE528] =	vst v0  }
.LBB2_37:
0x1ea: {  	s3 =	sadd.s32 $0x1, s3  }
0x1eb: {  	p0 =	sne.s32 s3, $0x20  }
.Ltmp24:
0x1ec: {  	_ = 	snop;
	(pc) =	sbr.rel @!p0 .LBB2_38-.Ltmp24, $1  }
0x1ed: {  	_ =	sdelay $0x3  }
.LBB2_30:
0x1ee: {  	v0 =	vld.msk [tilespmem:s3+$0xE418], $0x1;
	_ =	sdelay $0x4  }
0x1ef: {  	(v2sf) =	vpush v0, $0x0;
	_ =	sdelay $0xe  }
0x1f0: {  	s4 =	spop (v2sf)  }
0x1f1: {  	p0 =	seq.s32 s4, $0xFFFFFFFF  }
.Ltmp25:
0x1f2: {  	_ = 	snop;
	(pc) =	sbr.rel @p0 .LBB2_37-.Ltmp25, $1  }
0x1f3: {  	_ =	sdelay $0x3  }
0x1f4: {  	p0 =	slt.s32 s2, $0x1  }
.Ltmp26:
0x1f5: {  	_ = 	snop;
	(pc) =	sbr.rel @p0 .LBB2_36-.Ltmp26, $1  }
0x1f6: {  	_ =	sdelay $0x3  }
0x1f7: {  	s5 =	simm.s32 $0xE418;
	p0 =	por $0x0, $0x0  }
0x1f8: {  	v1 =	vld.msk @!p0 [tilespmem:s5+$0x0], $0x1;
	_ =	sdelay $0x4  }
0x1f9: {  	(v2sf) =	vpush @!p0 v1, $0x0;
	_ =	sdelay $0xd  }
0x1fa: {  	p2 =	sne.s32 s2, $0x1  }
.Ltmp27:
0x1fb: {  	s0 =	spop @!p0 (v2sf);
	(pc) =	sbr.rel @!p2 .LBB2_34-.Ltmp27, $4  }
0x1fc: {  	p1 =	seq.s32 @!p0 s4, s0  }
0x1fd: {  	s6 =	simm.s32 $0x0;
	p1 =	por !p1, p0  }
0x1fe: {  	s0 =	simm.s32 $0xFFFFFFFF;
	s6 =	simm.s32 @p1 $0xFFFFFFFF  }
0x1ff: {  	s7 =	simm.s32 $0x1;
	s6 =	smov.u32 @p0 s0  }
.LBB2_33:
0x200: {  	s0 =	smov.u32 s6;
	p0 =	sne.s32 s6, $0xFFFFFFFF  }
0x201: {  	s5 =	sadd.s32 $0x1, s5;
	s6 =	smov.u32 s7;
	s7 =	sadd.s32 $0x1, s7  }
0x202: {  	p1 =	sne.s32 s2, s7;
	v1 =	vld.msk @!p0 [tilespmem:s5+$0x0], $0x1;
	_ =	sdelay $0x4  }
0x203: {  	(v2sf) =	vpush @!p0 v1, $0x0;
	_ =	sdelay $0xe  }
.Ltmp28:
0x204: {  	s8 =	spop @!p0 (v2sf);
	(pc) =	sbr.rel @p1 .LBB2_33-.Ltmp28, $4  }
0x205: {  	p2 =	seq.s32 @!p0 s4, s8  }
0x206: {  	p2 =	por !p2, p0  }
0x207: {  	s6 =	simm.s32 @p2 $0xFFFFFFFF  }
0x208: {  	s6 =	smov.u32 @p0 s0  }
.LBB2_34:
0x209: {  	p0 =	seq.s32 s6, $0xFFFFFFFF  }
.Ltmp29:
0x20a: {  	_ = 	snop;
	(pc) =	sbr.rel @p0 .LBB2_36-.Ltmp29, $1  }
0x20b: {  	_ =	sdelay $0x3  }
0x20c: {  	s0 =	sshll.u32 s3, $0x8  }
0x20d: {  	s0 =	sand.u32 $0x3FFFFF00, s0  }
0x20e: {  	v0 =	vld [tilespmem:s0+$0xE438];
	_ =	sdelay $0x2  }
0x20f: {  	s4 =	sshll.u32 s6, $0xA  }
0x210: {  	s4 =	sshra.s32 s4, $0x2  }
0x211: {  	[tilespmem:s4+$0xE438] =	vst.add.f32.msk $0xffff, v0  }
0x212: {  	v0 =	vld [tilespmem:s0+$0xE448];
	_ =	sdelay $0x4  }
0x213: {  	[tilespmem:s4+$0xE448] =	vst.add.f32.msk $0xffff, v0  }
0x214: {  	v0 =	vld [tilespmem:s0+$0xE458];
	_ =	sdelay $0x4  }
0x215: {  	[tilespmem:s4+$0xE458] =	vst.add.f32.msk $0xffff, v0  }
0x216: {  	v0 =	vld [tilespmem:s0+$0xE468];
	_ =	sdelay $0x4  }
0x217: {  	[tilespmem:s4+$0xE468] =	vst.add.f32.msk $0xffff, v0  }
0x218: {  	v0 =	vld [tilespmem:s0+$0xE478];
	_ =	sdelay $0x4  }
0x219: {  	[tilespmem:s4+$0xE478] =	vst.add.f32.msk $0xffff, v0  }
0x21a: {  	v0 =	vld [tilespmem:s0+$0xE488];
	_ =	sdelay $0x4  }
0x21b: {  	[tilespmem:s4+$0xE488] =	vst.add.f32.msk $0xffff, v0  }
0x21c: {  	v0 =	vld [tilespmem:s0+$0xE498];
	_ =	sdelay $0x4  }
0x21d: {  	[tilespmem:s4+$0xE498] =	vst.add.f32.msk $0xffff, v0  }
0x21e: {  	v0 =	vld [tilespmem:s0+$0xE4A8];
	_ =	sdelay $0x4  }
0x21f: {  	[tilespmem:s4+$0xE4A8] =	vst.add.f32.msk $0xffff, v0  }
0x220: {  	v0 =	vld [tilespmem:s0+$0xE4B8];
	_ =	sdelay $0x4  }
0x221: {  	[tilespmem:s4+$0xE4B8] =	vst.add.f32.msk $0xffff, v0  }
0x222: {  	v0 =	vld [tilespmem:s0+$0xE4C8];
	_ =	sdelay $0x4  }
0x223: {  	[tilespmem:s4+$0xE4C8] =	vst.add.f32.msk $0xffff, v0  }
0x224: {  	v0 =	vld [tilespmem:s0+$0xE4D8];
	_ =	sdelay $0x4  }
0x225: {  	[tilespmem:s4+$0xE4D8] =	vst.add.f32.msk $0xffff, v0  }
0x226: {  	v0 =	vld [tilespmem:s0+$0xE4E8];
	_ =	sdelay $0x4  }
0x227: {  	[tilespmem:s4+$0xE4E8] =	vst.add.f32.msk $0xffff, v0  }
0x228: {  	v0 =	vld [tilespmem:s0+$0xE4F8];
	_ =	sdelay $0x4  }
0x229: {  	[tilespmem:s4+$0xE4F8] =	vst.add.f32.msk $0xffff, v0  }
0x22a: {  	v0 =	vld [tilespmem:s0+$0xE508];
	_ =	sdelay $0x4  }
0x22b: {  	[tilespmem:s4+$0xE508] =	vst.add.f32.msk $0xffff, v0  }
0x22c: {  	v0 =	vld [tilespmem:s0+$0xE518];
	_ =	sdelay $0x4  }
0x22d: {  	[tilespmem:s4+$0xE518] =	vst.add.f32.msk $0xffff, v0  }
0x22e: {  	v0 =	vld [tilespmem:s0+$0xE528]  }
.Ltmp30:
0x22f: {  	_ = 	snop;
	(pc) =	sbr.rel .LBB2_37-.Ltmp30, $2  }
0x230: {  	_ =	sdelay $0x2  }
0x231: {  	[tilespmem:s4+$0xE528] =	vst.add.f32.msk $0xffff, v0  }
.LBB2_38:
0x232: {  	p0 =	slt.s32 s2, $0x1  }
.Ltmp31:
0x233: {  	_ = 	snop;
	(pc) =	sbr.rel @p0 .LBB2_42-.Ltmp31, $3  }
0x234: {  	_ =	sdelay $0x1  }
0x235: {  	s0 =	simm.s32 $0x6  }
0x236: {  	[sflag:s0] =	ssyncpa.u1 $0x1;
	s0 =	simm.s32 $0x0  }
0x237: {  	s3 =	simm.s32 $0xE418  }
0x238: {  	v0 =	vld.msk [tilespmem:s3+$0x0], $0x1;
	_ =	sdelay $0x4  }
0x239: {  	(v2sf) =	vpush v0, $0x0;
	_ =	sdelay $0xe  }
0x23a: {  	s2 =	sadd.s32 $0xFFFFFFFF, s2;
	s4 =	spop (v2sf)  }
0x23b: {  	s5 =	simm.s32 $0xE438;
	p0 =	sne.s32 s2, $0x0;
	p1 =	sgt.u32 s4, $0x27070  }
.Ltmp32:
0x23c: {  	s3 =	simm.s32 $0xE538;
	s6 =	sand.u32 @!p1 $0x3FFF8, s4;
	(pc) =	sbr.rel @!p0 .LBB2_41-.Ltmp32, $4  }
0x23d: {  	s7 =	sadd.s32 @!p1 $0x80, s4;
	s8 =	sadd.s32 @!p1 s1, s6;
	s6 =	sand.u32 @!p1 $0x7, s4  }
0x23e: {  	[hbm4b:s8+s6] =	stream.linear.scatter @!p1 [tilespmem:s5], [sflag:$0x5], $0x80, $0x38;
	[tilespmem:$0x1E668] =	vst v63  }
0x23f: {  	s0 =	simm.s32 @!p1 $0x400;
	s4 =	simm.s32 $0xE419;
	s5 =	sand.u32 @!p1 $0x7FFF8, s7  }
0x240: {  	s7 =	simm.s32 @!p1 $0xE4B8;
	s8 =	sadd.s32 @!p1 s1, s5;
	s5 =	sadd.s32 $0x0, s0  }
.LBB2_40:
0x241: {  	[hbm4b:s8+s6] =	stream.linear.scatter @!p1 [tilespmem:s7], [sflag:$0x5], $0x80, $0x38;
	[tilespmem:$0x1E668] =	vst v63  }
0x242: {  	s2 =	sadd.s32 $0xFFFFFFFF, s2;
	s0 =	smov.u32 s3;
	v0 =	vld.msk [tilespmem:s4+$0x0], $0x1  }
0x243: {  	p0 =	sne.s32 s2, $0x0;
	_ =	sdelay $0x3  }
0x244: {  	(v2sf) =	vpush v0, $0x0;
	_ =	sdelay $0xe  }
0x245: {  	s3 =	sadd.s32 $0x100, s3;
	s9 =	simm.s32 $0x0;
	s6 =	spop (v2sf)  }
.Ltmp33:
0x246: {  	s4 =	sadd.s32 $0x1, s4;
	p1 =	sgt.u32 s6, $0x27070;
	(pc) =	sbr.rel @p0 .LBB2_40-.Ltmp33, $4  }
0x247: {  	s9 =	simm.s32 @!p1 $0x400;
	s7 =	sand.u32 @!p1 $0x3FFF8, s6;
	s8 =	sadd.s32 @!p1 $0x80, s6  }
0x248: {  	s6 =	sand.u32 @!p1 $0x7, s6;
	s7 =	sadd.s32 @!p1 s1, s7;
	s8 =	sand.u32 @!p1 $0x7FFF8, s8  }
0x249: {  	[hbm4b:s7+s6] =	stream.linear.scatter @!p1 [tilespmem:s0], [sflag:$0x5], $0x80, $0x38;
	[tilespmem:$0x1E668] =	vst v63  }
0x24a: {  	s5 =	sadd.s32 s5, s9;
	s7 =	sadd.s32 @!p1 $0x80, s0;
	s8 =	sadd.s32 @!p1 s1, s8  }
.LBB2_41:
0x24b: {  	[hbm4b:s8+s6] =	stream.linear.scatter @!p1 [tilespmem:s7], [sflag:$0x5], $0x80, $0x38;
	[tilespmem:$0x1E668] =	vst v63  }
0x24c: {  	s0 =	sshrl.u32 s5, $0x2  }
.LBB2_42:
0x24d: {  	s1 =	simm.s32 $0x5  }
0x24e: {  	_ =	swait.ge [sflag:s1], s0  }
0x24f: {  	s29 =	ssub.s32 $0x0, s0;
	[sflag:s1] =	ssyncset.done $0x0  }
0x250: {  	[sflag:s1] =	ssyncadd.s32 s29  }
0x251: {  	[sflag:s1] =	ssyncpa.u1 $0x1  }
0x252: {  	s30 =	simm.s32 $0x1;
	_ =	sfence  }
0x253: {  	[sflag:s30] =	ssyncpa.u1 $0x1  }
0x254: {  	_ =	strace $0x90000056  }
0x255: {  	[bflag:$0x2] =	sbarrier.arrive $0xFFFF  }
0x256: {  	s31 =	rddreg [dreg:$0x1]  }
0x257: {  	s0 =	sadd.s32 $0x100000, s31  }
0x258: {  	[sflag:s0] =	ssyncadd.tile.s32 $0x1;
	_ =	shalt  }
.Lfunc_end2:
_tile_overlayer_lowered:
.L_overlay_start_2:
0x259: {  	(tag) =	ssettag $0x2  }
0x25a: {  	s0 =	rddreg [dreg:$0x0];
	s2 =	stileid.u32  }
0x25b: {  	s1 =	rddreg [dreg:$0x1];
	p0 =	sne.s32 s2, $0x0  }
0x25c: {  	s3 =	rddreg [dreg:$0x2];
	[bflag:$0x3] =	sbarrier.arrive $0xFFFF;
	s2 =	simm.s32 @!p0 $0x1C01  }
0x25d: {  	[timem:s3], [sflag:s2] =	dma.local @!p0 [hbm:s0], s1  }
0x25e: {  	s0 =	simm.s32 @!p0 $0x1  }
0x25f: {  	_ =	swait.ge @!p0 [sflag:s0], s1  }
0x260: {  	s1 =	ssub.s32 @!p0 $0x0, s1;
	[sflag:s0] =	ssyncset.done @!p0 $0x0  }
0x261: {  	[sflag:s0] =	ssyncadd.s32 @!p0 s1  }
0x262: {  	[bflag:$0x3] =	sbarrier.arrive $0xFFFF  }
0x263: {  	_ =	shalt  }

// kernel: scatter_offload_async_start
scs
__scs_entry_jumppad:
0x0: {  	(pc) =	sbr.rel $0x88, $3  }
0x1: {  	(tag) =	ssettag $0x0;
	lr =	simm.s32 $0x1  }
0x2: {  	[smem:$0x3F6F] =	sst lr;
	_ =	strace $0xD0000000  }
0x3: {  	_ = 	snop  }
0x4: {  	_ = 	snop  }
0x5: {  	_ = 	snop  }
0x6: {  	_ = 	snop  }
0x7: {  	_ = 	snop  }
__scs_overlays_trampoline_lowered:
0x8: {  	[smem:$0x3F7E] =	sst s0  }
0x9: {  	[smem:$0x3F7F] =	sst s1  }
0xa: {  	[smem:$0x3F80] =	sst s2  }
0xb: {  	[smem:$0x3F81] =	sst s3  }
0xc: {  	[smem:$0x3F82] =	sst s4  }
0xd: {  	[smem:$0x3F83] =	sst s5  }
0xe: {  	[smem:$0x3F84] =	sst s6  }
0xf: {  	[smem:$0x3F85] =	sst s7  }
0x10: {  	[smem:$0x3F86] =	sst s8  }
0x11: {  	[smem:$0x3F87] =	sst s9;
	s0 =	simm.s32 @!p0 $0x0  }
0x12: {  	s1 =	sld [smem:$0x3F6D];
	s0 =	simm.s32 @p0 $0x1  }
0x13: {  	[smem:$0x3F88] =	sst s0;
	s0 =	simm.s32 @!p1 $0x0  }
0x14: {  	s2 =	sld [smem:$0x3F6C];
	s0 =	simm.s32 @p1 $0x1  }
0x15: {  	[smem:$0x3F89] =	sst s0;
	s0 =	simm.s32 @!p2 $0x0  }
0x16: {  	s3 =	sld [smem:$0x3FDB];
	s0 =	simm.s32 @p2 $0x1  }
0x17: {  	s4 =	simm.s32 $0x1BF5;
	[smem:$0x3F8B] =	sst s0  }
0x18: {  	s0 =	sld [smem:$0x3F6E];
	_ =	swait.ge [sflag:s4], $0x0  }
0x19: {  	s7 =	sld [smem:$0x3F6F]  }
0x1a: {  	s8 =	sadd.s32 $0xFFFFE003, lr  }
0x1b: {  	s9 =	sadd.s32 $0xFFFFFEF7, lr;
	s5 =	simm.s32 $0xFFFFFFFF;
	p2 =	slt.u32 s8, $0xFFFFF086  }
0x1c: {  	p1 =	slt.u32 s9, $0xF7A;
	s5 =	simm.s32 @!p2 $0x0  }
0x1d: {  	s5 =	simm.s32 @p1 $0x1;
	p0 =	seq.s32 s7, s2  }
0x1e: {  	s7 =	smul.u32 @!p0 $0xF7A, s2;
	p2 =	seq.s32 @!p0 s5, $0x0  }
0x1f: {  	s9 =	smul.u32 $0xF7A, s1;
	s8 =	simm.s32 @!p0 $0x1BF5;
	p2 =	por !p2, p0  }
0x20: {  	[sflag:s8] =	ssyncset.s32 @!p0 $0xFFFFF086;
	s6 =	sadd.s32 @!p0 s3, s7;
	s7 =	simm.s32 @!p0 $0x108  }
0x21: {  	s3 =	sadd.s32 s3, s9;
	s6 =	sadd.s32 @!p0 $0x88, s6;
	s7 =	simm.s32 @p2 $0x1082  }
0x22: {  	[simem:s7], [sflag:s8] =	dma.local @!p0 [hbm:s6], $0xF7A  }
0x23: {  	s9 =	sor.u32 $0xD0000000, s2;
	s6 =	simm.s32 $0x108;
	_ =	swait.ge @!p0 [sflag:s8], $0x0  }
0x24: {  	s3 =	sadd.s32 $0x88, s3;
	s6 =	simm.s32 @!p1 $0x1082;
	[sflag:s4] =	ssyncset.s32 $0xFFFFF086  }
0x25: {  	[simem:s6], [sflag:s4] =	dma.local [hbm:s3], $0xF7A  }
0x26: {  	[smem:$0x3F6F] =	sst s1;
	(tag) =	ssettag s2;
	_ =	strace s9  }
0x27: {  	s1 =	sld [smem:$0x3F7F]  }
0x28: {  	s2 =	sld [smem:$0x3F80]  }
0x29: {  	s4 =	sld [smem:$0x3F82]  }
0x2a: {  	p0 =	seq.s32 s5, $0x0;
	s5 =	sld [smem:$0x3F83]  }
0x2b: {  	s6 =	sld [smem:$0x3F84]  }
0x2c: {  	s7 =	sld [smem:$0x3F85]  }
0x2d: {  	s3 =	simm.s32 $0x108;
	s8 =	sld [smem:$0x3F86]  }
0x2e: {  	s3 =	simm.s32 @!p0 $0x1082;
	s9 =	sld [smem:$0x3F87]  }
0x2f: {  	lr =	sadd.s32 s0, s3;
	s0 =	sld [smem:$0x3F7E]  }
0x30: {  	s3 =	sld [smem:$0x3F81]  }
0x31: {  	[smem:$0x3F8A] =	sst s10  }
0x32: {  	s10 =	sld [smem:$0x3F88];
	_ =	sdelay $0x3  }
0x33: {  	p0 =	seq.s32 s10, $0x1;
	s10 =	sld [smem:$0x3F8A];
	_ =	sdelay $0x3  }
0x34: {  	[smem:$0x3F8A] =	sst s10  }
0x35: {  	s10 =	sld [smem:$0x3F89];
	_ =	sdelay $0x3  }
0x36: {  	p1 =	seq.s32 s10, $0x1;
	s10 =	sld [smem:$0x3F8A];
	_ =	sdelay $0x3  }
0x37: {  	[smem:$0x3F8A] =	sst s10  }
0x38: {  	s10 =	sld [smem:$0x3F8B]  }
0x39: {  	_ = 	snop;
	(pc) =	sbr.ind lr, $3  }
0x3a: {  	_ = 	snop  }
0x3b: {  	_ = 	snop  }
0x3c: {  	p2 =	seq.s32 s10, $0x1;
	s10 =	sld [smem:$0x3F8A]  }
0x3d: {  	_ =	shalt  }
0x3e: {  	_ =	shalt  }
0x3f: {  	_ =	shalt  }
0x40: {  	_ =	shalt  }
0x41: {  	_ =	shalt  }
0x42: {  	_ =	shalt  }
0x43: {  	_ =	shalt  }
0x44: {  	_ =	shalt  }
0x45: {  	_ =	shalt  }
0x46: {  	_ =	shalt  }
0x47: {  	_ =	shalt  }
0x48: {  	_ =	shalt  }
0x49: {  	_ =	shalt  }
0x4a: {  	_ =	shalt  }
0x4b: {  	_ =	shalt  }
0x4c: {  	_ =	shalt  }
0x4d: {  	_ =	shalt  }
0x4e: {  	_ =	shalt  }
0x4f: {  	_ =	shalt  }
0x50: {  	_ =	shalt  }
0x51: {  	_ =	shalt  }
0x52: {  	_ =	shalt  }
0x53: {  	_ =	shalt  }
0x54: {  	_ =	shalt  }
0x55: {  	_ =	shalt  }
0x56: {  	_ =	shalt  }
0x57: {  	_ =	shalt  }
0x58: {  	_ =	shalt  }
0x59: {  	_ =	shalt  }
0x5a: {  	_ =	shalt  }
0x5b: {  	_ =	shalt  }
0x5c: {  	_ =	shalt  }
0x5d: {  	_ =	shalt  }
0x5e: {  	_ =	shalt  }
0x5f: {  	_ =	shalt  }
0x60: {  	_ =	shalt  }
0x61: {  	_ =	shalt  }
0x62: {  	_ =	shalt  }
0x63: {  	_ =	shalt  }
0x64: {  	_ =	shalt  }
0x65: {  	_ =	shalt  }
0x66: {  	_ =	shalt  }
0x67: {  	_ =	shalt  }
0x68: {  	_ =	shalt  }
0x69: {  	_ =	shalt  }
0x6a: {  	_ =	shalt  }
0x6b: {  	_ =	shalt  }
0x6c: {  	_ =	shalt  }
0x6d: {  	_ =	shalt  }
0x6e: {  	_ =	shalt  }
0x6f: {  	_ =	shalt  }
0x70: {  	_ =	shalt  }
0x71: {  	_ =	shalt  }
0x72: {  	_ =	shalt  }
0x73: {  	_ =	shalt  }
0x74: {  	_ =	shalt  }
0x75: {  	_ =	shalt  }
0x76: {  	_ =	shalt  }
0x77: {  	_ =	shalt  }
0x78: {  	_ =	shalt  }
0x79: {  	_ =	shalt  }
0x7a: {  	_ =	shalt  }
0x7b: {  	_ =	shalt  }
0x7c: {  	_ =	shalt  }
0x7d: {  	_ =	shalt  }
0x7e: {  	_ =	shalt  }
0x7f: {  	_ =	shalt  }
0x80: {  	_ =	shalt  }
0x81: {  	_ =	shalt  }
0x82: {  	_ =	shalt  }
0x83: {  	_ =	shalt  }
0x84: {  	_ =	shalt  }
0x85: {  	_ =	shalt  }
0x86: {  	_ =	shalt  }
0x87: {  	_ =	shalt  }
.Lfunc_end0:
.L_simem_size_0:
called_computation_lowered:
.L_overlay_start_0:
0x88: {  	s2 =	sld [smem:$0x3FD9]  }
0x89: {  	s3 =	sld [smem:$0x3FFE];
	_ =	sdelay $0x1  }
0x8a: {  	s1 =	srdreg.scid  }
0x8b: {  	s0 =	sand.u32 $0x1, s1  }
0x8c: {  	s13 =	sshll.u32 s0, $0xA;
	s2 =	sadd.s32 s3, s2  }
0x8d: {  	s2 =	sadd.s32 s2, s13  }
0x8e: {  	[smem:$0x3F96] =	sst s2  }
0x8f: {  	_ = 	snop  }
0x90: {  	s2 =	sld [smem:$0x3FD0];
	_ =	sdelay $0x2  }
0x91: {  	s14 =	simm.s32 $0xA;
	s4 =	simm.s32 $0x10  }
0x92: {  	[smem:s4], [sflag:s14] =	dma.local [hbm:s2], $0x1  }
0x93: {  	_ =	swait.eq [sflag:s14], $0x1  }
0x94: {  	s15 =	sld [smem:$0x10];
	[sflag:s14] =	ssyncset.done $0x0  }
0x95: {  	s16 =	sld [smem:$0x11];
	[sflag:s14] =	ssyncadd.s32 $0xFFFFFFFF  }
0x96: {  	s17 =	sld [smem:$0x12];
	(tm) =	ssettm $0x1  }
0x97: {  	s5 =	sld [smem:$0x3FFB];
	_ =	sdelay $0x3  }
0x98: {  	_ =	strace s5  }
0x99: {  	s5 =	sld [smem:$0x3FFC];
	_ =	sdelay $0x3  }
0x9a: {  	_ =	strace s5  }
0x9b: {  	s5 =	sld [smem:$0x3FFD];
	_ =	sdelay $0x3  }
0x9c: {  	_ =	strace s5  }
0x9d: {  	_ =	strace $0x8FFFFFFF  }
0x9e: {  	s18 =	sld [smem:$0x3FDB];
	_ =	sdelay $0x1  }
0x9f: {  	s6 =	simm.s32 $_scs_section_size  }
0xa0: {  	s7 =	simm.s32 $_size__tile_overlayer_lowered;
	s8 =	simm.s32 $_tile_overlayer_lowered  }
0xa1: {  	s21 =	simm.s32 $0x1BFF;
	s20 =	sshll.u32 s8, $0x1;
	s5 =	sadd.s32 s6, s18  }
0xa2: {  	s9 =	simm.s32 $0x0;
	s19 =	sshll.u32 s7, $0x1;
	s7 =	sadd.s32 s20, s5  }
0xa3: {  	[timem:s9], [sflag:s21] =	dma.local [hbm:s7], s19  }
0xa4: {  	_ =	swait.ge [sflag:s21], s19  }
0xa5: {  	s6 =	ssub.s32 $0x0, s19;
	[sflag:s21] =	ssyncset.done $0x0  }
0xa6: {  	[sflag:s21] =	ssyncadd.s32 s6;
	_ =	sdelay $0x1  }
0xa7: {  	s22 =	simm.s32 $0x1B8B  }
0xa8: {  	_ =	swait.ge [sflag:s22], $0x1  }
0xa9: {  	[sflag:s22] =	ssyncset.done $0x0  }
0xaa: {  	s23 =	sld [smem:$0x3FFE];
	[sflag:s22] =	ssyncadd.s32 $0xFFFFFFFF  }
0xab: {  	s25 =	simm.s32 $0x1B8E;
	s24 =	sld [smem:$0x0]  }
0xac: {  	s26 =	simm.s32 $execute0_lowered;
	[smem:$0x3FD2] =	sst s25  }
0xad: {  	s8 =	sshll.u32 s26, $0x1;
	_ =	strace $0x8000004F;
	[dreg:$0x1] =	wrdreg $0xFFFFFFFF  }
0xae: {  	s28 =	simm.s32 $_size_execute0_lowered;
	s5 =	sadd.s32 s5, s8;
	[dreg:$0x0] =	wrdreg $0x0  }
0xaf: {  	s8 =	sshll.u32 s28, $0x1;
	[dreg:$0x2] =	wrdreg s5  }
0xb0: {  	[dreg:$0x3] =	wrdreg s8  }
0xb1: {  	[dreg:$0x4] =	wrdreg $0xC0  }
0xb2: {  	_ =	task [dreg:s9], $0x5FFFF  }
0xb3: {  	[dreg:$0x1] =	wrdreg $0xFFFFFFFF  }
0xb4: {  	[dreg:$0x0] =	wrdreg $0x60  }
0xb5: {  	[dreg:$0x2] =	wrdreg s17  }
0xb6: {  	[dreg:$0x3] =	wrdreg s16  }
0xb7: {  	[dreg:$0x4] =	wrdreg s23  }
0xb8: {  	[dreg:$0x5] =	wrdreg s15  }
0xb9: {  	[dreg:$0x6] =	wrdreg s1  }
0xba: {  	[dreg:$0x7] =	wrdreg s24  }
0xbb: {  	[dreg:$0x8] =	wrdreg $0x9  }
0xbc: {  	_ =	task.clear_ibuf [dreg:s9], $0x9FFFF;
	_ =	strace $0x9000004F  }
0xbd: {  	s29 =	simm.s32 $0x9;
	_ =	strace $0x80000051  }
0xbe: {  	_ =	swait.ge [sflag:s29], $0x1  }
0xbf: {  	[sflag:s29] =	ssyncadd.s32 $0xFFFFFFFF  }
0xc0: {  	_ =	strace $0x90000051  }
0xc1: {  	_ =	sfence  }
0xc2: {  	s30 =	sld [smem:$0x0];
	_ =	sdelay $0x2  }
0xc3: {  	s31 =	sshll.u32 s1, $0xD;
	s1 =	sshrl.u32 s1, $0x2  }
0xc4: {  	s3 =	sand.u32 $0x4000, s31;
	s1 =	sadd.s32 s1, s30  }
0xc5: {  	s0 =	sor.u32 s3, s0;
	s1 =	sshll.u32 s1, $0x11  }
0xc6: {  	s0 =	sor.u32 s1, s0  }
0xc7: {  	s0 =	sadd.s32 $0x8F2B, s0  }
0xc8: {  	[sflag:s0] =	ssyncadd.remote.s32 $0x1  }
0xc9: {  	_ =	sfence.sel $0xFFFF  }
0xca: {  	[dreg:$0x0] =	wrdreg $0xFFFFFFFF;
	(pc) =	sbr.abs _section_cstart, $3  }
0xcb: {  	[dreg:$0x1] =	wrdreg $0xFFFFFFFF  }
0xcc: {  	_ =	task.clear_ibuf [dreg:s9], $0x2FFFF;
	_ =	strace $0x9FFFFFFF  }
0xcd: {  	(tm) =	ssettm $0x7FFFFFFF  }
tec
execute0_lowered:
.L_overlay_start_1:
0x0: {  	(tag) =	ssettag $0x1  }
0x1: {  	s1 =	rddreg [dreg:$0x0]  }
0x2: {  	s5 =	rddreg [dreg:$0x1]  }
0x3: {  	s7 =	rddreg [dreg:$0x2]  }
0x4: {  	s6 =	rddreg [dreg:$0x3]  }
0x5: {  	s8 =	rddreg [dreg:$0x4];
	_ =	strace $0x80000050;
	s4 =	simm.s32 $0x1  }
0x6: {  	v0 =	vimm.s32 $0x0;
	[sflag:s4] =	ssyncpa.u1 $0x0  }
0x7: {  	[tilespmem:$0xC8] =	vst v0  }
0x8: {  	[tilespmem:$0xD8] =	vst v0  }
0x9: {  	[tilespmem:$0xE8] =	vst v0  }
0xa: {  	[tilespmem:$0xF8] =	vst v0  }
0xb: {  	[tilespmem:$0x108] =	vst v0  }
0xc: {  	[tilespmem:$0x118] =	vst v0  }
0xd: {  	[tilespmem:$0x128] =	vst v0  }
0xe: {  	[tilespmem:$0x138] =	vst v0  }
0xf: {  	[tilespmem:$0x148] =	vst v0  }
0x10: {  	[tilespmem:$0x158] =	vst v0  }
0x11: {  	[tilespmem:$0x168] =	vst v0  }
0x12: {  	[tilespmem:$0x178] =	vst v0  }
0x13: {  	[tilespmem:$0x188] =	vst v0  }
0x14: {  	[tilespmem:$0x198] =	vst v0  }
0x15: {  	[tilespmem:$0x1A8] =	vst v0  }
0x16: {  	[tilespmem:$0x1B8] =	vst v0  }
0x17: {  	[tilespmem:$0x1C8] =	vst v0  }
0x18: {  	[tilespmem:$0x1D8] =	vst v0  }
0x19: {  	[tilespmem:$0x1E8] =	vst v0  }
0x1a: {  	[tilespmem:$0x1F8] =	vst v0  }
0x1b: {  	[tilespmem:$0x208] =	vst v0  }
0x1c: {  	[tilespmem:$0x218] =	vst v0  }
0x1d: {  	[tilespmem:$0x228] =	vst v0  }
0x1e: {  	[tilespmem:$0x238] =	vst v0  }
0x1f: {  	[tilespmem:$0x248] =	vst v0  }
0x20: {  	[tilespmem:$0x258] =	vst v0  }
0x21: {  	[tilespmem:$0x268] =	vst v0  }
0x22: {  	[tilespmem:$0x278] =	vst v0  }
0x23: {  	[tilespmem:$0x288] =	vst v0  }
0x24: {  	[tilespmem:$0x298] =	vst v0  }
0x25: {  	[tilespmem:$0x2A8] =	vst v0  }
0x26: {  	[tilespmem:$0x2B8] =	vst v0  }
0x27: {  	[tilespmem:$0x2C8] =	vst v0  }
0x28: {  	[tilespmem:$0x2D8] =	vst v0  }
0x29: {  	[tilespmem:$0x2E8] =	vst v0  }
0x2a: {  	[tilespmem:$0x2F8] =	vst v0  }
0x2b: {  	[tilespmem:$0x308] =	vst v0  }
0x2c: {  	[tilespmem:$0x318] =	vst v0  }
0x2d: {  	[tilespmem:$0x328] =	vst v0  }
0x2e: {  	[tilespmem:$0x338] =	vst v0  }
0x2f: {  	[tilespmem:$0x348] =	vst v0  }
0x30: {  	[tilespmem:$0x358] =	vst v0  }
0x31: {  	[tilespmem:$0x368] =	vst v0  }
0x32: {  	[tilespmem:$0x378] =	vst v0  }
0x33: {  	[tilespmem:$0x388] =	vst v0  }
0x34: {  	[tilespmem:$0x398] =	vst v0  }
0x35: {  	[tilespmem:$0x3A8] =	vst v0  }
0x36: {  	[tilespmem:$0x3B8] =	vst v0  }
0x37: {  	[tilespmem:$0x3C8] =	vst v0  }
0x38: {  	[tilespmem:$0x3D8] =	vst v0  }
0x39: {  	[tilespmem:$0x3E8] =	vst v0  }
0x3a: {  	[tilespmem:$0x3F8] =	vst v0  }
0x3b: {  	[tilespmem:$0x408] =	vst v0  }
0x3c: {  	[tilespmem:$0x418] =	vst v0  }
0x3d: {  	[tilespmem:$0x428] =	vst v0  }
0x3e: {  	[tilespmem:$0x438] =	vst v0  }
0x3f: {  	[tilespmem:$0x448] =	vst v0  }
0x40: {  	[tilespmem:$0x458] =	vst v0  }
0x41: {  	[tilespmem:$0x468] =	vst v0  }
0x42: {  	[tilespmem:$0x478] =	vst v0  }
0x43: {  	[tilespmem:$0x488] =	vst v0  }
0x44: {  	[tilespmem:$0x498] =	vst v0  }
0x45: {  	[tilespmem:$0x4A8] =	vst v0  }
0x46: {  	[tilespmem:$0x4B8] =	vst v0  }
0x47: {  	[tilespmem:$0x4C8] =	vst v0  }
0x48: {  	[tilespmem:$0x4D8] =	vst v0  }
0x49: {  	[tilespmem:$0x4E8] =	vst v0  }
0x4a: {  	[tilespmem:$0x4F8] =	vst v0  }
0x4b: {  	[tilespmem:$0x508] =	vst v0  }
0x4c: {  	[tilespmem:$0x518] =	vst v0  }
0x4d: {  	[tilespmem:$0x528] =	vst v0  }
0x4e: {  	[tilespmem:$0x538] =	vst v0  }
0x4f: {  	[tilespmem:$0x548] =	vst v0  }
0x50: {  	[tilespmem:$0x558] =	vst v0  }
0x51: {  	[tilespmem:$0x568] =	vst v0  }
0x52: {  	[tilespmem:$0x578] =	vst v0  }
0x53: {  	[tilespmem:$0x588] =	vst v0  }
0x54: {  	[tilespmem:$0x598] =	vst v0  }
0x55: {  	[tilespmem:$0x5A8] =	vst v0  }
0x56: {  	[tilespmem:$0x5B8] =	vst v0  }
0x57: {  	[tilespmem:$0x5C8] =	vst v0  }
0x58: {  	[tilespmem:$0x5D8] =	vst v0  }
0x59: {  	[tilespmem:$0x5E8] =	vst v0  }
0x5a: {  	[tilespmem:$0x5F8] =	vst v0  }
0x5b: {  	[tilespmem:$0x608] =	vst v0  }
0x5c: {  	[tilespmem:$0x618] =	vst v0  }
0x5d: {  	[tilespmem:$0x628] =	vst v0  }
0x5e: {  	[tilespmem:$0x638] =	vst v0  }
0x5f: {  	[tilespmem:$0x648] =	vst v0  }
0x60: {  	[tilespmem:$0x658] =	vst v0  }
0x61: {  	[tilespmem:$0x668] =	vst v0  }
0x62: {  	[tilespmem:$0x678] =	vst v0  }
0x63: {  	[tilespmem:$0x688] =	vst v0  }
0x64: {  	[tilespmem:$0x698] =	vst v0  }
0x65: {  	[tilespmem:$0x6A8] =	vst v0  }
0x66: {  	[tilespmem:$0x6B8] =	vst v0  }
0x67: {  	[tilespmem:$0x6C8] =	vst v0  }
0x68: {  	[tilespmem:$0x6D8] =	vst v0  }
0x69: {  	[tilespmem:$0x6E8] =	vst v0  }
0x6a: {  	[tilespmem:$0x6F8] =	vst v0  }
0x6b: {  	[tilespmem:$0x708] =	vst v0  }
0x6c: {  	[tilespmem:$0x718] =	vst v0  }
0x6d: {  	[tilespmem:$0x728] =	vst v0  }
0x6e: {  	[tilespmem:$0x738] =	vst v0  }
0x6f: {  	[tilespmem:$0x748] =	vst v0  }
0x70: {  	[tilespmem:$0x758] =	vst v0  }
0x71: {  	[tilespmem:$0x768] =	vst v0  }
0x72: {  	[tilespmem:$0x778] =	vst v0  }
0x73: {  	[tilespmem:$0x788] =	vst v0  }
0x74: {  	[tilespmem:$0x798] =	vst v0  }
0x75: {  	[tilespmem:$0x7A8] =	vst v0  }
0x76: {  	[tilespmem:$0x7B8] =	vst v0  }
0x77: {  	[tilespmem:$0x7C8] =	vst v0  }
0x78: {  	[tilespmem:$0x7D8] =	vst v0  }
0x79: {  	[tilespmem:$0x7E8] =	vst v0  }
0x7a: {  	[tilespmem:$0x7F8] =	vst v0  }
0x7b: {  	[tilespmem:$0x808] =	vst v0  }
0x7c: {  	[tilespmem:$0x818] =	vst v0  }
0x7d: {  	[tilespmem:$0x828] =	vst v0  }
0x7e: {  	[tilespmem:$0x838] =	vst v0  }
0x7f: {  	[tilespmem:$0x848] =	vst v0  }
0x80: {  	[tilespmem:$0x858] =	vst v0  }
0x81: {  	[tilespmem:$0x868] =	vst v0  }
0x82: {  	[tilespmem:$0x878] =	vst v0  }
0x83: {  	[tilespmem:$0x888] =	vst v0  }
0x84: {  	[tilespmem:$0x898] =	vst v0  }
0x85: {  	[tilespmem:$0x8A8] =	vst v0  }
0x86: {  	[tilespmem:$0x8B8] =	vst v0  }
0x87: {  	[tilespmem:$0x8C8] =	vst v0  }
0x88: {  	[tilespmem:$0x8D8] =	vst v0  }
0x89: {  	[tilespmem:$0x8E8] =	vst v0  }
0x8a: {  	[tilespmem:$0x8F8] =	vst v0  }
0x8b: {  	[tilespmem:$0x908] =	vst v0  }
0x8c: {  	[tilespmem:$0x918] =	vst v0  }
0x8d: {  	[tilespmem:$0x928] =	vst v0  }
0x8e: {  	[tilespmem:$0x938] =	vst v0  }
0x8f: {  	[tilespmem:$0x948] =	vst v0  }
0x90: {  	[tilespmem:$0x958] =	vst v0  }
0x91: {  	[tilespmem:$0x968] =	vst v0  }
0x92: {  	[tilespmem:$0x978] =	vst v0  }
0x93: {  	[tilespmem:$0x988] =	vst v0  }
0x94: {  	[tilespmem:$0x998] =	vst v0  }
0x95: {  	[tilespmem:$0x9A8] =	vst v0  }
0x96: {  	[tilespmem:$0x9B8] =	vst v0  }
0x97: {  	[tilespmem:$0x9C8] =	vst v0  }
0x98: {  	[tilespmem:$0x9D8] =	vst v0  }
0x99: {  	[tilespmem:$0x9E8] =	vst v0  }
0x9a: {  	[tilespmem:$0x9F8] =	vst v0  }
0x9b: {  	[tilespmem:$0xA08] =	vst v0  }
0x9c: {  	[tilespmem:$0xA18] =	vst v0  }
0x9d: {  	[tilespmem:$0xA28] =	vst v0  }
0x9e: {  	[tilespmem:$0xA38] =	vst v0  }
0x9f: {  	[tilespmem:$0xA48] =	vst v0  }
0xa0: {  	[tilespmem:$0xA58] =	vst v0  }
0xa1: {  	[tilespmem:$0xA68] =	vst v0  }
0xa2: {  	[tilespmem:$0xA78] =	vst v0  }
0xa3: {  	[tilespmem:$0xA88] =	vst v0  }
0xa4: {  	[tilespmem:$0xA98] =	vst v0  }
0xa5: {  	[tilespmem:$0xAA8] =	vst v0  }
0xa6: {  	[tilespmem:$0xAB8] =	vst v0  }
0xa7: {  	[tilespmem:$0xAC8] =	vst v0  }
0xa8: {  	[tilespmem:$0xAD8] =	vst v0  }
0xa9: {  	[tilespmem:$0xAE8] =	vst v0  }
0xaa: {  	[tilespmem:$0xAF8] =	vst v0  }
0xab: {  	[tilespmem:$0xB08] =	vst v0  }
0xac: {  	[tilespmem:$0xB18] =	vst v0  }
0xad: {  	[tilespmem:$0xB28] =	vst v0  }
0xae: {  	[tilespmem:$0xB38] =	vst v0  }
0xaf: {  	[tilespmem:$0xB48] =	vst v0  }
0xb0: {  	[tilespmem:$0xB58] =	vst v0  }
0xb1: {  	[tilespmem:$0xB68] =	vst v0  }
0xb2: {  	[tilespmem:$0xB78] =	vst v0  }
0xb3: {  	[tilespmem:$0xB88] =	vst v0  }
0xb4: {  	[tilespmem:$0xB98] =	vst v0  }
0xb5: {  	[tilespmem:$0xBA8] =	vst v0  }
0xb6: {  	[tilespmem:$0xBB8] =	vst v0  }
0xb7: {  	[tilespmem:$0xBC8] =	vst v0  }
0xb8: {  	[tilespmem:$0xBD8] =	vst v0  }
0xb9: {  	[tilespmem:$0xBE8] =	vst v0  }
0xba: {  	[tilespmem:$0xBF8] =	vst v0  }
0xbb: {  	[tilespmem:$0xC08] =	vst v0  }
0xbc: {  	[tilespmem:$0xC18] =	vst v0  }
0xbd: {  	[tilespmem:$0xC28] =	vst v0  }
0xbe: {  	[tilespmem:$0xC38] =	vst v0  }
0xbf: {  	[tilespmem:$0xC48] =	vst v0  }
0xc0: {  	[tilespmem:$0xC58] =	vst v0  }
0xc1: {  	[tilespmem:$0xC68] =	vst v0  }
0xc2: {  	[tilespmem:$0xC78] =	vst v0  }
0xc3: {  	[tilespmem:$0xC88] =	vst v0  }
0xc4: {  	[tilespmem:$0xC98] =	vst v0  }
0xc5: {  	[tilespmem:$0xCA8] =	vst v0  }
0xc6: {  	[tilespmem:$0xCB8] =	vst v0  }
0xc7: {  	[tilespmem:$0xCC8] =	vst v0  }
0xc8: {  	[tilespmem:$0xCD8] =	vst v0  }
0xc9: {  	[tilespmem:$0xCE8] =	vst v0  }
0xca: {  	[tilespmem:$0xCF8] =	vst v0  }
0xcb: {  	[tilespmem:$0xD08] =	vst v0  }
0xcc: {  	[tilespmem:$0xD18] =	vst v0  }
0xcd: {  	[tilespmem:$0xD28] =	vst v0  }
0xce: {  	[tilespmem:$0xD38] =	vst v0  }
0xcf: {  	[tilespmem:$0xD48] =	vst v0  }
0xd0: {  	[tilespmem:$0xD58] =	vst v0  }
0xd1: {  	[tilespmem:$0xD68] =	vst v0  }
0xd2: {  	[tilespmem:$0xD78] =	vst v0  }
0xd3: {  	[tilespmem:$0xD88] =	vst v0  }
0xd4: {  	[tilespmem:$0xD98] =	vst v0  }
0xd5: {  	[tilespmem:$0xDA8] =	vst v0  }
0xd6: {  	[tilespmem:$0xDB8] =	vst v0  }
0xd7: {  	[tilespmem:$0xDC8] =	vst v0  }
0xd8: {  	[tilespmem:$0xDD8] =	vst v0  }
0xd9: {  	[tilespmem:$0xDE8] =	vst v0  }
0xda: {  	[tilespmem:$0xDF8] =	vst v0  }
0xdb: {  	[tilespmem:$0xE08] =	vst v0  }
0xdc: {  	[tilespmem:$0xE18] =	vst v0  }
0xdd: {  	[tilespmem:$0xE28] =	vst v0  }
0xde: {  	[tilespmem:$0xE38] =	vst v0  }
0xdf: {  	[tilespmem:$0xE48] =	vst v0  }
0xe0: {  	[tilespmem:$0xE58] =	vst v0  }
0xe1: {  	[tilespmem:$0xE68] =	vst v0  }
0xe2: {  	[tilespmem:$0xE78] =	vst v0  }
0xe3: {  	[tilespmem:$0xE88] =	vst v0  }
0xe4: {  	[tilespmem:$0xE98] =	vst v0  }
0xe5: {  	[tilespmem:$0xEA8] =	vst v0  }
0xe6: {  	[tilespmem:$0xEB8] =	vst v0  }
0xe7: {  	[tilespmem:$0xEC8] =	vst v0  }
0xe8: {  	[tilespmem:$0xED8] =	vst v0  }
0xe9: {  	[tilespmem:$0xEE8] =	vst v0  }
0xea: {  	[tilespmem:$0xEF8] =	vst v0  }
0xeb: {  	[tilespmem:$0xF08] =	vst v0  }
0xec: {  	[tilespmem:$0xF18] =	vst v0  }
0xed: {  	[tilespmem:$0xF28] =	vst v0  }
0xee: {  	[tilespmem:$0xF38] =	vst v0  }
0xef: {  	[tilespmem:$0xF48] =	vst v0  }
0xf0: {  	[tilespmem:$0xF58] =	vst v0  }
0xf1: {  	[tilespmem:$0xF68] =	vst v0  }
0xf2: {  	[tilespmem:$0xF78] =	vst v0  }
0xf3: {  	[tilespmem:$0xF88] =	vst v0  }
0xf4: {  	[tilespmem:$0xF98] =	vst v0  }
0xf5: {  	[tilespmem:$0xFA8] =	vst v0  }
0xf6: {  	[tilespmem:$0xFB8] =	vst v0  }
0xf7: {  	[tilespmem:$0xFC8] =	vst v0  }
0xf8: {  	[tilespmem:$0xFD8] =	vst v0  }
0xf9: {  	[tilespmem:$0xFE8] =	vst v0  }
0xfa: {  	[tilespmem:$0xFF8] =	vst v0  }
0xfb: {  	[tilespmem:$0x1008] =	vst v0  }
0xfc: {  	[tilespmem:$0x1018] =	vst v0  }
0xfd: {  	[tilespmem:$0x1028] =	vst v0  }
0xfe: {  	[tilespmem:$0x1038] =	vst v0  }
0xff: {  	[tilespmem:$0x1048] =	vst v0  }
0x100: {  	[tilespmem:$0x1058] =	vst v0  }
0x101: {  	[tilespmem:$0x1068] =	vst v0  }
0x102: {  	[tilespmem:$0x1078] =	vst v0  }
0x103: {  	[tilespmem:$0x1088] =	vst v0  }
0x104: {  	[tilespmem:$0x1098] =	vst v0  }
0x105: {  	[tilespmem:$0x10A8] =	vst v0  }
0x106: {  	[tilespmem:$0x10B8] =	vst v0  }
0x107: {  	[tilespmem:$0x10C8] =	vst v0  }
0x108: {  	[tilespmem:$0x10D8] =	vst v0  }
0x109: {  	[tilespmem:$0x10E8] =	vst v0  }
0x10a: {  	[tilespmem:$0x10F8] =	vst v0  }
0x10b: {  	[tilespmem:$0x1108] =	vst v0  }
0x10c: {  	[tilespmem:$0x1118] =	vst v0  }
0x10d: {  	[tilespmem:$0x1128] =	vst v0  }
0x10e: {  	[tilespmem:$0x1138] =	vst v0  }
0x10f: {  	[tilespmem:$0x1148] =	vst v0  }
0x110: {  	[tilespmem:$0x1158] =	vst v0  }
0x111: {  	[tilespmem:$0x1168] =	vst v0  }
0x112: {  	[tilespmem:$0x1178] =	vst v0  }
0x113: {  	[tilespmem:$0x1188] =	vst v0  }
0x114: {  	[tilespmem:$0x1198] =	vst v0  }
0x115: {  	[tilespmem:$0x11A8] =	vst v0  }
0x116: {  	[tilespmem:$0x11B8] =	vst v0  }
0x117: {  	[tilespmem:$0x11C8] =	vst v0  }
0x118: {  	[tilespmem:$0x11D8] =	vst v0  }
0x119: {  	[tilespmem:$0x11E8] =	vst v0  }
0x11a: {  	[tilespmem:$0x11F8] =	vst v0  }
0x11b: {  	[tilespmem:$0x1208] =	vst v0  }
0x11c: {  	[tilespmem:$0x1218] =	vst v0  }
0x11d: {  	[tilespmem:$0x1228] =	vst v0  }
0x11e: {  	[tilespmem:$0x1238] =	vst v0  }
0x11f: {  	[tilespmem:$0x1248] =	vst v0  }
0x120: {  	[tilespmem:$0x1258] =	vst v0  }
0x121: {  	[tilespmem:$0x1268] =	vst v0  }
0x122: {  	[tilespmem:$0x1278] =	vst v0  }
0x123: {  	[tilespmem:$0x1288] =	vst v0  }
0x124: {  	[tilespmem:$0x1298] =	vst v0  }
0x125: {  	[tilespmem:$0x12A8] =	vst v0  }
0x126: {  	[tilespmem:$0x12B8] =	vst v0  }
0x127: {  	[tilespmem:$0x12C8] =	vst v0  }
0x128: {  	[tilespmem:$0x12D8] =	vst v0  }
0x129: {  	[tilespmem:$0x12E8] =	vst v0  }
0x12a: {  	[tilespmem:$0x12F8] =	vst v0  }
0x12b: {  	[tilespmem:$0x1308] =	vst v0  }
0x12c: {  	[tilespmem:$0x1318] =	vst v0  }
0x12d: {  	[tilespmem:$0x1328] =	vst v0  }
0x12e: {  	[tilespmem:$0x1338] =	vst v0  }
0x12f: {  	[tilespmem:$0x1348] =	vst v0  }
0x130: {  	[tilespmem:$0x1358] =	vst v0  }
0x131: {  	[tilespmem:$0x1368] =	vst v0  }
0x132: {  	[tilespmem:$0x1378] =	vst v0  }
0x133: {  	[tilespmem:$0x1388] =	vst v0  }
0x134: {  	[tilespmem:$0x1398] =	vst v0  }
0x135: {  	[tilespmem:$0x13A8] =	vst v0  }
0x136: {  	[tilespmem:$0x13B8] =	vst v0  }
0x137: {  	[tilespmem:$0x13C8] =	vst v0  }
0x138: {  	[tilespmem:$0x13D8] =	vst v0  }
0x139: {  	[tilespmem:$0x13E8] =	vst v0  }
0x13a: {  	[tilespmem:$0x13F8] =	vst v0  }
0x13b: {  	[tilespmem:$0x1408] =	vst v0  }
0x13c: {  	[tilespmem:$0x1418] =	vst v0  }
0x13d: {  	[tilespmem:$0x1428] =	vst v0  }
0x13e: {  	[tilespmem:$0x1438] =	vst v0  }
0x13f: {  	[tilespmem:$0x1448] =	vst v0  }
0x140: {  	[tilespmem:$0x1458] =	vst v0  }
0x141: {  	[tilespmem:$0x1468] =	vst v0  }
0x142: {  	[tilespmem:$0x1478] =	vst v0  }
0x143: {  	[tilespmem:$0x1488] =	vst v0  }
0x144: {  	[tilespmem:$0x1498] =	vst v0  }
0x145: {  	[tilespmem:$0x14A8] =	vst v0  }
0x146: {  	[tilespmem:$0x14B8] =	vst v0  }
0x147: {  	[tilespmem:$0x14C8] =	vst v0  }
0x148: {  	[tilespmem:$0x14D8] =	vst v0  }
0x149: {  	[tilespmem:$0x14E8] =	vst v0  }
0x14a: {  	[tilespmem:$0x14F8] =	vst v0  }
0x14b: {  	[tilespmem:$0x1508] =	vst v0  }
0x14c: {  	[tilespmem:$0x1518] =	vst v0  }
0x14d: {  	[tilespmem:$0x1528] =	vst v0  }
0x14e: {  	[tilespmem:$0x1538] =	vst v0  }
0x14f: {  	[tilespmem:$0x1548] =	vst v0  }
0x150: {  	[tilespmem:$0x1558] =	vst v0  }
0x151: {  	[tilespmem:$0x1568] =	vst v0  }
0x152: {  	[tilespmem:$0x1578] =	vst v0  }
0x153: {  	[tilespmem:$0x1588] =	vst v0  }
0x154: {  	[tilespmem:$0x1598] =	vst v0  }
0x155: {  	[tilespmem:$0x15A8] =	vst v0  }
0x156: {  	[tilespmem:$0x15B8] =	vst v0  }
0x157: {  	[tilespmem:$0x15C8] =	vst v0  }
0x158: {  	[tilespmem:$0x15D8] =	vst v0  }
0x159: {  	[tilespmem:$0x15E8] =	vst v0  }
0x15a: {  	[tilespmem:$0x15F8] =	vst v0  }
0x15b: {  	[tilespmem:$0x1608] =	vst v0  }
0x15c: {  	[tilespmem:$0x1618] =	vst v0  }
0x15d: {  	[tilespmem:$0x1628] =	vst v0  }
0x15e: {  	[tilespmem:$0x1638] =	vst v0  }
0x15f: {  	[tilespmem:$0x1648] =	vst v0  }
0x160: {  	[tilespmem:$0x1658] =	vst v0  }
0x161: {  	[tilespmem:$0x1668] =	vst v0  }
0x162: {  	[tilespmem:$0x1678] =	vst v0  }
0x163: {  	[tilespmem:$0x1688] =	vst v0  }
0x164: {  	[tilespmem:$0x1698] =	vst v0  }
0x165: {  	[tilespmem:$0x16A8] =	vst v0  }
0x166: {  	[tilespmem:$0x16B8] =	vst v0  }
0x167: {  	[tilespmem:$0x16C8] =	vst v0  }
0x168: {  	[tilespmem:$0x16D8] =	vst v0  }
0x169: {  	[tilespmem:$0x16E8] =	vst v0  }
0x16a: {  	[tilespmem:$0x16F8] =	vst v0  }
0x16b: {  	[tilespmem:$0x1708] =	vst v0  }
0x16c: {  	[tilespmem:$0x1718] =	vst v0  }
0x16d: {  	[tilespmem:$0x1728] =	vst v0  }
0x16e: {  	[tilespmem:$0x1738] =	vst v0  }
0x16f: {  	[tilespmem:$0x1748] =	vst v0  }
0x170: {  	[tilespmem:$0x1758] =	vst v0  }
0x171: {  	[tilespmem:$0x1768] =	vst v0  }
0x172: {  	[tilespmem:$0x1778] =	vst v0  }
0x173: {  	[tilespmem:$0x1788] =	vst v0  }
0x174: {  	[tilespmem:$0x1798] =	vst v0  }
0x175: {  	[tilespmem:$0x17A8] =	vst v0  }
0x176: {  	[tilespmem:$0x17B8] =	vst v0  }
0x177: {  	[tilespmem:$0x17C8] =	vst v0  }
0x178: {  	[tilespmem:$0x17D8] =	vst v0  }
0x179: {  	[tilespmem:$0x17E8] =	vst v0  }
0x17a: {  	[tilespmem:$0x17F8] =	vst v0  }
0x17b: {  	[tilespmem:$0x1808] =	vst v0  }
0x17c: {  	[tilespmem:$0x1818] =	vst v0  }
0x17d: {  	[tilespmem:$0x1828] =	vst v0  }
0x17e: {  	[tilespmem:$0x1838] =	vst v0  }
0x17f: {  	[tilespmem:$0x1848] =	vst v0  }
0x180: {  	[tilespmem:$0x1858] =	vst v0  }
0x181: {  	[tilespmem:$0x1868] =	vst v0  }
0x182: {  	[tilespmem:$0x1878] =	vst v0  }
0x183: {  	[tilespmem:$0x1888] =	vst v0  }
0x184: {  	[tilespmem:$0x1898] =	vst v0  }
0x185: {  	[tilespmem:$0x18A8] =	vst v0  }
0x186: {  	[tilespmem:$0x18B8] =	vst v0  }
0x187: {  	[tilespmem:$0x18C8] =	vst v0  }
0x188: {  	[tilespmem:$0x18D8] =	vst v0  }
0x189: {  	[tilespmem:$0x18E8] =	vst v0  }
0x18a: {  	[tilespmem:$0x18F8] =	vst v0  }
0x18b: {  	[tilespmem:$0x1908] =	vst v0  }
0x18c: {  	[tilespmem:$0x1918] =	vst v0  }
0x18d: {  	[tilespmem:$0x1928] =	vst v0  }
0x18e: {  	[tilespmem:$0x1938] =	vst v0  }
0x18f: {  	[tilespmem:$0x1948] =	vst v0  }
0x190: {  	[tilespmem:$0x1958] =	vst v0  }
0x191: {  	[tilespmem:$0x1968] =	vst v0  }
0x192: {  	[tilespmem:$0x1978] =	vst v0  }
0x193: {  	[tilespmem:$0x1988] =	vst v0  }
0x194: {  	[tilespmem:$0x1998] =	vst v0  }
0x195: {  	[tilespmem:$0x19A8] =	vst v0  }
0x196: {  	[tilespmem:$0x28D8] =	vst v0  }
0x197: {  	[tilespmem:$0x28E8] =	vst v0  }
0x198: {  	[tilespmem:$0x19B8] =	vst v0  }
0x199: {  	[tilespmem:$0x19C8] =	vst v0  }
0x19a: {  	[tilespmem:$0x19D8] =	vst v0  }
0x19b: {  	[tilespmem:$0x19E8] =	vst v0  }
0x19c: {  	[tilespmem:$0x19F8] =	vst v0  }
0x19d: {  	[tilespmem:$0x1A08] =	vst v0  }
0x19e: {  	[tilespmem:$0x1A18] =	vst v0  }
0x19f: {  	[tilespmem:$0x1A28] =	vst v0  }
0x1a0: {  	[tilespmem:$0x1A38] =	vst v0  }
0x1a1: {  	[tilespmem:$0x1A48] =	vst v0  }
0x1a2: {  	[tilespmem:$0x1A58] =	vst v0  }
0x1a3: {  	[tilespmem:$0x1A68] =	vst v0  }
0x1a4: {  	[tilespmem:$0x1A78] =	vst v0  }
0x1a5: {  	[tilespmem:$0x1A88] =	vst v0  }
0x1a6: {  	[tilespmem:$0x1A98] =	vst v0  }
0x1a7: {  	[tilespmem:$0x1AA8] =	vst v0  }
0x1a8: {  	[tilespmem:$0x1AB8] =	vst v0  }
0x1a9: {  	[tilespmem:$0x1AC8] =	vst v0  }
0x1aa: {  	[tilespmem:$0x1AD8] =	vst v0  }
0x1ab: {  	[tilespmem:$0x1AE8] =	vst v0  }
0x1ac: {  	[tilespmem:$0x1AF8] =	vst v0  }
0x1ad: {  	[tilespmem:$0x1B08] =	vst v0  }
0x1ae: {  	[tilespmem:$0x1B18] =	vst v0  }
0x1af: {  	[tilespmem:$0x1B28] =	vst v0  }
0x1b0: {  	[tilespmem:$0x1B38] =	vst v0  }
0x1b1: {  	[tilespmem:$0x1B48] =	vst v0  }
0x1b2: {  	[tilespmem:$0x1B58] =	vst v0  }
0x1b3: {  	[tilespmem:$0x1B68] =	vst v0  }
0x1b4: {  	[tilespmem:$0x1B78] =	vst v0  }
0x1b5: {  	[tilespmem:$0x1B88] =	vst v0  }
0x1b6: {  	[tilespmem:$0x1B98] =	vst v0  }
0x1b7: {  	[tilespmem:$0x1BA8] =	vst v0  }
0x1b8: {  	[tilespmem:$0x1BB8] =	vst v0  }
0x1b9: {  	[tilespmem:$0x1BC8] =	vst v0  }
0x1ba: {  	[tilespmem:$0x1BD8] =	vst v0  }
0x1bb: {  	[tilespmem:$0x1BE8] =	vst v0  }
0x1bc: {  	[tilespmem:$0x1BF8] =	vst v0  }
0x1bd: {  	[tilespmem:$0x1C08] =	vst v0  }
0x1be: {  	[tilespmem:$0x1C18] =	vst v0  }
0x1bf: {  	[tilespmem:$0x1C28] =	vst v0  }
0x1c0: {  	[tilespmem:$0x1C38] =	vst v0  }
0x1c1: {  	[tilespmem:$0x1C48] =	vst v0  }
0x1c2: {  	[tilespmem:$0x1C58] =	vst v0  }
0x1c3: {  	[tilespmem:$0x1C68] =	vst v0  }
0x1c4: {  	[tilespmem:$0x1C78] =	vst v0  }
0x1c5: {  	[tilespmem:$0x1C88] =	vst v0  }
0x1c6: {  	[tilespmem:$0x1C98] =	vst v0  }
0x1c7: {  	[tilespmem:$0x1CA8] =	vst v0  }
0x1c8: {  	[tilespmem:$0x1CB8] =	vst v0  }
0x1c9: {  	[tilespmem:$0x1CC8] =	vst v0  }
0x1ca: {  	[tilespmem:$0x1CD8] =	vst v0  }
0x1cb: {  	[tilespmem:$0x1CE8] =	vst v0  }
0x1cc: {  	[tilespmem:$0x1CF8] =	vst v0  }
0x1cd: {  	[tilespmem:$0x1D08] =	vst v0  }
0x1ce: {  	[tilespmem:$0x1D18] =	vst v0  }
0x1cf: {  	[tilespmem:$0x1D28] =	vst v0  }
0x1d0: {  	[tilespmem:$0x1D38] =	vst v0  }
0x1d1: {  	[tilespmem:$0x1D48] =	vst v0  }
0x1d2: {  	[tilespmem:$0x1D58] =	vst v0  }
0x1d3: {  	[tilespmem:$0x1D68] =	vst v0  }
0x1d4: {  	[tilespmem:$0x1D78] =	vst v0  }
0x1d5: {  	[tilespmem:$0x1D88] =	vst v0  }
0x1d6: {  	[tilespmem:$0x1D98] =	vst v0  }
0x1d7: {  	[tilespmem:$0x1DA8] =	vst v0  }
0x1d8: {  	[tilespmem:$0x1DB8] =	vst v0  }
0x1d9: {  	[tilespmem:$0x1DC8] =	vst v0  }
0x1da: {  	[tilespmem:$0x1DD8] =	vst v0  }
0x1db: {  	[tilespmem:$0x1DE8] =	vst v0  }
0x1dc: {  	[tilespmem:$0x1DF8] =	vst v0  }
0x1dd: {  	[tilespmem:$0x1E08] =	vst v0  }
0x1de: {  	[tilespmem:$0x1E18] =	vst v0  }
0x1df: {  	[tilespmem:$0x1E28] =	vst v0  }
0x1e0: {  	[tilespmem:$0x1E38] =	vst v0  }
0x1e1: {  	[tilespmem:$0x1E48] =	vst v0  }
0x1e2: {  	[tilespmem:$0x1E58] =	vst v0  }
0x1e3: {  	[tilespmem:$0x1E68] =	vst v0  }
0x1e4: {  	[tilespmem:$0x1E78] =	vst v0  }
0x1e5: {  	[tilespmem:$0x1E88] =	vst v0  }
0x1e6: {  	[tilespmem:$0x1E98] =	vst v0  }
0x1e7: {  	[tilespmem:$0x1EA8] =	vst v0  }
0x1e8: {  	[tilespmem:$0x1EB8] =	vst v0  }
0x1e9: {  	[tilespmem:$0x1EC8] =	vst v0  }
0x1ea: {  	[tilespmem:$0x1ED8] =	vst v0  }
0x1eb: {  	[tilespmem:$0x1EE8] =	vst v0  }
0x1ec: {  	[tilespmem:$0x1EF8] =	vst v0  }
0x1ed: {  	[tilespmem:$0x1F08] =	vst v0  }
0x1ee: {  	[tilespmem:$0x1F18] =	vst v0  }
0x1ef: {  	[tilespmem:$0x1F28] =	vst v0  }
0x1f0: {  	[tilespmem:$0x1F38] =	vst v0  }
0x1f1: {  	[tilespmem:$0x1F48] =	vst v0  }
0x1f2: {  	[tilespmem:$0x1F58] =	vst v0  }
0x1f3: {  	[tilespmem:$0x1F68] =	vst v0  }
0x1f4: {  	[tilespmem:$0x1F78] =	vst v0  }
0x1f5: {  	[tilespmem:$0x1F88] =	vst v0  }
0x1f6: {  	[tilespmem:$0x1F98] =	vst v0  }
0x1f7: {  	[tilespmem:$0x1FA8] =	vst v0  }
0x1f8: {  	[tilespmem:$0x1FB8] =	vst v0  }
0x1f9: {  	[tilespmem:$0x1FC8] =	vst v0  }
0x1fa: {  	[tilespmem:$0x1FD8] =	vst v0  }
0x1fb: {  	[tilespmem:$0x1FE8] =	vst v0  }
0x1fc: {  	[tilespmem:$0x1FF8] =	vst v0  }
0x1fd: {  	[tilespmem:$0x2008] =	vst v0  }
0x1fe: {  	[tilespmem:$0x2018] =	vst v0  }
0x1ff: {  	[tilespmem:$0x2028] =	vst v0  }
0x200: {  	[tilespmem:$0x2038] =	vst v0  }
0x201: {  	[tilespmem:$0x2048] =	vst v0  }
0x202: {  	[tilespmem:$0x2058] =	vst v0  }
0x203: {  	[tilespmem:$0x2068] =	vst v0  }
0x204: {  	[tilespmem:$0x2078] =	vst v0  }
0x205: {  	[tilespmem:$0x2088] =	vst v0  }
0x206: {  	[tilespmem:$0x2098] =	vst v0  }
0x207: {  	[tilespmem:$0x20A8] =	vst v0  }
0x208: {  	[tilespmem:$0x20B8] =	vst v0  }
0x209: {  	[tilespmem:$0x20C8] =	vst v0  }
0x20a: {  	[tilespmem:$0x20D8] =	vst v0  }
0x20b: {  	[tilespmem:$0x20E8] =	vst v0  }
0x20c: {  	[tilespmem:$0x20F8] =	vst v0  }
0x20d: {  	[tilespmem:$0x2108] =	vst v0  }
0x20e: {  	[tilespmem:$0x2118] =	vst v0  }
0x20f: {  	[tilespmem:$0x2128] =	vst v0  }
0x210: {  	[tilespmem:$0x2138] =	vst v0  }
0x211: {  	[tilespmem:$0x2148] =	vst v0  }
0x212: {  	[tilespmem:$0x2158] =	vst v0  }
0x213: {  	[tilespmem:$0x2168] =	vst v0  }
0x214: {  	[tilespmem:$0x2178] =	vst v0  }
0x215: {  	[tilespmem:$0x2188] =	vst v0  }
0x216: {  	[tilespmem:$0x2198] =	vst v0  }
0x217: {  	[tilespmem:$0x21A8] =	vst v0  }
0x218: {  	[tilespmem:$0x21B8] =	vst v0  }
0x219: {  	[tilespmem:$0x21C8] =	vst v0  }
0x21a: {  	[tilespmem:$0x21D8] =	vst v0  }
0x21b: {  	[tilespmem:$0x21E8] =	vst v0  }
0x21c: {  	[tilespmem:$0x21F8] =	vst v0  }
0x21d: {  	[tilespmem:$0x2208] =	vst v0  }
0x21e: {  	[tilespmem:$0x2218] =	vst v0  }
0x21f: {  	[tilespmem:$0x2228] =	vst v0  }
0x220: {  	[tilespmem:$0x2238] =	vst v0  }
0x221: {  	[tilespmem:$0x2248] =	vst v0  }
0x222: {  	[tilespmem:$0x2258] =	vst v0  }
0x223: {  	[tilespmem:$0x2268] =	vst v0  }
0x224: {  	[tilespmem:$0x2278] =	vst v0  }
0x225: {  	[tilespmem:$0x2288] =	vst v0  }
0x226: {  	[tilespmem:$0x2298] =	vst v0  }
0x227: {  	[tilespmem:$0x22A8] =	vst v0  }
0x228: {  	[tilespmem:$0x22B8] =	vst v0  }
0x229: {  	[tilespmem:$0x22C8] =	vst v0  }
0x22a: {  	[tilespmem:$0x22D8] =	vst v0  }
0x22b: {  	[tilespmem:$0x22E8] =	vst v0  }
0x22c: {  	[tilespmem:$0x22F8] =	vst v0  }
0x22d: {  	[tilespmem:$0x2308] =	vst v0  }
0x22e: {  	[tilespmem:$0x2318] =	vst v0  }
0x22f: {  	[tilespmem:$0x2328] =	vst v0  }
0x230: {  	[tilespmem:$0x2338] =	vst v0  }
0x231: {  	[tilespmem:$0x2348] =	vst v0  }
0x232: {  	[tilespmem:$0x2358] =	vst v0  }
0x233: {  	[tilespmem:$0x2368] =	vst v0  }
0x234: {  	[tilespmem:$0x2378] =	vst v0  }
0x235: {  	[tilespmem:$0x2388] =	vst v0  }
0x236: {  	[tilespmem:$0x2398] =	vst v0  }
0x237: {  	[tilespmem:$0x23A8] =	vst v0  }
0x238: {  	[tilespmem:$0x23B8] =	vst v0  }
0x239: {  	[tilespmem:$0x23C8] =	vst v0  }
0x23a: {  	[tilespmem:$0x23D8] =	vst v0  }
0x23b: {  	[tilespmem:$0x23E8] =	vst v0  }
0x23c: {  	[tilespmem:$0x23F8] =	vst v0  }
0x23d: {  	[tilespmem:$0x2408] =	vst v0  }
0x23e: {  	[tilespmem:$0x2418] =	vst v0  }
0x23f: {  	[tilespmem:$0x2428] =	vst v0  }
0x240: {  	[tilespmem:$0x2438] =	vst v0  }
0x241: {  	[tilespmem:$0x2448] =	vst v0  }
0x242: {  	[tilespmem:$0x2458] =	vst v0  }
0x243: {  	[tilespmem:$0x2468] =	vst v0  }
0x244: {  	[tilespmem:$0x2478] =	vst v0  }
0x245: {  	[tilespmem:$0x2488] =	vst v0  }
0x246: {  	[tilespmem:$0x2498] =	vst v0  }
0x247: {  	[tilespmem:$0x24A8] =	vst v0  }
0x248: {  	[tilespmem:$0x24B8] =	vst v0  }
0x249: {  	[tilespmem:$0x24C8] =	vst v0  }
0x24a: {  	[tilespmem:$0x24D8] =	vst v0  }
0x24b: {  	[tilespmem:$0x24E8] =	vst v0  }
0x24c: {  	[tilespmem:$0x24F8] =	vst v0  }
0x24d: {  	[tilespmem:$0x2508] =	vst v0  }
0x24e: {  	[tilespmem:$0x2518] =	vst v0  }
0x24f: {  	[tilespmem:$0x2528] =	vst v0  }
0x250: {  	[tilespmem:$0x2538] =	vst v0  }
0x251: {  	[tilespmem:$0x2548] =	vst v0  }
0x252: {  	[tilespmem:$0x2558] =	vst v0  }
0x253: {  	[tilespmem:$0x2568] =	vst v0  }
0x254: {  	[tilespmem:$0x2578] =	vst v0  }
0x255: {  	[tilespmem:$0x2588] =	vst v0  }
0x256: {  	[tilespmem:$0x2598] =	vst v0  }
0x257: {  	[tilespmem:$0x25A8] =	vst v0  }
0x258: {  	[tilespmem:$0x25B8] =	vst v0  }
0x259: {  	[tilespmem:$0x25C8] =	vst v0  }
0x25a: {  	[tilespmem:$0x25D8] =	vst v0  }
0x25b: {  	[tilespmem:$0x25E8] =	vst v0  }
0x25c: {  	[tilespmem:$0x25F8] =	vst v0  }
0x25d: {  	[tilespmem:$0x2608] =	vst v0  }
0x25e: {  	[tilespmem:$0x2618] =	vst v0  }
0x25f: {  	[tilespmem:$0x2628] =	vst v0  }
0x260: {  	[tilespmem:$0x2638] =	vst v0  }
0x261: {  	[tilespmem:$0x2648] =	vst v0  }
0x262: {  	[tilespmem:$0x2658] =	vst v0  }
0x263: {  	[tilespmem:$0x2668] =	vst v0  }
0x264: {  	[tilespmem:$0x2678] =	vst v0  }
0x265: {  	[tilespmem:$0x2688] =	vst v0  }
0x266: {  	[tilespmem:$0x2698] =	vst v0  }
0x267: {  	[tilespmem:$0x26A8] =	vst v0  }
0x268: {  	[tilespmem:$0x26B8] =	vst v0  }
0x269: {  	[tilespmem:$0x26C8] =	vst v0  }
0x26a: {  	[tilespmem:$0x26D8] =	vst v0  }
0x26b: {  	[tilespmem:$0x26E8] =	vst v0  }
0x26c: {  	[tilespmem:$0x26F8] =	vst v0  }
0x26d: {  	[tilespmem:$0x2708] =	vst v0  }
0x26e: {  	[tilespmem:$0x2718] =	vst v0  }
0x26f: {  	[tilespmem:$0x2728] =	vst v0  }
0x270: {  	[tilespmem:$0x2738] =	vst v0  }
0x271: {  	[tilespmem:$0x2748] =	vst v0  }
0x272: {  	[tilespmem:$0x2758] =	vst v0  }
0x273: {  	[tilespmem:$0x2768] =	vst v0  }
0x274: {  	[tilespmem:$0x2778] =	vst v0  }
0x275: {  	[tilespmem:$0x2788] =	vst v0  }
0x276: {  	[tilespmem:$0x2798] =	vst v0  }
0x277: {  	[tilespmem:$0x27A8] =	vst v0  }
0x278: {  	[tilespmem:$0x27B8] =	vst v0  }
0x279: {  	[tilespmem:$0x27C8] =	vst v0  }
0x27a: {  	[tilespmem:$0x27D8] =	vst v0  }
0x27b: {  	[tilespmem:$0x27E8] =	vst v0  }
0x27c: {  	[tilespmem:$0x27F8] =	vst v0  }
0x27d: {  	[tilespmem:$0x2808] =	vst v0  }
0x27e: {  	[tilespmem:$0x2818] =	vst v0  }
0x27f: {  	[tilespmem:$0x2828] =	vst v0  }
0x280: {  	[tilespmem:$0x2838] =	vst v0  }
0x281: {  	[tilespmem:$0x2848] =	vst v0  }
0x282: {  	[tilespmem:$0x2858] =	vst v0  }
0x283: {  	[tilespmem:$0x2868] =	vst v0  }
0x284: {  	[tilespmem:$0x2878] =	vst v0  }
0x285: {  	[tilespmem:$0x2888] =	vst v0  }
0x286: {  	[tilespmem:$0x2898] =	vst v0  }
0x287: {  	[tilespmem:$0x28A8] =	vst v0  }
0x288: {  	[tilespmem:$0x28B8] =	vst v0  }
0x289: {  	[tilespmem:$0x28C8] =	vst v0  }
0x28a: {  	[tilespmem:$0x28F8] =	vst v0  }
0x28b: {  	[tilespmem:$0x2908] =	vst v0  }
0x28c: {  	[tilespmem:$0x2918] =	vst v0  }
0x28d: {  	[tilespmem:$0x2928] =	vst v0  }
0x28e: {  	[tilespmem:$0x2938] =	vst v0  }
0x28f: {  	[tilespmem:$0x2948] =	vst v0  }
0x290: {  	[tilespmem:$0x2958] =	vst v0  }
0x291: {  	[tilespmem:$0x2968] =	vst v0  }
0x292: {  	[tilespmem:$0x2978] =	vst v0  }
0x293: {  	[tilespmem:$0x2988] =	vst v0  }
0x294: {  	[tilespmem:$0x2998] =	vst v0  }
0x295: {  	[tilespmem:$0x29A8] =	vst v0  }
0x296: {  	[tilespmem:$0x29B8] =	vst v0  }
0x297: {  	[tilespmem:$0x29C8] =	vst v0  }
0x298: {  	[tilespmem:$0x29D8] =	vst v0  }
0x299: {  	[tilespmem:$0x29E8] =	vst v0  }
0x29a: {  	[tilespmem:$0x29F8] =	vst v0  }
0x29b: {  	[tilespmem:$0x2A08] =	vst v0  }
0x29c: {  	[tilespmem:$0x2A18] =	vst v0  }
0x29d: {  	[tilespmem:$0x2A28] =	vst v0  }
0x29e: {  	[tilespmem:$0x2A38] =	vst v0  }
0x29f: {  	[tilespmem:$0x2A48] =	vst v0  }
0x2a0: {  	[tilespmem:$0x2A58] =	vst v0  }
0x2a1: {  	[tilespmem:$0x2A68] =	vst v0  }
0x2a2: {  	[tilespmem:$0x2A78] =	vst v0  }
0x2a3: {  	[tilespmem:$0x2A88] =	vst v0  }
0x2a4: {  	[tilespmem:$0x2A98] =	vst v0  }
0x2a5: {  	[tilespmem:$0x2AA8] =	vst v0  }
0x2a6: {  	[tilespmem:$0x2AB8] =	vst v0  }
0x2a7: {  	[tilespmem:$0x2AC8] =	vst v0  }
0x2a8: {  	[tilespmem:$0x2AD8] =	vst v0  }
0x2a9: {  	[tilespmem:$0x2AE8] =	vst v0  }
0x2aa: {  	[tilespmem:$0x2AF8] =	vst v0  }
0x2ab: {  	[tilespmem:$0x2B08] =	vst v0  }
0x2ac: {  	[tilespmem:$0x2B18] =	vst v0  }
0x2ad: {  	[tilespmem:$0x2B28] =	vst v0  }
0x2ae: {  	[tilespmem:$0x2B38] =	vst v0  }
0x2af: {  	[tilespmem:$0x2B48] =	vst v0  }
0x2b0: {  	[tilespmem:$0x2B58] =	vst v0  }
0x2b1: {  	[tilespmem:$0x2B68] =	vst v0  }
0x2b2: {  	[tilespmem:$0x2B78] =	vst v0  }
0x2b3: {  	[tilespmem:$0x2B88] =	vst v0  }
0x2b4: {  	[tilespmem:$0x2B98] =	vst v0  }
0x2b5: {  	[tilespmem:$0x2BA8] =	vst v0  }
0x2b6: {  	[tilespmem:$0x2BB8] =	vst v0  }
0x2b7: {  	[tilespmem:$0x2BC8] =	vst v0  }
0x2b8: {  	[tilespmem:$0x2BD8] =	vst v0  }
0x2b9: {  	[tilespmem:$0x2BE8] =	vst v0  }
0x2ba: {  	[tilespmem:$0x2BF8] =	vst v0  }
0x2bb: {  	[tilespmem:$0x2C08] =	vst v0  }
0x2bc: {  	[tilespmem:$0x2C18] =	vst v0  }
0x2bd: {  	[tilespmem:$0x2C28] =	vst v0  }
0x2be: {  	[tilespmem:$0x2C38] =	vst v0  }
0x2bf: {  	[tilespmem:$0x2C48] =	vst v0  }
0x2c0: {  	[tilespmem:$0x2C58] =	vst v0  }
0x2c1: {  	[tilespmem:$0x2C68] =	vst v0  }
0x2c2: {  	[tilespmem:$0x2C78] =	vst v0  }
0x2c3: {  	[tilespmem:$0x2C88] =	vst v0  }
0x2c4: {  	[tilespmem:$0x2C98] =	vst v0  }
0x2c5: {  	[tilespmem:$0x2CA8] =	vst v0  }
0x2c6: {  	[tilespmem:$0x2CB8] =	vst v0  }
0x2c7: {  	[tilespmem:$0x2CC8] =	vst v0  }
0x2c8: {  	[tilespmem:$0x2CD8] =	vst v0  }
0x2c9: {  	[tilespmem:$0x2CE8] =	vst v0  }
0x2ca: {  	[tilespmem:$0x2CF8] =	vst v0  }
0x2cb: {  	[tilespmem:$0x2D08] =	vst v0  }
0x2cc: {  	[tilespmem:$0x2D18] =	vst v0  }
0x2cd: {  	[tilespmem:$0x2D28] =	vst v0  }
0x2ce: {  	[tilespmem:$0x2D38] =	vst v0  }
0x2cf: {  	[tilespmem:$0x2D48] =	vst v0  }
0x2d0: {  	[tilespmem:$0x2D58] =	vst v0  }
0x2d1: {  	[tilespmem:$0x2D68] =	vst v0  }
0x2d2: {  	[tilespmem:$0x2D78] =	vst v0  }
0x2d3: {  	[tilespmem:$0x2D88] =	vst v0  }
0x2d4: {  	[tilespmem:$0x2D98] =	vst v0  }
0x2d5: {  	[tilespmem:$0x2DA8] =	vst v0  }
0x2d6: {  	[tilespmem:$0x2DB8] =	vst v0  }
0x2d7: {  	[tilespmem:$0x2DC8] =	vst v0  }
0x2d8: {  	[tilespmem:$0x2DD8] =	vst v0  }
0x2d9: {  	[tilespmem:$0x2DE8] =	vst v0  }
0x2da: {  	[tilespmem:$0x2DF8] =	vst v0  }
0x2db: {  	[tilespmem:$0x2E08] =	vst v0  }
0x2dc: {  	[tilespmem:$0x2E18] =	vst v0  }
0x2dd: {  	[tilespmem:$0x2E28] =	vst v0  }
0x2de: {  	[tilespmem:$0x2E38] =	vst v0  }
0x2df: {  	[tilespmem:$0x2E48] =	vst v0  }
0x2e0: {  	[tilespmem:$0x2E58] =	vst v0  }
0x2e1: {  	[tilespmem:$0x2E68] =	vst v0  }
0x2e2: {  	[tilespmem:$0x2E78] =	vst v0  }
0x2e3: {  	[tilespmem:$0x2E88] =	vst v0  }
0x2e4: {  	[tilespmem:$0x2E98] =	vst v0  }
0x2e5: {  	[tilespmem:$0x2EA8] =	vst v0  }
0x2e6: {  	[tilespmem:$0x2EB8] =	vst v0  }
0x2e7: {  	[tilespmem:$0x2EC8] =	vst v0  }
0x2e8: {  	[tilespmem:$0x2ED8] =	vst v0  }
0x2e9: {  	[tilespmem:$0x2EE8] =	vst v0  }
0x2ea: {  	[tilespmem:$0x2EF8] =	vst v0  }
0x2eb: {  	[tilespmem:$0x2F08] =	vst v0  }
0x2ec: {  	[tilespmem:$0x2F18] =	vst v0  }
0x2ed: {  	[tilespmem:$0x2F28] =	vst v0  }
0x2ee: {  	[tilespmem:$0x2F38] =	vst v0  }
0x2ef: {  	[tilespmem:$0x2F48] =	vst v0  }
0x2f0: {  	[tilespmem:$0x2F58] =	vst v0  }
0x2f1: {  	[tilespmem:$0x2F68] =	vst v0  }
0x2f2: {  	[tilespmem:$0x2F78] =	vst v0  }
0x2f3: {  	[tilespmem:$0x2F88] =	vst v0  }
0x2f4: {  	[tilespmem:$0x2F98] =	vst v0  }
0x2f5: {  	[tilespmem:$0x2FA8] =	vst v0  }
0x2f6: {  	[tilespmem:$0x2FB8] =	vst v0  }
0x2f7: {  	[tilespmem:$0x2FC8] =	vst v0  }
0x2f8: {  	[tilespmem:$0x2FD8] =	vst v0  }
0x2f9: {  	[tilespmem:$0x2FE8] =	vst v0  }
0x2fa: {  	[tilespmem:$0x2FF8] =	vst v0  }
0x2fb: {  	[tilespmem:$0x3008] =	vst v0  }
0x2fc: {  	[tilespmem:$0x3018] =	vst v0  }
0x2fd: {  	[tilespmem:$0x3028] =	vst v0  }
0x2fe: {  	[tilespmem:$0x3038] =	vst v0  }
0x2ff: {  	[tilespmem:$0x3048] =	vst v0  }
0x300: {  	[tilespmem:$0x3058] =	vst v0  }
0x301: {  	[tilespmem:$0x3068] =	vst v0  }
0x302: {  	[tilespmem:$0x3078] =	vst v0  }
0x303: {  	[tilespmem:$0x3088] =	vst v0  }
0x304: {  	[tilespmem:$0x3098] =	vst v0  }
0x305: {  	[tilespmem:$0x30A8] =	vst v0  }
0x306: {  	[tilespmem:$0x30B8] =	vst v0  }
0x307: {  	[tilespmem:$0x30C8] =	vst v0  }
0x308: {  	[tilespmem:$0x30D8] =	vst v0  }
0x309: {  	[tilespmem:$0x30E8] =	vst v0  }
0x30a: {  	[tilespmem:$0x30F8] =	vst v0  }
0x30b: {  	[tilespmem:$0x3108] =	vst v0  }
0x30c: {  	[tilespmem:$0x3118] =	vst v0  }
0x30d: {  	[tilespmem:$0x3128] =	vst v0  }
0x30e: {  	[tilespmem:$0x3138] =	vst v0  }
0x30f: {  	[tilespmem:$0x3148] =	vst v0  }
0x310: {  	[tilespmem:$0x3158] =	vst v0  }
0x311: {  	[tilespmem:$0x3168] =	vst v0  }
0x312: {  	[tilespmem:$0x3178] =	vst v0  }
0x313: {  	[tilespmem:$0x3188] =	vst v0  }
0x314: {  	[tilespmem:$0x3198] =	vst v0  }
0x315: {  	[tilespmem:$0x31A8] =	vst v0  }
0x316: {  	[tilespmem:$0x31B8] =	vst v0  }
0x317: {  	[tilespmem:$0x31C8] =	vst v0  }
0x318: {  	[tilespmem:$0x31D8] =	vst v0  }
0x319: {  	[tilespmem:$0x31E8] =	vst v0  }
0x31a: {  	[tilespmem:$0x31F8] =	vst v0  }
0x31b: {  	[tilespmem:$0x3208] =	vst v0  }
0x31c: {  	[tilespmem:$0x3218] =	vst v0  }
0x31d: {  	[tilespmem:$0x3228] =	vst v0  }
0x31e: {  	[tilespmem:$0x3238] =	vst v0  }
0x31f: {  	[tilespmem:$0x3248] =	vst v0  }
0x320: {  	[tilespmem:$0x3258] =	vst v0  }
0x321: {  	[tilespmem:$0x3268] =	vst v0  }
0x322: {  	[tilespmem:$0x3278] =	vst v0  }
0x323: {  	[tilespmem:$0x3288] =	vst v0  }
0x324: {  	[tilespmem:$0x3298] =	vst v0  }
0x325: {  	[tilespmem:$0x32A8] =	vst v0  }
0x326: {  	[tilespmem:$0x32B8] =	vst v0  }
0x327: {  	[tilespmem:$0x32C8] =	vst v0  }
0x328: {  	[tilespmem:$0x32D8] =	vst v0  }
0x329: {  	[tilespmem:$0x32E8] =	vst v0  }
0x32a: {  	[tilespmem:$0x32F8] =	vst v0  }
0x32b: {  	[tilespmem:$0x3308] =	vst v0  }
0x32c: {  	[tilespmem:$0x3318] =	vst v0  }
0x32d: {  	[tilespmem:$0x3328] =	vst v0  }
0x32e: {  	[tilespmem:$0x3338] =	vst v0  }
0x32f: {  	[tilespmem:$0x3348] =	vst v0  }
0x330: {  	[tilespmem:$0x3358] =	vst v0  }
0x331: {  	[tilespmem:$0x3368] =	vst v0  }
0x332: {  	[tilespmem:$0x3378] =	vst v0  }
0x333: {  	[tilespmem:$0x3388] =	vst v0  }
0x334: {  	[tilespmem:$0x3398] =	vst v0  }
0x335: {  	[tilespmem:$0x33A8] =	vst v0  }
0x336: {  	[tilespmem:$0x33B8] =	vst v0  }
0x337: {  	[tilespmem:$0x33C8] =	vst v0  }
0x338: {  	[tilespmem:$0x33D8] =	vst v0  }
0x339: {  	[tilespmem:$0x33E8] =	vst v0  }
0x33a: {  	[tilespmem:$0x33F8] =	vst v0  }
0x33b: {  	[tilespmem:$0x3408] =	vst v0  }
0x33c: {  	[tilespmem:$0x3418] =	vst v0  }
0x33d: {  	[tilespmem:$0x3428] =	vst v0  }
0x33e: {  	[tilespmem:$0x3438] =	vst v0  }
0x33f: {  	[tilespmem:$0x3448] =	vst v0  }
0x340: {  	[tilespmem:$0x3458] =	vst v0  }
0x341: {  	[tilespmem:$0x3468] =	vst v0  }
0x342: {  	[tilespmem:$0x3478] =	vst v0  }
0x343: {  	[tilespmem:$0x3488] =	vst v0  }
0x344: {  	[tilespmem:$0x3498] =	vst v0  }
0x345: {  	[tilespmem:$0x34A8] =	vst v0  }
0x346: {  	[tilespmem:$0x34B8] =	vst v0  }
0x347: {  	[tilespmem:$0x34C8] =	vst v0  }
0x348: {  	[tilespmem:$0x34D8] =	vst v0  }
0x349: {  	[tilespmem:$0x34E8] =	vst v0  }
0x34a: {  	[tilespmem:$0x34F8] =	vst v0  }
0x34b: {  	[tilespmem:$0x3508] =	vst v0  }
0x34c: {  	[tilespmem:$0x3518] =	vst v0  }
0x34d: {  	[tilespmem:$0x3528] =	vst v0  }
0x34e: {  	[tilespmem:$0x3538] =	vst v0  }
0x34f: {  	[tilespmem:$0x3548] =	vst v0  }
0x350: {  	[tilespmem:$0x3558] =	vst v0  }
0x351: {  	[tilespmem:$0x3568] =	vst v0  }
0x352: {  	[tilespmem:$0x3578] =	vst v0  }
0x353: {  	[tilespmem:$0x3588] =	vst v0  }
0x354: {  	[tilespmem:$0x3598] =	vst v0  }
0x355: {  	[tilespmem:$0x35A8] =	vst v0  }
0x356: {  	[tilespmem:$0x35B8] =	vst v0  }
0x357: {  	[tilespmem:$0x35C8] =	vst v0  }
0x358: {  	[tilespmem:$0x35D8] =	vst v0  }
0x359: {  	[tilespmem:$0x35E8] =	vst v0  }
0x35a: {  	[tilespmem:$0x35F8] =	vst v0  }
0x35b: {  	[tilespmem:$0x3608] =	vst v0  }
0x35c: {  	[tilespmem:$0x3618] =	vst v0  }
0x35d: {  	[tilespmem:$0x3628] =	vst v0  }
0x35e: {  	[tilespmem:$0x3638] =	vst v0  }
0x35f: {  	[tilespmem:$0x3648] =	vst v0  }
0x360: {  	[tilespmem:$0x3658] =	vst v0  }
0x361: {  	[tilespmem:$0x3668] =	vst v0  }
0x362: {  	[tilespmem:$0x3678] =	vst v0  }
0x363: {  	[tilespmem:$0x3688] =	vst v0  }
0x364: {  	[tilespmem:$0x3698] =	vst v0  }
0x365: {  	[tilespmem:$0x36A8] =	vst v0  }
0x366: {  	[tilespmem:$0x36B8] =	vst v0  }
0x367: {  	[tilespmem:$0x36C8] =	vst v0  }
0x368: {  	[tilespmem:$0x36D8] =	vst v0  }
0x369: {  	[tilespmem:$0x36E8] =	vst v0  }
0x36a: {  	[tilespmem:$0x36F8] =	vst v0  }
0x36b: {  	[tilespmem:$0x3708] =	vst v0  }
0x36c: {  	[tilespmem:$0x3718] =	vst v0  }
0x36d: {  	[tilespmem:$0x3728] =	vst v0  }
0x36e: {  	[tilespmem:$0x3738] =	vst v0  }
0x36f: {  	[tilespmem:$0x3748] =	vst v0  }
0x370: {  	[tilespmem:$0x3758] =	vst v0  }
0x371: {  	[tilespmem:$0x3768] =	vst v0  }
0x372: {  	[tilespmem:$0x3778] =	vst v0  }
0x373: {  	[tilespmem:$0x3788] =	vst v0  }
0x374: {  	[tilespmem:$0x3798] =	vst v0  }
0x375: {  	[tilespmem:$0x37A8] =	vst v0  }
0x376: {  	[tilespmem:$0x37B8] =	vst v0  }
0x377: {  	[tilespmem:$0x37C8] =	vst v0  }
0x378: {  	[tilespmem:$0x37D8] =	vst v0  }
0x379: {  	[tilespmem:$0x37E8] =	vst v0  }
0x37a: {  	[tilespmem:$0x37F8] =	vst v0  }
0x37b: {  	[tilespmem:$0x3808] =	vst v0  }
0x37c: {  	[tilespmem:$0x3818] =	vst v0  }
0x37d: {  	[tilespmem:$0x3828] =	vst v0  }
0x37e: {  	[tilespmem:$0x3838] =	vst v0  }
0x37f: {  	[tilespmem:$0x3848] =	vst v0  }
0x380: {  	[tilespmem:$0x3858] =	vst v0  }
0x381: {  	[tilespmem:$0x3868] =	vst v0  }
0x382: {  	[tilespmem:$0x3878] =	vst v0  }
0x383: {  	[tilespmem:$0x3888] =	vst v0  }
0x384: {  	[tilespmem:$0x3898] =	vst v0  }
0x385: {  	[tilespmem:$0x38A8] =	vst v0  }
0x386: {  	[tilespmem:$0x38B8] =	vst v0  }
0x387: {  	[tilespmem:$0x38C8] =	vst v0  }
0x388: {  	[tilespmem:$0x38D8] =	vst v0  }
0x389: {  	[tilespmem:$0x38E8] =	vst v0  }
0x38a: {  	[tilespmem:$0x4818] =	vst v0  }
0x38b: {  	[tilespmem:$0x4828] =	vst v0  }
0x38c: {  	[tilespmem:$0x38F8] =	vst v0  }
0x38d: {  	[tilespmem:$0x3908] =	vst v0  }
0x38e: {  	[tilespmem:$0x3918] =	vst v0  }
0x38f: {  	[tilespmem:$0x3928] =	vst v0  }
0x390: {  	[tilespmem:$0x3938] =	vst v0  }
0x391: {  	[tilespmem:$0x3948] =	vst v0  }
0x392: {  	[tilespmem:$0x3958] =	vst v0  }
0x393: {  	[tilespmem:$0x3968] =	vst v0  }
0x394: {  	[tilespmem:$0x3978] =	vst v0  }
0x395: {  	[tilespmem:$0x3988] =	vst v0  }
0x396: {  	[tilespmem:$0x3998] =	vst v0  }
0x397: {  	[tilespmem:$0x39A8] =	vst v0  }
0x398: {  	[tilespmem:$0x39B8] =	vst v0  }
0x399: {  	[tilespmem:$0x39C8] =	vst v0  }
0x39a: {  	[tilespmem:$0x39D8] =	vst v0  }
0x39b: {  	[tilespmem:$0x39E8] =	vst v0  }
0x39c: {  	[tilespmem:$0x39F8] =	vst v0  }
0x39d: {  	[tilespmem:$0x3A08] =	vst v0  }
0x39e: {  	[tilespmem:$0x3A18] =	vst v0  }
0x39f: {  	[tilespmem:$0x3A28] =	vst v0  }
0x3a0: {  	[tilespmem:$0x3A38] =	vst v0  }
0x3a1: {  	[tilespmem:$0x3A48] =	vst v0  }
0x3a2: {  	[tilespmem:$0x3A58] =	vst v0  }
0x3a3: {  	[tilespmem:$0x3A68] =	vst v0  }
0x3a4: {  	[tilespmem:$0x3A78] =	vst v0  }
0x3a5: {  	[tilespmem:$0x3A88] =	vst v0  }
0x3a6: {  	[tilespmem:$0x3A98] =	vst v0  }
0x3a7: {  	[tilespmem:$0x3AA8] =	vst v0  }
0x3a8: {  	[tilespmem:$0x3AB8] =	vst v0  }
0x3a9: {  	[tilespmem:$0x3AC8] =	vst v0  }
0x3aa: {  	[tilespmem:$0x3AD8] =	vst v0  }
0x3ab: {  	[tilespmem:$0x3AE8] =	vst v0  }
0x3ac: {  	[tilespmem:$0x3AF8] =	vst v0  }
0x3ad: {  	[tilespmem:$0x3B08] =	vst v0  }
0x3ae: {  	[tilespmem:$0x3B18] =	vst v0  }
0x3af: {  	[tilespmem:$0x3B28] =	vst v0  }
0x3b0: {  	[tilespmem:$0x3B38] =	vst v0  }
0x3b1: {  	[tilespmem:$0x3B48] =	vst v0  }
0x3b2: {  	[tilespmem:$0x3B58] =	vst v0  }
0x3b3: {  	[tilespmem:$0x3B68] =	vst v0  }
0x3b4: {  	[tilespmem:$0x3B78] =	vst v0  }
0x3b5: {  	[tilespmem:$0x3B88] =	vst v0  }
0x3b6: {  	[tilespmem:$0x3B98] =	vst v0  }
0x3b7: {  	[tilespmem:$0x3BA8] =	vst v0  }
0x3b8: {  	[tilespmem:$0x3BB8] =	vst v0  }
0x3b9: {  	[tilespmem:$0x3BC8] =	vst v0  }
0x3ba: {  	[tilespmem:$0x3BD8] =	vst v0  }
0x3bb: {  	[tilespmem:$0x3BE8] =	vst v0  }
0x3bc: {  	[tilespmem:$0x3BF8] =	vst v0  }
0x3bd: {  	[tilespmem:$0x3C08] =	vst v0  }
0x3be: {  	[tilespmem:$0x3C18] =	vst v0  }
0x3bf: {  	[tilespmem:$0x3C28] =	vst v0  }
0x3c0: {  	[tilespmem:$0x3C38] =	vst v0  }
0x3c1: {  	[tilespmem:$0x3C48] =	vst v0  }
0x3c2: {  	[tilespmem:$0x3C58] =	vst v0  }
0x3c3: {  	[tilespmem:$0x3C68] =	vst v0  }
0x3c4: {  	[tilespmem:$0x3C78] =	vst v0  }
0x3c5: {  	[tilespmem:$0x3C88] =	vst v0  }
0x3c6: {  	[tilespmem:$0x3C98] =	vst v0  }
0x3c7: {  	[tilespmem:$0x3CA8] =	vst v0  }
0x3c8: {  	[tilespmem:$0x3CB8] =	vst v0  }
0x3c9: {  	[tilespmem:$0x3CC8] =	vst v0  }
0x3ca: {  	[tilespmem:$0x3CD8] =	vst v0  }
0x3cb: {  	[tilespmem:$0x3CE8] =	vst v0  }
0x3cc: {  	[tilespmem:$0x3CF8] =	vst v0  }
0x3cd: {  	[tilespmem:$0x3D08] =	vst v0  }
0x3ce: {  	[tilespmem:$0x3D18] =	vst v0  }
0x3cf: {  	[tilespmem:$0x3D28] =	vst v0  }
0x3d0: {  	[tilespmem:$0x3D38] =	vst v0  }
0x3d1: {  	[tilespmem:$0x3D48] =	vst v0  }
0x3d2: {  	[tilespmem:$0x3D58] =	vst v0  }
0x3d3: {  	[tilespmem:$0x3D68] =	vst v0  }
0x3d4: {  	[tilespmem:$0x3D78] =	vst v0  }
0x3d5: {  	[tilespmem:$0x3D88] =	vst v0  }
0x3d6: {  	[tilespmem:$0x3D98] =	vst v0  }
0x3d7: {  	[tilespmem:$0x3DA8] =	vst v0  }
0x3d8: {  	[tilespmem:$0x3DB8] =	vst v0  }
0x3d9: {  	[tilespmem:$0x3DC8] =	vst v0  }
0x3da: {  	[tilespmem:$0x3DD8] =	vst v0  }
0x3db: {  	[tilespmem:$0x3DE8] =	vst v0  }
0x3dc: {  	[tilespmem:$0x3DF8] =	vst v0  }
0x3dd: {  	[tilespmem:$0x3E08] =	vst v0  }
0x3de: {  	[tilespmem:$0x3E18] =	vst v0  }
0x3df: {  	[tilespmem:$0x3E28] =	vst v0  }
0x3e0: {  	[tilespmem:$0x3E38] =	vst v0  }
0x3e1: {  	[tilespmem:$0x3E48] =	vst v0  }
0x3e2: {  	[tilespmem:$0x3E58] =	vst v0  }
0x3e3: {  	[tilespmem:$0x3E68] =	vst v0  }
0x3e4: {  	[tilespmem:$0x3E78] =	vst v0  }
0x3e5: {  	[tilespmem:$0x3E88] =	vst v0  }
0x3e6: {  	[tilespmem:$0x3E98] =	vst v0  }
0x3e7: {  	[tilespmem:$0x3EA8] =	vst v0  }
0x3e8: {  	[tilespmem:$0x3EB8] =	vst v0  }
0x3e9: {  	[tilespmem:$0x3EC8] =	vst v0  }
0x3ea: {  	[tilespmem:$0x3ED8] =	vst v0  }
0x3eb: {  	[tilespmem:$0x3EE8] =	vst v0  }
0x3ec: {  	[tilespmem:$0x3EF8] =	vst v0  }
0x3ed: {  	[tilespmem:$0x3F08] =	vst v0  }
0x3ee: {  	[tilespmem:$0x3F18] =	vst v0  }
0x3ef: {  	[tilespmem:$0x3F28] =	vst v0  }
0x3f0: {  	[tilespmem:$0x3F38] =	vst v0  }
0x3f1: {  	[tilespmem:$0x3F48] =	vst v0  }
0x3f2: {  	[tilespmem:$0x3F58] =	vst v0  }
0x3f3: {  	[tilespmem:$0x3F68] =	vst v0  }
0x3f4: {  	[tilespmem:$0x3F78] =	vst v0  }
0x3f5: {  	[tilespmem:$0x3F88] =	vst v0  }
0x3f6: {  	[tilespmem:$0x3F98] =	vst v0  }
0x3f7: {  	[tilespmem:$0x3FA8] =	vst v0  }
0x3f8: {  	[tilespmem:$0x3FB8] =	vst v0  }
0x3f9: {  	[tilespmem:$0x3FC8] =	vst v0  }
0x3fa: {  	[tilespmem:$0x3FD8] =	vst v0  }
0x3fb: {  	[tilespmem:$0x3FE8] =	vst v0  }
0x3fc: {  	[tilespmem:$0x3FF8] =	vst v0  }
0x3fd: {  	[tilespmem:$0x4008] =	vst v0  }
0x3fe: {  	[tilespmem:$0x4018] =	vst v0  }
0x3ff: {  	[tilespmem:$0x4028] =	vst v0  }
0x400: {  	[tilespmem:$0x4038] =	vst v0  }
0x401: {  	[tilespmem:$0x4048] =	vst v0  }
0x402: {  	[tilespmem:$0x4058] =	vst v0  }
0x403: {  	[tilespmem:$0x4068] =	vst v0  }
0x404: {  	[tilespmem:$0x4078] =	vst v0  }
0x405: {  	[tilespmem:$0x4088] =	vst v0  }
0x406: {  	[tilespmem:$0x4098] =	vst v0  }
0x407: {  	[tilespmem:$0x40A8] =	vst v0  }
0x408: {  	[tilespmem:$0x40B8] =	vst v0  }
0x409: {  	[tilespmem:$0x40C8] =	vst v0  }
0x40a: {  	[tilespmem:$0x40D8] =	vst v0  }
0x40b: {  	[tilespmem:$0x40E8] =	vst v0  }
0x40c: {  	[tilespmem:$0x40F8] =	vst v0  }
0x40d: {  	[tilespmem:$0x4108] =	vst v0  }
0x40e: {  	[tilespmem:$0x4118] =	vst v0  }
0x40f: {  	[tilespmem:$0x4128] =	vst v0  }
0x410: {  	[tilespmem:$0x4138] =	vst v0  }
0x411: {  	[tilespmem:$0x4148] =	vst v0  }
0x412: {  	[tilespmem:$0x4158] =	vst v0  }
0x413: {  	[tilespmem:$0x4168] =	vst v0  }
0x414: {  	[tilespmem:$0x4178] =	vst v0  }
0x415: {  	[tilespmem:$0x4188] =	vst v0  }
0x416: {  	[tilespmem:$0x4198] =	vst v0  }
0x417: {  	[tilespmem:$0x41A8] =	vst v0  }
0x418: {  	[tilespmem:$0x41B8] =	vst v0  }
0x419: {  	[tilespmem:$0x41C8] =	vst v0  }
0x41a: {  	[tilespmem:$0x41D8] =	vst v0  }
0x41b: {  	[tilespmem:$0x41E8] =	vst v0  }
0x41c: {  	[tilespmem:$0x41F8] =	vst v0  }
0x41d: {  	[tilespmem:$0x4208] =	vst v0  }
0x41e: {  	[tilespmem:$0x4218] =	vst v0  }
0x41f: {  	[tilespmem:$0x4228] =	vst v0  }
0x420: {  	[tilespmem:$0x4238] =	vst v0  }
0x421: {  	[tilespmem:$0x4248] =	vst v0  }
0x422: {  	[tilespmem:$0x4258] =	vst v0  }
0x423: {  	[tilespmem:$0x4268] =	vst v0  }
0x424: {  	[tilespmem:$0x4278] =	vst v0  }
0x425: {  	[tilespmem:$0x4288] =	vst v0  }
0x426: {  	[tilespmem:$0x4298] =	vst v0  }
0x427: {  	[tilespmem:$0x42A8] =	vst v0  }
0x428: {  	[tilespmem:$0x42B8] =	vst v0  }
0x429: {  	[tilespmem:$0x42C8] =	vst v0  }
0x42a: {  	[tilespmem:$0x42D8] =	vst v0  }
0x42b: {  	[tilespmem:$0x42E8] =	vst v0  }
0x42c: {  	[tilespmem:$0x42F8] =	vst v0  }
0x42d: {  	[tilespmem:$0x4308] =	vst v0  }
0x42e: {  	[tilespmem:$0x4318] =	vst v0  }
0x42f: {  	[tilespmem:$0x4328] =	vst v0  }
0x430: {  	[tilespmem:$0x4338] =	vst v0  }
0x431: {  	[tilespmem:$0x4348] =	vst v0  }
0x432: {  	[tilespmem:$0x4358] =	vst v0  }
0x433: {  	[tilespmem:$0x4368] =	vst v0  }
0x434: {  	[tilespmem:$0x4378] =	vst v0  }
0x435: {  	[tilespmem:$0x4388] =	vst v0  }
0x436: {  	[tilespmem:$0x4398] =	vst v0  }
0x437: {  	[tilespmem:$0x43A8] =	vst v0  }
0x438: {  	[tilespmem:$0x43B8] =	vst v0  }
0x439: {  	[tilespmem:$0x43C8] =	vst v0  }
0x43a: {  	[tilespmem:$0x43D8] =	vst v0  }
0x43b: {  	[tilespmem:$0x43E8] =	vst v0  }
0x43c: {  	[tilespmem:$0x43F8] =	vst v0  }
0x43d: {  	[tilespmem:$0x4408] =	vst v0  }
0x43e: {  	[tilespmem:$0x4418] =	vst v0  }
0x43f: {  	[tilespmem:$0x4428] =	vst v0  }
0x440: {  	[tilespmem:$0x4438] =	vst v0  }
0x441: {  	[tilespmem:$0x4448] =	vst v0  }
0x442: {  	[tilespmem:$0x4458] =	vst v0  }
0x443: {  	[tilespmem:$0x4468] =	vst v0  }
0x444: {  	[tilespmem:$0x4478] =	vst v0  }
0x445: {  	[tilespmem:$0x4488] =	vst v0  }
0x446: {  	[tilespmem:$0x4498] =	vst v0  }
0x447: {  	[tilespmem:$0x44A8] =	vst v0  }
0x448: {  	[tilespmem:$0x44B8] =	vst v0  }
0x449: {  	[tilespmem:$0x44C8] =	vst v0  }
0x44a: {  	[tilespmem:$0x44D8] =	vst v0  }
0x44b: {  	[tilespmem:$0x44E8] =	vst v0  }
0x44c: {  	[tilespmem:$0x44F8] =	vst v0  }
0x44d: {  	[tilespmem:$0x4508] =	vst v0  }
0x44e: {  	[tilespmem:$0x4518] =	vst v0  }
0x44f: {  	[tilespmem:$0x4528] =	vst v0  }
0x450: {  	[tilespmem:$0x4538] =	vst v0  }
0x451: {  	[tilespmem:$0x4548] =	vst v0  }
0x452: {  	[tilespmem:$0x4558] =	vst v0  }
0x453: {  	[tilespmem:$0x4568] =	vst v0  }
0x454: {  	[tilespmem:$0x4578] =	vst v0  }
0x455: {  	[tilespmem:$0x4588] =	vst v0  }
0x456: {  	[tilespmem:$0x4598] =	vst v0  }
0x457: {  	[tilespmem:$0x45A8] =	vst v0  }
0x458: {  	[tilespmem:$0x45B8] =	vst v0  }
0x459: {  	[tilespmem:$0x45C8] =	vst v0  }
0x45a: {  	[tilespmem:$0x45D8] =	vst v0  }
0x45b: {  	[tilespmem:$0x45E8] =	vst v0  }
0x45c: {  	[tilespmem:$0x45F8] =	vst v0  }
0x45d: {  	[tilespmem:$0x4608] =	vst v0  }
0x45e: {  	[tilespmem:$0x4618] =	vst v0  }
0x45f: {  	[tilespmem:$0x4628] =	vst v0  }
0x460: {  	[tilespmem:$0x4638] =	vst v0  }
0x461: {  	[tilespmem:$0x4648] =	vst v0  }
0x462: {  	[tilespmem:$0x4658] =	vst v0  }
0x463: {  	[tilespmem:$0x4668] =	vst v0  }
0x464: {  	[tilespmem:$0x4678] =	vst v0  }
0x465: {  	[tilespmem:$0x4688] =	vst v0  }
0x466: {  	[tilespmem:$0x4698] =	vst v0  }
0x467: {  	[tilespmem:$0x46A8] =	vst v0  }
0x468: {  	[tilespmem:$0x46B8] =	vst v0  }
0x469: {  	[tilespmem:$0x46C8] =	vst v0  }
0x46a: {  	[tilespmem:$0x46D8] =	vst v0  }
0x46b: {  	[tilespmem:$0x46E8] =	vst v0  }
0x46c: {  	[tilespmem:$0x46F8] =	vst v0  }
0x46d: {  	[tilespmem:$0x4708] =	vst v0  }
0x46e: {  	[tilespmem:$0x4718] =	vst v0  }
0x46f: {  	[tilespmem:$0x4728] =	vst v0  }
0x470: {  	[tilespmem:$0x4738] =	vst v0  }
0x471: {  	[tilespmem:$0x4748] =	vst v0  }
0x472: {  	[tilespmem:$0x4758] =	vst v0  }
0x473: {  	[tilespmem:$0x4768] =	vst v0  }
0x474: {  	[tilespmem:$0x4778] =	vst v0  }
0x475: {  	[tilespmem:$0x4788] =	vst v0  }
0x476: {  	[tilespmem:$0x4798] =	vst v0  }
0x477: {  	[tilespmem:$0x47A8] =	vst v0  }
0x478: {  	[tilespmem:$0x47B8] =	vst v0  }
0x479: {  	[tilespmem:$0x47C8] =	vst v0  }
0x47a: {  	[tilespmem:$0x47D8] =	vst v0  }
0x47b: {  	[tilespmem:$0x47E8] =	vst v0  }
0x47c: {  	[tilespmem:$0x47F8] =	vst v0  }
0x47d: {  	[tilespmem:$0x4808] =	vst v0  }
0x47e: {  	[tilespmem:$0x4838] =	vst v0  }
0x47f: {  	[tilespmem:$0x4848] =	vst v0  }
0x480: {  	[tilespmem:$0x4858] =	vst v0  }
0x481: {  	[tilespmem:$0x4868] =	vst v0  }
0x482: {  	[tilespmem:$0x4878] =	vst v0  }
0x483: {  	[tilespmem:$0x4888] =	vst v0  }
0x484: {  	[tilespmem:$0x4898] =	vst v0  }
0x485: {  	[tilespmem:$0x48A8] =	vst v0  }
0x486: {  	[tilespmem:$0x48B8] =	vst v0  }
0x487: {  	[tilespmem:$0x48C8] =	vst v0  }
0x488: {  	[tilespmem:$0x48D8] =	vst v0  }
0x489: {  	[tilespmem:$0x48E8] =	vst v0  }
0x48a: {  	[tilespmem:$0x48F8] =	vst v0  }
0x48b: {  	[tilespmem:$0x4908] =	vst v0  }
0x48c: {  	[tilespmem:$0x4918] =	vst v0  }
0x48d: {  	[tilespmem:$0x4928] =	vst v0  }
0x48e: {  	[tilespmem:$0x4938] =	vst v0  }
0x48f: {  	[tilespmem:$0x4948] =	vst v0  }
0x490: {  	[tilespmem:$0x4958] =	vst v0  }
0x491: {  	[tilespmem:$0x4968] =	vst v0  }
0x492: {  	[tilespmem:$0x4978] =	vst v0  }
0x493: {  	[tilespmem:$0x4988] =	vst v0  }
0x494: {  	[tilespmem:$0x4998] =	vst v0  }
0x495: {  	[tilespmem:$0x49A8] =	vst v0  }
0x496: {  	[tilespmem:$0x49B8] =	vst v0  }
0x497: {  	[tilespmem:$0x49C8] =	vst v0  }
0x498: {  	[tilespmem:$0x49D8] =	vst v0  }
0x499: {  	[tilespmem:$0x49E8] =	vst v0  }
0x49a: {  	[tilespmem:$0x49F8] =	vst v0  }
0x49b: {  	[tilespmem:$0x4A08] =	vst v0  }
0x49c: {  	[tilespmem:$0x4A18] =	vst v0  }
0x49d: {  	[tilespmem:$0x4A28] =	vst v0  }
0x49e: {  	[tilespmem:$0x4A38] =	vst v0  }
0x49f: {  	[tilespmem:$0x4A48] =	vst v0  }
0x4a0: {  	[tilespmem:$0x4A58] =	vst v0  }
0x4a1: {  	[tilespmem:$0x4A68] =	vst v0  }
0x4a2: {  	[tilespmem:$0x4A78] =	vst v0  }
0x4a3: {  	[tilespmem:$0x4A88] =	vst v0  }
0x4a4: {  	[tilespmem:$0x4A98] =	vst v0  }
0x4a5: {  	[tilespmem:$0x4AA8] =	vst v0  }
0x4a6: {  	[tilespmem:$0x4AB8] =	vst v0  }
0x4a7: {  	[tilespmem:$0x4AC8] =	vst v0  }
0x4a8: {  	[tilespmem:$0x4AD8] =	vst v0  }
0x4a9: {  	[tilespmem:$0x4AE8] =	vst v0  }
0x4aa: {  	[tilespmem:$0x4AF8] =	vst v0  }
0x4ab: {  	[tilespmem:$0x4B08] =	vst v0  }
0x4ac: {  	[tilespmem:$0x4B18] =	vst v0  }
0x4ad: {  	[tilespmem:$0x4B28] =	vst v0  }
0x4ae: {  	[tilespmem:$0x4B38] =	vst v0  }
0x4af: {  	[tilespmem:$0x4B48] =	vst v0  }
0x4b0: {  	[tilespmem:$0x4B58] =	vst v0  }
0x4b1: {  	[tilespmem:$0x4B68] =	vst v0  }
0x4b2: {  	[tilespmem:$0x4B78] =	vst v0  }
0x4b3: {  	[tilespmem:$0x4B88] =	vst v0  }
0x4b4: {  	[tilespmem:$0x4B98] =	vst v0  }
0x4b5: {  	[tilespmem:$0x4BA8] =	vst v0  }
0x4b6: {  	[tilespmem:$0x4BB8] =	vst v0  }
0x4b7: {  	[tilespmem:$0x4BC8] =	vst v0  }
0x4b8: {  	[tilespmem:$0x4BD8] =	vst v0  }
0x4b9: {  	[tilespmem:$0x4BE8] =	vst v0  }
0x4ba: {  	[tilespmem:$0x4BF8] =	vst v0  }
0x4bb: {  	[tilespmem:$0x4C08] =	vst v0  }
0x4bc: {  	[tilespmem:$0x4C18] =	vst v0  }
0x4bd: {  	[tilespmem:$0x4C28] =	vst v0  }
0x4be: {  	[tilespmem:$0x4C38] =	vst v0  }
0x4bf: {  	[tilespmem:$0x4C48] =	vst v0  }
0x4c0: {  	[tilespmem:$0x4C58] =	vst v0  }
0x4c1: {  	[tilespmem:$0x4C68] =	vst v0  }
0x4c2: {  	[tilespmem:$0x4C78] =	vst v0  }
0x4c3: {  	[tilespmem:$0x4C88] =	vst v0  }
0x4c4: {  	[tilespmem:$0x4C98] =	vst v0  }
0x4c5: {  	[tilespmem:$0x4CA8] =	vst v0  }
0x4c6: {  	[tilespmem:$0x4CB8] =	vst v0  }
0x4c7: {  	[tilespmem:$0x4CC8] =	vst v0  }
0x4c8: {  	[tilespmem:$0x4CD8] =	vst v0  }
0x4c9: {  	[tilespmem:$0x4CE8] =	vst v0  }
0x4ca: {  	[tilespmem:$0x4CF8] =	vst v0  }
0x4cb: {  	[tilespmem:$0x4D08] =	vst v0  }
0x4cc: {  	[tilespmem:$0x4D18] =	vst v0  }
0x4cd: {  	[tilespmem:$0x4D28] =	vst v0  }
0x4ce: {  	[tilespmem:$0x4D38] =	vst v0  }
0x4cf: {  	[tilespmem:$0x4D48] =	vst v0  }
0x4d0: {  	[tilespmem:$0x4D58] =	vst v0  }
0x4d1: {  	[tilespmem:$0x4D68] =	vst v0  }
0x4d2: {  	[tilespmem:$0x4D78] =	vst v0  }
0x4d3: {  	[tilespmem:$0x4D88] =	vst v0  }
0x4d4: {  	[tilespmem:$0x4D98] =	vst v0  }
0x4d5: {  	[tilespmem:$0x4DA8] =	vst v0  }
0x4d6: {  	[tilespmem:$0x4DB8] =	vst v0  }
0x4d7: {  	[tilespmem:$0x4DC8] =	vst v0  }
0x4d8: {  	[tilespmem:$0x4DD8] =	vst v0  }
0x4d9: {  	[tilespmem:$0x4DE8] =	vst v0  }
0x4da: {  	[tilespmem:$0x4DF8] =	vst v0  }
0x4db: {  	[tilespmem:$0x4E08] =	vst v0  }
0x4dc: {  	[tilespmem:$0x4E18] =	vst v0  }
0x4dd: {  	[tilespmem:$0x4E28] =	vst v0  }
0x4de: {  	[tilespmem:$0x4E38] =	vst v0  }
0x4df: {  	[tilespmem:$0x4E48] =	vst v0  }
0x4e0: {  	[tilespmem:$0x4E58] =	vst v0  }
0x4e1: {  	[tilespmem:$0x4E68] =	vst v0  }
0x4e2: {  	[tilespmem:$0x4E78] =	vst v0  }
0x4e3: {  	[tilespmem:$0x4E88] =	vst v0  }
0x4e4: {  	[tilespmem:$0x4E98] =	vst v0  }
0x4e5: {  	[tilespmem:$0x4EA8] =	vst v0  }
0x4e6: {  	[tilespmem:$0x4EB8] =	vst v0  }
0x4e7: {  	[tilespmem:$0x4EC8] =	vst v0  }
0x4e8: {  	[tilespmem:$0x4ED8] =	vst v0  }
0x4e9: {  	[tilespmem:$0x4EE8] =	vst v0  }
0x4ea: {  	[tilespmem:$0x4EF8] =	vst v0  }
0x4eb: {  	[tilespmem:$0x4F08] =	vst v0  }
0x4ec: {  	[tilespmem:$0x4F18] =	vst v0  }
0x4ed: {  	[tilespmem:$0x4F28] =	vst v0  }
0x4ee: {  	[tilespmem:$0x4F38] =	vst v0  }
0x4ef: {  	[tilespmem:$0x4F48] =	vst v0  }
0x4f0: {  	[tilespmem:$0x4F58] =	vst v0  }
0x4f1: {  	[tilespmem:$0x4F68] =	vst v0  }
0x4f2: {  	[tilespmem:$0x4F78] =	vst v0  }
0x4f3: {  	[tilespmem:$0x4F88] =	vst v0  }
0x4f4: {  	[tilespmem:$0x4F98] =	vst v0  }
0x4f5: {  	[tilespmem:$0x4FA8] =	vst v0  }
0x4f6: {  	[tilespmem:$0x4FB8] =	vst v0  }
0x4f7: {  	[tilespmem:$0x4FC8] =	vst v0  }
0x4f8: {  	[tilespmem:$0x4FD8] =	vst v0  }
0x4f9: {  	[tilespmem:$0x4FE8] =	vst v0  }
0x4fa: {  	[tilespmem:$0x4FF8] =	vst v0  }
0x4fb: {  	[tilespmem:$0x5008] =	vst v0  }
0x4fc: {  	[tilespmem:$0x5018] =	vst v0  }
0x4fd: {  	[tilespmem:$0x5028] =	vst v0  }
0x4fe: {  	[tilespmem:$0x5038] =	vst v0  }
0x4ff: {  	[tilespmem:$0x5048] =	vst v0  }
0x500: {  	[tilespmem:$0x5058] =	vst v0  }
0x501: {  	[tilespmem:$0x5068] =	vst v0  }
0x502: {  	[tilespmem:$0x5078] =	vst v0  }
0x503: {  	[tilespmem:$0x5088] =	vst v0  }
0x504: {  	[tilespmem:$0x5098] =	vst v0  }
0x505: {  	[tilespmem:$0x50A8] =	vst v0  }
0x506: {  	[tilespmem:$0x50B8] =	vst v0  }
0x507: {  	[tilespmem:$0x50C8] =	vst v0  }
0x508: {  	[tilespmem:$0x50D8] =	vst v0  }
0x509: {  	[tilespmem:$0x50E8] =	vst v0  }
0x50a: {  	[tilespmem:$0x50F8] =	vst v0  }
0x50b: {  	[tilespmem:$0x5108] =	vst v0  }
0x50c: {  	[tilespmem:$0x5118] =	vst v0  }
0x50d: {  	[tilespmem:$0x5128] =	vst v0  }
0x50e: {  	[tilespmem:$0x5138] =	vst v0  }
0x50f: {  	[tilespmem:$0x5148] =	vst v0  }
0x510: {  	[tilespmem:$0x5158] =	vst v0  }
0x511: {  	[tilespmem:$0x5168] =	vst v0  }
0x512: {  	[tilespmem:$0x5178] =	vst v0  }
0x513: {  	[tilespmem:$0x5188] =	vst v0  }
0x514: {  	[tilespmem:$0x5198] =	vst v0  }
0x515: {  	[tilespmem:$0x51A8] =	vst v0  }
0x516: {  	[tilespmem:$0x51B8] =	vst v0  }
0x517: {  	[tilespmem:$0x51C8] =	vst v0  }
0x518: {  	[tilespmem:$0x51D8] =	vst v0  }
0x519: {  	[tilespmem:$0x51E8] =	vst v0  }
0x51a: {  	[tilespmem:$0x51F8] =	vst v0  }
0x51b: {  	[tilespmem:$0x5208] =	vst v0  }
0x51c: {  	[tilespmem:$0x5218] =	vst v0  }
0x51d: {  	[tilespmem:$0x5228] =	vst v0  }
0x51e: {  	[tilespmem:$0x5238] =	vst v0  }
0x51f: {  	[tilespmem:$0x5248] =	vst v0  }
0x520: {  	[tilespmem:$0x5258] =	vst v0  }
0x521: {  	[tilespmem:$0x5268] =	vst v0  }
0x522: {  	[tilespmem:$0x5278] =	vst v0  }
0x523: {  	[tilespmem:$0x5288] =	vst v0  }
0x524: {  	[tilespmem:$0x5298] =	vst v0  }
0x525: {  	[tilespmem:$0x52A8] =	vst v0  }
0x526: {  	[tilespmem:$0x52B8] =	vst v0  }
0x527: {  	[tilespmem:$0x52C8] =	vst v0  }
0x528: {  	[tilespmem:$0x52D8] =	vst v0  }
0x529: {  	[tilespmem:$0x52E8] =	vst v0  }
0x52a: {  	[tilespmem:$0x52F8] =	vst v0  }
0x52b: {  	[tilespmem:$0x5308] =	vst v0  }
0x52c: {  	[tilespmem:$0x5318] =	vst v0  }
0x52d: {  	[tilespmem:$0x5328] =	vst v0  }
0x52e: {  	[tilespmem:$0x5338] =	vst v0  }
0x52f: {  	[tilespmem:$0x5348] =	vst v0  }
0x530: {  	[tilespmem:$0x5358] =	vst v0  }
0x531: {  	[tilespmem:$0x5368] =	vst v0  }
0x532: {  	[tilespmem:$0x5378] =	vst v0  }
0x533: {  	[tilespmem:$0x5388] =	vst v0  }
0x534: {  	[tilespmem:$0x5398] =	vst v0  }
0x535: {  	[tilespmem:$0x53A8] =	vst v0  }
0x536: {  	[tilespmem:$0x53B8] =	vst v0  }
0x537: {  	[tilespmem:$0x53C8] =	vst v0  }
0x538: {  	[tilespmem:$0x53D8] =	vst v0  }
0x539: {  	[tilespmem:$0x53E8] =	vst v0  }
0x53a: {  	[tilespmem:$0x53F8] =	vst v0  }
0x53b: {  	[tilespmem:$0x5408] =	vst v0  }
0x53c: {  	[tilespmem:$0x5418] =	vst v0  }
0x53d: {  	[tilespmem:$0x5428] =	vst v0  }
0x53e: {  	[tilespmem:$0x5438] =	vst v0  }
0x53f: {  	[tilespmem:$0x5448] =	vst v0  }
0x540: {  	[tilespmem:$0x5458] =	vst v0  }
0x541: {  	[tilespmem:$0x5468] =	vst v0  }
0x542: {  	[tilespmem:$0x5478] =	vst v0  }
0x543: {  	[tilespmem:$0x5488] =	vst v0  }
0x544: {  	[tilespmem:$0x5498] =	vst v0  }
0x545: {  	[tilespmem:$0x54A8] =	vst v0  }
0x546: {  	[tilespmem:$0x54B8] =	vst v0  }
0x547: {  	[tilespmem:$0x54C8] =	vst v0  }
0x548: {  	[tilespmem:$0x54D8] =	vst v0  }
0x549: {  	[tilespmem:$0x54E8] =	vst v0  }
0x54a: {  	[tilespmem:$0x54F8] =	vst v0  }
0x54b: {  	[tilespmem:$0x5508] =	vst v0  }
0x54c: {  	[tilespmem:$0x5518] =	vst v0  }
0x54d: {  	[tilespmem:$0x5528] =	vst v0  }
0x54e: {  	[tilespmem:$0x5538] =	vst v0  }
0x54f: {  	[tilespmem:$0x5548] =	vst v0  }
0x550: {  	[tilespmem:$0x5558] =	vst v0  }
0x551: {  	[tilespmem:$0x5568] =	vst v0  }
0x552: {  	[tilespmem:$0x5578] =	vst v0  }
0x553: {  	[tilespmem:$0x5588] =	vst v0  }
0x554: {  	[tilespmem:$0x5598] =	vst v0  }
0x555: {  	[tilespmem:$0x55A8] =	vst v0  }
0x556: {  	[tilespmem:$0x55B8] =	vst v0  }
0x557: {  	[tilespmem:$0x55C8] =	vst v0  }
0x558: {  	[tilespmem:$0x55D8] =	vst v0  }
0x559: {  	[tilespmem:$0x55E8] =	vst v0  }
0x55a: {  	[tilespmem:$0x55F8] =	vst v0  }
0x55b: {  	[tilespmem:$0x5608] =	vst v0  }
0x55c: {  	[tilespmem:$0x5618] =	vst v0  }
0x55d: {  	[tilespmem:$0x5628] =	vst v0  }
0x55e: {  	[tilespmem:$0x5638] =	vst v0  }
0x55f: {  	[tilespmem:$0x5648] =	vst v0  }
0x560: {  	[tilespmem:$0x5658] =	vst v0  }
0x561: {  	[tilespmem:$0x5668] =	vst v0  }
0x562: {  	[tilespmem:$0x5678] =	vst v0  }
0x563: {  	[tilespmem:$0x5688] =	vst v0  }
0x564: {  	[tilespmem:$0x5698] =	vst v0  }
0x565: {  	[tilespmem:$0x56A8] =	vst v0  }
0x566: {  	[tilespmem:$0x56B8] =	vst v0  }
0x567: {  	[tilespmem:$0x56C8] =	vst v0  }
0x568: {  	[tilespmem:$0x56D8] =	vst v0  }
0x569: {  	[tilespmem:$0x56E8] =	vst v0  }
0x56a: {  	[tilespmem:$0x56F8] =	vst v0  }
0x56b: {  	[tilespmem:$0x5708] =	vst v0  }
0x56c: {  	[tilespmem:$0x5718] =	vst v0  }
0x56d: {  	[tilespmem:$0x5728] =	vst v0  }
0x56e: {  	[tilespmem:$0x5738] =	vst v0  }
0x56f: {  	[tilespmem:$0x5748] =	vst v0  }
0x570: {  	[tilespmem:$0x5758] =	vst v0  }
0x571: {  	[tilespmem:$0x5768] =	vst v0  }
0x572: {  	[tilespmem:$0x5778] =	vst v0  }
0x573: {  	[tilespmem:$0x5788] =	vst v0  }
0x574: {  	[tilespmem:$0x5798] =	vst v0  }
0x575: {  	[tilespmem:$0x57A8] =	vst v0  }
0x576: {  	[tilespmem:$0x57B8] =	vst v0  }
0x577: {  	[tilespmem:$0x57C8] =	vst v0  }
0x578: {  	[tilespmem:$0x57D8] =	vst v0  }
0x579: {  	[tilespmem:$0x57E8] =	vst v0  }
0x57a: {  	[tilespmem:$0x57F8] =	vst v0  }
0x57b: {  	[tilespmem:$0x5808] =	vst v0  }
0x57c: {  	[tilespmem:$0x5818] =	vst v0  }
0x57d: {  	[tilespmem:$0x5828] =	vst v0  }
0x57e: {  	[tilespmem:$0x5898] =	vst v0  }
0x57f: {  	[tilespmem:$0x6718] =	vst v0  }
0x580: {  	[tilespmem:$0x6708] =	vst v0  }
0x581: {  	[tilespmem:$0x66F8] =	vst v0  }
0x582: {  	[tilespmem:$0x66E8] =	vst v0  }
0x583: {  	[tilespmem:$0x66D8] =	vst v0  }
0x584: {  	[tilespmem:$0x66C8] =	vst v0  }
0x585: {  	[tilespmem:$0x66B8] =	vst v0  }
0x586: {  	[tilespmem:$0x66A8] =	vst v0  }
0x587: {  	[tilespmem:$0x6698] =	vst v0  }
0x588: {  	[tilespmem:$0x6688] =	vst v0  }
0x589: {  	[tilespmem:$0x6678] =	vst v0  }
0x58a: {  	[tilespmem:$0x6668] =	vst v0  }
0x58b: {  	[tilespmem:$0x6658] =	vst v0  }
0x58c: {  	[tilespmem:$0x6648] =	vst v0  }
0x58d: {  	[tilespmem:$0x6638] =	vst v0  }
0x58e: {  	[tilespmem:$0x6628] =	vst v0  }
0x58f: {  	[tilespmem:$0x6618] =	vst v0  }
0x590: {  	[tilespmem:$0x6608] =	vst v0  }
0x591: {  	[tilespmem:$0x65F8] =	vst v0  }
0x592: {  	[tilespmem:$0x65E8] =	vst v0  }
0x593: {  	[tilespmem:$0x65D8] =	vst v0  }
0x594: {  	[tilespmem:$0x65C8] =	vst v0  }
0x595: {  	[tilespmem:$0x65B8] =	vst v0  }
0x596: {  	[tilespmem:$0x65A8] =	vst v0  }
0x597: {  	[tilespmem:$0x6598] =	vst v0  }
0x598: {  	[tilespmem:$0x6588] =	vst v0  }
0x599: {  	[tilespmem:$0x6578] =	vst v0  }
0x59a: {  	[tilespmem:$0x6568] =	vst v0  }
0x59b: {  	[tilespmem:$0x6558] =	vst v0  }
0x59c: {  	[tilespmem:$0x6548] =	vst v0  }
0x59d: {  	[tilespmem:$0x6538] =	vst v0  }
0x59e: {  	[tilespmem:$0x6528] =	vst v0  }
0x59f: {  	[tilespmem:$0x6518] =	vst v0  }
0x5a0: {  	[tilespmem:$0x6508] =	vst v0  }
0x5a1: {  	[tilespmem:$0x64F8] =	vst v0  }
0x5a2: {  	[tilespmem:$0x64E8] =	vst v0  }
0x5a3: {  	[tilespmem:$0x64D8] =	vst v0  }
0x5a4: {  	[tilespmem:$0x64C8] =	vst v0  }
0x5a5: {  	[tilespmem:$0x64B8] =	vst v0  }
0x5a6: {  	[tilespmem:$0x64A8] =	vst v0  }
0x5a7: {  	[tilespmem:$0x6498] =	vst v0  }
0x5a8: {  	[tilespmem:$0x6488] =	vst v0  }
0x5a9: {  	[tilespmem:$0x6478] =	vst v0  }
0x5aa: {  	[tilespmem:$0x6468] =	vst v0  }
0x5ab: {  	[tilespmem:$0x6458] =	vst v0  }
0x5ac: {  	[tilespmem:$0x6448] =	vst v0  }
0x5ad: {  	[tilespmem:$0x6438] =	vst v0  }
0x5ae: {  	[tilespmem:$0x6428] =	vst v0  }
0x5af: {  	[tilespmem:$0x6418] =	vst v0  }
0x5b0: {  	[tilespmem:$0x6408] =	vst v0  }
0x5b1: {  	[tilespmem:$0x63F8] =	vst v0  }
0x5b2: {  	[tilespmem:$0x63E8] =	vst v0  }
0x5b3: {  	[tilespmem:$0x63D8] =	vst v0  }
0x5b4: {  	[tilespmem:$0x63C8] =	vst v0  }
0x5b5: {  	[tilespmem:$0x63B8] =	vst v0  }
0x5b6: {  	[tilespmem:$0x63A8] =	vst v0  }
0x5b7: {  	[tilespmem:$0x6398] =	vst v0  }
0x5b8: {  	[tilespmem:$0x6388] =	vst v0  }
0x5b9: {  	[tilespmem:$0x6378] =	vst v0  }
0x5ba: {  	[tilespmem:$0x6368] =	vst v0  }
0x5bb: {  	[tilespmem:$0x6358] =	vst v0  }
0x5bc: {  	[tilespmem:$0x6348] =	vst v0  }
0x5bd: {  	[tilespmem:$0x6338] =	vst v0  }
0x5be: {  	[tilespmem:$0x6328] =	vst v0  }
0x5bf: {  	[tilespmem:$0x6318] =	vst v0  }
0x5c0: {  	[tilespmem:$0x6308] =	vst v0  }
0x5c1: {  	[tilespmem:$0x62F8] =	vst v0  }
0x5c2: {  	[tilespmem:$0x62E8] =	vst v0  }
0x5c3: {  	[tilespmem:$0x62D8] =	vst v0  }
0x5c4: {  	[tilespmem:$0x62C8] =	vst v0  }
0x5c5: {  	[tilespmem:$0x62B8] =	vst v0  }
0x5c6: {  	[tilespmem:$0x62A8] =	vst v0  }
0x5c7: {  	[tilespmem:$0x6298] =	vst v0  }
0x5c8: {  	[tilespmem:$0x6288] =	vst v0  }
0x5c9: {  	[tilespmem:$0x6278] =	vst v0  }
0x5ca: {  	[tilespmem:$0x6268] =	vst v0  }
0x5cb: {  	[tilespmem:$0x6258] =	vst v0  }
0x5cc: {  	[tilespmem:$0x6248] =	vst v0  }
0x5cd: {  	[tilespmem:$0x6238] =	vst v0  }
0x5ce: {  	[tilespmem:$0x6228] =	vst v0  }
0x5cf: {  	[tilespmem:$0x6218] =	vst v0  }
0x5d0: {  	[tilespmem:$0x6208] =	vst v0  }
0x5d1: {  	[tilespmem:$0x61F8] =	vst v0  }
0x5d2: {  	[tilespmem:$0x61E8] =	vst v0  }
0x5d3: {  	[tilespmem:$0x61D8] =	vst v0  }
0x5d4: {  	[tilespmem:$0x61C8] =	vst v0  }
0x5d5: {  	[tilespmem:$0x61B8] =	vst v0  }
0x5d6: {  	[tilespmem:$0x61A8] =	vst v0  }
0x5d7: {  	[tilespmem:$0x6198] =	vst v0  }
0x5d8: {  	[tilespmem:$0x6188] =	vst v0  }
0x5d9: {  	[tilespmem:$0x6178] =	vst v0  }
0x5da: {  	[tilespmem:$0x6168] =	vst v0  }
0x5db: {  	[tilespmem:$0x6158] =	vst v0  }
0x5dc: {  	[tilespmem:$0x6148] =	vst v0  }
0x5dd: {  	[tilespmem:$0x6138] =	vst v0  }
0x5de: {  	[tilespmem:$0x6128] =	vst v0  }
0x5df: {  	[tilespmem:$0x6118] =	vst v0  }
0x5e0: {  	[tilespmem:$0x6108] =	vst v0  }
0x5e1: {  	[tilespmem:$0x60F8] =	vst v0  }
0x5e2: {  	[tilespmem:$0x60E8] =	vst v0  }
0x5e3: {  	[tilespmem:$0x60D8] =	vst v0  }
0x5e4: {  	[tilespmem:$0x60C8] =	vst v0  }
0x5e5: {  	[tilespmem:$0x60B8] =	vst v0  }
0x5e6: {  	[tilespmem:$0x60A8] =	vst v0  }
0x5e7: {  	[tilespmem:$0x6098] =	vst v0  }
0x5e8: {  	[tilespmem:$0x6088] =	vst v0  }
0x5e9: {  	[tilespmem:$0x6078] =	vst v0  }
0x5ea: {  	[tilespmem:$0x6068] =	vst v0  }
0x5eb: {  	[tilespmem:$0x6058] =	vst v0  }
0x5ec: {  	[tilespmem:$0x6048] =	vst v0  }
0x5ed: {  	[tilespmem:$0x6038] =	vst v0  }
0x5ee: {  	[tilespmem:$0x6028] =	vst v0  }
0x5ef: {  	[tilespmem:$0x6018] =	vst v0  }
0x5f0: {  	[tilespmem:$0x6008] =	vst v0  }
0x5f1: {  	[tilespmem:$0x5FF8] =	vst v0  }
0x5f2: {  	[tilespmem:$0x5FE8] =	vst v0  }
0x5f3: {  	[tilespmem:$0x5FD8] =	vst v0  }
0x5f4: {  	[tilespmem:$0x5FC8] =	vst v0  }
0x5f5: {  	[tilespmem:$0x5FB8] =	vst v0  }
0x5f6: {  	[tilespmem:$0x5FA8] =	vst v0  }
0x5f7: {  	[tilespmem:$0x5F98] =	vst v0  }
0x5f8: {  	[tilespmem:$0x5F88] =	vst v0  }
0x5f9: {  	[tilespmem:$0x5F78] =	vst v0  }
0x5fa: {  	[tilespmem:$0x5F68] =	vst v0  }
0x5fb: {  	[tilespmem:$0x5F58] =	vst v0  }
0x5fc: {  	[tilespmem:$0x5F48] =	vst v0  }
0x5fd: {  	[tilespmem:$0x5F38] =	vst v0  }
0x5fe: {  	[tilespmem:$0x5F28] =	vst v0  }
0x5ff: {  	[tilespmem:$0x5F18] =	vst v0  }
0x600: {  	[tilespmem:$0x5F08] =	vst v0  }
0x601: {  	[tilespmem:$0x5EF8] =	vst v0  }
0x602: {  	[tilespmem:$0x5EE8] =	vst v0  }
0x603: {  	[tilespmem:$0x5ED8] =	vst v0  }
0x604: {  	[tilespmem:$0x5EC8] =	vst v0  }
0x605: {  	[tilespmem:$0x5EB8] =	vst v0  }
0x606: {  	[tilespmem:$0x5EA8] =	vst v0  }
0x607: {  	[tilespmem:$0x5E98] =	vst v0  }
0x608: {  	[tilespmem:$0x5E88] =	vst v0  }
0x609: {  	[tilespmem:$0x5E78] =	vst v0  }
0x60a: {  	[tilespmem:$0x5E68] =	vst v0  }
0x60b: {  	[tilespmem:$0x5E58] =	vst v0  }
0x60c: {  	[tilespmem:$0x5E48] =	vst v0  }
0x60d: {  	[tilespmem:$0x5E38] =	vst v0  }
0x60e: {  	[tilespmem:$0x5E28] =	vst v0  }
0x60f: {  	[tilespmem:$0x5E18] =	vst v0  }
0x610: {  	[tilespmem:$0x5E08] =	vst v0  }
0x611: {  	[tilespmem:$0x5DF8] =	vst v0  }
0x612: {  	[tilespmem:$0x5DE8] =	vst v0  }
0x613: {  	[tilespmem:$0x5DD8] =	vst v0  }
0x614: {  	[tilespmem:$0x5DC8] =	vst v0  }
0x615: {  	[tilespmem:$0x5DB8] =	vst v0  }
0x616: {  	[tilespmem:$0x5DA8] =	vst v0  }
0x617: {  	[tilespmem:$0x5D98] =	vst v0  }
0x618: {  	[tilespmem:$0x5D88] =	vst v0  }
0x619: {  	[tilespmem:$0x5D78] =	vst v0  }
0x61a: {  	[tilespmem:$0x5D68] =	vst v0  }
0x61b: {  	[tilespmem:$0x5D58] =	vst v0  }
0x61c: {  	[tilespmem:$0x5D48] =	vst v0  }
0x61d: {  	[tilespmem:$0x5D38] =	vst v0  }
0x61e: {  	[tilespmem:$0x5D28] =	vst v0  }
0x61f: {  	[tilespmem:$0x5D18] =	vst v0  }
0x620: {  	[tilespmem:$0x5D08] =	vst v0  }
0x621: {  	[tilespmem:$0x5CF8] =	vst v0  }
0x622: {  	[tilespmem:$0x5CE8] =	vst v0  }
0x623: {  	[tilespmem:$0x5CD8] =	vst v0  }
0x624: {  	[tilespmem:$0x5CC8] =	vst v0  }
0x625: {  	[tilespmem:$0x5CB8] =	vst v0  }
0x626: {  	[tilespmem:$0x5CA8] =	vst v0  }
0x627: {  	[tilespmem:$0x5C98] =	vst v0  }
0x628: {  	[tilespmem:$0x5C88] =	vst v0  }
0x629: {  	[tilespmem:$0x5C78] =	vst v0  }
0x62a: {  	[tilespmem:$0x5C68] =	vst v0  }
0x62b: {  	[tilespmem:$0x5C58] =	vst v0  }
0x62c: {  	[tilespmem:$0x5C48] =	vst v0  }
0x62d: {  	[tilespmem:$0x5C38] =	vst v0  }
0x62e: {  	[tilespmem:$0x5C28] =	vst v0  }
0x62f: {  	[tilespmem:$0x5C18] =	vst v0  }
0x630: {  	[tilespmem:$0x5C08] =	vst v0  }
0x631: {  	[tilespmem:$0x5BF8] =	vst v0  }
0x632: {  	[tilespmem:$0x5BE8] =	vst v0  }
0x633: {  	[tilespmem:$0x5BD8] =	vst v0  }
0x634: {  	[tilespmem:$0x5BC8] =	vst v0  }
0x635: {  	[tilespmem:$0x5BB8] =	vst v0  }
0x636: {  	[tilespmem:$0x5BA8] =	vst v0  }
0x637: {  	[tilespmem:$0x5B98] =	vst v0  }
0x638: {  	[tilespmem:$0x5B88] =	vst v0  }
0x639: {  	[tilespmem:$0x5B78] =	vst v0  }
0x63a: {  	[tilespmem:$0x5B68] =	vst v0  }
0x63b: {  	[tilespmem:$0x5B58] =	vst v0  }
0x63c: {  	[tilespmem:$0x5B48] =	vst v0  }
0x63d: {  	[tilespmem:$0x5B38] =	vst v0  }
0x63e: {  	[tilespmem:$0x5B28] =	vst v0  }
0x63f: {  	[tilespmem:$0x5B18] =	vst v0  }
0x640: {  	[tilespmem:$0x5B08] =	vst v0  }
0x641: {  	[tilespmem:$0x5AF8] =	vst v0  }
0x642: {  	[tilespmem:$0x5AE8] =	vst v0  }
0x643: {  	[tilespmem:$0x5AD8] =	vst v0  }
0x644: {  	[tilespmem:$0x5AC8] =	vst v0  }
0x645: {  	[tilespmem:$0x5AB8] =	vst v0  }
0x646: {  	[tilespmem:$0x5AA8] =	vst v0  }
0x647: {  	[tilespmem:$0x5A98] =	vst v0  }
0x648: {  	[tilespmem:$0x5A88] =	vst v0  }
0x649: {  	[tilespmem:$0x5A78] =	vst v0  }
0x64a: {  	[tilespmem:$0x5A68] =	vst v0  }
0x64b: {  	[tilespmem:$0x5A58] =	vst v0  }
0x64c: {  	[tilespmem:$0x5A48] =	vst v0  }
0x64d: {  	[tilespmem:$0x5A38] =	vst v0  }
0x64e: {  	[tilespmem:$0x5A28] =	vst v0  }
0x64f: {  	[tilespmem:$0x5A18] =	vst v0  }
0x650: {  	[tilespmem:$0x5A08] =	vst v0  }
0x651: {  	[tilespmem:$0x59F8] =	vst v0  }
0x652: {  	[tilespmem:$0x59E8] =	vst v0  }
0x653: {  	[tilespmem:$0x59D8] =	vst v0  }
0x654: {  	[tilespmem:$0x59C8] =	vst v0  }
0x655: {  	[tilespmem:$0x59B8] =	vst v0  }
0x656: {  	[tilespmem:$0x59A8] =	vst v0  }
0x657: {  	[tilespmem:$0x5998] =	vst v0  }
0x658: {  	[tilespmem:$0x5988] =	vst v0  }
0x659: {  	[tilespmem:$0x5978] =	vst v0  }
0x65a: {  	[tilespmem:$0x5968] =	vst v0  }
0x65b: {  	[tilespmem:$0x5958] =	vst v0  }
0x65c: {  	[tilespmem:$0x5948] =	vst v0  }
0x65d: {  	[tilespmem:$0x5938] =	vst v0  }
0x65e: {  	[tilespmem:$0x5928] =	vst v0  }
0x65f: {  	[tilespmem:$0x5918] =	vst v0  }
0x660: {  	[tilespmem:$0x5908] =	vst v0  }
0x661: {  	[tilespmem:$0x58F8] =	vst v0  }
0x662: {  	s11 =	stileid.u32;
	[tilespmem:$0x58E8] =	vst v0  }
0x663: {  	s0 =	simm.s32 $0x60B0;
	s9 =	smul.u32 $0x61C0, s11;
	p0 =	seq.s32 s11, $0xF;
	[tilespmem:$0x58D8] =	vst v0  }
0x664: {  	s0 =	simm.s32 @!p0 $0x61C0;
	[tilespmem:$0x58C8] =	vst v0  }
0x665: {  	[tilespmem:$0x58B8] =	vst v0;
	s0 =	sadd.s32 s9, s0  }
0x666: {  	s2 =	simm.s32 $0x2;
	s3 =	simm.s32 $0x9;
	[tilespmem:$0x58A8] =	vst v0;
	s10 =	smin.u32 s0, $0x61A80  }
0x667: {  	s28 =	simm.s32 $0xA;
	s14 =	simm.s32 $0xB;
	[tilespmem:$0x5848] =	vst v0;
	s0 =	ssub.s32 s10, s9  }
0x668: {  	s18 =	simm.s32 $0x0;
	p1 =	por $0x0, $0x0;
	[tilespmem:$0x5888] =	vst v0;
	p0 =	sgt.s32 s0, $0x0  }
0x669: {  	s19 =	simm.s32 $0xC;
	s31 =	smul.u32 $0x300, s11;
	[tilespmem:$0x5878] =	vst v0;
	s0 =	simm.s32 @!p0 $0x0  }
0x66a: {  	s23 =	simm.s32 $0x0;
	s8 =	sand.u32 $0x1, s8;
	[tilespmem:$0x5868] =	vst v0;
	s26 =	smulhi.u32 $0xF0F0F1, s0  }
0x66b: {  	s20 =	simm.s32 $0x0;
	s22 =	simm.s32 $0x0;
	s30 =	smul.u32 $0xC350, s8;
	[tilespmem:$0x5858] =	vst v0  }
0x66c: {  	s12 =	sadd.s32 $0x10CF400, s7;
	[tilespmem:$0x5838] =	vst v0;
	[sflag:s2] =	ssyncpa.u1 $0x0;
	v0 =	vimm.s32 $0xFFFFFFFF;
	s29 =	smul.u32 $0x110, s26  }
.Ltmp0:
0x66d: {  	[dreg:$0x7] =	wrdreg s8;
	[tilespmem:$0xCD88] =	vst v0;
	[sflag:s3] =	ssyncpa.u1 $0x0;
	(pc) =	sbr.rel .LBB2_1-.Ltmp0, $4  }
0x66e: {  	s16 =	sshrl.u32 s31, $0x2;
	p0 =	sne.s32 s0, s29;
	s0 =	simm.s32 $0x1  }
0x66f: {  	s21 =	smov.u32 s9;
	[sflag:s28] =	ssyncpa.u1 $0x0;
	s0 =	simm.s32 @!p0 $0x0  }
0x670: {  	s6 =	sadd.s32 s30, s6;
	s5 =	sadd.s32 s30, s5;
	s15 =	sadd.s32 s0, s26  }
0x671: {  	v0 =	vlaneseq.u32;
	[sflag:s14] =	ssyncpa.u1 $0x0;
	p0 =	por $0x1, $0x1;
	s17 =	sadd.s32 $0x1, s15  }
.LBB2_22:
0x672: {  	s0 =	sshrl.u32 s0, $0x2  }
.LBB2_24:
0x673: {  	_ =	swait.ge [sflag:s19], s0  }
0x674: {  	s30 =	ssub.s32 $0x0, s0;
	v1 =	vmov s25;
	vm0 =	veq.s32 v0, $0x0;
	[sflag:s19] =	ssyncset.done $0x0  }
0x675: {  	vm15 =	veq.s32 v0, $0x2;
	v1 =	vsel vm0, s31, v1;
	[sflag:s19] =	ssyncadd.s32 s30  }
0x676: {  	v1 =	vsel vm15, s23, v1;
	[sflag:s19] =	ssyncpa.u1 $0x1  }
0x677: {  	[tilespmem:$0xCD88] =	vst v1  }
.LBB2_25:
0x678: {  	s0 =	sadd.s32 $0x110, s21  }
0x679: {  	s2 =	smov.u32 s9;
	p2 =	slt.s32 s0, s10  }
0x67a: {  	s2 =	smov.u32 @p2 s0;
	p2 =	sne.s32 s22, s17  }
.Ltmp1:
0x67b: {  	_ = 	snop;
	(pc) =	sbr.rel @!p2 .LBB2_26-.Ltmp1, $4  }
0x67c: {  	_ = 	snop  }
0x67d: {  	s23 =	smov.u32 s20  }
0x67e: {  	s31 =	sadd.s32 $0x1, s22;
	s20 =	smov.u32 s21;
	p0 =	por !p0, !p0  }
0x67f: {  	p1 =	por !p1, !p1;
	s22 =	smov.u32 s31;
	s21 =	smov.u32 s2  }
.LBB2_1:
0x680: {  	p2 =	sge.u32 s22, s15  }
0x681: {  	s0 =	smulhi.u32 @!p2 $0xAAAAAAAB, s22  }
0x682: {  	s2 =	smov.u32 s21;
	p3 =	sgt.s32 @!p2 s21, $0x61970  }
0x683: {  	s3 =	sshra.s32 @!p2 s21, $0x1F;
	p3 =	por !p3, p2;
	s0 =	sshrl.u32 @!p2 s0, $0x1  }
0x684: {  	s3 =	sand.u32 @!p2 s3, s21;
	s2 =	simm.s32 @p3 $0x61970;
	s0 =	smul.u32 @!p2 $0x3, s0  }
0x685: {  	s2 =	ssub.s32 @!p2 s2, s3  }
0x686: {  	s2 =	sadd.s32 @!p2 $0xFFF9E690, s2;
	s0 =	ssub.s32 @!p2 s22, s0  }
0x687: {  	s3 =	sshll.u32 @!p2 s2, $0x2;
	p3 =	sgt.s32 @!p2 s2, $0x10F;
	s0 =	smul.u32 @!p2 $0x440, s0  }
0x688: {  	s7 =	sand.u32 @!p2 $0x7, s21;
	s2 =	ssub.s32 @!p2 $0x440, s3;
	p3 =	por !p3, p2  }
0x689: {  	s3 =	sshrl.u32 @!p2 s21, $0x3;
	s2 =	sshrl.u32 @!p2 s2, $0x2;
	s0 =	sshrl.u32 @!p2 s0, $0x2  }
0x68a: {  	s3 =	sadd.s32 @!p2 s3, s6;
	s2 =	simm.s32 @!p3 $0x0;
	s0 =	sadd.s32 @!p2 $0xD9C8, s0  }
0x68b: {  	[tilespmem:s0], [sflag:$0xA] =	stream.linear.gather @!p2 [hbm4b:s3+s7], s2, $0x38;
	[tilespmem:$0x1EF18] =	vst v63  }
0x68c: {  	s2 =	sadd.s32 $0xFFFFFFFF, s22  }
0x68d: {  	p2 =	sge.u32 s2, s15  }
0x68e: {  	p3 =	sgt.s32 @!p2 s20, $0x61970  }
0x68f: {  	s0 =	smov.u32 s20;
	s3 =	sshra.s32 @!p2 s20, $0x1F;
	p3 =	por !p3, p2  }
0x690: {  	s3 =	sand.u32 @!p2 s3, s20;
	s0 =	simm.s32 @p3 $0x61970  }
0x691: {  	s0 =	ssub.s32 @!p2 s0, s3  }
0x692: {  	s0 =	sadd.s32 @!p2 $0xFFF9E690, s0  }
0x693: {  	s3 =	sshll.u32 @!p2 s0, $0x2  }
0x694: {  	p3 =	sgt.s32 @!p2 s0, $0x10F;
	s0 =	ssub.s32 @!p2 $0x440, s3  }
0x695: {  	p3 =	por !p3, p2;
	s0 =	sshrl.u32 @!p2 s0, $0x2  }
0x696: {  	s7 =	simm.s32 @!p2 $0xA;
	s3 =	sand.u32 @!p2 $0x1, s2;
	s0 =	simm.s32 @!p3 $0x0  }
0x697: {  	s3 =	smul.u32 @!p2 $0x440, s3;
	_ =	swait.ge @!p2 [sflag:s7], s0  }
0x698: {  	s8 =	ssub.s32 @!p2 $0x0, s0;
	[sflag:s7] =	ssyncset.done @!p2 $0x0  }
0x699: {  	s3 =	sshrl.u32 @!p2 s3, $0x2;
	[sflag:s7] =	ssyncadd.s32 @!p2 s8;
	s7 =	sshrl.u32 @!p2 s20, $0x3  }
0x69a: {  	s3 =	sadd.s32 @!p2 $0xDCF8, s3;
	s8 =	sand.u32 @!p2 $0x7, s20;
	s7 =	sadd.s32 @!p2 s7, s5  }
0x69b: {  	[tilespmem:s3], [sflag:$0xB] =	stream.linear.gather @!p2 [hbm4b:s7+s8], s0, $0x38;
	[tilespmem:$0x1EF18] =	vst v63  }
0x69c: {  	s0 =	ssub.s32 @!p2 $0x61A80, s20  }
0x69d: {  	p3 =	slt.s32 @!p2 s0, $0x1  }
0x69e: {  	p3 =	por p2, p3  }
.Ltmp2:
0x69f: {  	_ = 	snop;
	(pc) =	sbr.rel @p3 .LBB2_7-.Ltmp2, $1  }
0x6a0: {  	_ =	sdelay $0x3  }
0x6a1: {  	s3 =	smulhi.u32 $0xAAAAAAAB, s2;
	_ =	sdelay $0x1  }
0x6a2: {  	s3 =	sshrl.u32 s3, $0x1  }
0x6a3: {  	s3 =	smul.u32 $0x3, s3;
	_ =	sdelay $0x1  }
0x6a4: {  	s29 =	ssub.s32 s2, s3  }
0x6a5: {  	s7 =	simm.s32 $0x1;
	s2 =	smul.u32 $0x440, s29  }
.Ltmp3:
0x6a6: {  	s7 =	simm.s32 @!p0 $0x0;
	(pc) =	sbr.rel .LBB2_4-.Ltmp3, $4  }
0x6a7: {  	s30 =	smul.u32 $0x22000, s7  }
0x6a8: {  	p3 =	slt.s32 @!p2 s0, $0x110;
	s2 =	sshrl.u32 s2, $0x2  }
0x6a9: {  	p2 =	por !p3, p2;
	s3 =	sshrl.u32 s30, $0x2;
	s31 =	sadd.s32 $0xD9C8, s2  }
0x6aa: {  	s24 =	simm.s32 $0x0;
	s0 =	simm.s32 @p2 $0x110;
	s2 =	sadd.s32 $0xDF18, s3;
	v1 =	vmov s31  }
.LBB2_3:
0x6ab: {  	p2 =	sge.s32 s24, s0  }
.Ltmp4:
0x6ac: {  	_ = 	snop;
	(pc) =	sbr.rel @p2 .LBB2_7-.Ltmp4, $2  }
0x6ad: {  	_ =	sdelay $0x2  }
0x6ae: {  	s2 =	sadd.s32 $0x800, s2  }
.LBB2_4:
0x6af: {  	p2 =	sle.s32 s0, s24  }
.Ltmp5:
0x6b0: {  	_ = 	snop;
	(pc) =	sbr.rel @p2 .LBB2_3-.Ltmp5, $2  }
0x6b1: {  	_ =	sdelay $0x2  }
0x6b2: {  	s3 =	smov.u32 s24;
	s24 =	sadd.s32 $0x10, s24  }
0x6b3: {  	s7 =	ssub.s32 s0, s3  }
0x6b4: {  	p2 =	slt.s32 s7, $0x10  }
0x6b5: {  	s7 =	simm.s32 @!p2 $0x10  }
0x6b6: {  	v2 =	vmov s7  }
0x6b7: {  	vm0 =	vgt.s32 v2, v0;
	_ =	sdelay $0x5  }
0x6b8: {  	v2 =	vld.idx.msk [tilespmem:v1+s3+$0x0 ss:$0x1], vm0;
	_ =	sdelay $0x2  }
0x6b9: {  	p2 =	slt.s32 s24, s0;
	s7 =	smov.u32 s0  }
0x6ba: {  	s8 =	smov.u32 s2;
	s25 =	simm.s32 $0x0;
	s7 =	smov.u32 @p2 s24  }
.LBB2_6:
0x6bb: {  	(v2sf) =	vpush v2, s25;
	_ =	sdelay $0xc  }
0x6bc: {  	s25 =	sadd.s32 $0x1, s25  }
0x6bd: {  	s31 =	sadd.s32 s25, s3  }
0x6be: {  	p2 =	slt.s32 s31, s7;
	s11 =	spop (v2sf)  }
.Ltmp6:
0x6bf: {  	s11 =	sshll.u32 s11, $0x4;
	(pc) =	sbr.rel @p2 .LBB2_6-.Ltmp6, $4  }
0x6c0: {  	s11 =	sand.u32 $0x1FFFFFF0, s11  }
0x6c1: {  	s11 =	sadd.s32 s12, s11  }
0x6c2: {  	[tilespmem:s8], [sflag:$0x9] =	stream.linear.gather [hbm4b:s11+s18], $0x54, $0x38;
	[tilespmem:$0x1EF18] =	vst v63  }
0x6c3: {  	s8 =	sadd.s32 $0x80, s8  }
.Ltmp7:
0x6c4: {  	_ = 	snop;
	(pc) =	sbr.rel .LBB2_3-.Ltmp7, $1  }
0x6c5: {  	_ =	sdelay $0x3  }
.LBB2_7:
0x6c6: {  	p2 =	slt.u32 s22, $0x2  }
.Ltmp8:
0x6c7: {  	_ = 	snop;
	(pc) =	sbr.rel @p2 .LBB2_25-.Ltmp8, $1  }
0x6c8: {  	_ =	sdelay $0x3  }
0x6c9: {  	s0 =	ssub.s32 $0x61A80, s23;
	p2 =	sgt.s32 s23, $0x61970  }
0x6ca: {  	s2 =	smov.u32 s23;
	s3 =	sshra.s32 s23, $0x1F;
	p3 =	slt.s32 s0, $0x110  }
0x6cb: {  	s2 =	simm.s32 @!p2 $0x61970;
	s3 =	sand.u32 s3, s23;
	s0 =	simm.s32 @!p3 $0x110  }
0x6cc: {  	s2 =	ssub.s32 s2, s3;
	s0 =	smul.u32 $0x150, s0  }
0x6cd: {  	s2 =	sadd.s32 $0xFFF9E690, s2  }
0x6ce: {  	s29 =	simm.s32 $0x9;
	s25 =	sshll.u32 s2, $0x2;
	s0 =	sshrl.u32 s0, $0x2  }
0x6cf: {  	p2 =	sgt.s32 s2, $0x10F;
	s26 =	ssub.s32 $0x440, s25;
	_ =	swait.ge [sflag:s29], s0  }
0x6d0: {  	s0 =	ssub.s32 $0x0, s0;
	s2 =	sshrl.u32 s26, $0x2;
	[sflag:s29] =	ssyncset.done $0x0  }
0x6d1: {  	s2 =	simm.s32 @p2 $0x0;
	[sflag:s29] =	ssyncadd.s32 s0  }
0x6d2: {  	_ =	swait.ge [sflag:s14], s2  }
0x6d3: {  	s30 =	ssub.s32 $0x0, s2;
	[sflag:s14] =	ssyncset.done $0x0  }
0x6d4: {  	[sflag:s14] =	ssyncadd.s32 s30  }
0x6d5: {  	v1 =	vld [tilespmem:$0xCD88];
	_ =	sdelay $0x4  }
0x6d6: {  	(v2sf) =	vpush v1, $0x0  }
0x6d7: {  	(v2sf) =	vpush v1, $0x1  }
0x6d8: {  	(v2sf) =	vpush v1, $0x2;
	_ =	sdelay $0x3  }
0x6d9: {  	s0 =	sadd.s32 $0x110, s23  }
0x6da: {  	p2 =	slt.s32 s10, s0;
	s2 =	ssub.s32 $0xC3500, s23  }
0x6db: {  	s0 =	smov.u32 @p2 s10;
	p2 =	sgt.s32 s2, $0x0  }
0x6dc: {  	s0 =	ssub.s32 s0, s23;
	s2 =	simm.s32 @!p2 $0x0  }
0x6dd: {  	p2 =	slt.s32 s2, s0  }
0x6de: {  	s0 =	smov.u32 @p2 s2  }
0x6df: {  	s26 =	simm.s32 $0x1;
	p2 =	slt.s32 s0, $0x1  }
.Ltmp9:
0x6e0: {  	s26 =	simm.s32 @!p1 $0x0;
	(pc) =	sbr.rel @p2 .LBB2_12-.Ltmp9, $4  }
0x6e1: {  	s31 =	smul.u32 $0x440, s26  }
0x6e2: {  	s28 =	spop (v2sf)  }
0x6e3: {  	s3 =	sshrl.u32 s31, $0x2;
	s2 =	spop (v2sf)  }
0x6e4: {  	s24 =	sadd.s32 $0xDCF8, s3;
	s23 =	spop (v2sf)  }
0x6e5: {  	s3 =	smin.u32 s0, $0x10  }
0x6e6: {  	v1 =	vmov s3  }
0x6e7: {  	p3 =	sgt.s32 s0, $0x10;
	vm1 =	vgt.u32 v1, v0  }
.Ltmp10:
0x6e8: {  	_ = 	snop;
	(pc) =	sbr.rel @!p3 .LBB2_11-.Ltmp10, $2  }
0x6e9: {  	_ =	sdelay $0x2  }
0x6ea: {  	s25 =	simm.s32 $0x10;
	s29 =	sadd.s32 $0xFFFFFFF0, s0;
	s3 =	smov.u32 s24;
	vm0 =	vmmov vm1  }
.LBB2_10:
0x6eb: {  	s7 =	smin.u32 s29, $0x10;
	s25 =	sadd.s32 $0x10, s25;
	v1 =	vld.msk [tilespmem:s3+$0x0 ss:$0x1], vm1  }
0x6ec: {  	v2 =	vmov s7;
	p3 =	slt.s32 s25, s0  }
0x6ed: {  	vm1 =	vgt.u32 v2, v0  }
.Ltmp11:
0x6ee: {  	(pc) =	sbr.rel @p3 .LBB2_10-.Ltmp11, $3  }
0x6ef: {  	_ =	sdelay $0x1  }
0x6f0: {  	v1 =	vshll.u32 v1, $0x4  }
0x6f1: {  	s29 =	sadd.s32 $0xFFFFFFF0, s29;
	[tilespmem:s3+$0x0] =	vst.msk vm0, v1;
	s3 =	sadd.s32 $0x10, s3;
	vm0 =	vmmov vm1  }
.LBB2_11:
0x6f2: {  	_ =	sdelay $0x4  }
0x6f3: {  	v1 =	vld.msk [tilespmem:s3+$0x0 ss:$0x1], vm1;
	_ =	sdelay $0x4  }
0x6f4: {  	v1 =	vshll.u32 v1, $0x4  }
0x6f5: {  	[tilespmem:s3+$0x0] =	vst.msk vm0, v1  }
.LBB2_12:
0x6f6: {  	s3 =	sand.u32 $0x1, s22  }
0x6f7: {  	s3 =	smul.u32 $0x110, s3  }
0x6f8: {  	p3 =	sne.s32 s2, $0xFFFFFFFF  }
0x6f9: {  	v1 =	vld.msk @!p3 [tilespmem:s3+$0xDCF8], $0x1;
	_ =	sdelay $0x4  }
0x6fa: {  	(v2sf) =	vpush @!p3 v1, $0x0;
	_ =	sdelay $0xc  }
.Ltmp12:
0x6fb: {  	_ = 	snop;
	(pc) =	sbr.rel @p2 .LBB2_23-.Ltmp12, $4  }
0x6fc: {  	_ = 	snop  }
0x6fd: {  	s30 =	spop @!p3 (v2sf)  }
0x6fe: {  	s23 =	simm.s32 @!p3 $0x0;
	s25 =	smov.u32 s30  }
0x6ff: {  	[sflag:s19] =	ssyncpa.u1 $0x0;
	s30 =	smov.u32 @p3 s28;
	s25 =	smov.u32 @p3 s2  }
0x700: {  	v1 =	vld.msk [tilespmem:s24+$0x0], $0x1;
	_ =	sdelay $0x4  }
0x701: {  	(v2sf) =	vpush v1, $0x0;
	_ =	sdelay $0xe  }
0x702: {  	s3 =	smul.u32 $0x22000, s26;
	s26 =	ssub.s32 $0x0, s0;
	s2 =	spop (v2sf)  }
0x703: {  	s28 =	simm.s32 $0x0;
	s0 =	sadd.s32 $0x1, s26;
	p2 =	seq.s32 s30, s2  }
0x704: {  	s8 =	smov.u32 s30;
	p4 =	seq.s32 s0, $0x0;
	p3 =	sgt.s32 @!p2 s30, $0x0  }
.Ltmp13:
0x705: {  	s31 =	sadd.s32 $0x1, s24;
	p3 =	por !p3, p2;
	(pc) =	sbr.rel @p4 .LBB2_15-.Ltmp13, $4  }
0x706: {  	s3 =	sshrl.u32 s3, $0x2;
	s7 =	smul.u32 @!p2 $0x180, s28;
	s8 =	simm.s32 @p3 $0x0  }
0x707: {  	s29 =	sadd.s32 $0xDF48, s3;
	s3 =	simm.s32 @!p2 $0x1;
	s8 =	smin.u32 @!p2 s8, $0xC34F5  }
0x708: {  	s3 =	smov.u32 @p2 s28;
	s7 =	sshra.s32 @!p2 s7, $0x2;
	s11 =	sand.u32 @!p2 $0xFFFF8, s8  }
0x709: {  	s7 =	sadd.s32 @!p2 $0x6728, s7;
	s8 =	sand.u32 @!p2 $0x7, s8;
	s11 =	sadd.s32 @!p2 s1, s11  }
.LBB2_14:
0x70a: {  	s13 =	smov.u32 s3  }
0x70b: {  	[tilespmem:s7], [sflag:$0x2] =	stream.linear.gather @!p2 [hbm4b:s11+s8], $0x54, $0x38;
	[tilespmem:$0x1EF18] =	vst v63  }
0x70c: {  	s0 =	sadd.s32 $0x1, s0;
	s7 =	smov.u32 s2;
	v1 =	vld.msk [tilespmem:s31+$0x0], $0x1  }
0x70d: {  	p3 =	seq.s32 s0, $0x0;
	_ =	sdelay $0x3  }
0x70e: {  	(v2sf) =	vpush v1, $0x0;
	_ =	sdelay $0xe  }
0x70f: {  	s2 =	spop (v2sf)  }
0x710: {  	p2 =	seq.s32 s7, s2  }
0x711: {  	p4 =	sgt.s32 @!p2 s7, $0x0;
	s8 =	smul.u32 @!p2 $0x180, s3;
	s3 =	sadd.s32 @!p2 $0x1, s3  }
.Ltmp14:
0x712: {  	p4 =	por !p4, p2;
	s3 =	smov.u32 @p2 s13;
	(pc) =	sbr.rel @!p3 .LBB2_14-.Ltmp14, $4  }
0x713: {  	s7 =	simm.s32 @p4 $0x0;
	s8 =	sshra.s32 @!p2 s8, $0x2  }
0x714: {  	s11 =	smin.u32 @!p2 s7, $0xC34F5;
	s7 =	sadd.s32 @!p2 $0x6728, s8  }
0x715: {  	s13 =	sand.u32 @!p2 $0xFFFF8, s11;
	s8 =	sand.u32 @!p2 $0x7, s11  }
0x716: {  	s31 =	sadd.s32 $0x1, s31;
	s11 =	sadd.s32 @!p2 s1, s13  }
.LBB2_15:
0x717: {  	s0 =	smul.u32 $0x150, s3  }
0x718: {  	[tilespmem:s7], [sflag:$0x2] =	stream.linear.gather @!p2 [hbm4b:s11+s8], $0x54, $0x38;
	[tilespmem:$0x1EF18] =	vst v63  }
.Ltmp15:
0x719: {  	_ = 	snop;
	(pc) =	sbr.rel .LBB2_16-.Ltmp15, $4  }
0x71a: {  	s2 =	simm.s32 $0x2;
	s0 =	sshrl.u32 s0, $0x2  }
0x71b: {  	_ =	swait.ge [sflag:s2], s0  }
0x71c: {  	s0 =	ssub.s32 $0x0, s0;
	[sflag:s2] =	ssyncset.done $0x0  }
0x71d: {  	[sflag:s2] =	ssyncadd.s32 s0;
	s0 =	simm.s32 $0x0  }
.LBB2_17:
0x71e: {  	v1 =	vld [tilespmem:s29+$0xFFFFFFD0];
	_ =	sdelay $0x4  }
0x71f: {  	[tilespmem:s2+$0xC8] =	vst.add.f32.msk $0xffff, v1  }
0x720: {  	v1 =	vld [tilespmem:s29+$0xFFFFFFE0];
	_ =	sdelay $0x4  }
0x721: {  	[tilespmem:s2+$0xD8] =	vst.add.f32.msk $0xffff, v1  }
0x722: {  	v1 =	vld [tilespmem:s29+$0xFFFFFFF0];
	_ =	sdelay $0x4  }
0x723: {  	[tilespmem:s2+$0xE8] =	vst.add.f32.msk $0xffff, v1  }
0x724: {  	v1 =	vld [tilespmem:s29+$0x0];
	_ =	sdelay $0x4  }
0x725: {  	[tilespmem:s2+$0xF8] =	vst.add.f32.msk $0xffff, v1  }
0x726: {  	v1 =	vld [tilespmem:s29+$0x10];
	_ =	sdelay $0x4  }
0x727: {  	[tilespmem:s2+$0x108] =	vst.add.f32.msk $0xffff, v1  }
0x728: {  	v1 =	vld.msk [tilespmem:s29+$0x20], $0xf;
	_ =	sdelay $0x4  }
0x729: {  	[tilespmem:s2+$0x118] =	vst.add.f32.msk $0xf, v1  }
.LBB2_21:
0x72a: {  	s26 =	sadd.s32 $0x1, s26  }
0x72b: {  	p2 =	seq.s32 s26, $0x0  }
.Ltmp16:
0x72c: {  	_ = 	snop;
	(pc) =	sbr.rel @p2 .LBB2_22-.Ltmp16, $2  }
0x72d: {  	_ =	sdelay $0x2  }
0x72e: {  	s24 =	sadd.s32 $0x1, s24;
	s29 =	sadd.s32 $0x80, s29;
	s30 =	smov.u32 s31  }
.LBB2_16:
0x72f: {  	v1 =	vld.msk [tilespmem:s24+$0x0], $0x1;
	_ =	sdelay $0x4  }
0x730: {  	(v2sf) =	vpush v1, $0x0;
	_ =	sdelay $0xe  }
0x731: {  	s31 =	spop (v2sf)  }
0x732: {  	p2 =	sne.s32 s30, s31  }
.Ltmp17:
0x733: {  	_ = 	snop;
	(pc) =	sbr.rel @!p2 .LBB2_17-.Ltmp17, $3  }
0x734: {  	_ = 	snop  }
0x735: {  	s2 =	smul.u32 $0x180, s23;
	_ =	sdelay $0x1  }
0x736: {  	s2 =	sshra.s32 s2, $0x2  }
0x737: {  	p2 =	seq.s32 s30, s25  }
.Ltmp18:
0x738: {  	_ = 	snop;
	(pc) =	sbr.rel @!p2 .LBB2_19-.Ltmp18, $1  }
0x739: {  	_ =	sdelay $0x3  }
.Ltmp19:
0x73a: {  	s2 =	sadd.s32 $0xC8, s2;
	(pc) =	sbr.rel .LBB2_20-.Ltmp19, $4  }
0x73b: {  	[spmem:s16] =	stream.linear.scatter [tilespmem:s2], [sflag:$0x1], $0x54, $0x38;
	[tilespmem:$0x1EF18] =	vst v63  }
0x73c: {  	_ =	swait.ge [sflag:s4], $0x54  }
0x73d: {  	[sflag:s4] =	ssyncset.done $0x0  }
0x73e: {  	[sflag:s4] =	ssyncadd.s32 $0xFFFFFFAC  }
.LBB2_19:
0x73f: {  	s3 =	smul.u32 $0x180, s28;
	_ =	sdelay $0x1  }
0x740: {  	s3 =	sshra.s32 s3, $0x2  }
0x741: {  	v1 =	vld [tilespmem:s3+$0x6728];
	_ =	sdelay $0x4  }
0x742: {  	[tilespmem:s2+$0xC8] =	vst.add.f32.msk $0xffff, v1  }
0x743: {  	v1 =	vld [tilespmem:s3+$0x6738];
	_ =	sdelay $0x4  }
0x744: {  	[tilespmem:s2+$0xD8] =	vst.add.f32.msk $0xffff, v1  }
0x745: {  	v1 =	vld [tilespmem:s3+$0x6748];
	_ =	sdelay $0x4  }
0x746: {  	[tilespmem:s2+$0xE8] =	vst.add.f32.msk $0xffff, v1  }
0x747: {  	v1 =	vld [tilespmem:s3+$0x6758];
	_ =	sdelay $0x4  }
0x748: {  	[tilespmem:s2+$0xF8] =	vst.add.f32.msk $0xffff, v1  }
0x749: {  	v1 =	vld [tilespmem:s3+$0x6768];
	_ =	sdelay $0x4  }
0x74a: {  	[tilespmem:s2+$0x108] =	vst.add.f32.msk $0xffff, v1  }
0x74b: {  	v1 =	vld.msk [tilespmem:s3+$0x6778], $0xf;
	_ =	sdelay $0x2  }
0x74c: {  	p2 =	sgt.u32 s30, $0xC34F5  }
0x74d: {  	s3 =	sand.u32 @!p2 $0xFFFF8, s30  }
0x74e: {  	s7 =	sadd.s32 $0xC8, s2;
	[tilespmem:s2+$0x118] =	vst.add.f32.msk $0xf, v1;
	s2 =	sadd.s32 @!p2 s1, s3;
	s3 =	sand.u32 @!p2 $0x7, s30  }
0x74f: {  	[hbm4b:s2+s3] =	stream.linear.scatter @!p2 [tilespmem:s7], [sflag:$0xC], $0x54, $0x38;
	[tilespmem:$0x1EF18] =	vst v63  }
0x750: {  	s2 =	simm.s32 $0x0  }
0x751: {  	s2 =	simm.s32 @!p2 $0x150  }
0x752: {  	s0 =	sadd.s32 s2, s0  }
.LBB2_20:
0x753: {  	s2 =	sadd.s32 $0x1, s23  }
0x754: {  	s3 =	smulhi.u32 $0xF0F0F0F1, s2;
	_ =	sdelay $0x1  }
0x755: {  	s3 =	sshrl.u32 s3, $0x8  }
0x756: {  	s3 =	smul.u32 $0x110, s3  }
0x757: {  	v1 =	vld [tilespmem:s29+$0xFFFFFFD0]  }
0x758: {  	s23 =	ssub.s32 s2, s3  }
0x759: {  	s2 =	smul.u32 $0x180, s23;
	_ =	sdelay $0x1  }
0x75a: {  	s2 =	sshrl.u32 s2, $0x2  }
0x75b: {  	[tilespmem:s2+$0xC8] =	vst v1  }
0x75c: {  	v1 =	vld [tilespmem:s29+$0xFFFFFFE0];
	_ =	sdelay $0x4  }
0x75d: {  	[tilespmem:s2+$0xD8] =	vst v1  }
0x75e: {  	v1 =	vld [tilespmem:s29+$0xFFFFFFF0];
	_ =	sdelay $0x4  }
0x75f: {  	[tilespmem:s2+$0xE8] =	vst v1  }
0x760: {  	v1 =	vld [tilespmem:s29+$0x0];
	_ =	sdelay $0x4  }
0x761: {  	[tilespmem:s2+$0xF8] =	vst v1  }
0x762: {  	v1 =	vld [tilespmem:s29+$0x10];
	_ =	sdelay $0x4  }
0x763: {  	[tilespmem:s2+$0x108] =	vst v1  }
0x764: {  	v1 =	vld.msk [tilespmem:s29+$0x20], $0xf  }
.Ltmp20:
0x765: {  	_ = 	snop;
	(pc) =	sbr.rel .LBB2_21-.Ltmp20, $2  }
0x766: {  	_ =	sdelay $0x2  }
0x767: {  	s28 =	sadd.s32 $0x1, s28;
	[tilespmem:s2+$0x118] =	vst.msk $0xf, v1  }
.LBB2_23:
.Ltmp21:
0x768: {  	(pc) =	sbr.rel .LBB2_24-.Ltmp21, $4  }
0x769: {  	_ = 	snop  }
0x76a: {  	s0 =	simm.s32 $0x2  }
0x76b: {  	_ =	swait.ge [sflag:s0], $0x0  }
0x76c: {  	s31 =	smov.u32 s30;
	[sflag:s0] =	ssyncset.done $0x0;
	s0 =	simm.s32 $0x0  }
.LBB2_26:
0x76d: {  	_ =	sfence.sel $0x180000  }
0x76e: {  	s0 =	simm.s32 $0x9;
	[bflag:$0x0] =	sbarrier.arrive $0xFFFF  }
0x76f: {  	s24 =	simm.s32 $0xA;
	[sflag:s0] =	ssyncpa.u1 $0x1  }
0x770: {  	s25 =	simm.s32 $0xB;
	[sflag:s24] =	ssyncpa.u1 $0x1  }
0x771: {  	s26 =	simm.s32 $0x2;
	[sflag:s25] =	ssyncpa.u1 $0x1  }
0x772: {  	[sflag:s26] =	ssyncpa.u1 $0x1  }
0x773: {  	v0 =	vld [tilespmem:$0xCD88];
	_ =	sdelay $0x4  }
0x774: {  	(v2sf) =	vpush v0, $0x0  }
0x775: {  	(v2sf) =	vpush v0, $0x1  }
0x776: {  	(v2sf) =	vpush v0, $0x2;
	_ =	sdelay $0xc  }
0x777: {  	s0 =	spop (v2sf)  }
0x778: {  	s2 =	spop (v2sf)  }
0x779: {  	s3 =	smov.u32 s0;
	p0 =	sne.s32 s0, s2;
	s4 =	spop (v2sf)  }
0x77a: {  	s3 =	simm.s32 @!p0 $0xFFFFFFFF;
	p0 =	seq.s32 s4, $0xFFFFFFFF  }
0x77b: {  	v2 =	vimm.s32 $0x1;
	v3 =	vlaneseq.u32;
	v1 =	vmov s3;
	p1 =	sne.s32 @!p0 s0, s2  }
0x77c: {  	s14 =	stileid.u32;
	v0 =	vperm.xlane v0, v2;
	s0 =	simm.s32 @!p0 $0x1;
	v1 =	vperm.xlane v1, v3;
	p1 =	por !p1, p0  }
0x77d: {  	vm0 =	vcmask $0x3F04;
	s3 =	sshll.u32 s14, $0x1;
	s2 =	smul.u32 @!p0 $0x180, s4;
	s0 =	simm.s32 @p1 $0x0  }
0x77e: {  	s6 =	simm.s32 $0xCD88;
	v0 =	vsel vm0, v1, v0;
	s0 =	sor.u32 @!p0 s0, s3  }
0x77f: {  	s5 =	sor.u32 $0xC00, s3;
	s2 =	sshra.s32 @!p0 s2, $0x2;
	[tilespmem:$0xCD88] =	vst v0;
	s0 =	smul.u32 @!p0 $0x180, s0  }
0x780: {  	[spmem:s5] =	stream.linear.scatter [tilespmem:s6], [sflag:$0x1], $0x2, $0x38;
	[tilespmem:$0x1EF18] =	vst v63  }
0x781: {  	s2 =	sadd.s32 @!p0 $0xC8, s2;
	s0 =	sshrl.u32 @!p0 s0, $0x2  }
0x782: {  	[spmem:s0] =	stream.linear.scatter @!p0 [tilespmem:s2], [sflag:$0x1], $0x60, $0x38;
	[tilespmem:$0x1EF18] =	vst v63  }
0x783: {  	s0 =	simm.s32 @!p0 $0x62  }
0x784: {  	s28 =	simm.s32 $0x1;
	s0 =	simm.s32 @p0 $0x2  }
0x785: {  	_ =	swait.ge [sflag:s28], s0  }
0x786: {  	s0 =	ssub.s32 $0x0, s0;
	[sflag:s28] =	ssyncset.done $0x0  }
0x787: {  	p0 =	sne.s32 s14, $0x0;
	[sflag:s28] =	ssyncadd.s32 s0  }
.Ltmp22:
0x788: {  	_ =	sfence.stream.spmem;
	(pc) =	sbr.rel @p0 .LBB2_43-.Ltmp22, $4  }
0x789: {  	s29 =	simm.s32 $0x3;
	[bflag:$0x0] =	sbarrier.arrive $0xFFFF  }
0x78a: {  	s30 =	simm.s32 $0x4;
	[sflag:s29] =	ssyncpa.u1 $0x1  }
0x78b: {  	s31 =	simm.s32 $0x3C;
	[sflag:s30] =	ssyncpa.u1 $0x1  }
0x78c: {  	s15 =	rddreg [dreg:$0x7];
	[sflag:s31] =	ssyncpa.u1 $0x1  }
0x78d: {  	_ =	sfence.stream.spmem;
	s0 =	simm.s32 $0x5  }
0x78e: {  	s2 =	simm.s32 $0xC00;
	s3 =	simm.s32 $0xCD98;
	[sflag:s0] =	ssyncpa.u1 $0x0  }
0x78f: {  	[tilespmem:s3], [sflag:$0x5] =	stream.linear.gather [spmem:s2], $0x20, $0x38;
	[tilespmem:$0x1EF18] =	vst v63  }
0x790: {  	s26 =	simm.s32 $0x0;
	s28 =	simm.s32 $0xCDB8  }
0x791: {  	[tilespmem:s28], [sflag:$0x5] =	stream.linear.gather [spmem:s26], $0xC00, $0x38;
	[tilespmem:$0x1EF18] =	vst v63  }
0x792: {  	_ =	swait.ge [sflag:s0], $0xC20  }
0x793: {  	[sflag:s0] =	ssyncset.done $0x0  }
0x794: {  	s29 =	simm.s32 $0x0;
	[sflag:s0] =	ssyncadd.s32 $0xFFFFF3E0  }
0x795: {  	v0 =	vld.msk [tilespmem:s29+$0xCD98], $0x1;
	_ =	sdelay $0x1  }
0x796: {  	s30 =	simm.s32 $0x1  }
0x797: {  	v1 =	vld.msk [tilespmem:s30+$0xCD98], $0x1;
	_ =	sdelay $0x1  }
0x798: {  	(v2sf) =	vpush v0, $0x0;
	_ =	sdelay $0x2  }
0x799: {  	(v2sf) =	vpush v1, $0x0;
	_ =	sdelay $0x2  }
0x79a: {  	s31 =	simm.s32 $0x2  }
0x79b: {  	v0 =	vld.msk [tilespmem:s31+$0xCD98], $0x1;
	_ =	sdelay $0x2  }
0x79c: {  	s2 =	simm.s32 $0xFFFFFFFF;
	s3 =	simm.s32 $0xFFFFFFFF;
	s0 =	simm.s32 $0xC  }
.LBB2_28:
0x79d: {  	s4 =	smov.u32 s3;
	s5 =	smov.u32 s2  }
0x79e: {  	s2 =	sshra.s32 s0, $0x2;
	p1 =	sne.s32 s0, $0x7C;
	s0 =	sadd.s32 $0x4, s0;
	(v2sf) =	vpush v0, $0x0  }
0x79f: {  	v0 =	vld.msk [tilespmem:s2+$0xCD98], $0x1  }
.Ltmp23:
0x7a0: {  	(pc) =	sbr.rel @p1 .LBB2_28-.Ltmp23, $4  }
0x7a1: {  	s3 =	spop (v2sf)  }
0x7a2: {  	p2 =	sne.s32 s5, $0xFFFFFFFF;
	s2 =	smov.u32 s3  }
0x7a3: {  	p3 =	seq.s32 s3, $0xFFFFFFFF;
	s2 =	smov.u32 @p2 s5  }
0x7a4: {  	s3 =	smov.u32 @p3 s4;
	s2 =	smov.u32 @p3 s5  }
0x7a5: {  	(v2sf) =	vpush v0, $0x0;
	_ =	sdelay $0x8  }
0x7a6: {  	s0 =	spop (v2sf)  }
0x7a7: {  	p1 =	sne.s32 s2, $0xFFFFFFFF;
	s4 =	smov.u32 s0  }
0x7a8: {  	s9 =	simm.s32 $0x6;
	p2 =	seq.s32 s0, $0xFFFFFFFF;
	s4 =	smov.u32 @p1 s2  }
0x7a9: {  	s10 =	simm.s32 $0xCD28;
	s4 =	smov.u32 @p2 s2;
	s2 =	spop (v2sf)  }
0x7aa: {  	s0 =	smov.u32 @p2 s3;
	p1 =	sne.s32 s4, $0xFFFFFFFF;
	s7 =	smov.u32 s2  }
.Ltmp24:
0x7ab: {  	p2 =	seq.s32 s2, $0xFFFFFFFF;
	s7 =	smov.u32 @p1 s4;
	(pc) =	sbr.rel .LBB2_30-.Ltmp24, $4  }
0x7ac: {  	s11 =	simm.s32 $0x0;
	s7 =	smov.u32 @p2 s4;
	s5 =	spop (v2sf)  }
0x7ad: {  	[sflag:s9] =	ssyncpa.u1 $0x0;
	p1 =	sne.s32 s7, $0xFFFFFFFF;
	s6 =	smov.u32 s5  }
0x7ae: {  	s2 =	smov.u32 @p2 s0;
	p2 =	seq.s32 s5, $0xFFFFFFFF;
	s6 =	smov.u32 @p1 s7  }
0x7af: {  	s4 =	simm.s32 $0x0;
	s5 =	smov.u32 @p2 s2;
	s6 =	smov.u32 @p2 s7  }
.LBB2_36:
0x7b0: {  	p1 =	sgt.u32 s0, $0xC34F5  }
0x7b1: {  	p2 =	seq.s32 @!p1 s0, s6  }
0x7b2: {  	p1 =	por p1, p2  }
0x7b3: {  	p2 =	sne.s32 @!p1 s0, s5  }
0x7b4: {  	p1 =	por p1, !p2  }
0x7b5: {  	s0 =	smul.u32 @p1 $0x180, s11;
	_ =	sdelay $0x1  }
0x7b6: {  	s2 =	sand.u32 @!p1 $0xFFFF8, s0  }
0x7b7: {  	s0 =	sand.u32 @!p1 $0x7, s0;
	s2 =	sadd.s32 @!p1 s1, s2  }
0x7b8: {  	[tilespmem:s10], [sflag:$0x6] =	stream.linear.gather @!p1 [hbm4b:s2+s0], $0x54, $0x38;
	[tilespmem:$0x1EF18] =	vst v63  }
0x7b9: {  	_ =	swait.ge @!p1 [sflag:s9], $0x54  }
0x7ba: {  	[sflag:s9] =	ssyncset.done @!p1 $0x0  }
0x7bb: {  	[sflag:s9] =	ssyncadd.s32 @!p1 $0xFFFFFFAC  }
0x7bc: {  	v1 =	vld @!p1 [tilespmem:$0xCD28];
	_ =	sdelay $0x1  }
0x7bd: {  	s0 =	smul.u32 @!p1 $0x180, s11;
	_ =	sdelay $0x1  }
0x7be: {  	s2 =	sshra.s32 @!p1 s0, $0x2  }
0x7bf: {  	[tilespmem:s2+$0xCDB8] =	vst.add.f32.msk @!p1 $0xffff, v1  }
0x7c0: {  	v1 =	vld @!p1 [tilespmem:$0xCD38];
	_ =	sdelay $0x4  }
0x7c1: {  	[tilespmem:s2+$0xCDC8] =	vst.add.f32.msk @!p1 $0xffff, v1  }
0x7c2: {  	v1 =	vld @!p1 [tilespmem:$0xCD48];
	_ =	sdelay $0x4  }
0x7c3: {  	[tilespmem:s2+$0xCDD8] =	vst.add.f32.msk @!p1 $0xffff, v1  }
0x7c4: {  	v1 =	vld @!p1 [tilespmem:$0xCD58];
	_ =	sdelay $0x4  }
0x7c5: {  	[tilespmem:s2+$0xCDE8] =	vst.add.f32.msk @!p1 $0xffff, v1  }
0x7c6: {  	v1 =	vld @!p1 [tilespmem:$0xCD68];
	_ =	sdelay $0x4  }
0x7c7: {  	[tilespmem:s2+$0xCDF8] =	vst.add.f32.msk @!p1 $0xffff, v1  }
0x7c8: {  	v1 =	vld @!p1 [tilespmem:$0xCD78];
	_ =	sdelay $0x4  }
0x7c9: {  	[tilespmem:s2+$0xCE08] =	vst.add.f32.msk @!p1 $0xffff, v1  }
0x7ca: {  	s0 =	sshra.s32 s0, $0x2;
	[tilespmem:s4+$0xCD98] =	vst.msk $0x1, v0  }
0x7cb: {  	v0 =	vld [tilespmem:s0+$0xCDB8];
	_ =	sdelay $0x1  }
0x7cc: {  	s31 =	smul.u32 $0x180, s4;
	_ =	sdelay $0x1  }
0x7cd: {  	s2 =	sshra.s32 s31, $0x2  }
0x7ce: {  	[tilespmem:s2+$0xCDB8] =	vst v0  }
0x7cf: {  	v0 =	vld [tilespmem:s0+$0xCDC8];
	_ =	sdelay $0x4  }
0x7d0: {  	[tilespmem:s2+$0xCDC8] =	vst v0  }
0x7d1: {  	v0 =	vld [tilespmem:s0+$0xCDD8];
	_ =	sdelay $0x4  }
0x7d2: {  	[tilespmem:s2+$0xCDD8] =	vst v0  }
0x7d3: {  	v0 =	vld [tilespmem:s0+$0xCDE8];
	_ =	sdelay $0x4  }
0x7d4: {  	[tilespmem:s2+$0xCDE8] =	vst v0  }
0x7d5: {  	v0 =	vld [tilespmem:s0+$0xCDF8];
	_ =	sdelay $0x4  }
0x7d6: {  	[tilespmem:s2+$0xCDF8] =	vst v0  }
0x7d7: {  	v0 =	vld [tilespmem:s0+$0xCE08];
	_ =	sdelay $0x4  }
0x7d8: {  	s4 =	sadd.s32 $0x1, s4;
	[tilespmem:s2+$0xCE08] =	vst v0  }
.LBB2_37:
0x7d9: {  	s11 =	sadd.s32 $0x1, s11  }
0x7da: {  	p1 =	sne.s32 s11, $0x20  }
.Ltmp25:
0x7db: {  	_ = 	snop;
	(pc) =	sbr.rel @!p1 .LBB2_38-.Ltmp25, $1  }
0x7dc: {  	_ =	sdelay $0x3  }
.LBB2_30:
0x7dd: {  	v0 =	vld.msk [tilespmem:s11+$0xCD98], $0x1;
	_ =	sdelay $0x4  }
0x7de: {  	(v2sf) =	vpush v0, $0x0;
	_ =	sdelay $0xe  }
0x7df: {  	s0 =	spop (v2sf)  }
0x7e0: {  	p1 =	seq.s32 s0, $0xFFFFFFFF  }
.Ltmp26:
0x7e1: {  	_ = 	snop;
	(pc) =	sbr.rel @p1 .LBB2_37-.Ltmp26, $1  }
0x7e2: {  	_ =	sdelay $0x3  }
0x7e3: {  	p1 =	slt.s32 s4, $0x1  }
.Ltmp27:
0x7e4: {  	_ = 	snop;
	(pc) =	sbr.rel @p1 .LBB2_36-.Ltmp27, $1  }
0x7e5: {  	_ =	sdelay $0x3  }
0x7e6: {  	s12 =	simm.s32 $0xCD98;
	p1 =	por $0x0, $0x0  }
0x7e7: {  	v1 =	vld.msk @!p1 [tilespmem:s12+$0x0], $0x1;
	_ =	sdelay $0x4  }
0x7e8: {  	(v2sf) =	vpush @!p1 v1, $0x0;
	_ =	sdelay $0xd  }
0x7e9: {  	p3 =	sne.s32 s4, $0x1  }
.Ltmp28:
0x7ea: {  	s2 =	spop @!p1 (v2sf);
	(pc) =	sbr.rel @!p3 .LBB2_34-.Ltmp28, $4  }
0x7eb: {  	p2 =	seq.s32 @!p1 s0, s2  }
0x7ec: {  	s13 =	simm.s32 $0x0;
	p2 =	por !p2, p1  }
0x7ed: {  	s3 =	simm.s32 $0xFFFFFFFF;
	s13 =	simm.s32 @p2 $0xFFFFFFFF  }
0x7ee: {  	s2 =	simm.s32 $0x1;
	s13 =	smov.u32 @p1 s3  }
.LBB2_33:
0x7ef: {  	s3 =	smov.u32 s13;
	p1 =	sne.s32 s13, $0xFFFFFFFF  }
0x7f0: {  	s12 =	sadd.s32 $0x1, s12;
	s13 =	smov.u32 s2;
	s2 =	sadd.s32 $0x1, s2  }
0x7f1: {  	p2 =	sne.s32 s4, s2;
	v1 =	vld.msk @!p1 [tilespmem:s12+$0x0], $0x1;
	_ =	sdelay $0x4  }
0x7f2: {  	(v2sf) =	vpush @!p1 v1, $0x0;
	_ =	sdelay $0xe  }
.Ltmp29:
0x7f3: {  	s7 =	spop @!p1 (v2sf);
	(pc) =	sbr.rel @p2 .LBB2_33-.Ltmp29, $4  }
0x7f4: {  	p3 =	seq.s32 @!p1 s0, s7  }
0x7f5: {  	p3 =	por !p3, p1  }
0x7f6: {  	s13 =	simm.s32 @p3 $0xFFFFFFFF  }
0x7f7: {  	s13 =	smov.u32 @p1 s3  }
.LBB2_34:
0x7f8: {  	p1 =	seq.s32 s13, $0xFFFFFFFF  }
.Ltmp30:
0x7f9: {  	_ = 	snop;
	(pc) =	sbr.rel @p1 .LBB2_36-.Ltmp30, $1  }
0x7fa: {  	_ =	sdelay $0x3  }
0x7fb: {  	s0 =	smul.u32 $0x180, s11;
	_ =	sdelay $0x1  }
0x7fc: {  	s0 =	sshra.s32 s0, $0x2  }
0x7fd: {  	v0 =	vld [tilespmem:s0+$0xCDB8];
	_ =	sdelay $0x1  }
0x7fe: {  	s2 =	smul.u32 $0x180, s13;
	_ =	sdelay $0x1  }
0x7ff: {  	s2 =	sshra.s32 s2, $0x2  }
0x800: {  	[tilespmem:s2+$0xCDB8] =	vst.add.f32.msk $0xffff, v0  }
0x801: {  	v0 =	vld [tilespmem:s0+$0xCDC8];
	_ =	sdelay $0x4  }
0x802: {  	[tilespmem:s2+$0xCDC8] =	vst.add.f32.msk $0xffff, v0  }
0x803: {  	v0 =	vld [tilespmem:s0+$0xCDD8];
	_ =	sdelay $0x4  }
0x804: {  	[tilespmem:s2+$0xCDD8] =	vst.add.f32.msk $0xffff, v0  }
0x805: {  	v0 =	vld [tilespmem:s0+$0xCDE8];
	_ =	sdelay $0x4  }
0x806: {  	[tilespmem:s2+$0xCDE8] =	vst.add.f32.msk $0xffff, v0  }
0x807: {  	v0 =	vld [tilespmem:s0+$0xCDF8];
	_ =	sdelay $0x4  }
0x808: {  	[tilespmem:s2+$0xCDF8] =	vst.add.f32.msk $0xffff, v0  }
0x809: {  	v0 =	vld [tilespmem:s0+$0xCE08]  }
.Ltmp31:
0x80a: {  	_ = 	snop;
	(pc) =	sbr.rel .LBB2_37-.Ltmp31, $2  }
0x80b: {  	_ =	sdelay $0x2  }
0x80c: {  	[tilespmem:s2+$0xCE08] =	vst.add.f32.msk $0xffff, v0  }
.LBB2_38:
0x80d: {  	s0 =	simm.s32 $0x6;
	p1 =	seq.s32 s4, $0x0  }
0x80e: {  	[sflag:s0] =	ssyncpa.u1 $0x1;
	v0 =	vimm.s32 @p1 $0xFFFFFFFF  }
0x80f: {  	s0 =	sadd.s32 $0xFFFFFFFF, s4;
	[tilespmem:$0xD9B8] =	vst @p1 v0  }
0x810: {  	v0 =	vld.msk @!p1 [tilespmem:s0+$0xCD98], $0x1;
	_ =	sdelay $0x1  }
0x811: {  	v1 =	vld.msk @!p1 [tilespmem:$0xCD98], $0x1;
	_ =	sdelay $0x2  }
0x812: {  	p2 =	seq.s32 @!p1 s0, $0x0;
	v0 =	vbroadcast @!p1 v0, $0x0  }
0x813: {  	vm0 =	vmmov @!p1 $0x1;
	p3 =	por !p2, p1  }
0x814: {  	p2 =	sne.s32 @!p1 s6, s5;
	v1 =	vnsel @!p1 vm0, $0xFFFFFFFF, v1;
	vm0 =	vcmask @!p1 $0x308;
	v0 =	vpsel !p3, $0xFFFFFFFF, v0  }
0x815: {  	p3 =	por !p2, p1;
	v0 =	vsel @!p1 vm0, v1, v0  }
0x816: {  	s2 =	simm.s32 @!p1 $0xCDB8;
	s3 =	simm.s32 @!p1 $0x0;
	s5 =	smul.u32 @!p3 $0x180, s0;
	[tilespmem:$0xD9B8] =	vst @!p1 v0  }
0x817: {  	[spmem:s3] =	stream.linear.scatter @!p1 [tilespmem:s2], [sflag:$0x1], $0x60, $0x38;
	[tilespmem:$0x1EF18] =	vst v63  }
0x818: {  	s2 =	sshra.s32 @!p3 s5, $0x2  }
0x819: {  	s3 =	simm.s32 @!p3 $0x60;
	s2 =	sadd.s32 @!p3 $0xCDB8, s2  }
0x81a: {  	[spmem:s3] =	stream.linear.scatter @!p3 [tilespmem:s2], [sflag:$0x1], $0x60, $0x38;
	[tilespmem:$0x1EF18] =	vst v63  }
0x81b: {  	s2 =	simm.s32 @!p3 $0x1  }
0x81c: {  	_ =	swait.ge @!p3 [sflag:s2], $0xC0  }
0x81d: {  	p1 =	por p2, p1;
	[sflag:s2] =	ssyncset.done @!p3 $0x0  }
0x81e: {  	[sflag:s2] =	ssyncadd.s32 @!p3 $0xFFFFFF40;
	s2 =	simm.s32 @!p1 $0x1  }
0x81f: {  	_ =	swait.ge @!p1 [sflag:s2], $0x60  }
0x820: {  	s29 =	simm.s32 $0xD9B8;
	[sflag:s2] =	ssyncset.done @!p1 $0x0  }
0x821: {  	s30 =	simm.s32 $0xC00;
	s31 =	simm.s32 $0x1;
	[sflag:s2] =	ssyncadd.s32 @!p1 $0xFFFFFFA0  }
0x822: {  	[spmem:s30] =	stream.linear.scatter [tilespmem:s29], [sflag:$0x1], $0x10, $0x38;
	[tilespmem:$0x1EF18] =	vst v63  }
0x823: {  	_ =	swait.ge [sflag:s31], $0x10  }
0x824: {  	[sflag:s31] =	ssyncset.done $0x0  }
0x825: {  	p1 =	seq.s32 s15, $0x0;
	s9 =	rddreg [dreg:$0x4];
	[sflag:s31] =	ssyncadd.s32 $0xFFFFFFF0  }
0x826: {  	s3 =	sshll.u32 @p1 s9, $0xE;
	s8 =	rddreg [dreg:$0x5]  }
0x827: {  	s2 =	sadd.s32 @p1 $0x15C3C, s3;
	s3 =	sshll.u32 @p1 s8, $0x11  }
0x828: {  	_ =	sfence.stream.spmem;
	s2 =	sor.u32 @p1 s3, s2  }
0x829: {  	[sflag:s2] =	ssyncadd.remote.s32 @p1 $0x1;
	s2 =	simm.s32 @p1 $0x4  }
0x82a: {  	s5 =	simm.s32 @!p1 $0x3C;
	s3 =	sand.u32 $0xFFFFFFFE, s9;
	_ =	swait.ge @p1 [sflag:s2], $0x1A  }
0x82b: {  	s6 =	simm.s32 @!p1 $0x0;
	s3 =	sadd.s32 @!p1 $0x4, s3;
	[sflag:s2] =	ssyncset.done @p1 $0x0  }
0x82c: {  	s7 =	simm.s32 @!p1 $0xC0;
	[sflag:s2] =	ssyncadd.s32 @p1 $0xFFFFFFE6;
	s2 =	sshll.u32 @!p1 s3, $0x1A  }
0x82d: {  	s3 =	sshll.u32 @!p1 s3, $0xD;
	s2 =	sor.u32 @!p1 s2, s8;
	_ =	swait.eq @!p1 [sflag:s5], $0x1  }
0x82e: {  	s3 =	sor.u32 @!p1 $0x1C04, s3;
	s5 =	simm.s32 @!p1 $0x1C03;
	s2 =	sor.u32 @!p1 $0x80004000, s2  }
0x82f: {  	[spmem:s7], [sflag:s3] =	dma.general @!p1 [spmem:s6], [sflag:s5], length:$0x18, [dreg:$0x0], stride_count:$0x0, ici_dest:s2, dma_misc:DstOpCode:WRITE  }
0x830: {  	p2 =	slt.s32 s0, $0x2;
	s6 =	simm.s32 @!p1 $0x180;
	s7 =	simm.s32 @!p1 $0x182  }
0x831: {  	[spmem:s7], [sflag:s3] =	dma.general @!p1 [spmem:s6], [sflag:s5], length:$0x2, [dreg:$0x0], stride_count:$0x0, ici_dest:s2, dma_misc:DstOpCode:WRITE  }
.Ltmp32:
0x832: {  	s2 =	simm.s32 @!p1 $0x3;
	(pc) =	sbr.rel @p2 .LBB2_42-.Ltmp32, $4  }
0x833: {  	s3 =	sshll.u32 @!p1 s9, $0xE;
	_ =	swait.ge @!p1 [sflag:s2], $0x1A  }
0x834: {  	s5 =	sshll.u32 @!p1 s8, $0x11;
	s3 =	sadd.s32 @!p1 $0x11C3C, s3;
	[sflag:s2] =	ssyncset.done @!p1 $0x0  }
0x835: {  	[sflag:s2] =	ssyncadd.s32 @!p1 $0xFFFFFFE6;
	s2 =	sor.u32 @!p1 s5, s3  }
0x836: {  	s0 =	simm.s32 $0x0;
	[sflag:s2] =	ssyncadd.remote.s32 @!p1 $0xFFFFFFFF  }
0x837: {  	s0 =	simm.s32 $0xCD99  }
0x838: {  	v0 =	vld.msk [tilespmem:s0+$0x0], $0x1;
	_ =	sdelay $0x4  }
0x839: {  	(v2sf) =	vpush v0, $0x0;
	_ =	sdelay $0xc  }
0x83a: {  	s2 =	sadd.s32 $0xFFFFFFFE, s4  }
0x83b: {  	s2 =	sadd.s32 $0xFFFFFFFF, s2  }
0x83c: {  	p2 =	sne.s32 s2, $0x0;
	s3 =	spop (v2sf)  }
.Ltmp33:
0x83d: {  	p1 =	sgt.u32 s3, $0xC34F5;
	(pc) =	sbr.rel @!p2 .LBB2_41-.Ltmp33, $4  }
0x83e: {  	s5 =	simm.s32 $0x0;
	s4 =	sand.u32 @!p1 $0xFFFF8, s3  }
0x83f: {  	s0 =	simm.s32 $0xCE18;
	s3 =	sand.u32 @!p1 $0x7, s3;
	s4 =	sadd.s32 @!p1 s1, s4  }
0x840: {  	[hbm4b:s4+s3] =	stream.linear.scatter @!p1 [tilespmem:s0], [sflag:$0x5], $0x54, $0x38;
	[tilespmem:$0x1EF18] =	vst v63  }
0x841: {  	s5 =	simm.s32 @!p1 $0x150;
	s3 =	simm.s32 $0x0;
	s4 =	simm.s32 $0xCD9A  }
.LBB2_40:
0x842: {  	v0 =	vld.msk [tilespmem:s4+$0x0], $0x1;
	s2 =	sadd.s32 $0xFFFFFFFF, s2;
	s3 =	sadd.s32 s3, s5  }
0x843: {  	p1 =	sne.s32 s2, $0x0;
	_ =	sdelay $0x3  }
0x844: {  	(v2sf) =	vpush v0, $0x0;
	_ =	sdelay $0xe  }
.Ltmp34:
0x845: {  	s6 =	spop (v2sf);
	(pc) =	sbr.rel @p1 .LBB2_40-.Ltmp34, $4  }
0x846: {  	s5 =	simm.s32 $0x0;
	p2 =	sgt.u32 s6, $0xC34F5  }
0x847: {  	s0 =	sadd.s32 $0x60, s0;
	s5 =	simm.s32 @!p2 $0x150;
	s7 =	sand.u32 @!p2 $0xFFFF8, s6  }
0x848: {  	s4 =	sadd.s32 $0x1, s4;
	s6 =	sand.u32 @!p2 $0x7, s6;
	s7 =	sadd.s32 @!p2 s1, s7  }
0x849: {  	[hbm4b:s7+s6] =	stream.linear.scatter @!p2 [tilespmem:s0], [sflag:$0x5], $0x54, $0x38;
	[tilespmem:$0x1EF18] =	vst v63  }
.LBB2_41:
0x84a: {  	s0 =	sadd.s32 s3, s5  }
0x84b: {  	s0 =	sshrl.u32 s0, $0x2  }
.LBB2_42:
0x84c: {  	s2 =	simm.s32 $0x5  }
0x84d: {  	_ =	swait.ge [sflag:s2], s0  }
0x84e: {  	s31 =	ssub.s32 $0x0, s0;
	[sflag:s2] =	ssyncset.done $0x0  }
0x84f: {  	[sflag:s2] =	ssyncadd.s32 s31  }
0x850: {  	[sflag:s2] =	ssyncpa.u1 $0x1  }
.LBB2_43:
0x851: {  	s0 =	sor.u32 s15, s14  }
0x852: {  	p1 =	sne.s32 s0, $0x0  }
.Ltmp35:
0x853: {  	_ = 	snop;
	(pc) =	sbr.rel @p1 .LBB2_58-.Ltmp35, $3  }
0x854: {  	_ =	sdelay $0x1  }
0x855: {  	[bflag:$0x0] =	sbarrier.arrive $0xFFFF  }
0x856: {  	_ =	sfence  }
0x857: {  	s0 =	simm.s32 $0x7  }
0x858: {  	s2 =	simm.s32 $0xC00;
	s3 =	simm.s32 $0xCD98;
	[sflag:s0] =	ssyncpa.u1 $0x0  }
0x859: {  	[tilespmem:s3], [sflag:$0x7] =	stream.linear.gather [spmem:s2], $0x20, $0x38;
	[tilespmem:$0x1EF18] =	vst v63  }
0x85a: {  	s30 =	simm.s32 $0xCDB8;
	s2 =	simm.s32 $0x0  }
0x85b: {  	[tilespmem:s30], [sflag:$0x7] =	stream.linear.gather [spmem:s2], $0xC00, $0x38;
	[tilespmem:$0x1EF18] =	vst v63  }
.Ltmp36:
0x85c: {  	_ = 	snop;
	(pc) =	sbr.rel .LBB2_45-.Ltmp36, $4  }
0x85d: {  	_ =	swait.ge [sflag:s0], $0xC20  }
0x85e: {  	[sflag:s0] =	ssyncset.done $0x0  }
0x85f: {  	s31 =	simm.s32 $0x8;
	[sflag:s0] =	ssyncadd.s32 $0xFFFFF3E0  }
0x860: {  	s3 =	simm.s32 $0x0;
	[sflag:s31] =	ssyncpa.u1 $0x0  }
.LBB2_51:
0x861: {  	p1 =	slt.u32 s0, $0xC34F6  }
0x862: {  	s4 =	sand.u32 @p1 $0xFFFF8, s0  }
0x863: {  	s0 =	sand.u32 @p1 $0x7, s0;
	s5 =	simm.s32 @p1 $0xCD28;
	s4 =	sadd.s32 @p1 s1, s4  }
0x864: {  	[tilespmem:s5], [sflag:$0x8] =	stream.linear.gather @p1 [hbm4b:s4+s0], $0x54, $0x38;
	[tilespmem:$0x1EF18] =	vst v63  }
0x865: {  	s0 =	simm.s32 @p1 $0x8  }
0x866: {  	_ =	swait.ge @p1 [sflag:s0], $0x54  }
0x867: {  	[sflag:s0] =	ssyncset.done @p1 $0x0  }
0x868: {  	[sflag:s0] =	ssyncadd.s32 @p1 $0xFFFFFFAC  }
0x869: {  	v1 =	vld @p1 [tilespmem:$0xCD28];
	_ =	sdelay $0x1  }
0x86a: {  	s0 =	smul.u32 @p1 $0x180, s3;
	_ =	sdelay $0x1  }
0x86b: {  	s4 =	sshra.s32 @p1 s0, $0x2  }
0x86c: {  	[tilespmem:s4+$0xCDB8] =	vst.add.f32.msk @p1 $0xffff, v1  }
0x86d: {  	v1 =	vld @p1 [tilespmem:$0xCD38];
	_ =	sdelay $0x4  }
0x86e: {  	[tilespmem:s4+$0xCDC8] =	vst.add.f32.msk @p1 $0xffff, v1  }
0x86f: {  	v1 =	vld @p1 [tilespmem:$0xCD48];
	_ =	sdelay $0x4  }
0x870: {  	[tilespmem:s4+$0xCDD8] =	vst.add.f32.msk @p1 $0xffff, v1  }
0x871: {  	v1 =	vld @p1 [tilespmem:$0xCD58];
	_ =	sdelay $0x4  }
0x872: {  	[tilespmem:s4+$0xCDE8] =	vst.add.f32.msk @p1 $0xffff, v1  }
0x873: {  	v1 =	vld @p1 [tilespmem:$0xCD68];
	_ =	sdelay $0x4  }
0x874: {  	[tilespmem:s4+$0xCDF8] =	vst.add.f32.msk @p1 $0xffff, v1  }
0x875: {  	v1 =	vld @p1 [tilespmem:$0xCD78];
	_ =	sdelay $0x2  }
0x876: {  	s5 =	smul.u32 @!p1 $0x180, s3;
	_ =	sdelay $0x1  }
0x877: {  	s5 =	smov.u32 @p1 s0;
	[tilespmem:s4+$0xCE08] =	vst.add.f32.msk @p1 $0xffff, v1  }
0x878: {  	s0 =	sshra.s32 s5, $0x2;
	[tilespmem:s2+$0xCD98] =	vst.msk $0x1, v0  }
0x879: {  	v0 =	vld [tilespmem:s0+$0xCDB8];
	_ =	sdelay $0x1  }
0x87a: {  	s31 =	smul.u32 $0x180, s2;
	_ =	sdelay $0x1  }
0x87b: {  	s4 =	sshra.s32 s31, $0x2  }
0x87c: {  	[tilespmem:s4+$0xCDB8] =	vst v0  }
0x87d: {  	v0 =	vld [tilespmem:s0+$0xCDC8];
	_ =	sdelay $0x4  }
0x87e: {  	[tilespmem:s4+$0xCDC8] =	vst v0  }
0x87f: {  	v0 =	vld [tilespmem:s0+$0xCDD8];
	_ =	sdelay $0x4  }
0x880: {  	[tilespmem:s4+$0xCDD8] =	vst v0  }
0x881: {  	v0 =	vld [tilespmem:s0+$0xCDE8];
	_ =	sdelay $0x4  }
0x882: {  	[tilespmem:s4+$0xCDE8] =	vst v0  }
0x883: {  	v0 =	vld [tilespmem:s0+$0xCDF8];
	_ =	sdelay $0x4  }
0x884: {  	[tilespmem:s4+$0xCDF8] =	vst v0  }
0x885: {  	v0 =	vld [tilespmem:s0+$0xCE08];
	_ =	sdelay $0x4  }
0x886: {  	s2 =	sadd.s32 $0x1, s2;
	[tilespmem:s4+$0xCE08] =	vst v0  }
.LBB2_52:
0x887: {  	s3 =	sadd.s32 $0x1, s3  }
0x888: {  	p1 =	sne.s32 s3, $0x20  }
.Ltmp37:
0x889: {  	_ = 	snop;
	(pc) =	sbr.rel @!p1 .LBB2_53-.Ltmp37, $1  }
0x88a: {  	_ =	sdelay $0x3  }
.LBB2_45:
0x88b: {  	v0 =	vld.msk [tilespmem:s3+$0xCD98], $0x1;
	_ =	sdelay $0x4  }
0x88c: {  	(v2sf) =	vpush v0, $0x0;
	_ =	sdelay $0xe  }
0x88d: {  	s0 =	spop (v2sf)  }
0x88e: {  	p1 =	seq.s32 s0, $0xFFFFFFFF  }
.Ltmp38:
0x88f: {  	_ = 	snop;
	(pc) =	sbr.rel @p1 .LBB2_52-.Ltmp38, $1  }
0x890: {  	_ =	sdelay $0x3  }
0x891: {  	p1 =	slt.s32 s2, $0x1  }
.Ltmp39:
0x892: {  	_ = 	snop;
	(pc) =	sbr.rel @p1 .LBB2_51-.Ltmp39, $1  }
0x893: {  	_ =	sdelay $0x3  }
0x894: {  	s4 =	simm.s32 $0xCD98;
	p1 =	por $0x0, $0x0  }
0x895: {  	v1 =	vld.msk @!p1 [tilespmem:s4+$0x0], $0x1;
	_ =	sdelay $0x4  }
0x896: {  	(v2sf) =	vpush @!p1 v1, $0x0;
	_ =	sdelay $0xd  }
0x897: {  	p3 =	sne.s32 s2, $0x1  }
.Ltmp40:
0x898: {  	s5 =	spop @!p1 (v2sf);
	(pc) =	sbr.rel @!p3 .LBB2_49-.Ltmp40, $4  }
0x899: {  	p2 =	seq.s32 @!p1 s0, s5  }
0x89a: {  	s5 =	simm.s32 $0x0;
	p2 =	por !p2, p1  }
0x89b: {  	s7 =	simm.s32 $0xFFFFFFFF;
	s5 =	simm.s32 @p2 $0xFFFFFFFF  }
0x89c: {  	s6 =	simm.s32 $0x1;
	s5 =	smov.u32 @p1 s7  }
.LBB2_48:
0x89d: {  	s7 =	smov.u32 s5;
	p1 =	sne.s32 s5, $0xFFFFFFFF  }
0x89e: {  	s4 =	sadd.s32 $0x1, s4;
	s5 =	smov.u32 s6;
	s6 =	sadd.s32 $0x1, s6  }
0x89f: {  	p2 =	sne.s32 s2, s6;
	v1 =	vld.msk @!p1 [tilespmem:s4+$0x0], $0x1;
	_ =	sdelay $0x4  }
0x8a0: {  	(v2sf) =	vpush @!p1 v1, $0x0;
	_ =	sdelay $0xe  }
.Ltmp41:
0x8a1: {  	s8 =	spop @!p1 (v2sf);
	(pc) =	sbr.rel @p2 .LBB2_48-.Ltmp41, $4  }
0x8a2: {  	p3 =	seq.s32 @!p1 s0, s8  }
0x8a3: {  	p3 =	por !p3, p1  }
0x8a4: {  	s5 =	simm.s32 @p3 $0xFFFFFFFF  }
0x8a5: {  	s5 =	smov.u32 @p1 s7  }
.LBB2_49:
0x8a6: {  	p1 =	seq.s32 s5, $0xFFFFFFFF  }
.Ltmp42:
0x8a7: {  	_ = 	snop;
	(pc) =	sbr.rel @p1 .LBB2_51-.Ltmp42, $1  }
0x8a8: {  	_ =	sdelay $0x3  }
0x8a9: {  	s0 =	smul.u32 $0x180, s3;
	_ =	sdelay $0x1  }
0x8aa: {  	s0 =	sshra.s32 s0, $0x2  }
0x8ab: {  	v0 =	vld [tilespmem:s0+$0xCDB8];
	_ =	sdelay $0x1  }
0x8ac: {  	s4 =	smul.u32 $0x180, s5;
	_ =	sdelay $0x1  }
0x8ad: {  	s4 =	sshra.s32 s4, $0x2  }
0x8ae: {  	[tilespmem:s4+$0xCDB8] =	vst.add.f32.msk $0xffff, v0  }
0x8af: {  	v0 =	vld [tilespmem:s0+$0xCDC8];
	_ =	sdelay $0x4  }
0x8b0: {  	[tilespmem:s4+$0xCDC8] =	vst.add.f32.msk $0xffff, v0  }
0x8b1: {  	v0 =	vld [tilespmem:s0+$0xCDD8];
	_ =	sdelay $0x4  }
0x8b2: {  	[tilespmem:s4+$0xCDD8] =	vst.add.f32.msk $0xffff, v0  }
0x8b3: {  	v0 =	vld [tilespmem:s0+$0xCDE8];
	_ =	sdelay $0x4  }
0x8b4: {  	[tilespmem:s4+$0xCDE8] =	vst.add.f32.msk $0xffff, v0  }
0x8b5: {  	v0 =	vld [tilespmem:s0+$0xCDF8];
	_ =	sdelay $0x4  }
0x8b6: {  	[tilespmem:s4+$0xCDF8] =	vst.add.f32.msk $0xffff, v0  }
0x8b7: {  	v0 =	vld [tilespmem:s0+$0xCE08]  }
.Ltmp43:
0x8b8: {  	_ = 	snop;
	(pc) =	sbr.rel .LBB2_52-.Ltmp43, $2  }
0x8b9: {  	_ =	sdelay $0x2  }
0x8ba: {  	[tilespmem:s4+$0xCE08] =	vst.add.f32.msk $0xffff, v0  }
.LBB2_53:
0x8bb: {  	p1 =	slt.s32 s2, $0x1  }
.Ltmp44:
0x8bc: {  	_ = 	snop;
	(pc) =	sbr.rel @p1 .LBB2_57-.Ltmp44, $3  }
0x8bd: {  	_ =	sdelay $0x1  }
0x8be: {  	s0 =	simm.s32 $0x8  }
0x8bf: {  	[sflag:s0] =	ssyncpa.u1 $0x1;
	s0 =	simm.s32 $0x0  }
0x8c0: {  	s3 =	simm.s32 $0xCD98  }
0x8c1: {  	v0 =	vld.msk [tilespmem:s3+$0x0], $0x1;
	_ =	sdelay $0x4  }
0x8c2: {  	(v2sf) =	vpush v0, $0x0;
	_ =	sdelay $0xe  }
0x8c3: {  	s2 =	sadd.s32 $0xFFFFFFFF, s2;
	s4 =	spop (v2sf)  }
0x8c4: {  	p2 =	sne.s32 s2, $0x0;
	p1 =	sgt.u32 s4, $0xC34F5  }
.Ltmp45:
0x8c5: {  	s5 =	sand.u32 @!p1 $0xFFFF8, s4;
	(pc) =	sbr.rel @!p2 .LBB2_56-.Ltmp45, $4  }
0x8c6: {  	s3 =	simm.s32 $0xCDB8;
	s4 =	sand.u32 @!p1 $0x7, s4;
	s5 =	sadd.s32 @!p1 s1, s5  }
0x8c7: {  	[hbm4b:s5+s4] =	stream.linear.scatter @!p1 [tilespmem:s3], [sflag:$0x7], $0x54, $0x38;
	[tilespmem:$0x1EF18] =	vst v63  }
0x8c8: {  	s5 =	simm.s32 $0x0  }
0x8c9: {  	s4 =	simm.s32 $0xCD99;
	s5 =	simm.s32 @!p1 $0x150  }
.LBB2_55:
0x8ca: {  	v0 =	vld.msk [tilespmem:s4+$0x0], $0x1;
	s2 =	sadd.s32 $0xFFFFFFFF, s2;
	s0 =	sadd.s32 s0, s5  }
0x8cb: {  	p1 =	sne.s32 s2, $0x0;
	_ =	sdelay $0x3  }
0x8cc: {  	(v2sf) =	vpush v0, $0x0;
	_ =	sdelay $0xe  }
.Ltmp46:
0x8cd: {  	s6 =	spop (v2sf);
	(pc) =	sbr.rel @p1 .LBB2_55-.Ltmp46, $4  }
0x8ce: {  	s5 =	simm.s32 $0x0;
	p2 =	sgt.u32 s6, $0xC34F5  }
0x8cf: {  	s3 =	sadd.s32 $0x60, s3;
	s5 =	simm.s32 @!p2 $0x150;
	s7 =	sand.u32 @!p2 $0xFFFF8, s6  }
0x8d0: {  	s4 =	sadd.s32 $0x1, s4;
	s6 =	sand.u32 @!p2 $0x7, s6;
	s7 =	sadd.s32 @!p2 s1, s7  }
0x8d1: {  	[hbm4b:s7+s6] =	stream.linear.scatter @!p2 [tilespmem:s3], [sflag:$0x7], $0x54, $0x38;
	[tilespmem:$0x1EF18] =	vst v63  }
.LBB2_56:
0x8d2: {  	s0 =	sadd.s32 s0, s5  }
0x8d3: {  	s0 =	sshrl.u32 s0, $0x2  }
.LBB2_57:
0x8d4: {  	s1 =	simm.s32 $0x7  }
0x8d5: {  	_ =	swait.ge [sflag:s1], s0  }
0x8d6: {  	s31 =	ssub.s32 $0x0, s0;
	[sflag:s1] =	ssyncset.done $0x0  }
0x8d7: {  	[sflag:s1] =	ssyncadd.s32 s31  }
0x8d8: {  	[sflag:s1] =	ssyncpa.u1 $0x1  }
.LBB2_58:
0x8d9: {  	_ =	sfence;
	s0 =	simm.s32 $0x1  }
0x8da: {  	[sflag:s0] =	ssyncpa.u1 $0x1  }
0x8db: {  	_ =	strace $0x90000050  }
0x8dc: {  	[bflag:$0x2] =	sbarrier.arrive $0xFFFF  }
0x8dd: {  	s0 =	rddreg [dreg:$0x6]  }
0x8de: {  	s0 =	sadd.s32 @!p0 $0x100000, s0  }
0x8df: {  	[sflag:s0] =	ssyncadd.tile.s32 @!p0 $0x1;
	_ =	shalt  }
.Lfunc_end2:
_tile_overlayer_lowered:
.L_overlay_start_2:
0x8e0: {  	(tag) =	ssettag $0x2  }
0x8e1: {  	s0 =	rddreg [dreg:$0x0];
	s2 =	stileid.u32  }
0x8e2: {  	s1 =	rddreg [dreg:$0x1];
	p0 =	sne.s32 s2, $0x0  }
0x8e3: {  	s3 =	rddreg [dreg:$0x2];
	[bflag:$0x3] =	sbarrier.arrive $0xFFFF;
	s2 =	simm.s32 @!p0 $0x1C01  }
0x8e4: {  	[timem:s3], [sflag:s2] =	dma.local @!p0 [hbm:s0], s1  }
0x8e5: {  	s0 =	simm.s32 @!p0 $0x1  }
0x8e6: {  	_ =	swait.ge @!p0 [sflag:s0], s1  }
0x8e7: {  	s1 =	ssub.s32 @!p0 $0x0, s1;
	[sflag:s0] =	ssyncset.done @!p0 $0x0  }
0x8e8: {  	[sflag:s0] =	ssyncadd.s32 @!p0 s1  }
0x8e9: {  	[bflag:$0x3] =	sbarrier.arrive $0xFFFF  }
0x8ea: {  	_ =	shalt  }

// kernel: sparse-core-data-format-call.1.cloned.1.call-start
scs
called_computation.4_lowered:
.L_overlay_start_0:
0x0: {  	s1 =	sld [smem:$0x3FD9]  }
0x1: {  	s2 =	sld [smem:$0x3FFE];
	_ =	sdelay $0x1  }
0x2: {  	s3 =	srdreg.scid  }
0x3: {  	s0 =	sand.u32 $0x1, s3  }
0x4: {  	s17 =	sshll.u32 s0, $0xA;
	s1 =	sadd.s32 s2, s1  }
0x5: {  	s1 =	sadd.s32 s1, s17  }
0x6: {  	[smem:$0x3F96] =	sst s1  }
0x7: {  	_ = 	snop  }
0x8: {  	(tm) =	ssettm $0x1  }
0x9: {  	s18 =	sld [smem:$0x3FFB];
	_ =	sdelay $0x3  }
0xa: {  	_ =	strace s18  }
0xb: {  	s1 =	sld [smem:$0x3FFC];
	_ =	sdelay $0x3  }
0xc: {  	_ =	strace s1  }
0xd: {  	s1 =	sld [smem:$0x3FFD];
	_ =	sdelay $0x3  }
0xe: {  	_ =	strace s1  }
0xf: {  	_ =	strace $0x8FFFFFFF  }
0x10: {  	s19 =	sld [smem:$0x3FDB];
	_ =	sdelay $0x1  }
0x11: {  	s20 =	simm.s32 $_scs_section_size  }
0x12: {  	s4 =	simm.s32 $_size__tile_overlayer_lowered;
	s5 =	simm.s32 $_tile_overlayer_lowered  }
0x13: {  	s23 =	simm.s32 $0x1BFF;
	s22 =	sshll.u32 s5, $0x1;
	s1 =	sadd.s32 s20, s19  }
0x14: {  	s6 =	simm.s32 $0x0;
	s21 =	sshll.u32 s4, $0x1;
	s4 =	sadd.s32 s22, s1  }
0x15: {  	[timem:s6], [sflag:s23] =	dma.local [hbm:s4], s21  }
0x16: {  	_ =	swait.ge [sflag:s23], s21  }
0x17: {  	s2 =	ssub.s32 $0x0, s21;
	[sflag:s23] =	ssyncset.done $0x0  }
0x18: {  	[sflag:s23] =	ssyncadd.s32 s2;
	_ =	sdelay $0x1  }
0x19: {  	s24 =	simm.s32 $0x1B8B  }
0x1a: {  	_ =	swait.ge [sflag:s24], $0x1  }
0x1b: {  	[sflag:s24] =	ssyncset.done $0x0  }
0x1c: {  	s26 =	simm.s32 $0x1B8E;
	s25 =	sld [smem:$0x3FFE];
	[sflag:s24] =	ssyncadd.s32 $0xFFFFFFFF  }
0x1d: {  	s27 =	simm.s32 $execute0_lowered;
	[smem:$0x3FD2] =	sst s26  }
0x1e: {  	s4 =	sshll.u32 s27, $0x1;
	_ =	strace $0x80000049;
	[dreg:$0x1] =	wrdreg $0xFFFFFFFF  }
0x1f: {  	s28 =	simm.s32 $_size_execute0_lowered;
	s1 =	sadd.s32 s1, s4;
	[dreg:$0x0] =	wrdreg $0x0  }
0x20: {  	s4 =	sshll.u32 s28, $0x1;
	[dreg:$0x2] =	wrdreg s1  }
0x21: {  	[dreg:$0x3] =	wrdreg s4  }
0x22: {  	[dreg:$0x4] =	wrdreg $0xC0  }
0x23: {  	_ =	task [dreg:s6], $0x5FFFF  }
0x24: {  	[dreg:$0x1] =	wrdreg $0xFFFFFFFF  }
0x25: {  	[dreg:$0x0] =	wrdreg $0x60  }
0x26: {  	[dreg:$0x2] =	wrdreg s25  }
0x27: {  	[dreg:$0x3] =	wrdreg $0x9  }
0x28: {  	_ =	task.clear_ibuf [dreg:s6], $0x4FFFF;
	_ =	strace $0x90000049  }
0x29: {  	s29 =	simm.s32 $0x9;
	_ =	strace $0x8000004B  }
0x2a: {  	_ =	swait.ge [sflag:s29], $0x1  }
0x2b: {  	[sflag:s29] =	ssyncadd.s32 $0xFFFFFFFF  }
0x2c: {  	_ =	strace $0x9000004B  }
0x2d: {  	_ =	sfence  }
0x2e: {  	s30 =	sld [smem:$0x0];
	_ =	sdelay $0x2  }
0x2f: {  	s31 =	sshll.u32 s3, $0xD;
	s3 =	sshrl.u32 s3, $0x2  }
0x30: {  	s2 =	sand.u32 $0x4000, s31;
	s1 =	sadd.s32 s3, s30  }
0x31: {  	s0 =	sor.u32 s2, s0;
	s1 =	sshll.u32 s1, $0x11  }
0x32: {  	s0 =	sor.u32 s1, s0  }
0x33: {  	s0 =	sadd.s32 $0x8F2B, s0  }
0x34: {  	[sflag:s0] =	ssyncadd.remote.s32 $0x1  }
0x35: {  	_ =	sfence.sel $0xFFFF  }
0x36: {  	[dreg:$0x0] =	wrdreg $0xFFFFFFFF;
	(pc) =	sbr.abs _section_cstart, $3  }
0x37: {  	[dreg:$0x1] =	wrdreg $0xFFFFFFFF  }
0x38: {  	_ =	task.clear_ibuf [dreg:s6], $0x2FFFF;
	_ =	strace $0x9FFFFFFF  }
0x39: {  	(tm) =	ssettm $0x7FFFFFFF  }
tec
execute0_lowered:
.L_overlay_start_1:
0x0: {  	(tag) =	ssettag $0x1  }
0x1: {  	s0 =	srdreg.scid  }
0x2: {  	s1 =	sshll.u32 s0, $0x4  }
0x3: {  	s0 =	stileid.u32;
	s1 =	sand.u32 $0x10, s1  }
0x4: {  	s6 =	rddreg [dreg:$0x0];
	s4 =	simm.s32 $0x1;
	s1 =	sor.u32 s0, s1  }
0x5: {  	s7 =	simm.s32 $0x2;
	s14 =	simm.s32 $0x0;
	s2 =	sshll.u32 s1, $0x7  }
0x6: {  	s8 =	simm.s32 $0x30D400;
	s15 =	simm.s32 $0x0;
	s3 =	ssub.s32 $0xC3500, s2  }
0x7: {  	s9 =	simm.s32 $0x0;
	s10 =	simm.s32 $0x0;
	s31 =	sand.u32 $0xF80, s3  }
0x8: {  	s12 =	simm.s32 $0x0;
	s1 =	rddreg [dreg:$0x1];
	p0 =	sne.s32 s31, $0x0  }
.Ltmp0:
0x9: {  	s5 =	sshrl.u32 s3, $0xC;
	s4 =	simm.s32 @!p0 $0x0;
	(pc) =	sbr.rel .LBB1_1-.Ltmp0, $4  }
0xa: {  	_ =	strace $0x8000004A;
	s3 =	simm.s32 $0x1;
	s4 =	sadd.s32 s4, s5  }
0xb: {  	s13 =	simm.s32 $0x0;
	[sflag:s3] =	ssyncpa.u1 $0x0;
	s4 =	smul.u32 $0x3, s4  }
0xc: {  	s11 =	smov.u32 s2;
	[sflag:s7] =	ssyncpa.u1 $0x0;
	p0 =	por $0x0, $0x0  }
0xd: {  	s5 =	sadd.s32 $0xC9A00, s6;
	s6 =	sadd.s32 $0x2568A00, s6;
	s7 =	sadd.s32 $0x1, s4  }
.LBB1_4:
0xe: {  	s18 =	sshrl.u32 s10, $0x2;
	s19 =	sshll.u32 s9, $0x2  }
0xf: {  	s20 =	sshll.u32 s10, $0x7;
	s25 =	sand.u32 $0x7F, s9;
	p1 =	sgt.s32 s10, $0x3  }
0x10: {  	s21 =	smov.u32 s10;
	s22 =	sshra.s32 s10, $0x1F;
	s18 =	smul.u32 $0x30D400, s18  }
0x11: {  	s23 =	sshra.s32 s9, $0x1F;
	s19 =	sand.u32 $0xFFFFFE00, s19;
	s24 =	sand.u32 $0x180, s20  }
0x12: {  	s21 =	simm.s32 @!p1 $0x3;
	s22 =	sand.u32 s22, s10;
	s18 =	sadd.s32 s18, s19  }
0x13: {  	p1 =	sgt.s32 s9, $0xC3480;
	s23 =	sand.u32 s23, s9;
	s18 =	sor.u32 s24, s18  }
0x14: {  	s21 =	ssub.s32 s21, s22;
	s22 =	smov.u32 s9;
	s19 =	sshrl.u32 s18, $0x8  }
0x15: {  	s22 =	simm.s32 @!p1 $0xC3480;
	s26 =	sadd.s32 $0xFFFFFFFD, s21;
	s19 =	smulhi.u32 $0x14F8B59, s19  }
0x16: {  	s21 =	ssub.s32 $0x4, s21;
	s22 =	ssub.s32 s22, s23;
	p1 =	sgt.s32 s26, $0x0  }
0x17: {  	s21 =	smul.u32 $0xC, s21;
	s27 =	sadd.s32 $0xFFF3CB80, s22;
	s19 =	sshrl.u32 s19, $0x4  }
0x18: {  	s22 =	ssub.s32 $0xC3500, s22;
	p2 =	sgt.s32 s27, $0x7F;
	s28 =	smul.u32 $0xC3500, s19  }
0x19: {  	[tilespmem:s16+$0xFFFFFFFC ss:$0x81] =	vst.msk $0xffff, v4;
	s18 =	sor.u32 s25, s18;
	s21 =	simm.s32 @p1 $0x0;
	s22 =	simm.s32 @p2 $0x0  }
0x1a: {  	[tilespmem:s16+$0xFFFFFFFD ss:$0x81] =	vst.msk $0xffff, v2;
	s29 =	smul.u32 s22, s21;
	s19 =	sand.u32 $0x3, s19;
	s18 =	ssub.s32 s18, s28  }
0x1b: {  	[tilespmem:s16+$0xFFFFFFFE ss:$0x81] =	vst.msk $0xffff, v0;
	s19 =	smul.u32 $0x186A0, s19;
	s30 =	sshrl.u32 s18, $0x3;
	s18 =	sand.u32 $0x7, s18  }
0x1c: {  	[tilespmem:s16+$0xFFFFFFFF ss:$0x81] =	vst.msk $0xffff, v3;
	s21 =	sadd.s32 s6, s30;
	s18 =	sshll.u32 s18, $0x12  }
0x1d: {  	[tilespmem:s16+$0xFFFFFFF9 ss:$0x81] =	vst.msk $0xffff, v1;
	s31 =	sand.u32 $0x3FFFFFFC, s29;
	s19 =	sadd.s32 s19, s21;
	s18 =	sor.u32 $0x80, s18  }
0x1e: {  	[hbm4b:s19+s18] =	stream.strided.scatter [tilespmem:s17], [sflag:$0x2], s31, s8, s18, $0x20;
	[tilespmem:$0x2020] =	vst v63  }
.LBB1_5:
0x1f: {  	p1 =	slt.u32 s13, $0x2  }
0x20: {  	s17 =	smov.u32 s15;
	p2 =	sgt.s32 @!p1 s15, $0x3;
	s16 =	sshra.s32 @!p1 s15, $0x1F  }
0x21: {  	p3 =	sgt.s32 @!p1 s14, $0xC3480;
	s18 =	sshra.s32 @!p1 s14, $0x1F;
	p2 =	por !p2, p1  }
0x22: {  	s15 =	sand.u32 @!p1 s16, s15;
	p3 =	por !p3, p1;
	s16 =	smov.u32 s14  }
0x23: {  	s14 =	sand.u32 @!p1 s18, s14;
	s17 =	simm.s32 @p2 $0x3;
	s16 =	simm.s32 @p3 $0xC3480  }
0x24: {  	s15 =	ssub.s32 @!p1 s17, s15;
	s14 =	ssub.s32 @!p1 s16, s14  }
0x25: {  	s16 =	sadd.s32 @!p1 $0xFFFFFFFD, s15;
	s15 =	ssub.s32 @!p1 $0x4, s15;
	s17 =	sadd.s32 @!p1 $0xFFF3CB80, s14  }
0x26: {  	p2 =	sgt.s32 @!p1 s16, $0x0;
	s15 =	smul.u32 @!p1 $0xC, s15;
	p3 =	sgt.s32 @!p1 s17, $0x7F  }
0x27: {  	s14 =	ssub.s32 @!p1 $0xC3500, s14;
	p2 =	por !p2, p1;
	p3 =	por !p3, p1  }
0x28: {  	s16 =	sadd.s32 $0x1000, s11;
	s15 =	simm.s32 @!p2 $0x0;
	s14 =	simm.s32 @!p3 $0x0  }
0x29: {  	p2 =	sgt.s32 s16, $0xC34FF;
	s14 =	smul.u32 @!p1 s14, s15;
	s15 =	simm.s32 $0x1  }
0x2a: {  	s15 =	simm.s32 @!p2 $0x0  }
0x2b: {  	s19 =	sadd.s32 s15, s12  }
0x2c: {  	s16 =	smov.u32 @p2 s2;
	p2 =	sgt.s32 s19, $0x2  }
0x2d: {  	s19 =	simm.s32 @p2 $0x0;
	p2 =	sne.s32 s13, s7  }
.Ltmp1:
0x2e: {  	p0 =	por !p0, !p0;
	s17 =	simm.s32 @!p1 $0x2;
	(pc) =	sbr.rel @!p2 .LBB1_6-.Ltmp1, $4  }
0x2f: {  	s14 =	sand.u32 @!p1 $0x3FFFFFFC, s14;
	s15 =	smov.u32 s10;
	s10 =	smov.u32 s12  }
0x30: {  	_ =	swait.ge @!p1 [sflag:s17], s14;
	s18 =	ssub.s32 @!p1 $0x0, s14;
	s14 =	smov.u32 s9  }
0x31: {  	s9 =	smov.u32 s11;
	s11 =	smov.u32 s16;
	[sflag:s17] =	ssyncset.done @!p1 $0x0  }
0x32: {  	s13 =	sadd.s32 $0x1, s13;
	[sflag:s17] =	ssyncadd.s32 @!p1 s18;
	s12 =	smov.u32 s19  }
.LBB1_1:
0x33: {  	p1 =	sge.u32 s13, s4  }
0x34: {  	s16 =	sand.u32 @!p1 $0x1FFFFFF, s11  }
0x35: {  	s17 =	smulhi.u32 @!p1 $0x14F8B59, s16;
	_ =	sdelay $0x1  }
0x36: {  	s17 =	sshrl.u32 @!p1 s17, $0xC  }
0x37: {  	s17 =	smul.u32 @!p1 $0xC3500, s17  }
0x38: {  	s18 =	sxor.u32 @!p1 $0xFFFFFFFF, s13;
	s19 =	smul.u32 @!p1 $0xC35000, s12  }
0x39: {  	s31 =	sadd.s32 $0xFFFFFFFF, s13;
	s18 =	sshll.u32 @!p1 s18, $0xB;
	s16 =	ssub.s32 @!p1 s16, s17  }
0x3a: {  	s17 =	sand.u32 @!p1 $0x800, s18;
	s18 =	sadd.s32 @!p1 s5, s19;
	s16 =	sshll.u32 @!p1 s16, $0x4  }
0x3b: {  	s19 =	simm.s32 @!p1 $0x80;
	s16 =	sadd.s32 @!p1 s16, s18;
	s18 =	simm.s32 @!p1 $0x10  }
0x3c: {  	[tilespmem:s17], [sflag:$0x1] =	stream.strided.gather @!p1 [hbm4b:s16+s18], $0x800, s19, s18, $0x38;
	[tilespmem:$0x2020] =	vst v63  }
0x3d: {  	p1 =	sge.u32 s31, s4  }
.Ltmp2:
0x3e: {  	_ = 	snop;
	(pc) =	sbr.rel @p1 .LBB1_5-.Ltmp2, $1  }
0x3f: {  	_ =	sdelay $0x3  }
0x40: {  	s16 =	simm.s32 $0x1  }
0x41: {  	_ =	swait.ge [sflag:s3], $0x800;
	s16 =	simm.s32 @!p0 $0x0  }
0x42: {  	[sflag:s3] =	ssyncset.done $0x0;
	s17 =	sshll.u32 s16, $0xB  }
0x43: {  	[sflag:s3] =	ssyncadd.s32 $0xFFFFF800;
	s19 =	sor.u32 $0x40, s17  }
0x44: {  	v1 =	vld [tilespmem:s19+$0x30]  }
0x45: {  	s16 =	smul.u32 $0x2040, s16;
	v3 =	vld [tilespmem:s19+$0xFFFFFFD0]  }
0x46: {  	v5 =	vld [tilespmem:s19+$0xFFFFFFE0]  }
0x47: {  	s31 =	sand.u32 $0x1, s13;
	s16 =	sshrl.u32 s16, $0x2;
	v4 =	vld [tilespmem:s19+$0xFFFFFFF0]  }
0x48: {  	s17 =	smul.u32 $0x2040, s31;
	v2 =	vld [tilespmem:s19+$0x0];
	s16 =	sor.u32 $0x1007, s16  }
0x49: {  	v0 =	vld [tilespmem:s19+$0x10];
	[tilespmem:s16+$0x0 ss:$0x81] =	vst.msk $0xffff, v1  }
0x4a: {  	s17 =	sshrl.u32 s17, $0x2;
	[tilespmem:s16+$0xFFFFFFFA ss:$0x81] =	vst.msk $0xffff, v3;
	v3 =	vld [tilespmem:s19+$0x20]  }
0x4b: {  	s18 =	simm.s32 $0x0;
	s17 =	sor.u32 $0x1000, s17;
	v1 =	vld [tilespmem:s19+$0xFFFFFFC0];
	[tilespmem:s16+$0xFFFFFFFB ss:$0x81] =	vst.msk $0xffff, v5;
	s19 =	sadd.s32 $0x80, s19  }
.LBB1_3:
0x4c: {  	v5 =	vld [tilespmem:s19+$0x30];
	s18 =	sadd.s32 $0x8, s18;
	[tilespmem:s16+$0xFFFFFFFC ss:$0x81] =	vst.msk $0xffff, v4  }
0x4d: {  	v6 =	vld [tilespmem:s19+$0xFFFFFFD0];
	p1 =	slt.u32 s18, $0x78;
	[tilespmem:s16+$0xFFFFFFFD ss:$0x81] =	vst.msk $0xffff, v2  }
0x4e: {  	v7 =	vld [tilespmem:s19+$0xFFFFFFE0];
	[tilespmem:s16+$0xFFFFFFFE ss:$0x81] =	vst.msk $0xffff, v0  }
.Ltmp3:
0x4f: {  	v4 =	vld [tilespmem:s19+$0xFFFFFFF0];
	[tilespmem:s16+$0xFFFFFFFF ss:$0x81] =	vst.msk $0xffff, v3;
	(pc) =	sbr.rel @p1 .LBB1_3-.Ltmp3, $4  }
0x50: {  	v2 =	vld [tilespmem:s19+$0x0];
	[tilespmem:s16+$0xFFFFFFF9 ss:$0x81] =	vst.msk $0xffff, v1;
	s16 =	sadd.s32 $0x8, s16  }
0x51: {  	v0 =	vld [tilespmem:s19+$0x10];
	[tilespmem:s16+$0x0 ss:$0x81] =	vst.msk $0xffff, v5  }
0x52: {  	[tilespmem:s16+$0xFFFFFFFA ss:$0x81] =	vst.msk $0xffff, v6;
	v3 =	vld [tilespmem:s19+$0x20]  }
0x53: {  	v1 =	vld [tilespmem:s19+$0xFFFFFFC0];
	[tilespmem:s16+$0xFFFFFFFB ss:$0x81] =	vst.msk $0xffff, v7;
	s19 =	sadd.s32 $0x80, s19  }
.Ltmp4:
0x54: {  	_ = 	snop;
	(pc) =	sbr.rel .LBB1_4-.Ltmp4, $1  }
0x55: {  	_ =	sdelay $0x3  }
.LBB1_6:
0x56: {  	_ =	sfence.sel $0x180000  }
0x57: {  	s2 =	simm.s32 $0x1;
	[bflag:$0x0] =	sbarrier.arrive $0xFFFF  }
0x58: {  	s31 =	simm.s32 $0x2;
	[sflag:s2] =	ssyncpa.u1 $0x1  }
0x59: {  	[sflag:s31] =	ssyncpa.u1 $0x1  }
0x5a: {  	p0 =	sne.s32 s0, $0x0;
	_ =	strace $0x9000004A  }
0x5b: {  	s0 =	sadd.s32 @!p0 $0x100000, s1;
	[bflag:$0x2] =	sbarrier.arrive $0xFFFF  }
0x5c: {  	[sflag:s0] =	ssyncadd.tile.s32 @!p0 $0x1;
	_ =	shalt  }
.Lfunc_end1:
_tile_overlayer_lowered:
.L_overlay_start_2:
0x5d: {  	(tag) =	ssettag $0x2  }
0x5e: {  	s0 =	rddreg [dreg:$0x0];
	s2 =	stileid.u32  }
0x5f: {  	s1 =	rddreg [dreg:$0x1];
	p0 =	sne.s32 s2, $0x0  }
0x60: {  	s3 =	rddreg [dreg:$0x2];
	[bflag:$0x3] =	sbarrier.arrive $0xFFFF;
	s2 =	simm.s32 @!p0 $0x1C01  }
0x61: {  	[timem:s3], [sflag:s2] =	dma.local @!p0 [hbm:s0], s1  }
0x62: {  	s0 =	simm.s32 @!p0 $0x1  }
0x63: {  	_ =	swait.ge @!p0 [sflag:s0], s1  }
0x64: {  	s1 =	ssub.s32 @!p0 $0x0, s1;
	[sflag:s0] =	ssyncset.done @!p0 $0x0  }
0x65: {  	[sflag:s0] =	ssyncadd.s32 @!p0 s1  }
0x66: {  	[bflag:$0x3] =	sbarrier.arrive $0xFFFF  }
0x67: {  	_ =	shalt  }

// kernel: sparse-core-data-format-call.2.cloned.1.call-start
scs
called_computation.5_lowered:
.L_overlay_start_0:
0x0: {  	s1 =	sld [smem:$0x3FD9]  }
0x1: {  	s2 =	sld [smem:$0x3FFE];
	_ =	sdelay $0x1  }
0x2: {  	s3 =	srdreg.scid  }
0x3: {  	s0 =	sand.u32 $0x1, s3  }
0x4: {  	s17 =	sshll.u32 s0, $0xA;
	s1 =	sadd.s32 s2, s1  }
0x5: {  	s1 =	sadd.s32 s1, s17  }
0x6: {  	[smem:$0x3F96] =	sst s1  }
0x7: {  	_ = 	snop  }
0x8: {  	(tm) =	ssettm $0x1  }
0x9: {  	s18 =	sld [smem:$0x3FFB];
	_ =	sdelay $0x3  }
0xa: {  	_ =	strace s18  }
0xb: {  	s1 =	sld [smem:$0x3FFC];
	_ =	sdelay $0x3  }
0xc: {  	_ =	strace s1  }
0xd: {  	s1 =	sld [smem:$0x3FFD];
	_ =	sdelay $0x3  }
0xe: {  	_ =	strace s1  }
0xf: {  	_ =	strace $0x8FFFFFFF  }
0x10: {  	s19 =	sld [smem:$0x3FDB];
	_ =	sdelay $0x1  }
0x11: {  	s20 =	simm.s32 $_scs_section_size  }
0x12: {  	s4 =	simm.s32 $_size__tile_overlayer_lowered;
	s5 =	simm.s32 $_tile_overlayer_lowered  }
0x13: {  	s23 =	simm.s32 $0x1BFF;
	s22 =	sshll.u32 s5, $0x1;
	s1 =	sadd.s32 s20, s19  }
0x14: {  	s6 =	simm.s32 $0x0;
	s21 =	sshll.u32 s4, $0x1;
	s4 =	sadd.s32 s22, s1  }
0x15: {  	[timem:s6], [sflag:s23] =	dma.local [hbm:s4], s21  }
0x16: {  	_ =	swait.ge [sflag:s23], s21  }
0x17: {  	s2 =	ssub.s32 $0x0, s21;
	[sflag:s23] =	ssyncset.done $0x0  }
0x18: {  	[sflag:s23] =	ssyncadd.s32 s2;
	_ =	sdelay $0x1  }
0x19: {  	s24 =	simm.s32 $0x1B8B  }
0x1a: {  	_ =	swait.ge [sflag:s24], $0x1  }
0x1b: {  	[sflag:s24] =	ssyncset.done $0x0  }
0x1c: {  	s26 =	simm.s32 $0x1B8E;
	s25 =	sld [smem:$0x3FFE];
	[sflag:s24] =	ssyncadd.s32 $0xFFFFFFFF  }
0x1d: {  	s27 =	simm.s32 $execute0_lowered;
	[smem:$0x3FD2] =	sst s26  }
0x1e: {  	s4 =	sshll.u32 s27, $0x1;
	_ =	strace $0x80000046;
	[dreg:$0x1] =	wrdreg $0xFFFFFFFF  }
0x1f: {  	s28 =	simm.s32 $_size_execute0_lowered;
	s1 =	sadd.s32 s1, s4;
	[dreg:$0x0] =	wrdreg $0x0  }
0x20: {  	s4 =	sshll.u32 s28, $0x1;
	[dreg:$0x2] =	wrdreg s1  }
0x21: {  	[dreg:$0x3] =	wrdreg s4  }
0x22: {  	[dreg:$0x4] =	wrdreg $0xC0  }
0x23: {  	_ =	task [dreg:s6], $0x5FFFF  }
0x24: {  	[dreg:$0x1] =	wrdreg $0xFFFFFFFF  }
0x25: {  	[dreg:$0x0] =	wrdreg $0x60  }
0x26: {  	[dreg:$0x2] =	wrdreg s25  }
0x27: {  	[dreg:$0x3] =	wrdreg $0x9  }
0x28: {  	_ =	task.clear_ibuf [dreg:s6], $0x4FFFF;
	_ =	strace $0x90000046  }
0x29: {  	s29 =	simm.s32 $0x9;
	_ =	strace $0x80000048  }
0x2a: {  	_ =	swait.ge [sflag:s29], $0x1  }
0x2b: {  	[sflag:s29] =	ssyncadd.s32 $0xFFFFFFFF  }
0x2c: {  	_ =	strace $0x90000048  }
0x2d: {  	_ =	sfence  }
0x2e: {  	s30 =	sld [smem:$0x0];
	_ =	sdelay $0x2  }
0x2f: {  	s31 =	sshll.u32 s3, $0xD;
	s3 =	sshrl.u32 s3, $0x2  }
0x30: {  	s2 =	sand.u32 $0x4000, s31;
	s1 =	sadd.s32 s3, s30  }
0x31: {  	s0 =	sor.u32 s2, s0;
	s1 =	sshll.u32 s1, $0x11  }
0x32: {  	s0 =	sor.u32 s1, s0  }
0x33: {  	s0 =	sadd.s32 $0x8F2B, s0  }
0x34: {  	[sflag:s0] =	ssyncadd.remote.s32 $0x1  }
0x35: {  	_ =	sfence.sel $0xFFFF  }
0x36: {  	[dreg:$0x0] =	wrdreg $0xFFFFFFFF;
	(pc) =	sbr.abs _section_cstart, $3  }
0x37: {  	[dreg:$0x1] =	wrdreg $0xFFFFFFFF  }
0x38: {  	_ =	task.clear_ibuf [dreg:s6], $0x2FFFF;
	_ =	strace $0x9FFFFFFF  }
0x39: {  	(tm) =	ssettm $0x7FFFFFFF  }
tec
execute0_lowered:
.L_overlay_start_1:
0x0: {  	(tag) =	ssettag $0x1  }
0x1: {  	s0 =	srdreg.scid  }
0x2: {  	s5 =	rddreg [dreg:$0x0];
	s1 =	sshll.u32 s0, $0x4  }
0x3: {  	s4 =	simm.s32 $0x1;
	s0 =	stileid.u32;
	s1 =	sand.u32 $0x10, s1  }
0x4: {  	s8 =	simm.s32 $0x2;
	s12 =	simm.s32 $0x0;
	s2 =	sor.u32 s0, s1  }
0x5: {  	s9 =	simm.s32 $0x0;
	s11 =	simm.s32 $0x0;
	s2 =	sshll.u32 s2, $0x7  }
0x6: {  	s3 =	sadd.s32 $0xC9A00, s5;
	s5 =	sadd.s32 $0xCFEA00, s5;
	s6 =	ssub.s32 $0xC3500, s2  }
.Ltmp0:
0x7: {  	s1 =	rddreg [dreg:$0x1];
	s7 =	sand.u32 $0xF80, s6;
	(pc) =	sbr.rel .LBB1_1-.Ltmp0, $4  }
0x8: {  	_ =	strace $0x80000047;
	p0 =	sne.s32 s7, $0x0;
	s7 =	simm.s32 $0x1  }
0x9: {  	[sflag:s4] =	ssyncpa.u1 $0x0;
	s6 =	sshrl.u32 s6, $0xC;
	s7 =	simm.s32 @!p0 $0x0  }
0xa: {  	[sflag:s8] =	ssyncpa.u1 $0x0;
	s8 =	simm.s32 $0x61A800;
	s6 =	sadd.s32 s7, s6  }
0xb: {  	s10 =	smov.u32 s2;
	p0 =	por $0x0, $0x0;
	s7 =	sadd.s32 $0x1, s6  }
.LBB1_4:
0xc: {  	s15 =	sshll.u32 s9, $0x3  }
0xd: {  	s15 =	sand.u32 $0xFFFFFC00, s15  }
0xe: {  	s16 =	sshrl.u32 s15, $0x8  }
0xf: {  	s16 =	smulhi.u32 $0x14F8B59, s16;
	_ =	sdelay $0x1  }
0x10: {  	s16 =	sshrl.u32 s16, $0x4  }
0x11: {  	s18 =	smul.u32 $0xCCD, s16  }
0x12: {  	p1 =	sgt.s32 s9, $0xC3480;
	s19 =	smov.u32 s9;
	s20 =	sshra.s32 s9, $0x1F  }
0x13: {  	s19 =	simm.s32 @!p1 $0xC3480;
	s20 =	sand.u32 s20, s9;
	s18 =	sshrl.u32 s18, $0x11  }
0x14: {  	s17 =	sand.u32 $0x7F, s9;
	s28 =	ssub.s32 s19, s20;
	s18 =	smul.u32 $0x28, s18  }
0x15: {  	s15 =	sor.u32 s17, s15;
	s29 =	sadd.s32 $0xFFF3CB80, s28;
	s27 =	smul.u32 $0xC3500, s16  }
0x16: {  	s17 =	ssub.s32 $0xC3500, s28;
	p1 =	sgt.s32 s29, $0x7F;
	s16 =	ssub.s32 s16, s18  }
0x17: {  	s17 =	smul.u32 $0xA0, s17;
	s15 =	ssub.s32 s15, s27;
	s16 =	sand.u32 $0xFFFF, s16  }
0x18: {  	[tilespmem:s14+$0x810 ss:$0x81] =	vst.msk $0xffff, v2;
	s30 =	sshrl.u32 s15, $0x3;
	s15 =	sand.u32 $0x7, s15;
	s16 =	smul.u32 $0x186A0, s16  }
0x19: {  	[tilespmem:s14+$0x1020 ss:$0x81] =	vst.msk $0xffff, v0;
	s17 =	sshrl.u32 s17, $0x2;
	s15 =	sshll.u32 s15, $0x12;
	s18 =	sadd.s32 s5, s30  }
0x1a: {  	[tilespmem:s14+$0x0 ss:$0x81] =	vst.msk $0xffff, v1;
	s17 =	simm.s32 @p1 $0x0;
	s15 =	sor.u32 $0x400, s15;
	s31 =	sadd.s32 s16, s18  }
0x1b: {  	[hbm4b:s31+s15] =	stream.strided.scatter [tilespmem:s13], [sflag:$0x2], s17, s8, s15, $0x20;
	[tilespmem:$0x8080] =	vst v63  }
.LBB1_5:
0x1c: {  	p1 =	slt.u32 s11, $0x2  }
0x1d: {  	p2 =	sgt.s32 @!p1 s12, $0xC3480  }
0x1e: {  	s13 =	smov.u32 s12;
	s14 =	sshra.s32 @!p1 s12, $0x1F;
	p2 =	por !p2, p1  }
0x1f: {  	s12 =	sand.u32 @!p1 s14, s12;
	s13 =	simm.s32 @p2 $0xC3480  }
0x20: {  	s12 =	ssub.s32 @!p1 s13, s12  }
0x21: {  	s13 =	ssub.s32 @!p1 $0xC3500, s12  }
0x22: {  	s12 =	sadd.s32 @!p1 $0xFFF3CB80, s12;
	s13 =	smul.u32 @!p1 $0xA0, s13  }
0x23: {  	p2 =	sgt.s32 @!p1 s12, $0x7F  }
0x24: {  	s14 =	sadd.s32 $0x1000, s10;
	p2 =	por !p2, p1;
	s12 =	sshrl.u32 @!p1 s13, $0x2  }
0x25: {  	s12 =	simm.s32 @!p2 $0x0;
	p2 =	sgt.s32 s14, $0xC34FF  }
0x26: {  	s14 =	smov.u32 @p2 s2;
	p2 =	sne.s32 s11, s7  }
.Ltmp1:
0x27: {  	_ = 	snop;
	(pc) =	sbr.rel @!p2 .LBB1_6-.Ltmp1, $4  }
0x28: {  	s13 =	simm.s32 @!p1 $0x2  }
0x29: {  	p0 =	por !p0, !p0;
	_ =	swait.ge @!p1 [sflag:s13], s12;
	s15 =	ssub.s32 @!p1 $0x0, s12  }
0x2a: {  	s12 =	smov.u32 s9;
	s11 =	sadd.s32 $0x1, s11;
	[sflag:s13] =	ssyncset.done @!p1 $0x0  }
0x2b: {  	s9 =	smov.u32 s10;
	s10 =	smov.u32 s14;
	[sflag:s13] =	ssyncadd.s32 @!p1 s15  }
.LBB1_1:
0x2c: {  	p1 =	sge.u32 s11, s6  }
0x2d: {  	s13 =	sand.u32 @!p1 $0x1FFFFFF, s10  }
0x2e: {  	s14 =	smulhi.u32 @!p1 $0x14F8B59, s13;
	_ =	sdelay $0x1  }
0x2f: {  	s14 =	sshrl.u32 @!p1 s14, $0xC  }
0x30: {  	s14 =	smul.u32 @!p1 $0xC3500, s14;
	_ =	sdelay $0x1  }
0x31: {  	s31 =	sadd.s32 $0xFFFFFFFF, s11;
	s15 =	sxor.u32 @!p1 $0xFFFFFFFF, s11;
	s13 =	ssub.s32 @!p1 s13, s14  }
0x32: {  	s16 =	simm.s32 @!p1 $0x80;
	s15 =	sshll.u32 @!p1 s15, $0xD;
	s13 =	sshll.u32 @!p1 s13, $0x4  }
0x33: {  	s14 =	sand.u32 @!p1 $0x2000, s15;
	s15 =	simm.s32 @!p1 $0x40;
	s13 =	sadd.s32 @!p1 s3, s13  }
0x34: {  	[tilespmem:s14], [sflag:$0x1] =	stream.strided.gather @!p1 [hbm4b:s13+s15], $0x2000, s16, s15, $0x38;
	[tilespmem:$0x8080] =	vst v63  }
0x35: {  	p1 =	sge.u32 s31, s6  }
.Ltmp2:
0x36: {  	_ = 	snop;
	(pc) =	sbr.rel @p1 .LBB1_5-.Ltmp2, $1  }
0x37: {  	_ =	sdelay $0x3  }
0x38: {  	s13 =	simm.s32 $0x1  }
0x39: {  	_ =	swait.ge [sflag:s4], $0x2000;
	s13 =	simm.s32 @!p0 $0x0  }
0x3a: {  	[sflag:s4] =	ssyncset.done $0x0;
	s14 =	sshll.u32 s13, $0xD  }
0x3b: {  	[sflag:s4] =	ssyncadd.s32 $0xFFFFE000;
	s17 =	sor.u32 $0x20, s14  }
0x3c: {  	s13 =	smul.u32 $0x8100, s13;
	v3 =	vld [tilespmem:s17+$0x10]  }
0x3d: {  	s30 =	sand.u32 $0x1, s11;
	v2 =	vld [tilespmem:s17+$0xFFFFFFF0]  }
0x3e: {  	s14 =	smul.u32 $0x8100, s30;
	s13 =	sshrl.u32 s13, $0x2;
	v0 =	vld [tilespmem:s17+$0x0]  }
0x3f: {  	v1 =	vld [tilespmem:s17+$0xFFFFFFE0];
	s15 =	sor.u32 $0x4000, s13  }
0x40: {  	s31 =	sshrl.u32 s14, $0x2;
	s14 =	sadd.s32 $0x0, s15  }
0x41: {  	s16 =	simm.s32 $0x4;
	s17 =	sadd.s32 $0x40, s17;
	s13 =	sor.u32 $0x4000, s31;
	[tilespmem:s14+$0x1830 ss:$0x81] =	vst.msk $0xffff, v3  }
.LBB1_3:
0x42: {  	v3 =	vld [tilespmem:s17+$0x10];
	p1 =	sne.s32 s16, $0x1FC;
	[tilespmem:s14+$0x810 ss:$0x81] =	vst.msk $0xffff, v2;
	s18 =	smov.u32 s16;
	s16 =	sadd.s32 $0x4, s16  }
.Ltmp3:
0x43: {  	v2 =	vld [tilespmem:s17+$0xFFFFFFF0];
	[tilespmem:s14+$0x1020 ss:$0x81] =	vst.msk $0xffff, v0;
	(pc) =	sbr.rel @p1 .LBB1_3-.Ltmp3, $4  }
0x44: {  	v0 =	vld [tilespmem:s17+$0x0];
	[tilespmem:s14+$0x0 ss:$0x81] =	vst.msk $0xffff, v1  }
0x45: {  	s14 =	sshra.s32 s18, $0x2;
	v1 =	vld [tilespmem:s17+$0xFFFFFFE0]  }
0x46: {  	s14 =	sadd.s32 s14, s15  }
0x47: {  	s17 =	sadd.s32 $0x40, s17;
	[tilespmem:s14+$0x1830 ss:$0x81] =	vst.msk $0xffff, v3  }
.Ltmp4:
0x48: {  	_ = 	snop;
	(pc) =	sbr.rel .LBB1_4-.Ltmp4, $1  }
0x49: {  	_ =	sdelay $0x3  }
.LBB1_6:
0x4a: {  	_ =	sfence.sel $0x180000  }
0x4b: {  	s2 =	simm.s32 $0x1;
	[bflag:$0x0] =	sbarrier.arrive $0xFFFF  }
0x4c: {  	s31 =	simm.s32 $0x2;
	[sflag:s2] =	ssyncpa.u1 $0x1  }
0x4d: {  	[sflag:s31] =	ssyncpa.u1 $0x1  }
0x4e: {  	p0 =	sne.s32 s0, $0x0;
	_ =	strace $0x90000047  }
0x4f: {  	s0 =	sadd.s32 @!p0 $0x100000, s1;
	[bflag:$0x2] =	sbarrier.arrive $0xFFFF  }
0x50: {  	[sflag:s0] =	ssyncadd.tile.s32 @!p0 $0x1;
	_ =	shalt  }
.Lfunc_end1:
_tile_overlayer_lowered:
.L_overlay_start_2:
0x51: {  	(tag) =	ssettag $0x2  }
0x52: {  	s0 =	rddreg [dreg:$0x0];
	s2 =	stileid.u32  }
0x53: {  	s1 =	rddreg [dreg:$0x1];
	p0 =	sne.s32 s2, $0x0  }
0x54: {  	s3 =	rddreg [dreg:$0x2];
	[bflag:$0x3] =	sbarrier.arrive $0xFFFF;
	s2 =	simm.s32 @!p0 $0x1C01  }
0x55: {  	[timem:s3], [sflag:s2] =	dma.local @!p0 [hbm:s0], s1  }
0x56: {  	s0 =	simm.s32 @!p0 $0x1  }
0x57: {  	_ =	swait.ge @!p0 [sflag:s0], s1  }
0x58: {  	s1 =	ssub.s32 @!p0 $0x0, s1;
	[sflag:s0] =	ssyncset.done @!p0 $0x0  }
0x59: {  	[sflag:s0] =	ssyncadd.s32 @!p0 s1  }
0x5a: {  	[bflag:$0x3] =	sbarrier.arrive $0xFFFF  }
0x5b: {  	_ =	shalt  }

// kernel: sparse-core-data-format-call.cloned.1.call-start
scs
called_computation.3_lowered:
.L_overlay_start_0:
0x0: {  	s1 =	sld [smem:$0x3FD9]  }
0x1: {  	s2 =	sld [smem:$0x3FFE];
	_ =	sdelay $0x1  }
0x2: {  	s3 =	srdreg.scid  }
0x3: {  	s0 =	sand.u32 $0x1, s3  }
0x4: {  	s17 =	sshll.u32 s0, $0xA;
	s1 =	sadd.s32 s2, s1  }
0x5: {  	s1 =	sadd.s32 s1, s17  }
0x6: {  	[smem:$0x3F96] =	sst s1  }
0x7: {  	_ = 	snop  }
0x8: {  	(tm) =	ssettm $0x1  }
0x9: {  	s18 =	sld [smem:$0x3FFB];
	_ =	sdelay $0x3  }
0xa: {  	_ =	strace s18  }
0xb: {  	s1 =	sld [smem:$0x3FFC];
	_ =	sdelay $0x3  }
0xc: {  	_ =	strace s1  }
0xd: {  	s1 =	sld [smem:$0x3FFD];
	_ =	sdelay $0x3  }
0xe: {  	_ =	strace s1  }
0xf: {  	_ =	strace $0x8FFFFFFF  }
0x10: {  	s19 =	sld [smem:$0x3FDB];
	_ =	sdelay $0x1  }
0x11: {  	s20 =	simm.s32 $_scs_section_size  }
0x12: {  	s4 =	simm.s32 $_size__tile_overlayer_lowered;
	s5 =	simm.s32 $_tile_overlayer_lowered  }
0x13: {  	s23 =	simm.s32 $0x1BFF;
	s22 =	sshll.u32 s5, $0x1;
	s1 =	sadd.s32 s20, s19  }
0x14: {  	s6 =	simm.s32 $0x0;
	s21 =	sshll.u32 s4, $0x1;
	s4 =	sadd.s32 s22, s1  }
0x15: {  	[timem:s6], [sflag:s23] =	dma.local [hbm:s4], s21  }
0x16: {  	_ =	swait.ge [sflag:s23], s21  }
0x17: {  	s2 =	ssub.s32 $0x0, s21;
	[sflag:s23] =	ssyncset.done $0x0  }
0x18: {  	[sflag:s23] =	ssyncadd.s32 s2;
	_ =	sdelay $0x1  }
0x19: {  	s24 =	simm.s32 $0x1B8B  }
0x1a: {  	_ =	swait.ge [sflag:s24], $0x1  }
0x1b: {  	[sflag:s24] =	ssyncset.done $0x0  }
0x1c: {  	s26 =	simm.s32 $0x1B8E;
	s25 =	sld [smem:$0x3FFE];
	[sflag:s24] =	ssyncadd.s32 $0xFFFFFFFF  }
0x1d: {  	s27 =	simm.s32 $execute0_lowered;
	[smem:$0x3FD2] =	sst s26  }
0x1e: {  	s4 =	sshll.u32 s27, $0x1;
	_ =	strace $0x8000004C;
	[dreg:$0x1] =	wrdreg $0xFFFFFFFF  }
0x1f: {  	s28 =	simm.s32 $_size_execute0_lowered;
	s1 =	sadd.s32 s1, s4;
	[dreg:$0x0] =	wrdreg $0x0  }
0x20: {  	s4 =	sshll.u32 s28, $0x1;
	[dreg:$0x2] =	wrdreg s1  }
0x21: {  	[dreg:$0x3] =	wrdreg s4  }
0x22: {  	[dreg:$0x4] =	wrdreg $0xC0  }
0x23: {  	_ =	task [dreg:s6], $0x5FFFF  }
0x24: {  	[dreg:$0x1] =	wrdreg $0xFFFFFFFF  }
0x25: {  	[dreg:$0x0] =	wrdreg $0x60  }
0x26: {  	[dreg:$0x2] =	wrdreg s25  }
0x27: {  	[dreg:$0x3] =	wrdreg $0x9  }
0x28: {  	_ =	task.clear_ibuf [dreg:s6], $0x4FFFF;
	_ =	strace $0x9000004C  }
0x29: {  	s29 =	simm.s32 $0x9;
	_ =	strace $0x8000004E  }
0x2a: {  	_ =	swait.ge [sflag:s29], $0x1  }
0x2b: {  	[sflag:s29] =	ssyncadd.s32 $0xFFFFFFFF  }
0x2c: {  	_ =	strace $0x9000004E  }
0x2d: {  	_ =	sfence  }
0x2e: {  	s30 =	sld [smem:$0x0];
	_ =	sdelay $0x2  }
0x2f: {  	s31 =	sshll.u32 s3, $0xD;
	s3 =	sshrl.u32 s3, $0x2  }
0x30: {  	s2 =	sand.u32 $0x4000, s31;
	s1 =	sadd.s32 s3, s30  }
0x31: {  	s0 =	sor.u32 s2, s0;
	s1 =	sshll.u32 s1, $0x11  }
0x32: {  	s0 =	sor.u32 s1, s0  }
0x33: {  	s0 =	sadd.s32 $0x8F2B, s0  }
0x34: {  	[sflag:s0] =	ssyncadd.remote.s32 $0x1  }
0x35: {  	_ =	sfence.sel $0xFFFF  }
0x36: {  	[dreg:$0x0] =	wrdreg $0xFFFFFFFF;
	(pc) =	sbr.abs _section_cstart, $3  }
0x37: {  	[dreg:$0x1] =	wrdreg $0xFFFFFFFF  }
0x38: {  	_ =	task.clear_ibuf [dreg:s6], $0x2FFFF;
	_ =	strace $0x9FFFFFFF  }
0x39: {  	(tm) =	ssettm $0x7FFFFFFF  }
tec
execute0_lowered:
.L_overlay_start_1:
0x0: {  	(tag) =	ssettag $0x1  }
0x1: {  	s0 =	srdreg.scid  }
0x2: {  	s6 =	rddreg [dreg:$0x0];
	s7 =	simm.s32 $0x1;
	s1 =	sshll.u32 s0, $0x4  }
0x3: {  	s8 =	simm.s32 $0x2;
	s0 =	stileid.u32;
	s1 =	sand.u32 $0x10, s1  }
0x4: {  	s13 =	simm.s32 $0x0;
	s12 =	simm.s32 $0x0;
	s1 =	sor.u32 s0, s1  }
0x5: {  	s10 =	simm.s32 $0x0;
	s11 =	simm.s32 $0x0;
	s2 =	sshll.u32 s1, $0x8  }
0x6: {  	s3 =	sadd.s32 $0xC9A00, s6;
	s6 =	sadd.s32 $0x49A400, s6;
	s5 =	ssub.s32 $0xC3500, s2  }
.Ltmp0:
0x7: {  	s1 =	rddreg [dreg:$0x1];
	s4 =	sand.u32 $0x1F00, s5;
	(pc) =	sbr.rel .LBB1_1-.Ltmp0, $4  }
0x8: {  	_ =	strace $0x8000004D;
	s9 =	smov.u32 s2;
	p0 =	sne.s32 s4, $0x0  }
0x9: {  	s5 =	sshrl.u32 s5, $0xD;
	s4 =	simm.s32 $0x1;
	s7 =	simm.s32 @!p0 $0x0  }
0xa: {  	[sflag:s4] =	ssyncpa.u1 $0x0;
	p0 =	por $0x0, $0x0;
	s5 =	sadd.s32 s7, s5  }
0xb: {  	[sflag:s8] =	ssyncpa.u1 $0x0;
	s8 =	simm.s32 $0x80;
	s7 =	sadd.s32 $0x1, s5  }
.LBB1_4:
0xc: {  	_ =	sdelay $0x3  }
0xd: {  	s21 =	sor.u32 s24, s23;
	v47 =	vld.idx.msk [tilespmem:v0+s16+$0x470 ss:$0x1], $0xffff  }
0xe: {  	v57 =	vld.idx.msk [tilespmem:v0+s21+$0x410 ss:$0x1], $0xffff  }
0xf: {  	v58 =	vld.idx.msk [tilespmem:v0+s21+$0x420 ss:$0x1], $0xffff  }
0x10: {  	[tilespmem:s18+$0x1860 ss:$0x41] =	vst.msk $0xffff, v8;
	v59 =	vld.idx.msk [tilespmem:v0+s21+$0x430 ss:$0x1], $0xffff  }
0x11: {  	[tilespmem:s18+$0x1C70 ss:$0x41] =	vst.msk $0xffff, v7;
	v60 =	vld.idx.msk [tilespmem:v0+s21+$0x440 ss:$0x1], $0xffff  }
0x12: {  	[tilespmem:s18+$0x2490 ss:$0x41] =	vst.msk $0xffff, v1;
	s22 =	sand.u32 $0x3B00, s21;
	v61 =	vld.idx.msk [tilespmem:v0+s21+$0x450 ss:$0x1], $0xffff  }
0x13: {  	s20 =	sand.u32 $0x80, s20;
	[tilespmem:s18+$0x28A0 ss:$0x41] =	vst.msk $0xffff, v2;
	v62 =	vld.idx.msk [tilespmem:v0+s21+$0x460 ss:$0x1], $0xffff;
	s15 =	sadd.s32 s22, s15  }
0x14: {  	[tilespmem:s18+$0x2CB0 ss:$0x41] =	vst.msk $0xffff, v3;
	v63 =	vld.idx.msk [tilespmem:v0+s21+$0x470 ss:$0x1], $0xffff;
	s15 =	sadd.s32 s20, s15  }
0x15: {  	[tilespmem:s18+$0x30C0 ss:$0x41] =	vst.msk $0xffff, v4;
	v48 =	vld [tilespmem:s15+$0x400]  }
0x16: {  	[tilespmem:s18+$0x34D0 ss:$0x41] =	vst.msk $0xffff, v5;
	v49 =	vld [tilespmem:s15+$0x0]  }
0x17: {  	s25 =	sshra.s32 s19, $0x2;
	[tilespmem:s18+$0x38E0 ss:$0x41] =	vst.msk $0xffff, v6;
	v50 =	vld [tilespmem:s15+$0x10]  }
0x18: {  	s16 =	sadd.s32 s25, s17;
	v51 =	vld [tilespmem:s15+$0x20];
	[tilespmem:s18+$0x3CF0 ss:$0x41] =	vst.msk $0xffff, v47  }
0x19: {  	v52 =	vld [tilespmem:s15+$0x30];
	[tilespmem:s16+$0x2490 ss:$0x41] =	vst.msk $0xffff, v57  }
0x1a: {  	v53 =	vld [tilespmem:s15+$0x40];
	[tilespmem:s16+$0x28A0 ss:$0x41] =	vst.msk $0xffff, v58  }
0x1b: {  	v54 =	vld [tilespmem:s15+$0x50];
	[tilespmem:s16+$0x2CB0 ss:$0x41] =	vst.msk $0xffff, v59  }
0x1c: {  	s13 =	sshll.u32 s13, $0x7;
	s26 =	sshll.u32 s12, $0x3;
	v55 =	vld [tilespmem:s15+$0x60];
	[tilespmem:s16+$0x30C0 ss:$0x41] =	vst.msk $0xffff, v60  }
0x1d: {  	s27 =	sand.u32 $0xFFFFFC00, s13;
	v56 =	vld [tilespmem:s15+$0x70];
	s15 =	sand.u32 $0xFFFFFC00, s26;
	[tilespmem:s16+$0x34D0 ss:$0x41] =	vst.msk $0xffff, v61  }
0x1e: {  	s13 =	sand.u32 $0x380, s13;
	s15 =	sadd.s32 s15, s27;
	[tilespmem:s16+$0x38E0 ss:$0x41] =	vst.msk $0xffff, v62  }
0x1f: {  	s13 =	sor.u32 s13, s15;
	[tilespmem:s16+$0x3CF0 ss:$0x41] =	vst.msk $0xffff, v63  }
0x20: {  	s13 =	sshrl.u32 s13, $0x7;
	[tilespmem:s16+$0x2080 ss:$0x41] =	vst.msk $0xffff, v48  }
0x21: {  	s28 =	smulhi.u32 $0x14F8B59, s13;
	[tilespmem:s16+$0x0 ss:$0x41] =	vst.msk $0xffff, v49  }
0x22: {  	[tilespmem:s16+$0x410 ss:$0x41] =	vst.msk $0xffff, v50  }
0x23: {  	[tilespmem:s16+$0x820 ss:$0x41] =	vst.msk $0xffff, v51;
	s15 =	sshrl.u32 s28, $0xC  }
0x24: {  	[tilespmem:s16+$0xC30 ss:$0x41] =	vst.msk $0xffff, v52;
	s15 =	smul.u32 $0xC3500, s15  }
0x25: {  	s29 =	sshrl.u32 s12, $0x3;
	[tilespmem:s16+$0x1040 ss:$0x41] =	vst.msk $0xffff, v53  }
0x26: {  	s31 =	sand.u32 $0x7, s12;
	s30 =	sand.u32 $0xF, s29;
	[tilespmem:s16+$0x1450 ss:$0x41] =	vst.msk $0xffff, v54;
	s13 =	ssub.s32 s13, s15  }
0x27: {  	s12 =	sshll.u32 s31, $0x12;
	[tilespmem:s16+$0x1860 ss:$0x41] =	vst.msk $0xffff, v55;
	s15 =	sadd.s32 s6, s30;
	s13 =	sshll.u32 s13, $0x4  }
0x28: {  	s12 =	sor.u32 $0x40, s12;
	[tilespmem:s16+$0x1C70 ss:$0x41] =	vst.msk $0xffff, v56;
	s13 =	sadd.s32 s13, s15  }
0x29: {  	[hbm4b:s13+s12] =	stream.strided.scatter [tilespmem:s14], [sflag:$0x2], $0x4000, s8, s12, $0x18;
	[tilespmem:$0x10200] =	vst v63  }
.LBB1_5:
0x2a: {  	s14 =	sadd.s32 $0x2000, s9  }
0x2b: {  	s12 =	sadd.s32 $0x40, s10;
	s16 =	smov.u32 s10;
	p2 =	sgt.s32 s14, $0xC34FF  }
0x2c: {  	s16 =	smov.u32 @p2 s12  }
0x2d: {  	s14 =	smov.u32 @p2 s2;
	p2 =	sgt.s32 s16, $0x23  }
0x2e: {  	s16 =	simm.s32 @p2 $0x0;
	p2 =	sne.s32 s11, s7  }
.Ltmp1:
0x2f: {  	p1 =	slt.u32 s11, $0x2;
	(pc) =	sbr.rel @!p2 .LBB1_6-.Ltmp1, $4  }
0x30: {  	s15 =	simm.s32 @!p1 $0x2  }
0x31: {  	s13 =	smov.u32 s9;
	p0 =	por !p0, !p0;
	_ =	swait.ge @!p1 [sflag:s15], $0x4000  }
0x32: {  	s12 =	smov.u32 s10;
	[sflag:s15] =	ssyncset.done @!p1 $0x0;
	s9 =	smov.u32 s14  }
0x33: {  	s11 =	sadd.s32 $0x1, s11;
	[sflag:s15] =	ssyncadd.s32 @!p1 $0xFFFFC000;
	s10 =	smov.u32 s16  }
.LBB1_1:
0x34: {  	p1 =	sge.u32 s11, s5  }
0x35: {  	s14 =	sshrl.u32 @!p1 s10, $0x3  }
0x36: {  	s20 =	smov.u32 s9;
	s15 =	sshll.u32 @!p1 s9, $0x3;
	s14 =	smul.u32 @!p1 $0x61A800, s14  }
0x37: {  	s31 =	sadd.s32 $0xFFFFFFFF, s11;
	s16 =	sshll.u32 @!p1 s10, $0x7;
	s15 =	sand.u32 @!p1 $0xFFFFFC00, s15  }
0x38: {  	s17 =	sand.u32 @!p1 $0x7F, s9;
	s14 =	sadd.s32 @!p1 s14, s15;
	s15 =	sand.u32 @!p1 $0x380, s16  }
0x39: {  	p2 =	sgt.s32 @!p1 s10, $0xFFFFFFE8;
	s19 =	sshra.s32 @!p1 s10, $0x1F;
	s14 =	sor.u32 @!p1 s15, s14  }
0x3a: {  	s21 =	sshra.s32 @!p1 s9, $0x1F;
	p2 =	por !p2, p1;
	s15 =	sshrl.u32 @!p1 s14, $0x8  }
0x3b: {  	s14 =	sor.u32 @!p1 s17, s14;
	s17 =	smov.u32 s10;
	s15 =	smulhi.u32 @!p1 $0x14F8B59, s15  }
0x3c: {  	s19 =	sand.u32 @!p1 s19, s10;
	s17 =	simm.s32 @p2 $0xFFFFFFE8;
	p2 =	sgt.s32 @!p1 s9, $0xC3400  }
0x3d: {  	s21 =	sand.u32 @!p1 s21, s9;
	p2 =	por !p2, p1;
	s15 =	sshrl.u32 @!p1 s15, $0x4  }
0x3e: {  	s16 =	sxor.u32 @!p1 $0xFFFFFFFF, s11;
	s20 =	simm.s32 @p2 $0xC3400;
	s18 =	smul.u32 @!p1 $0xCCD, s15  }
0x3f: {  	s16 =	sshll.u32 @!p1 s16, $0xE;
	s17 =	ssub.s32 @!p1 s17, s19;
	s19 =	ssub.s32 @!p1 s20, s21  }
0x40: {  	s20 =	sadd.s32 @!p1 $0x18, s17;
	s17 =	ssub.s32 @!p1 $0x28, s17;
	s18 =	sshrl.u32 @!p1 s18, $0x11  }
0x41: {  	s21 =	sadd.s32 @!p1 $0xFFF3CC00, s19;
	p2 =	sgt.s32 @!p1 s20, $0x3F;
	s18 =	smul.u32 @!p1 $0x28, s18  }
0x42: {  	s19 =	ssub.s32 @!p1 $0xC3500, s19;
	p3 =	sgt.s32 @!p1 s21, $0xFF;
	p2 =	por !p2, p1  }
0x43: {  	p3 =	por !p3, p1;
	s18 =	ssub.s32 @!p1 s15, s18;
	s15 =	smul.u32 @!p1 $0xC3500, s15  }
0x44: {  	s16 =	sand.u32 @!p1 $0x4000, s16;
	s17 =	simm.s32 @!p2 $0x0;
	s19 =	simm.s32 @!p3 $0x0  }
0x45: {  	s17 =	smul.u32 @!p1 s17, s19;
	s14 =	ssub.s32 @!p1 s14, s15;
	s15 =	sand.u32 @!p1 $0xFFFF, s18  }
0x46: {  	s15 =	smul.u32 @!p1 $0x186A0, s15;
	s18 =	sshrl.u32 @!p1 s14, $0x3;
	s14 =	sand.u32 @!p1 $0x7, s14  }
0x47: {  	s17 =	sand.u32 @!p1 $0x3FFFFFFF, s17;
	s18 =	sadd.s32 @!p1 s3, s18;
	s14 =	sshll.u32 @!p1 s14, $0x12  }
0x48: {  	s15 =	sadd.s32 @!p1 s15, s18;
	s14 =	sor.u32 @!p1 $0x800, s14;
	s18 =	simm.s32 @!p1 $0x61A800  }
0x49: {  	[tilespmem:s16], [sflag:$0x1] =	stream.strided.gather @!p1 [hbm4b:s15+s14], s17, s18, s14, $0x38;
	[tilespmem:$0x10200] =	vst v63  }
0x4a: {  	p1 =	sge.u32 s31, s5  }
.Ltmp2:
0x4b: {  	_ = 	snop;
	(pc) =	sbr.rel @p1 .LBB1_5-.Ltmp2, $1  }
0x4c: {  	_ =	sdelay $0x3  }
0x4d: {  	p1 =	sgt.s32 s12, $0xFFFFFFE8  }
0x4e: {  	s14 =	smov.u32 s12;
	s15 =	sshra.s32 s12, $0x1F;
	s16 =	smov.u32 s13  }
0x4f: {  	s17 =	sshra.s32 s13, $0x1F;
	s14 =	simm.s32 @!p1 $0xFFFFFFE8;
	p1 =	sgt.s32 s13, $0xC3400  }
0x50: {  	s15 =	sand.u32 s15, s12;
	s26 =	sand.u32 s17, s13;
	s16 =	simm.s32 @!p1 $0xC3400  }
0x51: {  	s14 =	ssub.s32 s14, s15;
	s15 =	ssub.s32 s16, s26  }
0x52: {  	s27 =	sadd.s32 $0x18, s14;
	s14 =	ssub.s32 $0x28, s14;
	s16 =	sadd.s32 $0xFFF3CC00, s15  }
0x53: {  	p1 =	sgt.s32 s27, $0x3F;
	s15 =	ssub.s32 $0xC3500, s15;
	p2 =	sgt.s32 s16, $0xFF  }
0x54: {  	s19 =	sand.u32 $0x1, s11;
	s14 =	simm.s32 @p1 $0x0;
	s15 =	simm.s32 @p2 $0x0  }
0x55: {  	s14 =	smul.u32 s14, s15;
	s15 =	sshll.u32 s19, $0xE  }
0x56: {  	v0 =	vmov s15  }
0x57: {  	s29 =	simm.s32 $0x0;
	s14 =	sand.u32 $0x3FFFFFFF, s14  }
0x58: {  	s30 =	sand.u32 $0x3800, s29;
	_ =	swait.ge [sflag:s4], s14  }
0x59: {  	s18 =	sand.u32 $0x380, s29;
	s28 =	ssub.s32 $0x0, s14;
	[sflag:s4] =	ssyncset.done $0x0  }
0x5a: {  	s16 =	sor.u32 s18, s30;
	[sflag:s4] =	ssyncadd.s32 s28  }
0x5b: {  	s17 =	sand.u32 $0x3B00, s16;
	v1 =	vld.idx.msk [tilespmem:v0+s16+$0x410 ss:$0x1], $0xffff  }
0x5c: {  	s18 =	simm.s32 $0x1;
	s17 =	sadd.s32 s17, s15;
	s14 =	sand.u32 $0x80, s29;
	v2 =	vld.idx.msk [tilespmem:v0+s16+$0x420 ss:$0x1], $0xffff  }
0x5d: {  	s18 =	simm.s32 @!p0 $0x0;
	s14 =	sadd.s32 s14, s17;
	v3 =	vld.idx.msk [tilespmem:v0+s16+$0x430 ss:$0x1], $0xffff  }
0x5e: {  	s31 =	smul.u32 $0x10400, s18;
	v4 =	vld [tilespmem:s14+$0x400]  }
0x5f: {  	v5 =	vld [tilespmem:s14+$0x0]  }
0x60: {  	s17 =	sshrl.u32 s31, $0x2;
	v6 =	vld [tilespmem:s14+$0x10]  }
0x61: {  	s17 =	sor.u32 $0x8000, s17;
	v7 =	vld [tilespmem:s14+$0x20]  }
0x62: {  	s18 =	sadd.s32 $0x0, s17;
	v9 =	vld [tilespmem:s14+$0x30]  }
0x63: {  	v10 =	vld [tilespmem:s14+$0x40];
	[tilespmem:s18+$0x2080 ss:$0x41] =	vst.msk $0xffff, v4  }
0x64: {  	v11 =	vld [tilespmem:s14+$0x50];
	[tilespmem:s18+$0x0 ss:$0x41] =	vst.msk $0xffff, v5  }
0x65: {  	v8 =	vld [tilespmem:s14+$0x60];
	[tilespmem:s18+$0x410 ss:$0x41] =	vst.msk $0xffff, v6  }
0x66: {  	s19 =	smul.u32 $0x10400, s19;
	[tilespmem:s18+$0x820 ss:$0x41] =	vst.msk $0xffff, v7;
	v7 =	vld [tilespmem:s14+$0x70]  }
0x67: {  	s20 =	simm.s32 $0x80;
	s21 =	simm.s32 $0x100;
	[tilespmem:s18+$0xC30 ss:$0x41] =	vst.msk $0xffff, v9;
	v4 =	vld.idx.msk [tilespmem:v0+s16+$0x440 ss:$0x1], $0xffff  }
0x68: {  	s22 =	simm.s32 $0x8;
	s23 =	sand.u32 $0x3800, s21;
	s19 =	sshrl.u32 s19, $0x2;
	[tilespmem:s18+$0x1040 ss:$0x41] =	vst.msk $0xffff, v10;
	v5 =	vld.idx.msk [tilespmem:v0+s16+$0x450 ss:$0x1], $0xffff  }
0x69: {  	s24 =	sand.u32 $0x380, s20;
	s14 =	sor.u32 $0x8000, s19;
	s19 =	simm.s32 $0x4;
	[tilespmem:s18+$0x1450 ss:$0x41] =	vst.msk $0xffff, v11;
	v6 =	vld.idx.msk [tilespmem:v0+s16+$0x460 ss:$0x1], $0xffff  }
.LBB1_3:
0x6a: {  	p1 =	sne.s32 s22, $0xFC;
	[tilespmem:s18+$0x1860 ss:$0x41] =	vst.msk $0xffff, v8;
	v8 =	vld.idx.msk [tilespmem:v0+s16+$0x470 ss:$0x1], $0xffff;
	s16 =	sor.u32 s24, s23  }
0x6b: {  	s23 =	sand.u32 $0x3B00, s16;
	v9 =	vld.idx.msk [tilespmem:v0+s16+$0x410 ss:$0x1], $0xffff;
	[tilespmem:s18+$0x1C70 ss:$0x41] =	vst.msk $0xffff, v7  }
0x6c: {  	s24 =	sand.u32 $0x80, s20;
	s23 =	sadd.s32 s23, s15;
	v7 =	vld.idx.msk [tilespmem:v0+s16+$0x420 ss:$0x1], $0xffff;
	[tilespmem:s18+$0x2490 ss:$0x41] =	vst.msk $0xffff, v1  }
0x6d: {  	s23 =	sadd.s32 s24, s23;
	v10 =	vld.idx.msk [tilespmem:v0+s16+$0x430 ss:$0x1], $0xffff;
	[tilespmem:s18+$0x28A0 ss:$0x41] =	vst.msk $0xffff, v2  }
0x6e: {  	v11 =	vld [tilespmem:s23+$0x400];
	[tilespmem:s18+$0x2CB0 ss:$0x41] =	vst.msk $0xffff, v3  }
0x6f: {  	v12 =	vld [tilespmem:s23+$0x0];
	[tilespmem:s18+$0x30C0 ss:$0x41] =	vst.msk $0xffff, v4  }
0x70: {  	v4 =	vld [tilespmem:s23+$0x10];
	[tilespmem:s18+$0x34D0 ss:$0x41] =	vst.msk $0xffff, v5  }
0x71: {  	s24 =	sshra.s32 s19, $0x2;
	s19 =	smov.u32 s22;
	v1 =	vmov v9;
	v5 =	vld [tilespmem:s23+$0x20];
	[tilespmem:s18+$0x38E0 ss:$0x41] =	vst.msk $0xffff, v6  }
0x72: {  	v2 =	vmov v7;
	v6 =	vld [tilespmem:s23+$0x30];
	[tilespmem:s18+$0x3CF0 ss:$0x41] =	vst.msk $0xffff, v8;
	s18 =	sadd.s32 s24, s17  }
0x73: {  	v3 =	vmov v10;
	v9 =	vld [tilespmem:s23+$0x40];
	[tilespmem:s18+$0x2080 ss:$0x41] =	vst.msk $0xffff, v11  }
0x74: {  	[tilespmem:s18+$0x0 ss:$0x41] =	vst.msk $0xffff, v12;
	v10 =	vld [tilespmem:s23+$0x50]  }
.Ltmp3:
0x75: {  	[tilespmem:s18+$0x410 ss:$0x41] =	vst.msk $0xffff, v4;
	v8 =	vld [tilespmem:s23+$0x60];
	(pc) =	sbr.rel @p1 .LBB1_3-.Ltmp3, $4  }
0x76: {  	[tilespmem:s18+$0x820 ss:$0x41] =	vst.msk $0xffff, v5;
	v7 =	vld [tilespmem:s23+$0x70]  }
0x77: {  	[tilespmem:s18+$0xC30 ss:$0x41] =	vst.msk $0xffff, v6;
	v4 =	vld.idx.msk [tilespmem:v0+s16+$0x440 ss:$0x1], $0xffff  }
0x78: {  	s20 =	sadd.s32 $0x80, s20;
	s21 =	sadd.s32 $0x100, s21;
	[tilespmem:s18+$0x1040 ss:$0x41] =	vst.msk $0xffff, v9;
	v5 =	vld.idx.msk [tilespmem:v0+s16+$0x450 ss:$0x1], $0xffff  }
0x79: {  	s22 =	sadd.s32 $0x4, s22;
	s24 =	sand.u32 $0x380, s20;
	s23 =	sand.u32 $0x3800, s21;
	[tilespmem:s18+$0x1450 ss:$0x41] =	vst.msk $0xffff, v10;
	v6 =	vld.idx.msk [tilespmem:v0+s16+$0x460 ss:$0x1], $0xffff  }
.Ltmp4:
0x7a: {  	_ = 	snop;
	(pc) =	sbr.rel .LBB1_4-.Ltmp4, $1  }
0x7b: {  	_ =	sdelay $0x3  }
.LBB1_6:
0x7c: {  	_ =	sfence.sel $0x180000  }
0x7d: {  	s2 =	simm.s32 $0x1;
	[bflag:$0x0] =	sbarrier.arrive $0xFFFF  }
0x7e: {  	s31 =	simm.s32 $0x2;
	[sflag:s2] =	ssyncpa.u1 $0x1  }
0x7f: {  	[sflag:s31] =	ssyncpa.u1 $0x1  }
0x80: {  	p0 =	sne.s32 s0, $0x0;
	_ =	strace $0x9000004D  }
0x81: {  	s0 =	sadd.s32 @!p0 $0x100000, s1;
	[bflag:$0x2] =	sbarrier.arrive $0xFFFF  }
0x82: {  	[sflag:s0] =	ssyncadd.tile.s32 @!p0 $0x1;
	_ =	shalt  }
.Lfunc_end1:
_tile_overlayer_lowered:
.L_overlay_start_2:
0x83: {  	(tag) =	ssettag $0x2  }
0x84: {  	s0 =	rddreg [dreg:$0x0];
	s2 =	stileid.u32  }
0x85: {  	s1 =	rddreg [dreg:$0x1];
	p0 =	sne.s32 s2, $0x0  }
0x86: {  	s3 =	rddreg [dreg:$0x2];
	[bflag:$0x3] =	sbarrier.arrive $0xFFFF;
	s2 =	simm.s32 @!p0 $0x1C01  }
0x87: {  	[timem:s3], [sflag:s2] =	dma.local @!p0 [hbm:s0], s1  }
0x88: {  	s0 =	simm.s32 @!p0 $0x1  }
0x89: {  	_ =	swait.ge @!p0 [sflag:s0], s1  }
0x8a: {  	s1 =	ssub.s32 @!p0 $0x0, s1;
	[sflag:s0] =	ssyncset.done @!p0 $0x0  }
0x8b: {  	[sflag:s0] =	ssyncadd.s32 @!p0 s1  }
0x8c: {  	[bflag:$0x3] =	sbarrier.arrive $0xFFFF  }
0x8d: {  	_ =	shalt  }

</sc_bundles>
